<compile_context>
chip_gen: v7x
topology: tpu7x:2x2x1
jax: 0.10.2.dev20260603
libtpu: 0.0.44.dev20260713+nightly
codegen_flags: <defaults>
</compile_context>

<pallas_src>
import functools

import jax
import jax.numpy as jnp
from jax import lax
from jax.experimental import pallas as pl
from jax.experimental.pallas import tpu as pltpu
from jax.experimental.pallas import tpu_sc as plsc

_CH = 128
_NBUF = 8
_ZR = 128


def _matmul_tc(x, w):

    def body(x_ref, w_ref, o_ref):
        o_ref[...] = jnp.dot(x_ref[...], w_ref[...], precision=lax.Precision.HIGHEST,
                             preferred_element_type=jnp.float32)

    return pl.pallas_call(
        body,
        out_shape=jax.ShapeDtypeStruct((x.shape[0], w.shape[1]), jnp.float32),
    )(x, w)


def _segment_sum_sc(y, src2d, dst2d, n_pad):
    total_ch = src2d.shape[0]
    d = y.shape[1]
    info = plsc.get_sparse_core_info()
    nc, ns = info.num_cores, info.num_subcores
    nw = nc * ns
    chq, chr = divmod(total_ch, nw)
    rps = n_pad // ns

    mesh = plsc.VectorSubcoreMesh(core_axis_name="c", subcore_axis_name="s")

    @functools.partial(
        pl.kernel,
        out_type=jax.ShapeDtypeStruct((nc, n_pad, d), jnp.float32),
        mesh=mesh,
        compiler_params=pltpu.CompilerParams(use_tc_tiling_on_sc=False),
        scratch_types=[
            pltpu.VMEM((chq + 1, _CH), jnp.int32),
            pltpu.VMEM((chq + 1, _CH), jnp.int32),
            [pltpu.VMEM((_CH, d), jnp.float32) for _ in range(_NBUF)],
            pltpu.VMEM((_ZR, d), jnp.float32),
            pltpu.VMEM_SHARED((n_pad, d), jnp.float32),
            [pltpu.SemaphoreType.DMA for _ in range(_NBUF)],
            pltpu.SemaphoreType.DMA,
        ],
    )
    def seg_kernel(y_hbm, src_hbm, dst_hbm, out_hbm,
                   sidx, didx, rows, zbuf, acc, sems, semi):
        cid = lax.axis_index("c")
        sid = lax.axis_index("s")
        wid = cid * ns + sid
        row0 = wid * chq + jnp.minimum(wid, chr)
        my_nch = chq + jnp.where(wid < chr, 1, 0)

        icp0 = pltpu.async_copy(src_hbm.at[pl.ds(row0, chq)], sidx.at[pl.ds(0, chq)], semi)
        icp1 = pltpu.async_copy(dst_hbm.at[pl.ds(row0, chq)], didx.at[pl.ds(0, chq)], semi)

        @pl.when(wid < chr)
        def _():
            pltpu.sync_copy(src_hbm.at[pl.ds(row0 + chq, 1)],
                            sidx.at[pl.ds(chq, 1)])
            pltpu.sync_copy(dst_hbm.at[pl.ds(row0 + chq, 1)],
                            didx.at[pl.ds(chq, 1)])

        zv = jnp.zeros((16,), jnp.float32)

        def zrow(r, carry):
            for lane0 in range(0, d, 16):
                zbuf[r, pl.ds(lane0, 16)] = zv
            return carry

        lax.fori_loop(0, _ZR, zrow, None)

        def zcopy(k, carry):
            pltpu.sync_copy(zbuf, acc.at[pl.ds(sid * rps + k * _ZR, _ZR)])
            return carry

        lax.fori_loop(0, rps // _ZR, zcopy, None)
        icp0.wait()
        icp1.wait()

        for b in range(_NBUF):
            pltpu.async_copy(y_hbm.at[sidx.at[b]], rows[b], sems[b])
        plsc.subcore_barrier()

        groups = my_nch // _NBUF
        rem = my_nch - groups * _NBUF

        def body(i, carry):
            j0 = i * _NBUF
            for b in range(_NBUF):
                j = j0 + b
                pltpu.make_async_copy(
                    y_hbm.at[pl.ds(0, _CH)], rows[b], sems[b]).wait()
                pltpu.sync_copy(rows[b], acc.at[didx.at[j]], add=True)

                @pl.when(j + _NBUF < my_nch)
                def _():
                    pltpu.async_copy(
                        y_hbm.at[sidx.at[j + _NBUF]], rows[b], sems[b])

            return carry

        lax.fori_loop(0, groups, body, None)

        for b in range(_NBUF):
            @pl.when(b < rem)
            def _():
                j = groups * _NBUF + b
                pltpu.make_async_copy(
                    y_hbm.at[pl.ds(0, _CH)], rows[b], sems[b]).wait()
                pltpu.sync_copy(rows[b], acc.at[didx.at[j]], add=True)
        plsc.subcore_barrier()

        pltpu.sync_copy(acc.at[pl.ds(sid * rps, rps)],
                        out_hbm.at[cid, pl.ds(sid * rps, rps)])

    return seg_kernel(y, src2d, dst2d)


def _mid_tc(y, parts, b1a, w1b, b1b, gamma, beta, w2a):
    n, d = y.shape

    def body(y_ref, p_ref, b1a_ref, w1b_ref, b1b_ref, ga_ref, be_ref,
             w2a_ref, o_ref):
        t = y_ref[...] + p_ref[0, :n, :] + p_ref[1, :n, :] + b1a_ref[...]
        t = jnp.maximum(t, 0.0)
        h = jnp.dot(t, w1b_ref[...], precision=lax.Precision.HIGHEST,
                    preferred_element_type=jnp.float32)
        h = jnp.maximum(h + b1b_ref[...], 0.0)
        mean = jnp.mean(h, axis=0, keepdims=True)
        var = jnp.mean((h - mean) ** 2, axis=0, keepdims=True)
        hn = (h - mean) * lax.rsqrt(var + 1e-5) * ga_ref[...] + be_ref[...]
        o_ref[...] = jnp.dot(hn, w2a_ref[...], precision=lax.Precision.HIGHEST,
                             preferred_element_type=jnp.float32)

    return pl.pallas_call(
        body,
        out_shape=jax.ShapeDtypeStruct((n, d), jnp.float32),
    )(y, parts, b1a, w1b, b1b, gamma, beta, w2a)


def _final_tc(g, parts, b2a, w2b, b2b):
    n, d = g.shape
    c = w2b.shape[1]

    def body(g_ref, p_ref, b2a_ref, w2b_ref, b2b_ref, o_ref):
        z = g_ref[...] + p_ref[0, :n, :] + p_ref[1, :n, :] + b2a_ref[...]
        z = jnp.maximum(z, 0.0)
        o_ref[...] = jnp.dot(z, w2b_ref[...], precision=lax.Precision.HIGHEST,
                             preferred_element_type=jnp.float32) + b2b_ref[...]

    return pl.pallas_call(
        body,
        out_shape=jax.ShapeDtypeStruct((n, c), jnp.float32),
    )(g, parts, b2a, w2b, b2b)


def kernel(x, edge_index, batch, W1a, b1a, W1b, b1b, gamma, beta,
           W2a, b2a, W2b, b2b):
    n = x.shape[0]
    e = edge_index.shape[1]

    assert e % _CH == 0
    info = plsc.get_sparse_core_info()
    n_grain = info.num_subcores * _ZR
    n_pad = ((n + n_grain - 1) // n_grain) * n_grain

    src = edge_index[0].reshape(-1, _CH)
    dst = edge_index[1].reshape(-1, _CH)

    b1a2 = b1a.reshape(1, -1)
    b1b2 = b1b.reshape(1, -1)
    ga2 = gamma.reshape(1, -1)
    be2 = beta.reshape(1, -1)
    b2a2 = b2a.reshape(1, -1)
    b2b2 = b2b.reshape(1, -1)

    y = _matmul_tc(x, W1a)
    p1 = _segment_sum_sc(y, src, dst, n_pad)
    g = _mid_tc(y, p1, b1a2, W1b, b1b2, ga2, be2, W2a)
    p2 = _segment_sum_sc(g, src, dst, n_pad)
    return _final_tc(g, p2, b2a2, W2b, b2b2)

# --- scband reference (transcript-rebuilt; emitter-appended) ---
"""Pipeline reference for scband-ginnet-29678224015468 (READ-ONLY COPY).

The authoritative reference and input builder live on the scoring server;
editing this copy changes nothing except your own understanding.
"""

import jax, jax.numpy as jnp
import numpy as np

N = 10000
E = 320000
F_IN = 128
D = 32
C = 40


def setup_inputs(seed: int = 0) -> dict:
    key = jax.random.key(seed)
    ks = jax.random.split(key, 12)
    x = jax.random.normal(ks[0], (N, F_IN), dtype=jnp.float32)
    edge_index = jax.random.randint(ks[1], (2, E), 0, N, dtype=jnp.int32)
    batch = jnp.zeros((N,), dtype=jnp.int32)
    W1a = jax.random.normal(ks[2], (F_IN, D), dtype=jnp.float32) * (1.0 / np.sqrt(F_IN))
    b1a = jnp.zeros((D,), dtype=jnp.float32)
    W1b = jax.random.normal(ks[3], (D, D), dtype=jnp.float32) * (1.0 / np.sqrt(D))
    b1b = jnp.zeros((D,), dtype=jnp.float32)
    gamma = jnp.ones((D,), dtype=jnp.float32)
    beta = jnp.zeros((D,), dtype=jnp.float32)
    W2a = jax.random.normal(ks[4], (D, D), dtype=jnp.float32) * (1.0 / np.sqrt(D))
    b2a = jnp.zeros((D,), dtype=jnp.float32)
    W2b = jax.random.normal(ks[5], (D, C), dtype=jnp.float32) * (1.0 / np.sqrt(D))
    b2b = jnp.zeros((C,), dtype=jnp.float32)
    return {"x": x, "edge_index": edge_index, "batch": batch,
            "W1a": W1a, "b1a": b1a, "W1b": W1b, "b1b": b1b,
            "gamma": gamma, "beta": beta,
            "W2a": W2a, "b2a": b2a, "W2b": W2b, "b2b": b2b}


def reference(x, edge_index, batch, W1a, b1a, W1b, b1b, gamma, beta, W2a, b2a, W2b, b2b):
    n = x.shape[0]
    src = edge_index[0]
    dst = edge_index[1]
    # GINConv layer 1: aggr = sum of neighbor messages; eps = 0 (default)
    agg1 = jax.ops.segment_sum(x[src], dst, num_segments=n)
    z1 = x + agg1
    h = jnp.maximum(z1 @ W1a + b1a, 0.0) @ W1b + b1b
    h = jnp.maximum(h, 0.0)  # outer F.relu
    # BatchNorm1d (training mode: batch statistics)
    mean = jnp.mean(h, axis=0)
    var = jnp.var(h, axis=0)
    h = (h - mean) / jnp.sqrt(var + 1e-5) * gamma + beta
    # GINConv layer 2
    agg2 = jax.ops.segment_sum(h[src], dst, num_segments=n)
    z2 = h + agg2
    out = jnp.maximum(z2 @ W2a + b2a, 0.0) @ W2b + b2b
    return out

if __name__ == "__main__":
    import jax
    _d = setup_inputs()
    print(jax.jit(kernel)(*tuple(_d.values())))

</pallas_src>

<mosaic_0001>
#map = affine_map<(d0, d1) -> (0, 0)>
#map1 = affine_map<(d0, d1) -> (0, 0, 0)>
module attributes {stable_mosaic.version = 14 : i64} {
  func.func @seg_kernel(%arg0: i32, %arg1: i32, %arg2: memref<10000x32xf32, #tpu.memory_space<hbm>>, %arg3: memref<2500x128xi32, #tpu.memory_space<hbm>>, %arg4: memref<2500x128xi32, #tpu.memory_space<hbm>>, %arg5: memref<2x10240x32xf32, #tpu.memory_space<hbm>>, %arg6: memref<79x128xi32, #tpu.memory_space<vmem>>, %arg7: memref<79x128xi32, #tpu.memory_space<vmem>>, %arg8: memref<128x32xf32, #tpu.memory_space<vmem>>, %arg9: memref<128x32xf32, #tpu.memory_space<vmem>>, %arg10: memref<128x32xf32, #tpu.memory_space<vmem>>, %arg11: memref<128x32xf32, #tpu.memory_space<vmem>>, %arg12: memref<128x32xf32, #tpu.memory_space<vmem>>, %arg13: memref<128x32xf32, #tpu.memory_space<vmem>>, %arg14: memref<128x32xf32, #tpu.memory_space<vmem>>, %arg15: memref<128x32xf32, #tpu.memory_space<vmem>>, %arg16: memref<128x32xf32, #tpu.memory_space<vmem>>, %arg17: memref<10240x32xf32, #tpu.memory_space<vmem_shared>>, %arg18: memref<!tpu.dma_semaphore, #tpu.memory_space<semaphore_mem>>, %arg19: memref<!tpu.dma_semaphore, #tpu.memory_space<semaphore_mem>>, %arg20: memref<!tpu.dma_semaphore, #tpu.memory_space<semaphore_mem>>, %arg21: memref<!tpu.dma_semaphore, #tpu.memory_space<semaphore_mem>>, %arg22: memref<!tpu.dma_semaphore, #tpu.memory_space<semaphore_mem>>, %arg23: memref<!tpu.dma_semaphore, #tpu.memory_space<semaphore_mem>>, %arg24: memref<!tpu.dma_semaphore, #tpu.memory_space<semaphore_mem>>, %arg25: memref<!tpu.dma_semaphore, #tpu.memory_space<semaphore_mem>>, %arg26: memref<!tpu.dma_semaphore, #tpu.memory_space<semaphore_mem>>) attributes {dimension_semantics = [#tpu.dimension_semantics<core_parallel>, #tpu.dimension_semantics<subcore_parallel>], iteration_bounds = array<i64: 2, 16>, scalar_prefetch = 0 : i64, scratch_operands = 21 : i64, tpu.core_type = #tpu.core_type<sc_vector_subcore>, window_params = [{transform_indices = #map}, {transform_indices = #map}, {transform_indices = #map}, {transform_indices = #map1}]} {
    %mul3A = arith.constant 16 : i32
    %mul3A_0 = arith.muli %arg0, %mul3A : i32
    %add3A = arith.addi %mul3A_0, %arg1 : i32
    %mul3A_1 = arith.constant 78 : i32
    %mul3A_2 = arith.muli %add3A, %mul3A_1 : i32
    %min3A = arith.constant 4 : i32
    %min3A_3 = arith.minsi %add3A, %min3A : i32
    %add3A_4 = arith.addi %mul3A_2, %min3A_3 : i32
    %lt3A = arith.constant 4 : i32
    %lt3A_5 = arith.cmpi slt, %add3A, %lt3A : i32
    %jit3A = arith.constant 1 : i32
    %jit3A_6 = arith.constant 0 : i32
    %select_n3A = arith.select %lt3A_5, %jit3A, %jit3A_6 : i32
    %add3A_7 = arith.constant 78 : i32
    %add3A_8 = arith.addi %add3A_7, %select_n3A : i32
    %dma_start3A = arith.constant 0 : i32
    %dma_start3A_9 = arith.constant 0 : i32
    %dma_start3A_10 = tpu.memref_slice %arg6[%dma_start3A, %dma_start3A_9] : memref<79x128xi32, #tpu.memory_space<vmem>> -> memref<78x128xi32, #tpu.memory_space<vmem>>
    %dma_start3A_11 = arith.constant 0 : i32
    %dma_start3A_12 = tpu.memref_slice %arg3[%add3A_4, %dma_start3A_11] : memref<2500x128xi32, #tpu.memory_space<hbm>> -> memref<78x128xi32, #tpu.memory_space<hbm>>
    %dma_start3A_13 = arith.constant 0 : i32
    %dma_start3A_14 = arith.constant 0 : i32
    %dma_start3A_15 = tpu.memref_slice %arg6[%dma_start3A_13, %dma_start3A_14] : memref<79x128xi32, #tpu.memory_space<vmem>> -> memref<78x128xi32, #tpu.memory_space<vmem>>
    %dma_start3A_16 = arith.constant 0 : i32
    %dma_start3A_17 = tpu.memref_slice %arg3[%add3A_4, %dma_start3A_16] : memref<2500x128xi32, #tpu.memory_space<hbm>> -> memref<78x128xi32, #tpu.memory_space<hbm>>
    tpu.enqueue_dma source(%dma_start3A_17 : memref<78x128xi32, #tpu.memory_space<hbm>>) target(%dma_start3A_15 : memref<78x128xi32, #tpu.memory_space<vmem>>) target_semaphore(%arg26 : memref<!tpu.dma_semaphore, #tpu.memory_space<semaphore_mem>>)
    %dma_start3A_18 = arith.constant 0 : i32
    %dma_start3A_19 = arith.constant 0 : i32
    %dma_start3A_20 = tpu.memref_slice %arg7[%dma_start3A_18, %dma_start3A_19] : memref<79x128xi32, #tpu.memory_space<vmem>> -> memref<78x128xi32, #tpu.memory_space<vmem>>
    %dma_start3A_21 = arith.constant 0 : i32
    %dma_start3A_22 = tpu.memref_slice %arg4[%add3A_4, %dma_start3A_21] : memref<2500x128xi32, #tpu.memory_space<hbm>> -> memref<78x128xi32, #tpu.memory_space<hbm>>
    %dma_start3A_23 = arith.constant 0 : i32
    %dma_start3A_24 = arith.constant 0 : i32
    %dma_start3A_25 = tpu.memref_slice %arg7[%dma_start3A_23, %dma_start3A_24] : memref<79x128xi32, #tpu.memory_space<vmem>> -> memref<78x128xi32, #tpu.memory_space<vmem>>
    %dma_start3A_26 = arith.constant 0 : i32
    %dma_start3A_27 = tpu.memref_slice %arg4[%add3A_4, %dma_start3A_26] : memref<2500x128xi32, #tpu.memory_space<hbm>> -> memref<78x128xi32, #tpu.memory_space<hbm>>
    tpu.enqueue_dma source(%dma_start3A_27 : memref<78x128xi32, #tpu.memory_space<hbm>>) target(%dma_start3A_25 : memref<78x128xi32, #tpu.memory_space<vmem>>) target_semaphore(%arg26 : memref<!tpu.dma_semaphore, #tpu.memory_space<semaphore_mem>>)
    %lt3A_28 = arith.constant 4 : i32
    %lt3A_29 = arith.cmpi slt, %add3A, %lt3A_28 : i32
    %convert_element_type3A = arith.extui %lt3A_29 : i1 to i32
    %cond3A = arith.constant 0 : i32
    %cond3A_30 = arith.cmpi ne, %convert_element_type3A, %cond3A : i32
    scf.if %cond3A_30 {
      %add3A_189 = arith.constant 78 : i32
      %add3A_190 = arith.addi %add3A_4, %add3A_189 : i32
      "tpu.region"() ({
        %run_scoped3A = tpu.sem_alloc : memref<!tpu.dma_semaphore, #tpu.memory_space<semaphore_mem>>
        %dma_start3A_193 = arith.constant 78 : i32
        %dma_start3A_194 = arith.constant 0 : i32
        %dma_start3A_195 = tpu.memref_slice %arg6[%dma_start3A_193, %dma_start3A_194] : memref<79x128xi32, #tpu.memory_space<vmem>> -> memref<1x128xi32, #tpu.memory_space<vmem>>
        %dma_start3A_196 = arith.constant 0 : i32
        %dma_start3A_197 = tpu.memref_slice %arg3[%add3A_190, %dma_start3A_196] : memref<2500x128xi32, #tpu.memory_space<hbm>> -> memref<1x128xi32, #tpu.memory_space<hbm>>
        %dma_start3A_198 = arith.constant 78 : i32
        %dma_start3A_199 = arith.constant 0 : i32
        %dma_start3A_200 = tpu.memref_slice %arg6[%dma_start3A_198, %dma_start3A_199] : memref<79x128xi32, #tpu.memory_space<vmem>> -> memref<1x128xi32, #tpu.memory_space<vmem>>
        %dma_start3A_201 = arith.constant 0 : i32
        %dma_start3A_202 = tpu.memref_slice %arg3[%add3A_190, %dma_start3A_201] : memref<2500x128xi32, #tpu.memory_space<hbm>> -> memref<1x128xi32, #tpu.memory_space<hbm>>
        tpu.enqueue_dma source(%dma_start3A_202 : memref<1x128xi32, #tpu.memory_space<hbm>>) target(%dma_start3A_200 : memref<1x128xi32, #tpu.memory_space<vmem>>) target_semaphore(%run_scoped3A : memref<!tpu.dma_semaphore, #tpu.memory_space<semaphore_mem>>)
        %dma_wait3A_203 = arith.constant 78 : i32
        %dma_wait3A_204 = arith.constant 0 : i32
        %dma_wait3A_205 = tpu.memref_slice %arg6[%dma_wait3A_203, %dma_wait3A_204] : memref<79x128xi32, #tpu.memory_space<vmem>> -> memref<1x128xi32, #tpu.memory_space<vmem>>
        %dma_wait3A_206 = arith.constant 0 : i32
        %dma_wait3A_207 = tpu.memref_slice %arg3[%add3A_190, %dma_wait3A_206] : memref<2500x128xi32, #tpu.memory_space<hbm>> -> memref<1x128xi32, #tpu.memory_space<hbm>>
        %dma_wait3A_208 = arith.constant 78 : i32
        %dma_wait3A_209 = arith.constant 0 : i32
        %dma_wait3A_210 = tpu.memref_slice %arg6[%dma_wait3A_208, %dma_wait3A_209] : memref<79x128xi32, #tpu.memory_space<vmem>> -> memref<1x128xi32, #tpu.memory_space<vmem>>
        %dma_wait3A_211 = arith.constant 0 : i32
        %dma_wait3A_212 = tpu.memref_slice %arg3[%add3A_190, %dma_wait3A_211] : memref<2500x128xi32, #tpu.memory_space<hbm>> -> memref<1x128xi32, #tpu.memory_space<hbm>>
        tpu.wait_dma2 semaphore(%run_scoped3A : memref<!tpu.dma_semaphore, #tpu.memory_space<semaphore_mem>>) src(%dma_wait3A_212 : memref<1x128xi32, #tpu.memory_space<hbm>>) dst(%dma_wait3A_210 : memref<1x128xi32, #tpu.memory_space<vmem>>)
        tpu.yield
      }) : () -> ()
      %add3A_191 = arith.constant 78 : i32
      %add3A_192 = arith.addi %add3A_4, %add3A_191 : i32
      "tpu.region"() ({
        %run_scoped3A = tpu.sem_alloc : memref<!tpu.dma_semaphore, #tpu.memory_space<semaphore_mem>>
        %dma_start3A_193 = arith.constant 78 : i32
        %dma_start3A_194 = arith.constant 0 : i32
        %dma_start3A_195 = tpu.memref_slice %arg7[%dma_start3A_193, %dma_start3A_194] : memref<79x128xi32, #tpu.memory_space<vmem>> -> memref<1x128xi32, #tpu.memory_space<vmem>>
        %dma_start3A_196 = arith.constant 0 : i32
        %dma_start3A_197 = tpu.memref_slice %arg4[%add3A_192, %dma_start3A_196] : memref<2500x128xi32, #tpu.memory_space<hbm>> -> memref<1x128xi32, #tpu.memory_space<hbm>>
        %dma_start3A_198 = arith.constant 78 : i32
        %dma_start3A_199 = arith.constant 0 : i32
        %dma_start3A_200 = tpu.memref_slice %arg7[%dma_start3A_198, %dma_start3A_199] : memref<79x128xi32, #tpu.memory_space<vmem>> -> memref<1x128xi32, #tpu.memory_space<vmem>>
        %dma_start3A_201 = arith.constant 0 : i32
        %dma_start3A_202 = tpu.memref_slice %arg4[%add3A_192, %dma_start3A_201] : memref<2500x128xi32, #tpu.memory_space<hbm>> -> memref<1x128xi32, #tpu.memory_space<hbm>>
        tpu.enqueue_dma source(%dma_start3A_202 : memref<1x128xi32, #tpu.memory_space<hbm>>) target(%dma_start3A_200 : memref<1x128xi32, #tpu.memory_space<vmem>>) target_semaphore(%run_scoped3A : memref<!tpu.dma_semaphore, #tpu.memory_space<semaphore_mem>>)
        %dma_wait3A_203 = arith.constant 78 : i32
        %dma_wait3A_204 = arith.constant 0 : i32
        %dma_wait3A_205 = tpu.memref_slice %arg7[%dma_wait3A_203, %dma_wait3A_204] : memref<79x128xi32, #tpu.memory_space<vmem>> -> memref<1x128xi32, #tpu.memory_space<vmem>>
        %dma_wait3A_206 = arith.constant 0 : i32
        %dma_wait3A_207 = tpu.memref_slice %arg4[%add3A_192, %dma_wait3A_206] : memref<2500x128xi32, #tpu.memory_space<hbm>> -> memref<1x128xi32, #tpu.memory_space<hbm>>
        %dma_wait3A_208 = arith.constant 78 : i32
        %dma_wait3A_209 = arith.constant 0 : i32
        %dma_wait3A_210 = tpu.memref_slice %arg7[%dma_wait3A_208, %dma_wait3A_209] : memref<79x128xi32, #tpu.memory_space<vmem>> -> memref<1x128xi32, #tpu.memory_space<vmem>>
        %dma_wait3A_211 = arith.constant 0 : i32
        %dma_wait3A_212 = tpu.memref_slice %arg4[%add3A_192, %dma_wait3A_211] : memref<2500x128xi32, #tpu.memory_space<hbm>> -> memref<1x128xi32, #tpu.memory_space<hbm>>
        tpu.wait_dma2 semaphore(%run_scoped3A : memref<!tpu.dma_semaphore, #tpu.memory_space<semaphore_mem>>) src(%dma_wait3A_212 : memref<1x128xi32, #tpu.memory_space<hbm>>) dst(%dma_wait3A_210 : memref<1x128xi32, #tpu.memory_space<vmem>>)
        tpu.yield
      }) : () -> ()
    } else {
    }
    %broadcast_in_dim3A = arith.constant 0.000000e+00 : f32
    %broadcast_in_dim3A_31 = vector.broadcast %broadcast_in_dim3A : f32 to vector<16xf32>
    %scan3A = arith.constant 0 : i32
    %scan3A_32 = arith.constant 128 : i32
    %scan3A_33 = arith.addi %scan3A, %scan3A_32 : i32
    %scan3A_34 = arith.constant 1 : i32
    scf.for %scan3A_189 = %scan3A to %scan3A_33 step %scan3A_34  : i32 {
      %swap3A = arith.index_cast %scan3A_189 : i32 to index
      %swap3A_190 = arith.constant 0 : index
      %swap3A_191 = tpu.vector_load %arg16[%swap3A, %swap3A_190] {strides = array<i32>} : memref<128x32xf32, #tpu.memory_space<vmem>>, vector<1x16xf32>,
      %swap3A_192 = vector.shape_cast %swap3A_191 : vector<1x16xf32> to vector<16xf32>
      %swap3A_193 = vector.shape_cast %broadcast_in_dim3A_31 : vector<16xf32> to vector<1x16xf32>
      tpu.vector_store %arg16[%swap3A, %swap3A_190], %swap3A_193 {strides = array<i32>} : memref<128x32xf32, #tpu.memory_space<vmem>>, vector<1x16xf32>,
      %swap3A_194 = arith.index_cast %scan3A_189 : i32 to index
      %swap3A_195 = arith.constant 16 : index
      %swap3A_196 = tpu.vector_load %arg16[%swap3A_194, %swap3A_195] {strides = array<i32>} : memref<128x32xf32, #tpu.memory_space<vmem>>, vector<1x16xf32>,
      %swap3A_197 = vector.shape_cast %swap3A_196 : vector<1x16xf32> to vector<16xf32>
      %swap3A_198 = vector.shape_cast %broadcast_in_dim3A_31 : vector<16xf32> to vector<1x16xf32>
      tpu.vector_store %arg16[%swap3A_194, %swap3A_195], %swap3A_198 {strides = array<i32>} : memref<128x32xf32, #tpu.memory_space<vmem>>, vector<1x16xf32>,
    }
    %scan3A_35 = arith.constant 128 : i32
    %scan3A_36 = arith.constant 0 : i32
    %scan3A_37 = arith.constant 5 : i32
    %scan3A_38 = arith.addi %scan3A_36, %scan3A_37 : i32
    %scan3A_39 = arith.constant 1 : i32
    scf.for %scan3A_189 = %scan3A_36 to %scan3A_38 step %scan3A_39  : i32 {
      %mul3A_190 = arith.constant 640 : i32
      %mul3A_191 = arith.muli %arg1, %mul3A_190 : i32
      %mul3A_192 = arith.constant 128 : i32
      %mul3A_193 = arith.muli %scan3A_189, %mul3A_192 : i32
      %add3A_194 = arith.addi %mul3A_191, %mul3A_193 : i32
      "tpu.region"() ({
        %run_scoped3A = tpu.sem_alloc : memref<!tpu.dma_semaphore, #tpu.memory_space<semaphore_mem>>
        %dma_start3A_195 = arith.constant 0 : i32
        %dma_start3A_196 = tpu.memref_slice %arg17[%add3A_194, %dma_start3A_195] : memref<10240x32xf32, #tpu.memory_space<vmem_shared>> -> memref<128x32xf32, #tpu.memory_space<vmem_shared>>
        %dma_start3A_197 = arith.constant 0 : i32
        %dma_start3A_198 = tpu.memref_slice %arg17[%add3A_194, %dma_start3A_197] : memref<10240x32xf32, #tpu.memory_space<vmem_shared>> -> memref<128x32xf32, #tpu.memory_space<vmem_shared>>
        tpu.enqueue_dma source(%arg16 : memref<128x32xf32, #tpu.memory_space<vmem>>) target(%dma_start3A_198 : memref<128x32xf32, #tpu.memory_space<vmem_shared>>) target_semaphore(%run_scoped3A : memref<!tpu.dma_semaphore, #tpu.memory_space<semaphore_mem>>)
        %dma_wait3A_199 = arith.constant 0 : i32
        %dma_wait3A_200 = tpu.memref_slice %arg17[%add3A_194, %dma_wait3A_199] : memref<10240x32xf32, #tpu.memory_space<vmem_shared>> -> memref<128x32xf32, #tpu.memory_space<vmem_shared>>
        %dma_wait3A_201 = arith.constant 0 : i32
        %dma_wait3A_202 = tpu.memref_slice %arg17[%add3A_194, %dma_wait3A_201] : memref<10240x32xf32, #tpu.memory_space<vmem_shared>> -> memref<128x32xf32, #tpu.memory_space<vmem_shared>>
        tpu.wait_dma2 semaphore(%run_scoped3A : memref<!tpu.dma_semaphore, #tpu.memory_space<semaphore_mem>>) src(%arg16 : memref<128x32xf32, #tpu.memory_space<vmem>>) dst(%dma_wait3A_202 : memref<128x32xf32, #tpu.memory_space<vmem_shared>>)
        tpu.yield
      }) : () -> ()
    }
    %scan3A_40 = arith.constant 5 : i32
    %dma_wait3A = arith.constant 0 : i32
    %dma_wait3A_41 = arith.constant 0 : i32
    %dma_wait3A_42 = tpu.memref_slice %arg6[%dma_wait3A, %dma_wait3A_41] : memref<79x128xi32, #tpu.memory_space<vmem>> -> memref<78x128xi32, #tpu.memory_space<vmem>>
    %dma_wait3A_43 = arith.constant 0 : i32
    %dma_wait3A_44 = tpu.memref_slice %arg3[%add3A_4, %dma_wait3A_43] : memref<2500x128xi32, #tpu.memory_space<hbm>> -> memref<78x128xi32, #tpu.memory_space<hbm>>
    %dma_wait3A_45 = arith.constant 0 : i32
    %dma_wait3A_46 = arith.constant 0 : i32
    %dma_wait3A_47 = tpu.memref_slice %arg6[%dma_wait3A_45, %dma_wait3A_46] : memref<79x128xi32, #tpu.memory_space<vmem>> -> memref<78x128xi32, #tpu.memory_space<vmem>>
    %dma_wait3A_48 = arith.constant 0 : i32
    %dma_wait3A_49 = tpu.memref_slice %arg3[%add3A_4, %dma_wait3A_48] : memref<2500x128xi32, #tpu.memory_space<hbm>> -> memref<78x128xi32, #tpu.memory_space<hbm>>
    tpu.wait_dma2 semaphore(%arg26 : memref<!tpu.dma_semaphore, #tpu.memory_space<semaphore_mem>>) src(%dma_wait3A_49 : memref<78x128xi32, #tpu.memory_space<hbm>>) dst(%dma_wait3A_47 : memref<78x128xi32, #tpu.memory_space<vmem>>)
    %dma_wait3A_50 = arith.constant 0 : i32
    %dma_wait3A_51 = arith.constant 0 : i32
    %dma_wait3A_52 = tpu.memref_slice %arg7[%dma_wait3A_50, %dma_wait3A_51] : memref<79x128xi32, #tpu.memory_space<vmem>> -> memref<78x128xi32, #tpu.memory_space<vmem>>
    %dma_wait3A_53 = arith.constant 0 : i32
    %dma_wait3A_54 = tpu.memref_slice %arg4[%add3A_4, %dma_wait3A_53] : memref<2500x128xi32, #tpu.memory_space<hbm>> -> memref<78x128xi32, #tpu.memory_space<hbm>>
    %dma_wait3A_55 = arith.constant 0 : i32
    %dma_wait3A_56 = arith.constant 0 : i32
    %dma_wait3A_57 = tpu.memref_slice %arg7[%dma_wait3A_55, %dma_wait3A_56] : memref<79x128xi32, #tpu.memory_space<vmem>> -> memref<78x128xi32, #tpu.memory_space<vmem>>
    %dma_wait3A_58 = arith.constant 0 : i32
    %dma_wait3A_59 = tpu.memref_slice %arg4[%add3A_4, %dma_wait3A_58] : memref<2500x128xi32, #tpu.memory_space<hbm>> -> memref<78x128xi32, #tpu.memory_space<hbm>>
    tpu.wait_dma2 semaphore(%arg26 : memref<!tpu.dma_semaphore, #tpu.memory_space<semaphore_mem>>) src(%dma_wait3A_59 : memref<78x128xi32, #tpu.memory_space<hbm>>) dst(%dma_wait3A_57 : memref<78x128xi32, #tpu.memory_space<vmem>>)
    %dma_start3A_60 = arith.constant 0 : i32
    %dma_start3A_61 = arith.constant 0 : i32
    %dma_start3A_62 = tpu.memref_slice %arg6[%dma_start3A_60, %dma_start3A_61] : memref<79x128xi32, #tpu.memory_space<vmem>> -> memref<1x128xi32, #tpu.memory_space<vmem>>
    %dma_start3A_63 = tpu.memref_squeeze %dma_start3A_62 : memref<1x128xi32, #tpu.memory_space<vmem>> -> memref<128xi32, #tpu.memory_space<vmem>>
    %dma_start3A_64 = arith.constant 0 : i32
    %dma_start3A_65 = arith.constant 0 : i32
    %dma_start3A_66 = tpu.memref_slice %arg2[%dma_start3A_64, %dma_start3A_65] : memref<10000x32xf32, #tpu.memory_space<hbm>> -> memref<10000x32xf32, #tpu.memory_space<hbm>>
    tpu.enqueue_indirect_dma source(%dma_start3A_66 : memref<10000x32xf32, #tpu.memory_space<hbm>>) target(%arg8 : memref<128x32xf32, #tpu.memory_space<vmem>>) offsets(%dma_start3A_63 : memref<128xi32, #tpu.memory_space<vmem>>) semaphore(%arg18 : memref<!tpu.dma_semaphore, #tpu.memory_space<semaphore_mem>>)
    %dma_start3A_67 = arith.constant 1 : i32
    %dma_start3A_68 = arith.constant 0 : i32
    %dma_start3A_69 = tpu.memref_slice %arg6[%dma_start3A_67, %dma_start3A_68] : memref<79x128xi32, #tpu.memory_space<vmem>> -> memref<1x128xi32, #tpu.memory_space<vmem>>
    %dma_start3A_70 = tpu.memref_squeeze %dma_start3A_69 : memref<1x128xi32, #tpu.memory_space<vmem>> -> memref<128xi32, #tpu.memory_space<vmem>>
    %dma_start3A_71 = arith.constant 0 : i32
    %dma_start3A_72 = arith.constant 0 : i32
    %dma_start3A_73 = tpu.memref_slice %arg2[%dma_start3A_71, %dma_start3A_72] : memref<10000x32xf32, #tpu.memory_space<hbm>> -> memref<10000x32xf32, #tpu.memory_space<hbm>>
    tpu.enqueue_indirect_dma source(%dma_start3A_73 : memref<10000x32xf32, #tpu.memory_space<hbm>>) target(%arg9 : memref<128x32xf32, #tpu.memory_space<vmem>>) offsets(%dma_start3A_70 : memref<128xi32, #tpu.memory_space<vmem>>) semaphore(%arg19 : memref<!tpu.dma_semaphore, #tpu.memory_space<semaphore_mem>>)
    %dma_start3A_74 = arith.constant 2 : i32
    %dma_start3A_75 = arith.constant 0 : i32
    %dma_start3A_76 = tpu.memref_slice %arg6[%dma_start3A_74, %dma_start3A_75] : memref<79x128xi32, #tpu.memory_space<vmem>> -> memref<1x128xi32, #tpu.memory_space<vmem>>
    %dma_start3A_77 = tpu.memref_squeeze %dma_start3A_76 : memref<1x128xi32, #tpu.memory_space<vmem>> -> memref<128xi32, #tpu.memory_space<vmem>>
    %dma_start3A_78 = arith.constant 0 : i32
    %dma_start3A_79 = arith.constant 0 : i32
    %dma_start3A_80 = tpu.memref_slice %arg2[%dma_start3A_78, %dma_start3A_79] : memref<10000x32xf32, #tpu.memory_space<hbm>> -> memref<10000x32xf32, #tpu.memory_space<hbm>>
    tpu.enqueue_indirect_dma source(%dma_start3A_80 : memref<10000x32xf32, #tpu.memory_space<hbm>>) target(%arg10 : memref<128x32xf32, #tpu.memory_space<vmem>>) offsets(%dma_start3A_77 : memref<128xi32, #tpu.memory_space<vmem>>) semaphore(%arg20 : memref<!tpu.dma_semaphore, #tpu.memory_space<semaphore_mem>>)
    %dma_start3A_81 = arith.constant 3 : i32
    %dma_start3A_82 = arith.constant 0 : i32
    %dma_start3A_83 = tpu.memref_slice %arg6[%dma_start3A_81, %dma_start3A_82] : memref<79x128xi32, #tpu.memory_space<vmem>> -> memref<1x128xi32, #tpu.memory_space<vmem>>
    %dma_start3A_84 = tpu.memref_squeeze %dma_start3A_83 : memref<1x128xi32, #tpu.memory_space<vmem>> -> memref<128xi32, #tpu.memory_space<vmem>>
    %dma_start3A_85 = arith.constant 0 : i32
    %dma_start3A_86 = arith.constant 0 : i32
    %dma_start3A_87 = tpu.memref_slice %arg2[%dma_start3A_85, %dma_start3A_86] : memref<10000x32xf32, #tpu.memory_space<hbm>> -> memref<10000x32xf32, #tpu.memory_space<hbm>>
    tpu.enqueue_indirect_dma source(%dma_start3A_87 : memref<10000x32xf32, #tpu.memory_space<hbm>>) target(%arg11 : memref<128x32xf32, #tpu.memory_space<vmem>>) offsets(%dma_start3A_84 : memref<128xi32, #tpu.memory_space<vmem>>) semaphore(%arg21 : memref<!tpu.dma_semaphore, #tpu.memory_space<semaphore_mem>>)
    %dma_start3A_88 = arith.constant 4 : i32
    %dma_start3A_89 = arith.constant 0 : i32
    %dma_start3A_90 = tpu.memref_slice %arg6[%dma_start3A_88, %dma_start3A_89] : memref<79x128xi32, #tpu.memory_space<vmem>> -> memref<1x128xi32, #tpu.memory_space<vmem>>
    %dma_start3A_91 = tpu.memref_squeeze %dma_start3A_90 : memref<1x128xi32, #tpu.memory_space<vmem>> -> memref<128xi32, #tpu.memory_space<vmem>>
    %dma_start3A_92 = arith.constant 0 : i32
    %dma_start3A_93 = arith.constant 0 : i32
    %dma_start3A_94 = tpu.memref_slice %arg2[%dma_start3A_92, %dma_start3A_93] : memref<10000x32xf32, #tpu.memory_space<hbm>> -> memref<10000x32xf32, #tpu.memory_space<hbm>>
    tpu.enqueue_indirect_dma source(%dma_start3A_94 : memref<10000x32xf32, #tpu.memory_space<hbm>>) target(%arg12 : memref<128x32xf32, #tpu.memory_space<vmem>>) offsets(%dma_start3A_91 : memref<128xi32, #tpu.memory_space<vmem>>) semaphore(%arg22 : memref<!tpu.dma_semaphore, #tpu.memory_space<semaphore_mem>>)
    %dma_start3A_95 = arith.constant 5 : i32
    %dma_start3A_96 = arith.constant 0 : i32
    %dma_start3A_97 = tpu.memref_slice %arg6[%dma_start3A_95, %dma_start3A_96] : memref<79x128xi32, #tpu.memory_space<vmem>> -> memref<1x128xi32, #tpu.memory_space<vmem>>
    %dma_start3A_98 = tpu.memref_squeeze %dma_start3A_97 : memref<1x128xi32, #tpu.memory_space<vmem>> -> memref<128xi32, #tpu.memory_space<vmem>>
    %dma_start3A_99 = arith.constant 0 : i32
    %dma_start3A_100 = arith.constant 0 : i32
    %dma_start3A_101 = tpu.memref_slice %arg2[%dma_start3A_99, %dma_start3A_100] : memref<10000x32xf32, #tpu.memory_space<hbm>> -> memref<10000x32xf32, #tpu.memory_space<hbm>>
    tpu.enqueue_indirect_dma source(%dma_start3A_101 : memref<10000x32xf32, #tpu.memory_space<hbm>>) target(%arg13 : memref<128x32xf32, #tpu.memory_space<vmem>>) offsets(%dma_start3A_98 : memref<128xi32, #tpu.memory_space<vmem>>) semaphore(%arg23 : memref<!tpu.dma_semaphore, #tpu.memory_space<semaphore_mem>>)
    %dma_start3A_102 = arith.constant 6 : i32
    %dma_start3A_103 = arith.constant 0 : i32
    %dma_start3A_104 = tpu.memref_slice %arg6[%dma_start3A_102, %dma_start3A_103] : memref<79x128xi32, #tpu.memory_space<vmem>> -> memref<1x128xi32, #tpu.memory_space<vmem>>
    %dma_start3A_105 = tpu.memref_squeeze %dma_start3A_104 : memref<1x128xi32, #tpu.memory_space<vmem>> -> memref<128xi32, #tpu.memory_space<vmem>>
    %dma_start3A_106 = arith.constant 0 : i32
    %dma_start3A_107 = arith.constant 0 : i32
    %dma_start3A_108 = tpu.memref_slice %arg2[%dma_start3A_106, %dma_start3A_107] : memref<10000x32xf32, #tpu.memory_space<hbm>> -> memref<10000x32xf32, #tpu.memory_space<hbm>>
    tpu.enqueue_indirect_dma source(%dma_start3A_108 : memref<10000x32xf32, #tpu.memory_space<hbm>>) target(%arg14 : memref<128x32xf32, #tpu.memory_space<vmem>>) offsets(%dma_start3A_105 : memref<128xi32, #tpu.memory_space<vmem>>) semaphore(%arg24 : memref<!tpu.dma_semaphore, #tpu.memory_space<semaphore_mem>>)
    %dma_start3A_109 = arith.constant 7 : i32
    %dma_start3A_110 = arith.constant 0 : i32
    %dma_start3A_111 = tpu.memref_slice %arg6[%dma_start3A_109, %dma_start3A_110] : memref<79x128xi32, #tpu.memory_space<vmem>> -> memref<1x128xi32, #tpu.memory_space<vmem>>
    %dma_start3A_112 = tpu.memref_squeeze %dma_start3A_111 : memref<1x128xi32, #tpu.memory_space<vmem>> -> memref<128xi32, #tpu.memory_space<vmem>>
    %dma_start3A_113 = arith.constant 0 : i32
    %dma_start3A_114 = arith.constant 0 : i32
    %dma_start3A_115 = tpu.memref_slice %arg2[%dma_start3A_113, %dma_start3A_114] : memref<10000x32xf32, #tpu.memory_space<hbm>> -> memref<10000x32xf32, #tpu.memory_space<hbm>>
    tpu.enqueue_indirect_dma source(%dma_start3A_115 : memref<10000x32xf32, #tpu.memory_space<hbm>>) target(%arg15 : memref<128x32xf32, #tpu.memory_space<vmem>>) offsets(%dma_start3A_112 : memref<128xi32, #tpu.memory_space<vmem>>) semaphore(%arg25 : memref<!tpu.dma_semaphore, #tpu.memory_space<semaphore_mem>>)
    %barrier3A = arith.constant 0 : index
    tpu.barrier barrier_id(%barrier3A)
    %jit3A_116 = arith.constant 8 : i32
    %div3A = arith.divsi %add3A_8, %jit3A_116 : i32
    %sign3A = arith.constant 0 : i32
    %sign3A_117 = arith.cmpi sgt, %add3A_8, %sign3A : i32
    %sign3A_118 = arith.extui %sign3A_117 : i1 to i32
    %sign3A_119 = arith.constant 0 : i32
    %sign3A_120 = arith.cmpi slt, %add3A_8, %sign3A_119 : i32
    %sign3A_121 = arith.extui %sign3A_120 : i1 to i32
    %sign3A_122 = arith.subi %sign3A_118, %sign3A_121 : i32
    %sign3A_123 = arith.constant 0 : i32
    %sign3A_124 = arith.cmpi sgt, %jit3A_116, %sign3A_123 : i32
    %sign3A_125 = arith.extui %sign3A_124 : i1 to i32
    %sign3A_126 = arith.constant 0 : i32
    %sign3A_127 = arith.cmpi slt, %jit3A_116, %sign3A_126 : i32
    %sign3A_128 = arith.extui %sign3A_127 : i1 to i32
    %sign3A_129 = arith.subi %sign3A_125, %sign3A_128 : i32
    %ne3A = arith.cmpi ne, %sign3A_122, %sign3A_129 : i32
    %rem3A = arith.remsi %add3A_8, %jit3A_116 : i32
    %ne3A_130 = arith.constant 0 : i32
    %ne3A_131 = arith.cmpi ne, %rem3A, %ne3A_130 : i32
    %and3A = arith.andi %ne3A, %ne3A_131 : i1
    %sub3A = arith.constant 1 : i32
    %sub3A_132 = arith.subi %div3A, %sub3A : i32
    %select_n3A_133 = arith.select %and3A, %sub3A_132, %div3A : i32
    %mul3A_134 = arith.constant 8 : i32
    %mul3A_135 = arith.muli %select_n3A_133, %mul3A_134 : i32
    %sub3A_136 = arith.subi %add3A_8, %mul3A_135 : i32
    %while3A = arith.constant 0 : i32
    %while3A_137 = arith.subi %select_n3A_133, %while3A : i32
    %while3A_138 = arith.addi %while3A, %while3A_137 : i32
    %while3A_139 = arith.constant 1 : i32
    %while3A_140 = arith.divsi %while3A_137, %while3A_139 : i32
    %while3A_141 = arith.muli %while3A_140, %while3A_139 : i32
    %while3A_142 = arith.addi %while3A, %while3A_141 : i32
    %while3A_143 = arith.constant 1 : i32
    scf.for %while3A_189 = %while3A to %while3A_142 step %while3A_143  : i32 {
      %mul3A_190 = arith.constant 8 : i32
      %mul3A_191 = arith.muli %while3A_189, %mul3A_190 : i32
      %add3A_192 = arith.constant 0 : i32
      %add3A_193 = arith.addi %mul3A_191, %add3A_192 : i32
      %dma_wait3A_194 = arith.constant 0 : i32
      %dma_wait3A_195 = arith.constant 0 : i32
      %dma_wait3A_196 = tpu.memref_slice %arg2[%dma_wait3A_194, %dma_wait3A_195] : memref<10000x32xf32, #tpu.memory_space<hbm>> -> memref<128x32xf32, #tpu.memory_space<hbm>>
      %dma_wait3A_197 = arith.constant 0 : i32
      %dma_wait3A_198 = arith.constant 0 : i32
      %dma_wait3A_199 = tpu.memref_slice %arg2[%dma_wait3A_197, %dma_wait3A_198] : memref<10000x32xf32, #tpu.memory_space<hbm>> -> memref<128x32xf32, #tpu.memory_space<hbm>>
      tpu.wait_dma2 semaphore(%arg18 : memref<!tpu.dma_semaphore, #tpu.memory_space<semaphore_mem>>) src(%dma_wait3A_199 : memref<128x32xf32, #tpu.memory_space<hbm>>) dst(%arg8 : memref<128x32xf32, #tpu.memory_space<vmem>>)
      "tpu.region"() ({
        %run_scoped3A = tpu.sem_alloc : memref<!tpu.dma_semaphore, #tpu.memory_space<semaphore_mem>>
        %dma_start3A_304 = arith.constant 0 : i32
        %dma_start3A_305 = tpu.memref_slice %arg7[%add3A_193, %dma_start3A_304] : memref<79x128xi32, #tpu.memory_space<vmem>> -> memref<1x128xi32, #tpu.memory_space<vmem>>
        %dma_start3A_306 = tpu.memref_squeeze %dma_start3A_305 : memref<1x128xi32, #tpu.memory_space<vmem>> -> memref<128xi32, #tpu.memory_space<vmem>>
        %dma_start3A_307 = arith.constant 0 : i32
        %dma_start3A_308 = arith.constant 0 : i32
        %dma_start3A_309 = tpu.memref_slice %arg17[%dma_start3A_307, %dma_start3A_308] : memref<10240x32xf32, #tpu.memory_space<vmem_shared>> -> memref<10240x32xf32, #tpu.memory_space<vmem_shared>>
        tpu.enqueue_indirect_dma source(%arg8 : memref<128x32xf32, #tpu.memory_space<vmem>>) target(%dma_start3A_309 : memref<10240x32xf32, #tpu.memory_space<vmem_shared>>) offsets(%dma_start3A_306 : memref<128xi32, #tpu.memory_space<vmem>>) semaphore(%run_scoped3A : memref<!tpu.dma_semaphore, #tpu.memory_space<semaphore_mem>>) {add = true}
        %dma_wait3A_310 = arith.constant 0 : i32
        %dma_wait3A_311 = tpu.memref_slice %arg7[%add3A_193, %dma_wait3A_310] : memref<79x128xi32, #tpu.memory_space<vmem>> -> memref<1x128xi32, #tpu.memory_space<vmem>>
        %dma_wait3A_312 = tpu.memref_squeeze %dma_wait3A_311 : memref<1x128xi32, #tpu.memory_space<vmem>> -> memref<128xi32, #tpu.memory_space<vmem>>
        %dma_wait3A_313 = arith.constant 0 : i32
        %dma_wait3A_314 = arith.constant 0 : i32
        %dma_wait3A_315 = tpu.memref_slice %arg17[%dma_wait3A_313, %dma_wait3A_314] : memref<10240x32xf32, #tpu.memory_space<vmem_shared>> -> memref<10240x32xf32, #tpu.memory_space<vmem_shared>>
        tpu.wait_indirect_dma semaphore(%run_scoped3A : memref<!tpu.dma_semaphore, #tpu.memory_space<semaphore_mem>>) src(%arg8 : memref<128x32xf32, #tpu.memory_space<vmem>>) dst(%dma_wait3A_315 : memref<10240x32xf32, #tpu.memory_space<vmem_shared>>)
        tpu.yield
      }) : () -> ()
      %add3A_200 = arith.constant 8 : i32
      %add3A_201 = arith.addi %add3A_193, %add3A_200 : i32
      %lt3A_202 = arith.cmpi slt, %add3A_201, %add3A_8 : i32
      %convert_element_type3A_203 = arith.extui %lt3A_202 : i1 to i32
      %cond3A_204 = arith.constant 0 : i32
      %cond3A_205 = arith.cmpi ne, %convert_element_type3A_203, %cond3A_204 : i32
      scf.if %cond3A_205 {
        %add3A_304 = arith.constant 8 : i32
        %add3A_305 = arith.addi %add3A_193, %add3A_304 : i32
        %dma_start3A_306 = arith.constant 0 : i32
        %dma_start3A_307 = tpu.memref_slice %arg6[%add3A_305, %dma_start3A_306] : memref<79x128xi32, #tpu.memory_space<vmem>> -> memref<1x128xi32, #tpu.memory_space<vmem>>
        %dma_start3A_308 = tpu.memref_squeeze %dma_start3A_307 : memref<1x128xi32, #tpu.memory_space<vmem>> -> memref<128xi32, #tpu.memory_space<vmem>>
        %dma_start3A_309 = arith.constant 0 : i32
        %dma_start3A_310 = arith.constant 0 : i32
        %dma_start3A_311 = tpu.memref_slice %arg2[%dma_start3A_309, %dma_start3A_310] : memref<10000x32xf32, #tpu.memory_space<hbm>> -> memref<10000x32xf32, #tpu.memory_space<hbm>>
        tpu.enqueue_indirect_dma source(%dma_start3A_311 : memref<10000x32xf32, #tpu.memory_space<hbm>>) target(%arg8 : memref<128x32xf32, #tpu.memory_space<vmem>>) offsets(%dma_start3A_308 : memref<128xi32, #tpu.memory_space<vmem>>) semaphore(%arg18 : memref<!tpu.dma_semaphore, #tpu.memory_space<semaphore_mem>>)
      } else {
      }
      %add3A_206 = arith.constant 1 : i32
      %add3A_207 = arith.addi %mul3A_191, %add3A_206 : i32
      %dma_wait3A_208 = arith.constant 0 : i32
      %dma_wait3A_209 = arith.constant 0 : i32
      %dma_wait3A_210 = tpu.memref_slice %arg2[%dma_wait3A_208, %dma_wait3A_209] : memref<10000x32xf32, #tpu.memory_space<hbm>> -> memref<128x32xf32, #tpu.memory_space<hbm>>
      %dma_wait3A_211 = arith.constant 0 : i32
      %dma_wait3A_212 = arith.constant 0 : i32
      %dma_wait3A_213 = tpu.memref_slice %arg2[%dma_wait3A_211, %dma_wait3A_212] : memref<10000x32xf32, #tpu.memory_space<hbm>> -> memref<128x32xf32, #tpu.memory_space<hbm>>
      tpu.wait_dma2 semaphore(%arg19 : memref<!tpu.dma_semaphore, #tpu.memory_space<semaphore_mem>>) src(%dma_wait3A_213 : memref<128x32xf32, #tpu.memory_space<hbm>>) dst(%arg9 : memref<128x32xf32, #tpu.memory_space<vmem>>)
      "tpu.region"() ({
        %run_scoped3A = tpu.sem_alloc : memref<!tpu.dma_semaphore, #tpu.memory_space<semaphore_mem>>
        %dma_start3A_304 = arith.constant 0 : i32
        %dma_start3A_305 = tpu.memref_slice %arg7[%add3A_207, %dma_start3A_304] : memref<79x128xi32, #tpu.memory_space<vmem>> -> memref<1x128xi32, #tpu.memory_space<vmem>>
        %dma_start3A_306 = tpu.memref_squeeze %dma_start3A_305 : memref<1x128xi32, #tpu.memory_space<vmem>> -> memref<128xi32, #tpu.memory_space<vmem>>
        %dma_start3A_307 = arith.constant 0 : i32
        %dma_start3A_308 = arith.constant 0 : i32
        %dma_start3A_309 = tpu.memref_slice %arg17[%dma_start3A_307, %dma_start3A_308] : memref<10240x32xf32, #tpu.memory_space<vmem_shared>> -> memref<10240x32xf32, #tpu.memory_space<vmem_shared>>
        tpu.enqueue_indirect_dma source(%arg9 : memref<128x32xf32, #tpu.memory_space<vmem>>) target(%dma_start3A_309 : memref<10240x32xf32, #tpu.memory_space<vmem_shared>>) offsets(%dma_start3A_306 : memref<128xi32, #tpu.memory_space<vmem>>) semaphore(%run_scoped3A : memref<!tpu.dma_semaphore, #tpu.memory_space<semaphore_mem>>) {add = true}
        %dma_wait3A_310 = arith.constant 0 : i32
        %dma_wait3A_311 = tpu.memref_slice %arg7[%add3A_207, %dma_wait3A_310] : memref<79x128xi32, #tpu.memory_space<vmem>> -> memref<1x128xi32, #tpu.memory_space<vmem>>
        %dma_wait3A_312 = tpu.memref_squeeze %dma_wait3A_311 : memref<1x128xi32, #tpu.memory_space<vmem>> -> memref<128xi32, #tpu.memory_space<vmem>>
        %dma_wait3A_313 = arith.constant 0 : i32
        %dma_wait3A_314 = arith.constant 0 : i32
        %dma_wait3A_315 = tpu.memref_slice %arg17[%dma_wait3A_313, %dma_wait3A_314] : memref<10240x32xf32, #tpu.memory_space<vmem_shared>> -> memref<10240x32xf32, #tpu.memory_space<vmem_shared>>
        tpu.wait_indirect_dma semaphore(%run_scoped3A : memref<!tpu.dma_semaphore, #tpu.memory_space<semaphore_mem>>) src(%arg9 : memref<128x32xf32, #tpu.memory_space<vmem>>) dst(%dma_wait3A_315 : memref<10240x32xf32, #tpu.memory_space<vmem_shared>>)
        tpu.yield
      }) : () -> ()
      %add3A_214 = arith.constant 8 : i32
      %add3A_215 = arith.addi %add3A_207, %add3A_214 : i32
      %lt3A_216 = arith.cmpi slt, %add3A_215, %add3A_8 : i32
      %convert_element_type3A_217 = arith.extui %lt3A_216 : i1 to i32
      %cond3A_218 = arith.constant 0 : i32
      %cond3A_219 = arith.cmpi ne, %convert_element_type3A_217, %cond3A_218 : i32
      scf.if %cond3A_219 {
        %add3A_304 = arith.constant 8 : i32
        %add3A_305 = arith.addi %add3A_207, %add3A_304 : i32
        %dma_start3A_306 = arith.constant 0 : i32
        %dma_start3A_307 = tpu.memref_slice %arg6[%add3A_305, %dma_start3A_306] : memref<79x128xi32, #tpu.memory_space<vmem>> -> memref<1x128xi32, #tpu.memory_space<vmem>>
        %dma_start3A_308 = tpu.memref_squeeze %dma_start3A_307 : memref<1x128xi32, #tpu.memory_space<vmem>> -> memref<128xi32, #tpu.memory_space<vmem>>
        %dma_start3A_309 = arith.constant 0 : i32
        %dma_start3A_310 = arith.constant 0 : i32
        %dma_start3A_311 = tpu.memref_slice %arg2[%dma_start3A_309, %dma_start3A_310] : memref<10000x32xf32, #tpu.memory_space<hbm>> -> memref<10000x32xf32, #tpu.memory_space<hbm>>
        tpu.enqueue_indirect_dma source(%dma_start3A_311 : memref<10000x32xf32, #tpu.memory_space<hbm>>) target(%arg9 : memref<128x32xf32, #tpu.memory_space<vmem>>) offsets(%dma_start3A_308 : memref<128xi32, #tpu.memory_space<vmem>>) semaphore(%arg19 : memref<!tpu.dma_semaphore, #tpu.memory_space<semaphore_mem>>)
      } else {
      }
      %add3A_220 = arith.constant 2 : i32
      %add3A_221 = arith.addi %mul3A_191, %add3A_220 : i32
      %dma_wait3A_222 = arith.constant 0 : i32
      %dma_wait3A_223 = arith.constant 0 : i32
      %dma_wait3A_224 = tpu.memref_slice %arg2[%dma_wait3A_222, %dma_wait3A_223] : memref<10000x32xf32, #tpu.memory_space<hbm>> -> memref<128x32xf32, #tpu.memory_space<hbm>>
      %dma_wait3A_225 = arith.constant 0 : i32
      %dma_wait3A_226 = arith.constant 0 : i32
      %dma_wait3A_227 = tpu.memref_slice %arg2[%dma_wait3A_225, %dma_wait3A_226] : memref<10000x32xf32, #tpu.memory_space<hbm>> -> memref<128x32xf32, #tpu.memory_space<hbm>>
      tpu.wait_dma2 semaphore(%arg20 : memref<!tpu.dma_semaphore, #tpu.memory_space<semaphore_mem>>) src(%dma_wait3A_227 : memref<128x32xf32, #tpu.memory_space<hbm>>) dst(%arg10 : memref<128x32xf32, #tpu.memory_space<vmem>>)
      "tpu.region"() ({
        %run_scoped3A = tpu.sem_alloc : memref<!tpu.dma_semaphore, #tpu.memory_space<semaphore_mem>>
        %dma_start3A_304 = arith.constant 0 : i32
        %dma_start3A_305 = tpu.memref_slice %arg7[%add3A_221, %dma_start3A_304] : memref<79x128xi32, #tpu.memory_space<vmem>> -> memref<1x128xi32, #tpu.memory_space<vmem>>
        %dma_start3A_306 = tpu.memref_squeeze %dma_start3A_305 : memref<1x128xi32, #tpu.memory_space<vmem>> -> memref<128xi32, #tpu.memory_space<vmem>>
        %dma_start3A_307 = arith.constant 0 : i32
        %dma_start3A_308 = arith.constant 0 : i32
        %dma_start3A_309 = tpu.memref_slice %arg17[%dma_start3A_307, %dma_start3A_308] : memref<10240x32xf32, #tpu.memory_space<vmem_shared>> -> memref<10240x32xf32, #tpu.memory_space<vmem_shared>>
        tpu.enqueue_indirect_dma source(%arg10 : memref<128x32xf32, #tpu.memory_space<vmem>>) target(%dma_start3A_309 : memref<10240x32xf32, #tpu.memory_space<vmem_shared>>) offsets(%dma_start3A_306 : memref<128xi32, #tpu.memory_space<vmem>>) semaphore(%run_scoped3A : memref<!tpu.dma_semaphore, #tpu.memory_space<semaphore_mem>>) {add = true}
        %dma_wait3A_310 = arith.constant 0 : i32
        %dma_wait3A_311 = tpu.memref_slice %arg7[%add3A_221, %dma_wait3A_310] : memref<79x128xi32, #tpu.memory_space<vmem>> -> memref<1x128xi32, #tpu.memory_space<vmem>>
        %dma_wait3A_312 = tpu.memref_squeeze %dma_wait3A_311 : memref<1x128xi32, #tpu.memory_space<vmem>> -> memref<128xi32, #tpu.memory_space<vmem>>
        %dma_wait3A_313 = arith.constant 0 : i32
        %dma_wait3A_314 = arith.constant 0 : i32
        %dma_wait3A_315 = tpu.memref_slice %arg17[%dma_wait3A_313, %dma_wait3A_314] : memref<10240x32xf32, #tpu.memory_space<vmem_shared>> -> memref<10240x32xf32, #tpu.memory_space<vmem_shared>>
        tpu.wait_indirect_dma semaphore(%run_scoped3A : memref<!tpu.dma_semaphore, #tpu.memory_space<semaphore_mem>>) src(%arg10 : memref<128x32xf32, #tpu.memory_space<vmem>>) dst(%dma_wait3A_315 : memref<10240x32xf32, #tpu.memory_space<vmem_shared>>)
        tpu.yield
      }) : () -> ()
      %add3A_228 = arith.constant 8 : i32
      %add3A_229 = arith.addi %add3A_221, %add3A_228 : i32
      %lt3A_230 = arith.cmpi slt, %add3A_229, %add3A_8 : i32
      %convert_element_type3A_231 = arith.extui %lt3A_230 : i1 to i32
      %cond3A_232 = arith.constant 0 : i32
      %cond3A_233 = arith.cmpi ne, %convert_element_type3A_231, %cond3A_232 : i32
      scf.if %cond3A_233 {
        %add3A_304 = arith.constant 8 : i32
        %add3A_305 = arith.addi %add3A_221, %add3A_304 : i32
        %dma_start3A_306 = arith.constant 0 : i32
        %dma_start3A_307 = tpu.memref_slice %arg6[%add3A_305, %dma_start3A_306] : memref<79x128xi32, #tpu.memory_space<vmem>> -> memref<1x128xi32, #tpu.memory_space<vmem>>
        %dma_start3A_308 = tpu.memref_squeeze %dma_start3A_307 : memref<1x128xi32, #tpu.memory_space<vmem>> -> memref<128xi32, #tpu.memory_space<vmem>>
        %dma_start3A_309 = arith.constant 0 : i32
        %dma_start3A_310 = arith.constant 0 : i32
        %dma_start3A_311 = tpu.memref_slice %arg2[%dma_start3A_309, %dma_start3A_310] : memref<10000x32xf32, #tpu.memory_space<hbm>> -> memref<10000x32xf32, #tpu.memory_space<hbm>>
        tpu.enqueue_indirect_dma source(%dma_start3A_311 : memref<10000x32xf32, #tpu.memory_space<hbm>>) target(%arg10 : memref<128x32xf32, #tpu.memory_space<vmem>>) offsets(%dma_start3A_308 : memref<128xi32, #tpu.memory_space<vmem>>) semaphore(%arg20 : memref<!tpu.dma_semaphore, #tpu.memory_space<semaphore_mem>>)
      } else {
      }
      %add3A_234 = arith.constant 3 : i32
      %add3A_235 = arith.addi %mul3A_191, %add3A_234 : i32
      %dma_wait3A_236 = arith.constant 0 : i32
      %dma_wait3A_237 = arith.constant 0 : i32
      %dma_wait3A_238 = tpu.memref_slice %arg2[%dma_wait3A_236, %dma_wait3A_237] : memref<10000x32xf32, #tpu.memory_space<hbm>> -> memref<128x32xf32, #tpu.memory_space<hbm>>
      %dma_wait3A_239 = arith.constant 0 : i32
      %dma_wait3A_240 = arith.constant 0 : i32
      %dma_wait3A_241 = tpu.memref_slice %arg2[%dma_wait3A_239, %dma_wait3A_240] : memref<10000x32xf32, #tpu.memory_space<hbm>> -> memref<128x32xf32, #tpu.memory_space<hbm>>
      tpu.wait_dma2 semaphore(%arg21 : memref<!tpu.dma_semaphore, #tpu.memory_space<semaphore_mem>>) src(%dma_wait3A_241 : memref<128x32xf32, #tpu.memory_space<hbm>>) dst(%arg11 : memref<128x32xf32, #tpu.memory_space<vmem>>)
      "tpu.region"() ({
        %run_scoped3A = tpu.sem_alloc : memref<!tpu.dma_semaphore, #tpu.memory_space<semaphore_mem>>
        %dma_start3A_304 = arith.constant 0 : i32
        %dma_start3A_305 = tpu.memref_slice %arg7[%add3A_235, %dma_start3A_304] : memref<79x128xi32, #tpu.memory_space<vmem>> -> memref<1x128xi32, #tpu.memory_space<vmem>>
        %dma_start3A_306 = tpu.memref_squeeze %dma_start3A_305 : memref<1x128xi32, #tpu.memory_space<vmem>> -> memref<128xi32, #tpu.memory_space<vmem>>
        %dma_start3A_307 = arith.constant 0 : i32
        %dma_start3A_308 = arith.constant 0 : i32
        %dma_start3A_309 = tpu.memref_slice %arg17[%dma_start3A_307, %dma_start3A_308] : memref<10240x32xf32, #tpu.memory_space<vmem_shared>> -> memref<10240x32xf32, #tpu.memory_space<vmem_shared>>
        tpu.enqueue_indirect_dma source(%arg11 : memref<128x32xf32, #tpu.memory_space<vmem>>) target(%dma_start3A_309 : memref<10240x32xf32, #tpu.memory_space<vmem_shared>>) offsets(%dma_start3A_306 : memref<128xi32, #tpu.memory_space<vmem>>) semaphore(%run_scoped3A : memref<!tpu.dma_semaphore, #tpu.memory_space<semaphore_mem>>) {add = true}
        %dma_wait3A_310 = arith.constant 0 : i32
        %dma_wait3A_311 = tpu.memref_slice %arg7[%add3A_235, %dma_wait3A_310] : memref<79x128xi32, #tpu.memory_space<vmem>> -> memref<1x128xi32, #tpu.memory_space<vmem>>
        %dma_wait3A_312 = tpu.memref_squeeze %dma_wait3A_311 : memref<1x128xi32, #tpu.memory_space<vmem>> -> memref<128xi32, #tpu.memory_space<vmem>>
        %dma_wait3A_313 = arith.constant 0 : i32
        %dma_wait3A_314 = arith.constant 0 : i32
        %dma_wait3A_315 = tpu.memref_slice %arg17[%dma_wait3A_313, %dma_wait3A_314] : memref<10240x32xf32, #tpu.memory_space<vmem_shared>> -> memref<10240x32xf32, #tpu.memory_space<vmem_shared>>
        tpu.wait_indirect_dma semaphore(%run_scoped3A : memref<!tpu.dma_semaphore, #tpu.memory_space<semaphore_mem>>) src(%arg11 : memref<128x32xf32, #tpu.memory_space<vmem>>) dst(%dma_wait3A_315 : memref<10240x32xf32, #tpu.memory_space<vmem_shared>>)
        tpu.yield
      }) : () -> ()
      %add3A_242 = arith.constant 8 : i32
      %add3A_243 = arith.addi %add3A_235, %add3A_242 : i32
      %lt3A_244 = arith.cmpi slt, %add3A_243, %add3A_8 : i32
      %convert_element_type3A_245 = arith.extui %lt3A_244 : i1 to i32
      %cond3A_246 = arith.constant 0 : i32
      %cond3A_247 = arith.cmpi ne, %convert_element_type3A_245, %cond3A_246 : i32
      scf.if %cond3A_247 {
        %add3A_304 = arith.constant 8 : i32
        %add3A_305 = arith.addi %add3A_235, %add3A_304 : i32
        %dma_start3A_306 = arith.constant 0 : i32
        %dma_start3A_307 = tpu.memref_slice %arg6[%add3A_305, %dma_start3A_306] : memref<79x128xi32, #tpu.memory_space<vmem>> -> memref<1x128xi32, #tpu.memory_space<vmem>>
        %dma_start3A_308 = tpu.memref_squeeze %dma_start3A_307 : memref<1x128xi32, #tpu.memory_space<vmem>> -> memref<128xi32, #tpu.memory_space<vmem>>
        %dma_start3A_309 = arith.constant 0 : i32
        %dma_start3A_310 = arith.constant 0 : i32
        %dma_start3A_311 = tpu.memref_slice %arg2[%dma_start3A_309, %dma_start3A_310] : memref<10000x32xf32, #tpu.memory_space<hbm>> -> memref<10000x32xf32, #tpu.memory_space<hbm>>
        tpu.enqueue_indirect_dma source(%dma_start3A_311 : memref<10000x32xf32, #tpu.memory_space<hbm>>) target(%arg11 : memref<128x32xf32, #tpu.memory_space<vmem>>) offsets(%dma_start3A_308 : memref<128xi32, #tpu.memory_space<vmem>>) semaphore(%arg21 : memref<!tpu.dma_semaphore, #tpu.memory_space<semaphore_mem>>)
      } else {
      }
      %add3A_248 = arith.constant 4 : i32
      %add3A_249 = arith.addi %mul3A_191, %add3A_248 : i32
      %dma_wait3A_250 = arith.constant 0 : i32
      %dma_wait3A_251 = arith.constant 0 : i32
      %dma_wait3A_252 = tpu.memref_slice %arg2[%dma_wait3A_250, %dma_wait3A_251] : memref<10000x32xf32, #tpu.memory_space<hbm>> -> memref<128x32xf32, #tpu.memory_space<hbm>>
      %dma_wait3A_253 = arith.constant 0 : i32
      %dma_wait3A_254 = arith.constant 0 : i32
      %dma_wait3A_255 = tpu.memref_slice %arg2[%dma_wait3A_253, %dma_wait3A_254] : memref<10000x32xf32, #tpu.memory_space<hbm>> -> memref<128x32xf32, #tpu.memory_space<hbm>>
      tpu.wait_dma2 semaphore(%arg22 : memref<!tpu.dma_semaphore, #tpu.memory_space<semaphore_mem>>) src(%dma_wait3A_255 : memref<128x32xf32, #tpu.memory_space<hbm>>) dst(%arg12 : memref<128x32xf32, #tpu.memory_space<vmem>>)
      "tpu.region"() ({
        %run_scoped3A = tpu.sem_alloc : memref<!tpu.dma_semaphore, #tpu.memory_space<semaphore_mem>>
        %dma_start3A_304 = arith.constant 0 : i32
        %dma_start3A_305 = tpu.memref_slice %arg7[%add3A_249, %dma_start3A_304] : memref<79x128xi32, #tpu.memory_space<vmem>> -> memref<1x128xi32, #tpu.memory_space<vmem>>
        %dma_start3A_306 = tpu.memref_squeeze %dma_start3A_305 : memref<1x128xi32, #tpu.memory_space<vmem>> -> memref<128xi32, #tpu.memory_space<vmem>>
        %dma_start3A_307 = arith.constant 0 : i32
        %dma_start3A_308 = arith.constant 0 : i32
        %dma_start3A_309 = tpu.memref_slice %arg17[%dma_start3A_307, %dma_start3A_308] : memref<10240x32xf32, #tpu.memory_space<vmem_shared>> -> memref<10240x32xf32, #tpu.memory_space<vmem_shared>>
        tpu.enqueue_indirect_dma source(%arg12 : memref<128x32xf32, #tpu.memory_space<vmem>>) target(%dma_start3A_309 : memref<10240x32xf32, #tpu.memory_space<vmem_shared>>) offsets(%dma_start3A_306 : memref<128xi32, #tpu.memory_space<vmem>>) semaphore(%run_scoped3A : memref<!tpu.dma_semaphore, #tpu.memory_space<semaphore_mem>>) {add = true}
        %dma_wait3A_310 = arith.constant 0 : i32
        %dma_wait3A_311 = tpu.memref_slice %arg7[%add3A_249, %dma_wait3A_310] : memref<79x128xi32, #tpu.memory_space<vmem>> -> memref<1x128xi32, #tpu.memory_space<vmem>>
        %dma_wait3A_312 = tpu.memref_squeeze %dma_wait3A_311 : memref<1x128xi32, #tpu.memory_space<vmem>> -> memref<128xi32, #tpu.memory_space<vmem>>
        %dma_wait3A_313 = arith.constant 0 : i32
        %dma_wait3A_314 = arith.constant 0 : i32
        %dma_wait3A_315 = tpu.memref_slice %arg17[%dma_wait3A_313, %dma_wait3A_314] : memref<10240x32xf32, #tpu.memory_space<vmem_shared>> -> memref<10240x32xf32, #tpu.memory_space<vmem_shared>>
        tpu.wait_indirect_dma semaphore(%run_scoped3A : memref<!tpu.dma_semaphore, #tpu.memory_space<semaphore_mem>>) src(%arg12 : memref<128x32xf32, #tpu.memory_space<vmem>>) dst(%dma_wait3A_315 : memref<10240x32xf32, #tpu.memory_space<vmem_shared>>)
        tpu.yield
      }) : () -> ()
      %add3A_256 = arith.constant 8 : i32
      %add3A_257 = arith.addi %add3A_249, %add3A_256 : i32
      %lt3A_258 = arith.cmpi slt, %add3A_257, %add3A_8 : i32
      %convert_element_type3A_259 = arith.extui %lt3A_258 : i1 to i32
      %cond3A_260 = arith.constant 0 : i32
      %cond3A_261 = arith.cmpi ne, %convert_element_type3A_259, %cond3A_260 : i32
      scf.if %cond3A_261 {
        %add3A_304 = arith.constant 8 : i32
        %add3A_305 = arith.addi %add3A_249, %add3A_304 : i32
        %dma_start3A_306 = arith.constant 0 : i32
        %dma_start3A_307 = tpu.memref_slice %arg6[%add3A_305, %dma_start3A_306] : memref<79x128xi32, #tpu.memory_space<vmem>> -> memref<1x128xi32, #tpu.memory_space<vmem>>
        %dma_start3A_308 = tpu.memref_squeeze %dma_start3A_307 : memref<1x128xi32, #tpu.memory_space<vmem>> -> memref<128xi32, #tpu.memory_space<vmem>>
        %dma_start3A_309 = arith.constant 0 : i32
        %dma_start3A_310 = arith.constant 0 : i32
        %dma_start3A_311 = tpu.memref_slice %arg2[%dma_start3A_309, %dma_start3A_310] : memref<10000x32xf32, #tpu.memory_space<hbm>> -> memref<10000x32xf32, #tpu.memory_space<hbm>>
        tpu.enqueue_indirect_dma source(%dma_start3A_311 : memref<10000x32xf32, #tpu.memory_space<hbm>>) target(%arg12 : memref<128x32xf32, #tpu.memory_space<vmem>>) offsets(%dma_start3A_308 : memref<128xi32, #tpu.memory_space<vmem>>) semaphore(%arg22 : memref<!tpu.dma_semaphore, #tpu.memory_space<semaphore_mem>>)
      } else {
      }
      %add3A_262 = arith.constant 5 : i32
      %add3A_263 = arith.addi %mul3A_191, %add3A_262 : i32
      %dma_wait3A_264 = arith.constant 0 : i32
      %dma_wait3A_265 = arith.constant 0 : i32
      %dma_wait3A_266 = tpu.memref_slice %arg2[%dma_wait3A_264, %dma_wait3A_265] : memref<10000x32xf32, #tpu.memory_space<hbm>> -> memref<128x32xf32, #tpu.memory_space<hbm>>
      %dma_wait3A_267 = arith.constant 0 : i32
      %dma_wait3A_268 = arith.constant 0 : i32
      %dma_wait3A_269 = tpu.memref_slice %arg2[%dma_wait3A_267, %dma_wait3A_268] : memref<10000x32xf32, #tpu.memory_space<hbm>> -> memref<128x32xf32, #tpu.memory_space<hbm>>
      tpu.wait_dma2 semaphore(%arg23 : memref<!tpu.dma_semaphore, #tpu.memory_space<semaphore_mem>>) src(%dma_wait3A_269 : memref<128x32xf32, #tpu.memory_space<hbm>>) dst(%arg13 : memref<128x32xf32, #tpu.memory_space<vmem>>)
      "tpu.region"() ({
        %run_scoped3A = tpu.sem_alloc : memref<!tpu.dma_semaphore, #tpu.memory_space<semaphore_mem>>
        %dma_start3A_304 = arith.constant 0 : i32
        %dma_start3A_305 = tpu.memref_slice %arg7[%add3A_263, %dma_start3A_304] : memref<79x128xi32, #tpu.memory_space<vmem>> -> memref<1x128xi32, #tpu.memory_space<vmem>>
        %dma_start3A_306 = tpu.memref_squeeze %dma_start3A_305 : memref<1x128xi32, #tpu.memory_space<vmem>> -> memref<128xi32, #tpu.memory_space<vmem>>
        %dma_start3A_307 = arith.constant 0 : i32
        %dma_start3A_308 = arith.constant 0 : i32
        %dma_start3A_309 = tpu.memref_slice %arg17[%dma_start3A_307, %dma_start3A_308] : memref<10240x32xf32, #tpu.memory_space<vmem_shared>> -> memref<10240x32xf32, #tpu.memory_space<vmem_shared>>
        tpu.enqueue_indirect_dma source(%arg13 : memref<128x32xf32, #tpu.memory_space<vmem>>) target(%dma_start3A_309 : memref<10240x32xf32, #tpu.memory_space<vmem_shared>>) offsets(%dma_start3A_306 : memref<128xi32, #tpu.memory_space<vmem>>) semaphore(%run_scoped3A : memref<!tpu.dma_semaphore, #tpu.memory_space<semaphore_mem>>) {add = true}
        %dma_wait3A_310 = arith.constant 0 : i32
        %dma_wait3A_311 = tpu.memref_slice %arg7[%add3A_263, %dma_wait3A_310] : memref<79x128xi32, #tpu.memory_space<vmem>> -> memref<1x128xi32, #tpu.memory_space<vmem>>
        %dma_wait3A_312 = tpu.memref_squeeze %dma_wait3A_311 : memref<1x128xi32, #tpu.memory_space<vmem>> -> memref<128xi32, #tpu.memory_space<vmem>>
        %dma_wait3A_313 = arith.constant 0 : i32
        %dma_wait3A_314 = arith.constant 0 : i32
        %dma_wait3A_315 = tpu.memref_slice %arg17[%dma_wait3A_313, %dma_wait3A_314] : memref<10240x32xf32, #tpu.memory_space<vmem_shared>> -> memref<10240x32xf32, #tpu.memory_space<vmem_shared>>
        tpu.wait_indirect_dma semaphore(%run_scoped3A : memref<!tpu.dma_semaphore, #tpu.memory_space<semaphore_mem>>) src(%arg13 : memref<128x32xf32, #tpu.memory_space<vmem>>) dst(%dma_wait3A_315 : memref<10240x32xf32, #tpu.memory_space<vmem_shared>>)
        tpu.yield
      }) : () -> ()
      %add3A_270 = arith.constant 8 : i32
      %add3A_271 = arith.addi %add3A_263, %add3A_270 : i32
      %lt3A_272 = arith.cmpi slt, %add3A_271, %add3A_8 : i32
      %convert_element_type3A_273 = arith.extui %lt3A_272 : i1 to i32
      %cond3A_274 = arith.constant 0 : i32
      %cond3A_275 = arith.cmpi ne, %convert_element_type3A_273, %cond3A_274 : i32
      scf.if %cond3A_275 {
        %add3A_304 = arith.constant 8 : i32
        %add3A_305 = arith.addi %add3A_263, %add3A_304 : i32
        %dma_start3A_306 = arith.constant 0 : i32
        %dma_start3A_307 = tpu.memref_slice %arg6[%add3A_305, %dma_start3A_306] : memref<79x128xi32, #tpu.memory_space<vmem>> -> memref<1x128xi32, #tpu.memory_space<vmem>>
        %dma_start3A_308 = tpu.memref_squeeze %dma_start3A_307 : memref<1x128xi32, #tpu.memory_space<vmem>> -> memref<128xi32, #tpu.memory_space<vmem>>
        %dma_start3A_309 = arith.constant 0 : i32
        %dma_start3A_310 = arith.constant 0 : i32
        %dma_start3A_311 = tpu.memref_slice %arg2[%dma_start3A_309, %dma_start3A_310] : memref<10000x32xf32, #tpu.memory_space<hbm>> -> memref<10000x32xf32, #tpu.memory_space<hbm>>
        tpu.enqueue_indirect_dma source(%dma_start3A_311 : memref<10000x32xf32, #tpu.memory_space<hbm>>) target(%arg13 : memref<128x32xf32, #tpu.memory_space<vmem>>) offsets(%dma_start3A_308 : memref<128xi32, #tpu.memory_space<vmem>>) semaphore(%arg23 : memref<!tpu.dma_semaphore, #tpu.memory_space<semaphore_mem>>)
      } else {
      }
      %add3A_276 = arith.constant 6 : i32
      %add3A_277 = arith.addi %mul3A_191, %add3A_276 : i32
      %dma_wait3A_278 = arith.constant 0 : i32
      %dma_wait3A_279 = arith.constant 0 : i32
      %dma_wait3A_280 = tpu.memref_slice %arg2[%dma_wait3A_278, %dma_wait3A_279] : memref<10000x32xf32, #tpu.memory_space<hbm>> -> memref<128x32xf32, #tpu.memory_space<hbm>>
      %dma_wait3A_281 = arith.constant 0 : i32
      %dma_wait3A_282 = arith.constant 0 : i32
      %dma_wait3A_283 = tpu.memref_slice %arg2[%dma_wait3A_281, %dma_wait3A_282] : memref<10000x32xf32, #tpu.memory_space<hbm>> -> memref<128x32xf32, #tpu.memory_space<hbm>>
      tpu.wait_dma2 semaphore(%arg24 : memref<!tpu.dma_semaphore, #tpu.memory_space<semaphore_mem>>) src(%dma_wait3A_283 : memref<128x32xf32, #tpu.memory_space<hbm>>) dst(%arg14 : memref<128x32xf32, #tpu.memory_space<vmem>>)
      "tpu.region"() ({
        %run_scoped3A = tpu.sem_alloc : memref<!tpu.dma_semaphore, #tpu.memory_space<semaphore_mem>>
        %dma_start3A_304 = arith.constant 0 : i32
        %dma_start3A_305 = tpu.memref_slice %arg7[%add3A_277, %dma_start3A_304] : memref<79x128xi32, #tpu.memory_space<vmem>> -> memref<1x128xi32, #tpu.memory_space<vmem>>
        %dma_start3A_306 = tpu.memref_squeeze %dma_start3A_305 : memref<1x128xi32, #tpu.memory_space<vmem>> -> memref<128xi32, #tpu.memory_space<vmem>>
        %dma_start3A_307 = arith.constant 0 : i32
        %dma_start3A_308 = arith.constant 0 : i32
        %dma_start3A_309 = tpu.memref_slice %arg17[%dma_start3A_307, %dma_start3A_308] : memref<10240x32xf32, #tpu.memory_space<vmem_shared>> -> memref<10240x32xf32, #tpu.memory_space<vmem_shared>>
        tpu.enqueue_indirect_dma source(%arg14 : memref<128x32xf32, #tpu.memory_space<vmem>>) target(%dma_start3A_309 : memref<10240x32xf32, #tpu.memory_space<vmem_shared>>) offsets(%dma_start3A_306 : memref<128xi32, #tpu.memory_space<vmem>>) semaphore(%run_scoped3A : memref<!tpu.dma_semaphore, #tpu.memory_space<semaphore_mem>>) {add = true}
        %dma_wait3A_310 = arith.constant 0 : i32
        %dma_wait3A_311 = tpu.memref_slice %arg7[%add3A_277, %dma_wait3A_310] : memref<79x128xi32, #tpu.memory_space<vmem>> -> memref<1x128xi32, #tpu.memory_space<vmem>>
        %dma_wait3A_312 = tpu.memref_squeeze %dma_wait3A_311 : memref<1x128xi32, #tpu.memory_space<vmem>> -> memref<128xi32, #tpu.memory_space<vmem>>
        %dma_wait3A_313 = arith.constant 0 : i32
        %dma_wait3A_314 = arith.constant 0 : i32
        %dma_wait3A_315 = tpu.memref_slice %arg17[%dma_wait3A_313, %dma_wait3A_314] : memref<10240x32xf32, #tpu.memory_space<vmem_shared>> -> memref<10240x32xf32, #tpu.memory_space<vmem_shared>>
        tpu.wait_indirect_dma semaphore(%run_scoped3A : memref<!tpu.dma_semaphore, #tpu.memory_space<semaphore_mem>>) src(%arg14 : memref<128x32xf32, #tpu.memory_space<vmem>>) dst(%dma_wait3A_315 : memref<10240x32xf32, #tpu.memory_space<vmem_shared>>)
        tpu.yield
      }) : () -> ()
      %add3A_284 = arith.constant 8 : i32
      %add3A_285 = arith.addi %add3A_277, %add3A_284 : i32
      %lt3A_286 = arith.cmpi slt, %add3A_285, %add3A_8 : i32
      %convert_element_type3A_287 = arith.extui %lt3A_286 : i1 to i32
      %cond3A_288 = arith.constant 0 : i32
      %cond3A_289 = arith.cmpi ne, %convert_element_type3A_287, %cond3A_288 : i32
      scf.if %cond3A_289 {
        %add3A_304 = arith.constant 8 : i32
        %add3A_305 = arith.addi %add3A_277, %add3A_304 : i32
        %dma_start3A_306 = arith.constant 0 : i32
        %dma_start3A_307 = tpu.memref_slice %arg6[%add3A_305, %dma_start3A_306] : memref<79x128xi32, #tpu.memory_space<vmem>> -> memref<1x128xi32, #tpu.memory_space<vmem>>
        %dma_start3A_308 = tpu.memref_squeeze %dma_start3A_307 : memref<1x128xi32, #tpu.memory_space<vmem>> -> memref<128xi32, #tpu.memory_space<vmem>>
        %dma_start3A_309 = arith.constant 0 : i32
        %dma_start3A_310 = arith.constant 0 : i32
        %dma_start3A_311 = tpu.memref_slice %arg2[%dma_start3A_309, %dma_start3A_310] : memref<10000x32xf32, #tpu.memory_space<hbm>> -> memref<10000x32xf32, #tpu.memory_space<hbm>>
        tpu.enqueue_indirect_dma source(%dma_start3A_311 : memref<10000x32xf32, #tpu.memory_space<hbm>>) target(%arg14 : memref<128x32xf32, #tpu.memory_space<vmem>>) offsets(%dma_start3A_308 : memref<128xi32, #tpu.memory_space<vmem>>) semaphore(%arg24 : memref<!tpu.dma_semaphore, #tpu.memory_space<semaphore_mem>>)
      } else {
      }
      %add3A_290 = arith.constant 7 : i32
      %add3A_291 = arith.addi %mul3A_191, %add3A_290 : i32
      %dma_wait3A_292 = arith.constant 0 : i32
      %dma_wait3A_293 = arith.constant 0 : i32
      %dma_wait3A_294 = tpu.memref_slice %arg2[%dma_wait3A_292, %dma_wait3A_293] : memref<10000x32xf32, #tpu.memory_space<hbm>> -> memref<128x32xf32, #tpu.memory_space<hbm>>
      %dma_wait3A_295 = arith.constant 0 : i32
      %dma_wait3A_296 = arith.constant 0 : i32
      %dma_wait3A_297 = tpu.memref_slice %arg2[%dma_wait3A_295, %dma_wait3A_296] : memref<10000x32xf32, #tpu.memory_space<hbm>> -> memref<128x32xf32, #tpu.memory_space<hbm>>
      tpu.wait_dma2 semaphore(%arg25 : memref<!tpu.dma_semaphore, #tpu.memory_space<semaphore_mem>>) src(%dma_wait3A_297 : memref<128x32xf32, #tpu.memory_space<hbm>>) dst(%arg15 : memref<128x32xf32, #tpu.memory_space<vmem>>)
      "tpu.region"() ({
        %run_scoped3A = tpu.sem_alloc : memref<!tpu.dma_semaphore, #tpu.memory_space<semaphore_mem>>
        %dma_start3A_304 = arith.constant 0 : i32
        %dma_start3A_305 = tpu.memref_slice %arg7[%add3A_291, %dma_start3A_304] : memref<79x128xi32, #tpu.memory_space<vmem>> -> memref<1x128xi32, #tpu.memory_space<vmem>>
        %dma_start3A_306 = tpu.memref_squeeze %dma_start3A_305 : memref<1x128xi32, #tpu.memory_space<vmem>> -> memref<128xi32, #tpu.memory_space<vmem>>
        %dma_start3A_307 = arith.constant 0 : i32
        %dma_start3A_308 = arith.constant 0 : i32
        %dma_start3A_309 = tpu.memref_slice %arg17[%dma_start3A_307, %dma_start3A_308] : memref<10240x32xf32, #tpu.memory_space<vmem_shared>> -> memref<10240x32xf32, #tpu.memory_space<vmem_shared>>
        tpu.enqueue_indirect_dma source(%arg15 : memref<128x32xf32, #tpu.memory_space<vmem>>) target(%dma_start3A_309 : memref<10240x32xf32, #tpu.memory_space<vmem_shared>>) offsets(%dma_start3A_306 : memref<128xi32, #tpu.memory_space<vmem>>) semaphore(%run_scoped3A : memref<!tpu.dma_semaphore, #tpu.memory_space<semaphore_mem>>) {add = true}
        %dma_wait3A_310 = arith.constant 0 : i32
        %dma_wait3A_311 = tpu.memref_slice %arg7[%add3A_291, %dma_wait3A_310] : memref<79x128xi32, #tpu.memory_space<vmem>> -> memref<1x128xi32, #tpu.memory_space<vmem>>
        %dma_wait3A_312 = tpu.memref_squeeze %dma_wait3A_311 : memref<1x128xi32, #tpu.memory_space<vmem>> -> memref<128xi32, #tpu.memory_space<vmem>>
        %dma_wait3A_313 = arith.constant 0 : i32
        %dma_wait3A_314 = arith.constant 0 : i32
        %dma_wait3A_315 = tpu.memref_slice %arg17[%dma_wait3A_313, %dma_wait3A_314] : memref<10240x32xf32, #tpu.memory_space<vmem_shared>> -> memref<10240x32xf32, #tpu.memory_space<vmem_shared>>
        tpu.wait_indirect_dma semaphore(%run_scoped3A : memref<!tpu.dma_semaphore, #tpu.memory_space<semaphore_mem>>) src(%arg15 : memref<128x32xf32, #tpu.memory_space<vmem>>) dst(%dma_wait3A_315 : memref<10240x32xf32, #tpu.memory_space<vmem_shared>>)
        tpu.yield
      }) : () -> ()
      %add3A_298 = arith.constant 8 : i32
      %add3A_299 = arith.addi %add3A_291, %add3A_298 : i32
      %lt3A_300 = arith.cmpi slt, %add3A_299, %add3A_8 : i32
      %convert_element_type3A_301 = arith.extui %lt3A_300 : i1 to i32
      %cond3A_302 = arith.constant 0 : i32
      %cond3A_303 = arith.cmpi ne, %convert_element_type3A_301, %cond3A_302 : i32
      scf.if %cond3A_303 {
        %add3A_304 = arith.constant 8 : i32
        %add3A_305 = arith.addi %add3A_291, %add3A_304 : i32
        %dma_start3A_306 = arith.constant 0 : i32
        %dma_start3A_307 = tpu.memref_slice %arg6[%add3A_305, %dma_start3A_306] : memref<79x128xi32, #tpu.memory_space<vmem>> -> memref<1x128xi32, #tpu.memory_space<vmem>>
        %dma_start3A_308 = tpu.memref_squeeze %dma_start3A_307 : memref<1x128xi32, #tpu.memory_space<vmem>> -> memref<128xi32, #tpu.memory_space<vmem>>
        %dma_start3A_309 = arith.constant 0 : i32
        %dma_start3A_310 = arith.constant 0 : i32
        %dma_start3A_311 = tpu.memref_slice %arg2[%dma_start3A_309, %dma_start3A_310] : memref<10000x32xf32, #tpu.memory_space<hbm>> -> memref<10000x32xf32, #tpu.memory_space<hbm>>
        tpu.enqueue_indirect_dma source(%dma_start3A_311 : memref<10000x32xf32, #tpu.memory_space<hbm>>) target(%arg15 : memref<128x32xf32, #tpu.memory_space<vmem>>) offsets(%dma_start3A_308 : memref<128xi32, #tpu.memory_space<vmem>>) semaphore(%arg25 : memref<!tpu.dma_semaphore, #tpu.memory_space<semaphore_mem>>)
      } else {
      }
    }
    %while3A_144 = arith.constant 1 : i32
    scf.for %while3A_189 = %while3A_142 to %while3A_138 step %while3A_144  : i32 {
      %mul3A_190 = arith.constant 8 : i32
      %mul3A_191 = arith.muli %while3A_189, %mul3A_190 : i32
      %add3A_192 = arith.constant 0 : i32
      %add3A_193 = arith.addi %mul3A_191, %add3A_192 : i32
      %dma_wait3A_194 = arith.constant 0 : i32
      %dma_wait3A_195 = arith.constant 0 : i32
      %dma_wait3A_196 = tpu.memref_slice %arg2[%dma_wait3A_194, %dma_wait3A_195] : memref<10000x32xf32, #tpu.memory_space<hbm>> -> memref<128x32xf32, #tpu.memory_space<hbm>>
      %dma_wait3A_197 = arith.constant 0 : i32
      %dma_wait3A_198 = arith.constant 0 : i32
      %dma_wait3A_199 = tpu.memref_slice %arg2[%dma_wait3A_197, %dma_wait3A_198] : memref<10000x32xf32, #tpu.memory_space<hbm>> -> memref<128x32xf32, #tpu.memory_space<hbm>>
      tpu.wait_dma2 semaphore(%arg18 : memref<!tpu.dma_semaphore, #tpu.memory_space<semaphore_mem>>) src(%dma_wait3A_199 : memref<128x32xf32, #tpu.memory_space<hbm>>) dst(%arg8 : memref<128x32xf32, #tpu.memory_space<vmem>>)
      "tpu.region"() ({
        %run_scoped3A = tpu.sem_alloc : memref<!tpu.dma_semaphore, #tpu.memory_space<semaphore_mem>>
        %dma_start3A_304 = arith.constant 0 : i32
        %dma_start3A_305 = tpu.memref_slice %arg7[%add3A_193, %dma_start3A_304] : memref<79x128xi32, #tpu.memory_space<vmem>> -> memref<1x128xi32, #tpu.memory_space<vmem>>
        %dma_start3A_306 = tpu.memref_squeeze %dma_start3A_305 : memref<1x128xi32, #tpu.memory_space<vmem>> -> memref<128xi32, #tpu.memory_space<vmem>>
        %dma_start3A_307 = arith.constant 0 : i32
        %dma_start3A_308 = arith.constant 0 : i32
        %dma_start3A_309 = tpu.memref_slice %arg17[%dma_start3A_307, %dma_start3A_308] : memref<10240x32xf32, #tpu.memory_space<vmem_shared>> -> memref<10240x32xf32, #tpu.memory_space<vmem_shared>>
        tpu.enqueue_indirect_dma source(%arg8 : memref<128x32xf32, #tpu.memory_space<vmem>>) target(%dma_start3A_309 : memref<10240x32xf32, #tpu.memory_space<vmem_shared>>) offsets(%dma_start3A_306 : memref<128xi32, #tpu.memory_space<vmem>>) semaphore(%run_scoped3A : memref<!tpu.dma_semaphore, #tpu.memory_space<semaphore_mem>>) {add = true}
        %dma_wait3A_310 = arith.constant 0 : i32
        %dma_wait3A_311 = tpu.memref_slice %arg7[%add3A_193, %dma_wait3A_310] : memref<79x128xi32, #tpu.memory_space<vmem>> -> memref<1x128xi32, #tpu.memory_space<vmem>>
        %dma_wait3A_312 = tpu.memref_squeeze %dma_wait3A_311 : memref<1x128xi32, #tpu.memory_space<vmem>> -> memref<128xi32, #tpu.memory_space<vmem>>
        %dma_wait3A_313 = arith.constant 0 : i32
        %dma_wait3A_314 = arith.constant 0 : i32
        %dma_wait3A_315 = tpu.memref_slice %arg17[%dma_wait3A_313, %dma_wait3A_314] : memref<10240x32xf32, #tpu.memory_space<vmem_shared>> -> memref<10240x32xf32, #tpu.memory_space<vmem_shared>>
        tpu.wait_indirect_dma semaphore(%run_scoped3A : memref<!tpu.dma_semaphore, #tpu.memory_space<semaphore_mem>>) src(%arg8 : memref<128x32xf32, #tpu.memory_space<vmem>>) dst(%dma_wait3A_315 : memref<10240x32xf32, #tpu.memory_space<vmem_shared>>)
        tpu.yield
      }) : () -> ()
      %add3A_200 = arith.constant 8 : i32
      %add3A_201 = arith.addi %add3A_193, %add3A_200 : i32
      %lt3A_202 = arith.cmpi slt, %add3A_201, %add3A_8 : i32
      %convert_element_type3A_203 = arith.extui %lt3A_202 : i1 to i32
      %cond3A_204 = arith.constant 0 : i32
      %cond3A_205 = arith.cmpi ne, %convert_element_type3A_203, %cond3A_204 : i32
      scf.if %cond3A_205 {
        %add3A_304 = arith.constant 8 : i32
        %add3A_305 = arith.addi %add3A_193, %add3A_304 : i32
        %dma_start3A_306 = arith.constant 0 : i32
        %dma_start3A_307 = tpu.memref_slice %arg6[%add3A_305, %dma_start3A_306] : memref<79x128xi32, #tpu.memory_space<vmem>> -> memref<1x128xi32, #tpu.memory_space<vmem>>
        %dma_start3A_308 = tpu.memref_squeeze %dma_start3A_307 : memref<1x128xi32, #tpu.memory_space<vmem>> -> memref<128xi32, #tpu.memory_space<vmem>>
        %dma_start3A_309 = arith.constant 0 : i32
        %dma_start3A_310 = arith.constant 0 : i32
        %dma_start3A_311 = tpu.memref_slice %arg2[%dma_start3A_309, %dma_start3A_310] : memref<10000x32xf32, #tpu.memory_space<hbm>> -> memref<10000x32xf32, #tpu.memory_space<hbm>>
        tpu.enqueue_indirect_dma source(%dma_start3A_311 : memref<10000x32xf32, #tpu.memory_space<hbm>>) target(%arg8 : memref<128x32xf32, #tpu.memory_space<vmem>>) offsets(%dma_start3A_308 : memref<128xi32, #tpu.memory_space<vmem>>) semaphore(%arg18 : memref<!tpu.dma_semaphore, #tpu.memory_space<semaphore_mem>>)
      } else {
      }
      %add3A_206 = arith.constant 1 : i32
      %add3A_207 = arith.addi %mul3A_191, %add3A_206 : i32
      %dma_wait3A_208 = arith.constant 0 : i32
      %dma_wait3A_209 = arith.constant 0 : i32
      %dma_wait3A_210 = tpu.memref_slice %arg2[%dma_wait3A_208, %dma_wait3A_209] : memref<10000x32xf32, #tpu.memory_space<hbm>> -> memref<128x32xf32, #tpu.memory_space<hbm>>
      %dma_wait3A_211 = arith.constant 0 : i32
      %dma_wait3A_212 = arith.constant 0 : i32
      %dma_wait3A_213 = tpu.memref_slice %arg2[%dma_wait3A_211, %dma_wait3A_212] : memref<10000x32xf32, #tpu.memory_space<hbm>> -> memref<128x32xf32, #tpu.memory_space<hbm>>
      tpu.wait_dma2 semaphore(%arg19 : memref<!tpu.dma_semaphore, #tpu.memory_space<semaphore_mem>>) src(%dma_wait3A_213 : memref<128x32xf32, #tpu.memory_space<hbm>>) dst(%arg9 : memref<128x32xf32, #tpu.memory_space<vmem>>)
      "tpu.region"() ({
        %run_scoped3A = tpu.sem_alloc : memref<!tpu.dma_semaphore, #tpu.memory_space<semaphore_mem>>
        %dma_start3A_304 = arith.constant 0 : i32
        %dma_start3A_305 = tpu.memref_slice %arg7[%add3A_207, %dma_start3A_304] : memref<79x128xi32, #tpu.memory_space<vmem>> -> memref<1x128xi32, #tpu.memory_space<vmem>>
        %dma_start3A_306 = tpu.memref_squeeze %dma_start3A_305 : memref<1x128xi32, #tpu.memory_space<vmem>> -> memref<128xi32, #tpu.memory_space<vmem>>
        %dma_start3A_307 = arith.constant 0 : i32
        %dma_start3A_308 = arith.constant 0 : i32
        %dma_start3A_309 = tpu.memref_slice %arg17[%dma_start3A_307, %dma_start3A_308] : memref<10240x32xf32, #tpu.memory_space<vmem_shared>> -> memref<10240x32xf32, #tpu.memory_space<vmem_shared>>
        tpu.enqueue_indirect_dma source(%arg9 : memref<128x32xf32, #tpu.memory_space<vmem>>) target(%dma_start3A_309 : memref<10240x32xf32, #tpu.memory_space<vmem_shared>>) offsets(%dma_start3A_306 : memref<128xi32, #tpu.memory_space<vmem>>) semaphore(%run_scoped3A : memref<!tpu.dma_semaphore, #tpu.memory_space<semaphore_mem>>) {add = true}
        %dma_wait3A_310 = arith.constant 0 : i32
        %dma_wait3A_311 = tpu.memref_slice %arg7[%add3A_207, %dma_wait3A_310] : memref<79x128xi32, #tpu.memory_space<vmem>> -> memref<1x128xi32, #tpu.memory_space<vmem>>
        %dma_wait3A_312 = tpu.memref_squeeze %dma_wait3A_311 : memref<1x128xi32, #tpu.memory_space<vmem>> -> memref<128xi32, #tpu.memory_space<vmem>>
        %dma_wait3A_313 = arith.constant 0 : i32
        %dma_wait3A_314 = arith.constant 0 : i32
        %dma_wait3A_315 = tpu.memref_slice %arg17[%dma_wait3A_313, %dma_wait3A_314] : memref<10240x32xf32, #tpu.memory_space<vmem_shared>> -> memref<10240x32xf32, #tpu.memory_space<vmem_shared>>
        tpu.wait_indirect_dma semaphore(%run_scoped3A : memref<!tpu.dma_semaphore, #tpu.memory_space<semaphore_mem>>) src(%arg9 : memref<128x32xf32, #tpu.memory_space<vmem>>) dst(%dma_wait3A_315 : memref<10240x32xf32, #tpu.memory_space<vmem_shared>>)
        tpu.yield
      }) : () -> ()
      %add3A_214 = arith.constant 8 : i32
      %add3A_215 = arith.addi %add3A_207, %add3A_214 : i32
      %lt3A_216 = arith.cmpi slt, %add3A_215, %add3A_8 : i32
      %convert_element_type3A_217 = arith.extui %lt3A_216 : i1 to i32
      %cond3A_218 = arith.constant 0 : i32
      %cond3A_219 = arith.cmpi ne, %convert_element_type3A_217, %cond3A_218 : i32
      scf.if %cond3A_219 {
        %add3A_304 = arith.constant 8 : i32
        %add3A_305 = arith.addi %add3A_207, %add3A_304 : i32
        %dma_start3A_306 = arith.constant 0 : i32
        %dma_start3A_307 = tpu.memref_slice %arg6[%add3A_305, %dma_start3A_306] : memref<79x128xi32, #tpu.memory_space<vmem>> -> memref<1x128xi32, #tpu.memory_space<vmem>>
        %dma_start3A_308 = tpu.memref_squeeze %dma_start3A_307 : memref<1x128xi32, #tpu.memory_space<vmem>> -> memref<128xi32, #tpu.memory_space<vmem>>
        %dma_start3A_309 = arith.constant 0 : i32
        %dma_start3A_310 = arith.constant 0 : i32
        %dma_start3A_311 = tpu.memref_slice %arg2[%dma_start3A_309, %dma_start3A_310] : memref<10000x32xf32, #tpu.memory_space<hbm>> -> memref<10000x32xf32, #tpu.memory_space<hbm>>
        tpu.enqueue_indirect_dma source(%dma_start3A_311 : memref<10000x32xf32, #tpu.memory_space<hbm>>) target(%arg9 : memref<128x32xf32, #tpu.memory_space<vmem>>) offsets(%dma_start3A_308 : memref<128xi32, #tpu.memory_space<vmem>>) semaphore(%arg19 : memref<!tpu.dma_semaphore, #tpu.memory_space<semaphore_mem>>)
      } else {
      }
      %add3A_220 = arith.constant 2 : i32
      %add3A_221 = arith.addi %mul3A_191, %add3A_220 : i32
      %dma_wait3A_222 = arith.constant 0 : i32
      %dma_wait3A_223 = arith.constant 0 : i32
      %dma_wait3A_224 = tpu.memref_slice %arg2[%dma_wait3A_222, %dma_wait3A_223] : memref<10000x32xf32, #tpu.memory_space<hbm>> -> memref<128x32xf32, #tpu.memory_space<hbm>>
      %dma_wait3A_225 = arith.constant 0 : i32
      %dma_wait3A_226 = arith.constant 0 : i32
      %dma_wait3A_227 = tpu.memref_slice %arg2[%dma_wait3A_225, %dma_wait3A_226] : memref<10000x32xf32, #tpu.memory_space<hbm>> -> memref<128x32xf32, #tpu.memory_space<hbm>>
      tpu.wait_dma2 semaphore(%arg20 : memref<!tpu.dma_semaphore, #tpu.memory_space<semaphore_mem>>) src(%dma_wait3A_227 : memref<128x32xf32, #tpu.memory_space<hbm>>) dst(%arg10 : memref<128x32xf32, #tpu.memory_space<vmem>>)
      "tpu.region"() ({
        %run_scoped3A = tpu.sem_alloc : memref<!tpu.dma_semaphore, #tpu.memory_space<semaphore_mem>>
        %dma_start3A_304 = arith.constant 0 : i32
        %dma_start3A_305 = tpu.memref_slice %arg7[%add3A_221, %dma_start3A_304] : memref<79x128xi32, #tpu.memory_space<vmem>> -> memref<1x128xi32, #tpu.memory_space<vmem>>
        %dma_start3A_306 = tpu.memref_squeeze %dma_start3A_305 : memref<1x128xi32, #tpu.memory_space<vmem>> -> memref<128xi32, #tpu.memory_space<vmem>>
        %dma_start3A_307 = arith.constant 0 : i32
        %dma_start3A_308 = arith.constant 0 : i32
        %dma_start3A_309 = tpu.memref_slice %arg17[%dma_start3A_307, %dma_start3A_308] : memref<10240x32xf32, #tpu.memory_space<vmem_shared>> -> memref<10240x32xf32, #tpu.memory_space<vmem_shared>>
        tpu.enqueue_indirect_dma source(%arg10 : memref<128x32xf32, #tpu.memory_space<vmem>>) target(%dma_start3A_309 : memref<10240x32xf32, #tpu.memory_space<vmem_shared>>) offsets(%dma_start3A_306 : memref<128xi32, #tpu.memory_space<vmem>>) semaphore(%run_scoped3A : memref<!tpu.dma_semaphore, #tpu.memory_space<semaphore_mem>>) {add = true}
        %dma_wait3A_310 = arith.constant 0 : i32
        %dma_wait3A_311 = tpu.memref_slice %arg7[%add3A_221, %dma_wait3A_310] : memref<79x128xi32, #tpu.memory_space<vmem>> -> memref<1x128xi32, #tpu.memory_space<vmem>>
        %dma_wait3A_312 = tpu.memref_squeeze %dma_wait3A_311 : memref<1x128xi32, #tpu.memory_space<vmem>> -> memref<128xi32, #tpu.memory_space<vmem>>
        %dma_wait3A_313 = arith.constant 0 : i32
        %dma_wait3A_314 = arith.constant 0 : i32
        %dma_wait3A_315 = tpu.memref_slice %arg17[%dma_wait3A_313, %dma_wait3A_314] : memref<10240x32xf32, #tpu.memory_space<vmem_shared>> -> memref<10240x32xf32, #tpu.memory_space<vmem_shared>>
        tpu.wait_indirect_dma semaphore(%run_scoped3A : memref<!tpu.dma_semaphore, #tpu.memory_space<semaphore_mem>>) src(%arg10 : memref<128x32xf32, #tpu.memory_space<vmem>>) dst(%dma_wait3A_315 : memref<10240x32xf32, #tpu.memory_space<vmem_shared>>)
        tpu.yield
      }) : () -> ()
      %add3A_228 = arith.constant 8 : i32
      %add3A_229 = arith.addi %add3A_221, %add3A_228 : i32
      %lt3A_230 = arith.cmpi slt, %add3A_229, %add3A_8 : i32
      %convert_element_type3A_231 = arith.extui %lt3A_230 : i1 to i32
      %cond3A_232 = arith.constant 0 : i32
      %cond3A_233 = arith.cmpi ne, %convert_element_type3A_231, %cond3A_232 : i32
      scf.if %cond3A_233 {
        %add3A_304 = arith.constant 8 : i32
        %add3A_305 = arith.addi %add3A_221, %add3A_304 : i32
        %dma_start3A_306 = arith.constant 0 : i32
        %dma_start3A_307 = tpu.memref_slice %arg6[%add3A_305, %dma_start3A_306] : memref<79x128xi32, #tpu.memory_space<vmem>> -> memref<1x128xi32, #tpu.memory_space<vmem>>
        %dma_start3A_308 = tpu.memref_squeeze %dma_start3A_307 : memref<1x128xi32, #tpu.memory_space<vmem>> -> memref<128xi32, #tpu.memory_space<vmem>>
        %dma_start3A_309 = arith.constant 0 : i32
        %dma_start3A_310 = arith.constant 0 : i32
        %dma_start3A_311 = tpu.memref_slice %arg2[%dma_start3A_309, %dma_start3A_310] : memref<10000x32xf32, #tpu.memory_space<hbm>> -> memref<10000x32xf32, #tpu.memory_space<hbm>>
        tpu.enqueue_indirect_dma source(%dma_start3A_311 : memref<10000x32xf32, #tpu.memory_space<hbm>>) target(%arg10 : memref<128x32xf32, #tpu.memory_space<vmem>>) offsets(%dma_start3A_308 : memref<128xi32, #tpu.memory_space<vmem>>) semaphore(%arg20 : memref<!tpu.dma_semaphore, #tpu.memory_space<semaphore_mem>>)
      } else {
      }
      %add3A_234 = arith.constant 3 : i32
      %add3A_235 = arith.addi %mul3A_191, %add3A_234 : i32
      %dma_wait3A_236 = arith.constant 0 : i32
      %dma_wait3A_237 = arith.constant 0 : i32
      %dma_wait3A_238 = tpu.memref_slice %arg2[%dma_wait3A_236, %dma_wait3A_237] : memref<10000x32xf32, #tpu.memory_space<hbm>> -> memref<128x32xf32, #tpu.memory_space<hbm>>
      %dma_wait3A_239 = arith.constant 0 : i32
      %dma_wait3A_240 = arith.constant 0 : i32
      %dma_wait3A_241 = tpu.memref_slice %arg2[%dma_wait3A_239, %dma_wait3A_240] : memref<10000x32xf32, #tpu.memory_space<hbm>> -> memref<128x32xf32, #tpu.memory_space<hbm>>
      tpu.wait_dma2 semaphore(%arg21 : memref<!tpu.dma_semaphore, #tpu.memory_space<semaphore_mem>>) src(%dma_wait3A_241 : memref<128x32xf32, #tpu.memory_space<hbm>>) dst(%arg11 : memref<128x32xf32, #tpu.memory_space<vmem>>)
      "tpu.region"() ({
        %run_scoped3A = tpu.sem_alloc : memref<!tpu.dma_semaphore, #tpu.memory_space<semaphore_mem>>
        %dma_start3A_304 = arith.constant 0 : i32
        %dma_start3A_305 = tpu.memref_slice %arg7[%add3A_235, %dma_start3A_304] : memref<79x128xi32, #tpu.memory_space<vmem>> -> memref<1x128xi32, #tpu.memory_space<vmem>>
        %dma_start3A_306 = tpu.memref_squeeze %dma_start3A_305 : memref<1x128xi32, #tpu.memory_space<vmem>> -> memref<128xi32, #tpu.memory_space<vmem>>
        %dma_start3A_307 = arith.constant 0 : i32
        %dma_start3A_308 = arith.constant 0 : i32
        %dma_start3A_309 = tpu.memref_slice %arg17[%dma_start3A_307, %dma_start3A_308] : memref<10240x32xf32, #tpu.memory_space<vmem_shared>> -> memref<10240x32xf32, #tpu.memory_space<vmem_shared>>
        tpu.enqueue_indirect_dma source(%arg11 : memref<128x32xf32, #tpu.memory_space<vmem>>) target(%dma_start3A_309 : memref<10240x32xf32, #tpu.memory_space<vmem_shared>>) offsets(%dma_start3A_306 : memref<128xi32, #tpu.memory_space<vmem>>) semaphore(%run_scoped3A : memref<!tpu.dma_semaphore, #tpu.memory_space<semaphore_mem>>) {add = true}
        %dma_wait3A_310 = arith.constant 0 : i32
        %dma_wait3A_311 = tpu.memref_slice %arg7[%add3A_235, %dma_wait3A_310] : memref<79x128xi32, #tpu.memory_space<vmem>> -> memref<1x128xi32, #tpu.memory_space<vmem>>
        %dma_wait3A_312 = tpu.memref_squeeze %dma_wait3A_311 : memref<1x128xi32, #tpu.memory_space<vmem>> -> memref<128xi32, #tpu.memory_space<vmem>>
        %dma_wait3A_313 = arith.constant 0 : i32
        %dma_wait3A_314 = arith.constant 0 : i32
        %dma_wait3A_315 = tpu.memref_slice %arg17[%dma_wait3A_313, %dma_wait3A_314] : memref<10240x32xf32, #tpu.memory_space<vmem_shared>> -> memref<10240x32xf32, #tpu.memory_space<vmem_shared>>
        tpu.wait_indirect_dma semaphore(%run_scoped3A : memref<!tpu.dma_semaphore, #tpu.memory_space<semaphore_mem>>) src(%arg11 : memref<128x32xf32, #tpu.memory_space<vmem>>) dst(%dma_wait3A_315 : memref<10240x32xf32, #tpu.memory_space<vmem_shared>>)
        tpu.yield
      }) : () -> ()
      %add3A_242 = arith.constant 8 : i32
      %add3A_243 = arith.addi %add3A_235, %add3A_242 : i32
      %lt3A_244 = arith.cmpi slt, %add3A_243, %add3A_8 : i32
      %convert_element_type3A_245 = arith.extui %lt3A_244 : i1 to i32
      %cond3A_246 = arith.constant 0 : i32
      %cond3A_247 = arith.cmpi ne, %convert_element_type3A_245, %cond3A_246 : i32
      scf.if %cond3A_247 {
        %add3A_304 = arith.constant 8 : i32
        %add3A_305 = arith.addi %add3A_235, %add3A_304 : i32
        %dma_start3A_306 = arith.constant 0 : i32
        %dma_start3A_307 = tpu.memref_slice %arg6[%add3A_305, %dma_start3A_306] : memref<79x128xi32, #tpu.memory_space<vmem>> -> memref<1x128xi32, #tpu.memory_space<vmem>>
        %dma_start3A_308 = tpu.memref_squeeze %dma_start3A_307 : memref<1x128xi32, #tpu.memory_space<vmem>> -> memref<128xi32, #tpu.memory_space<vmem>>
        %dma_start3A_309 = arith.constant 0 : i32
        %dma_start3A_310 = arith.constant 0 : i32
        %dma_start3A_311 = tpu.memref_slice %arg2[%dma_start3A_309, %dma_start3A_310] : memref<10000x32xf32, #tpu.memory_space<hbm>> -> memref<10000x32xf32, #tpu.memory_space<hbm>>
        tpu.enqueue_indirect_dma source(%dma_start3A_311 : memref<10000x32xf32, #tpu.memory_space<hbm>>) target(%arg11 : memref<128x32xf32, #tpu.memory_space<vmem>>) offsets(%dma_start3A_308 : memref<128xi32, #tpu.memory_space<vmem>>) semaphore(%arg21 : memref<!tpu.dma_semaphore, #tpu.memory_space<semaphore_mem>>)
      } else {
      }
      %add3A_248 = arith.constant 4 : i32
      %add3A_249 = arith.addi %mul3A_191, %add3A_248 : i32
      %dma_wait3A_250 = arith.constant 0 : i32
      %dma_wait3A_251 = arith.constant 0 : i32
      %dma_wait3A_252 = tpu.memref_slice %arg2[%dma_wait3A_250, %dma_wait3A_251] : memref<10000x32xf32, #tpu.memory_space<hbm>> -> memref<128x32xf32, #tpu.memory_space<hbm>>
      %dma_wait3A_253 = arith.constant 0 : i32
      %dma_wait3A_254 = arith.constant 0 : i32
      %dma_wait3A_255 = tpu.memref_slice %arg2[%dma_wait3A_253, %dma_wait3A_254] : memref<10000x32xf32, #tpu.memory_space<hbm>> -> memref<128x32xf32, #tpu.memory_space<hbm>>
      tpu.wait_dma2 semaphore(%arg22 : memref<!tpu.dma_semaphore, #tpu.memory_space<semaphore_mem>>) src(%dma_wait3A_255 : memref<128x32xf32, #tpu.memory_space<hbm>>) dst(%arg12 : memref<128x32xf32, #tpu.memory_space<vmem>>)
      "tpu.region"() ({
        %run_scoped3A = tpu.sem_alloc : memref<!tpu.dma_semaphore, #tpu.memory_space<semaphore_mem>>
        %dma_start3A_304 = arith.constant 0 : i32
        %dma_start3A_305 = tpu.memref_slice %arg7[%add3A_249, %dma_start3A_304] : memref<79x128xi32, #tpu.memory_space<vmem>> -> memref<1x128xi32, #tpu.memory_space<vmem>>
        %dma_start3A_306 = tpu.memref_squeeze %dma_start3A_305 : memref<1x128xi32, #tpu.memory_space<vmem>> -> memref<128xi32, #tpu.memory_space<vmem>>
        %dma_start3A_307 = arith.constant 0 : i32
        %dma_start3A_308 = arith.constant 0 : i32
        %dma_start3A_309 = tpu.memref_slice %arg17[%dma_start3A_307, %dma_start3A_308] : memref<10240x32xf32, #tpu.memory_space<vmem_shared>> -> memref<10240x32xf32, #tpu.memory_space<vmem_shared>>
        tpu.enqueue_indirect_dma source(%arg12 : memref<128x32xf32, #tpu.memory_space<vmem>>) target(%dma_start3A_309 : memref<10240x32xf32, #tpu.memory_space<vmem_shared>>) offsets(%dma_start3A_306 : memref<128xi32, #tpu.memory_space<vmem>>) semaphore(%run_scoped3A : memref<!tpu.dma_semaphore, #tpu.memory_space<semaphore_mem>>) {add = true}
        %dma_wait3A_310 = arith.constant 0 : i32
        %dma_wait3A_311 = tpu.memref_slice %arg7[%add3A_249, %dma_wait3A_310] : memref<79x128xi32, #tpu.memory_space<vmem>> -> memref<1x128xi32, #tpu.memory_space<vmem>>
        %dma_wait3A_312 = tpu.memref_squeeze %dma_wait3A_311 : memref<1x128xi32, #tpu.memory_space<vmem>> -> memref<128xi32, #tpu.memory_space<vmem>>
        %dma_wait3A_313 = arith.constant 0 : i32
        %dma_wait3A_314 = arith.constant 0 : i32
        %dma_wait3A_315 = tpu.memref_slice %arg17[%dma_wait3A_313, %dma_wait3A_314] : memref<10240x32xf32, #tpu.memory_space<vmem_shared>> -> memref<10240x32xf32, #tpu.memory_space<vmem_shared>>
        tpu.wait_indirect_dma semaphore(%run_scoped3A : memref<!tpu.dma_semaphore, #tpu.memory_space<semaphore_mem>>) src(%arg12 : memref<128x32xf32, #tpu.memory_space<vmem>>) dst(%dma_wait3A_315 : memref<10240x32xf32, #tpu.memory_space<vmem_shared>>)
        tpu.yield
      }) : () -> ()
      %add3A_256 = arith.constant 8 : i32
      %add3A_257 = arith.addi %add3A_249, %add3A_256 : i32
      %lt3A_258 = arith.cmpi slt, %add3A_257, %add3A_8 : i32
      %convert_element_type3A_259 = arith.extui %lt3A_258 : i1 to i32
      %cond3A_260 = arith.constant 0 : i32
      %cond3A_261 = arith.cmpi ne, %convert_element_type3A_259, %cond3A_260 : i32
      scf.if %cond3A_261 {
        %add3A_304 = arith.constant 8 : i32
        %add3A_305 = arith.addi %add3A_249, %add3A_304 : i32
        %dma_start3A_306 = arith.constant 0 : i32
        %dma_start3A_307 = tpu.memref_slice %arg6[%add3A_305, %dma_start3A_306] : memref<79x128xi32, #tpu.memory_space<vmem>> -> memref<1x128xi32, #tpu.memory_space<vmem>>
        %dma_start3A_308 = tpu.memref_squeeze %dma_start3A_307 : memref<1x128xi32, #tpu.memory_space<vmem>> -> memref<128xi32, #tpu.memory_space<vmem>>
        %dma_start3A_309 = arith.constant 0 : i32
        %dma_start3A_310 = arith.constant 0 : i32
        %dma_start3A_311 = tpu.memref_slice %arg2[%dma_start3A_309, %dma_start3A_310] : memref<10000x32xf32, #tpu.memory_space<hbm>> -> memref<10000x32xf32, #tpu.memory_space<hbm>>
        tpu.enqueue_indirect_dma source(%dma_start3A_311 : memref<10000x32xf32, #tpu.memory_space<hbm>>) target(%arg12 : memref<128x32xf32, #tpu.memory_space<vmem>>) offsets(%dma_start3A_308 : memref<128xi32, #tpu.memory_space<vmem>>) semaphore(%arg22 : memref<!tpu.dma_semaphore, #tpu.memory_space<semaphore_mem>>)
      } else {
      }
      %add3A_262 = arith.constant 5 : i32
      %add3A_263 = arith.addi %mul3A_191, %add3A_262 : i32
      %dma_wait3A_264 = arith.constant 0 : i32
      %dma_wait3A_265 = arith.constant 0 : i32
      %dma_wait3A_266 = tpu.memref_slice %arg2[%dma_wait3A_264, %dma_wait3A_265] : memref<10000x32xf32, #tpu.memory_space<hbm>> -> memref<128x32xf32, #tpu.memory_space<hbm>>
      %dma_wait3A_267 = arith.constant 0 : i32
      %dma_wait3A_268 = arith.constant 0 : i32
      %dma_wait3A_269 = tpu.memref_slice %arg2[%dma_wait3A_267, %dma_wait3A_268] : memref<10000x32xf32, #tpu.memory_space<hbm>> -> memref<128x32xf32, #tpu.memory_space<hbm>>
      tpu.wait_dma2 semaphore(%arg23 : memref<!tpu.dma_semaphore, #tpu.memory_space<semaphore_mem>>) src(%dma_wait3A_269 : memref<128x32xf32, #tpu.memory_space<hbm>>) dst(%arg13 : memref<128x32xf32, #tpu.memory_space<vmem>>)
      "tpu.region"() ({
        %run_scoped3A = tpu.sem_alloc : memref<!tpu.dma_semaphore, #tpu.memory_space<semaphore_mem>>
        %dma_start3A_304 = arith.constant 0 : i32
        %dma_start3A_305 = tpu.memref_slice %arg7[%add3A_263, %dma_start3A_304] : memref<79x128xi32, #tpu.memory_space<vmem>> -> memref<1x128xi32, #tpu.memory_space<vmem>>
        %dma_start3A_306 = tpu.memref_squeeze %dma_start3A_305 : memref<1x128xi32, #tpu.memory_space<vmem>> -> memref<128xi32, #tpu.memory_space<vmem>>
        %dma_start3A_307 = arith.constant 0 : i32
        %dma_start3A_308 = arith.constant 0 : i32
        %dma_start3A_309 = tpu.memref_slice %arg17[%dma_start3A_307, %dma_start3A_308] : memref<10240x32xf32, #tpu.memory_space<vmem_shared>> -> memref<10240x32xf32, #tpu.memory_space<vmem_shared>>
        tpu.enqueue_indirect_dma source(%arg13 : memref<128x32xf32, #tpu.memory_space<vmem>>) target(%dma_start3A_309 : memref<10240x32xf32, #tpu.memory_space<vmem_shared>>) offsets(%dma_start3A_306 : memref<128xi32, #tpu.memory_space<vmem>>) semaphore(%run_scoped3A : memref<!tpu.dma_semaphore, #tpu.memory_space<semaphore_mem>>) {add = true}
        %dma_wait3A_310 = arith.constant 0 : i32
        %dma_wait3A_311 = tpu.memref_slice %arg7[%add3A_263, %dma_wait3A_310] : memref<79x128xi32, #tpu.memory_space<vmem>> -> memref<1x128xi32, #tpu.memory_space<vmem>>
        %dma_wait3A_312 = tpu.memref_squeeze %dma_wait3A_311 : memref<1x128xi32, #tpu.memory_space<vmem>> -> memref<128xi32, #tpu.memory_space<vmem>>
        %dma_wait3A_313 = arith.constant 0 : i32
        %dma_wait3A_314 = arith.constant 0 : i32
        %dma_wait3A_315 = tpu.memref_slice %arg17[%dma_wait3A_313, %dma_wait3A_314] : memref<10240x32xf32, #tpu.memory_space<vmem_shared>> -> memref<10240x32xf32, #tpu.memory_space<vmem_shared>>
        tpu.wait_indirect_dma semaphore(%run_scoped3A : memref<!tpu.dma_semaphore, #tpu.memory_space<semaphore_mem>>) src(%arg13 : memref<128x32xf32, #tpu.memory_space<vmem>>) dst(%dma_wait3A_315 : memref<10240x32xf32, #tpu.memory_space<vmem_shared>>)
        tpu.yield
      }) : () -> ()
      %add3A_270 = arith.constant 8 : i32
      %add3A_271 = arith.addi %add3A_263, %add3A_270 : i32
      %lt3A_272 = arith.cmpi slt, %add3A_271, %add3A_8 : i32
      %convert_element_type3A_273 = arith.extui %lt3A_272 : i1 to i32
      %cond3A_274 = arith.constant 0 : i32
      %cond3A_275 = arith.cmpi ne, %convert_element_type3A_273, %cond3A_274 : i32
      scf.if %cond3A_275 {
        %add3A_304 = arith.constant 8 : i32
        %add3A_305 = arith.addi %add3A_263, %add3A_304 : i32
        %dma_start3A_306 = arith.constant 0 : i32
        %dma_start3A_307 = tpu.memref_slice %arg6[%add3A_305, %dma_start3A_306] : memref<79x128xi32, #tpu.memory_space<vmem>> -> memref<1x128xi32, #tpu.memory_space<vmem>>
        %dma_start3A_308 = tpu.memref_squeeze %dma_start3A_307 : memref<1x128xi32, #tpu.memory_space<vmem>> -> memref<128xi32, #tpu.memory_space<vmem>>
        %dma_start3A_309 = arith.constant 0 : i32
        %dma_start3A_310 = arith.constant 0 : i32
        %dma_start3A_311 = tpu.memref_slice %arg2[%dma_start3A_309, %dma_start3A_310] : memref<10000x32xf32, #tpu.memory_space<hbm>> -> memref<10000x32xf32, #tpu.memory_space<hbm>>
        tpu.enqueue_indirect_dma source(%dma_start3A_311 : memref<10000x32xf32, #tpu.memory_space<hbm>>) target(%arg13 : memref<128x32xf32, #tpu.memory_space<vmem>>) offsets(%dma_start3A_308 : memref<128xi32, #tpu.memory_space<vmem>>) semaphore(%arg23 : memref<!tpu.dma_semaphore, #tpu.memory_space<semaphore_mem>>)
      } else {
      }
      %add3A_276 = arith.constant 6 : i32
      %add3A_277 = arith.addi %mul3A_191, %add3A_276 : i32
      %dma_wait3A_278 = arith.constant 0 : i32
      %dma_wait3A_279 = arith.constant 0 : i32
      %dma_wait3A_280 = tpu.memref_slice %arg2[%dma_wait3A_278, %dma_wait3A_279] : memref<10000x32xf32, #tpu.memory_space<hbm>> -> memref<128x32xf32, #tpu.memory_space<hbm>>
      %dma_wait3A_281 = arith.constant 0 : i32
      %dma_wait3A_282 = arith.constant 0 : i32
      %dma_wait3A_283 = tpu.memref_slice %arg2[%dma_wait3A_281, %dma_wait3A_282] : memref<10000x32xf32, #tpu.memory_space<hbm>> -> memref<128x32xf32, #tpu.memory_space<hbm>>
      tpu.wait_dma2 semaphore(%arg24 : memref<!tpu.dma_semaphore, #tpu.memory_space<semaphore_mem>>) src(%dma_wait3A_283 : memref<128x32xf32, #tpu.memory_space<hbm>>) dst(%arg14 : memref<128x32xf32, #tpu.memory_space<vmem>>)
      "tpu.region"() ({
        %run_scoped3A = tpu.sem_alloc : memref<!tpu.dma_semaphore, #tpu.memory_space<semaphore_mem>>
        %dma_start3A_304 = arith.constant 0 : i32
        %dma_start3A_305 = tpu.memref_slice %arg7[%add3A_277, %dma_start3A_304] : memref<79x128xi32, #tpu.memory_space<vmem>> -> memref<1x128xi32, #tpu.memory_space<vmem>>
        %dma_start3A_306 = tpu.memref_squeeze %dma_start3A_305 : memref<1x128xi32, #tpu.memory_space<vmem>> -> memref<128xi32, #tpu.memory_space<vmem>>
        %dma_start3A_307 = arith.constant 0 : i32
        %dma_start3A_308 = arith.constant 0 : i32
        %dma_start3A_309 = tpu.memref_slice %arg17[%dma_start3A_307, %dma_start3A_308] : memref<10240x32xf32, #tpu.memory_space<vmem_shared>> -> memref<10240x32xf32, #tpu.memory_space<vmem_shared>>
        tpu.enqueue_indirect_dma source(%arg14 : memref<128x32xf32, #tpu.memory_space<vmem>>) target(%dma_start3A_309 : memref<10240x32xf32, #tpu.memory_space<vmem_shared>>) offsets(%dma_start3A_306 : memref<128xi32, #tpu.memory_space<vmem>>) semaphore(%run_scoped3A : memref<!tpu.dma_semaphore, #tpu.memory_space<semaphore_mem>>) {add = true}
        %dma_wait3A_310 = arith.constant 0 : i32
        %dma_wait3A_311 = tpu.memref_slice %arg7[%add3A_277, %dma_wait3A_310] : memref<79x128xi32, #tpu.memory_space<vmem>> -> memref<1x128xi32, #tpu.memory_space<vmem>>
        %dma_wait3A_312 = tpu.memref_squeeze %dma_wait3A_311 : memref<1x128xi32, #tpu.memory_space<vmem>> -> memref<128xi32, #tpu.memory_space<vmem>>
        %dma_wait3A_313 = arith.constant 0 : i32
        %dma_wait3A_314 = arith.constant 0 : i32
        %dma_wait3A_315 = tpu.memref_slice %arg17[%dma_wait3A_313, %dma_wait3A_314] : memref<10240x32xf32, #tpu.memory_space<vmem_shared>> -> memref<10240x32xf32, #tpu.memory_space<vmem_shared>>
        tpu.wait_indirect_dma semaphore(%run_scoped3A : memref<!tpu.dma_semaphore, #tpu.memory_space<semaphore_mem>>) src(%arg14 : memref<128x32xf32, #tpu.memory_space<vmem>>) dst(%dma_wait3A_315 : memref<10240x32xf32, #tpu.memory_space<vmem_shared>>)
        tpu.yield
      }) : () -> ()
      %add3A_284 = arith.constant 8 : i32
      %add3A_285 = arith.addi %add3A_277, %add3A_284 : i32
      %lt3A_286 = arith.cmpi slt, %add3A_285, %add3A_8 : i32
      %convert_element_type3A_287 = arith.extui %lt3A_286 : i1 to i32
      %cond3A_288 = arith.constant 0 : i32
      %cond3A_289 = arith.cmpi ne, %convert_element_type3A_287, %cond3A_288 : i32
      scf.if %cond3A_289 {
        %add3A_304 = arith.constant 8 : i32
        %add3A_305 = arith.addi %add3A_277, %add3A_304 : i32
        %dma_start3A_306 = arith.constant 0 : i32
        %dma_start3A_307 = tpu.memref_slice %arg6[%add3A_305, %dma_start3A_306] : memref<79x128xi32, #tpu.memory_space<vmem>> -> memref<1x128xi32, #tpu.memory_space<vmem>>
        %dma_start3A_308 = tpu.memref_squeeze %dma_start3A_307 : memref<1x128xi32, #tpu.memory_space<vmem>> -> memref<128xi32, #tpu.memory_space<vmem>>
        %dma_start3A_309 = arith.constant 0 : i32
        %dma_start3A_310 = arith.constant 0 : i32
        %dma_start3A_311 = tpu.memref_slice %arg2[%dma_start3A_309, %dma_start3A_310] : memref<10000x32xf32, #tpu.memory_space<hbm>> -> memref<10000x32xf32, #tpu.memory_space<hbm>>
        tpu.enqueue_indirect_dma source(%dma_start3A_311 : memref<10000x32xf32, #tpu.memory_space<hbm>>) target(%arg14 : memref<128x32xf32, #tpu.memory_space<vmem>>) offsets(%dma_start3A_308 : memref<128xi32, #tpu.memory_space<vmem>>) semaphore(%arg24 : memref<!tpu.dma_semaphore, #tpu.memory_space<semaphore_mem>>)
      } else {
      }
      %add3A_290 = arith.constant 7 : i32
      %add3A_291 = arith.addi %mul3A_191, %add3A_290 : i32
      %dma_wait3A_292 = arith.constant 0 : i32
      %dma_wait3A_293 = arith.constant 0 : i32
      %dma_wait3A_294 = tpu.memref_slice %arg2[%dma_wait3A_292, %dma_wait3A_293] : memref<10000x32xf32, #tpu.memory_space<hbm>> -> memref<128x32xf32, #tpu.memory_space<hbm>>
      %dma_wait3A_295 = arith.constant 0 : i32
      %dma_wait3A_296 = arith.constant 0 : i32
      %dma_wait3A_297 = tpu.memref_slice %arg2[%dma_wait3A_295, %dma_wait3A_296] : memref<10000x32xf32, #tpu.memory_space<hbm>> -> memref<128x32xf32, #tpu.memory_space<hbm>>
      tpu.wait_dma2 semaphore(%arg25 : memref<!tpu.dma_semaphore, #tpu.memory_space<semaphore_mem>>) src(%dma_wait3A_297 : memref<128x32xf32, #tpu.memory_space<hbm>>) dst(%arg15 : memref<128x32xf32, #tpu.memory_space<vmem>>)
      "tpu.region"() ({
        %run_scoped3A = tpu.sem_alloc : memref<!tpu.dma_semaphore, #tpu.memory_space<semaphore_mem>>
        %dma_start3A_304 = arith.constant 0 : i32
        %dma_start3A_305 = tpu.memref_slice %arg7[%add3A_291, %dma_start3A_304] : memref<79x128xi32, #tpu.memory_space<vmem>> -> memref<1x128xi32, #tpu.memory_space<vmem>>
        %dma_start3A_306 = tpu.memref_squeeze %dma_start3A_305 : memref<1x128xi32, #tpu.memory_space<vmem>> -> memref<128xi32, #tpu.memory_space<vmem>>
        %dma_start3A_307 = arith.constant 0 : i32
        %dma_start3A_308 = arith.constant 0 : i32
        %dma_start3A_309 = tpu.memref_slice %arg17[%dma_start3A_307, %dma_start3A_308] : memref<10240x32xf32, #tpu.memory_space<vmem_shared>> -> memref<10240x32xf32, #tpu.memory_space<vmem_shared>>
        tpu.enqueue_indirect_dma source(%arg15 : memref<128x32xf32, #tpu.memory_space<vmem>>) target(%dma_start3A_309 : memref<10240x32xf32, #tpu.memory_space<vmem_shared>>) offsets(%dma_start3A_306 : memref<128xi32, #tpu.memory_space<vmem>>) semaphore(%run_scoped3A : memref<!tpu.dma_semaphore, #tpu.memory_space<semaphore_mem>>) {add = true}
        %dma_wait3A_310 = arith.constant 0 : i32
        %dma_wait3A_311 = tpu.memref_slice %arg7[%add3A_291, %dma_wait3A_310] : memref<79x128xi32, #tpu.memory_space<vmem>> -> memref<1x128xi32, #tpu.memory_space<vmem>>
        %dma_wait3A_312 = tpu.memref_squeeze %dma_wait3A_311 : memref<1x128xi32, #tpu.memory_space<vmem>> -> memref<128xi32, #tpu.memory_space<vmem>>
        %dma_wait3A_313 = arith.constant 0 : i32
        %dma_wait3A_314 = arith.constant 0 : i32
        %dma_wait3A_315 = tpu.memref_slice %arg17[%dma_wait3A_313, %dma_wait3A_314] : memref<10240x32xf32, #tpu.memory_space<vmem_shared>> -> memref<10240x32xf32, #tpu.memory_space<vmem_shared>>
        tpu.wait_indirect_dma semaphore(%run_scoped3A : memref<!tpu.dma_semaphore, #tpu.memory_space<semaphore_mem>>) src(%arg15 : memref<128x32xf32, #tpu.memory_space<vmem>>) dst(%dma_wait3A_315 : memref<10240x32xf32, #tpu.memory_space<vmem_shared>>)
        tpu.yield
      }) : () -> ()
      %add3A_298 = arith.constant 8 : i32
      %add3A_299 = arith.addi %add3A_291, %add3A_298 : i32
      %lt3A_300 = arith.cmpi slt, %add3A_299, %add3A_8 : i32
      %convert_element_type3A_301 = arith.extui %lt3A_300 : i1 to i32
      %cond3A_302 = arith.constant 0 : i32
      %cond3A_303 = arith.cmpi ne, %convert_element_type3A_301, %cond3A_302 : i32
      scf.if %cond3A_303 {
        %add3A_304 = arith.constant 8 : i32
        %add3A_305 = arith.addi %add3A_291, %add3A_304 : i32
        %dma_start3A_306 = arith.constant 0 : i32
        %dma_start3A_307 = tpu.memref_slice %arg6[%add3A_305, %dma_start3A_306] : memref<79x128xi32, #tpu.memory_space<vmem>> -> memref<1x128xi32, #tpu.memory_space<vmem>>
        %dma_start3A_308 = tpu.memref_squeeze %dma_start3A_307 : memref<1x128xi32, #tpu.memory_space<vmem>> -> memref<128xi32, #tpu.memory_space<vmem>>
        %dma_start3A_309 = arith.constant 0 : i32
        %dma_start3A_310 = arith.constant 0 : i32
        %dma_start3A_311 = tpu.memref_slice %arg2[%dma_start3A_309, %dma_start3A_310] : memref<10000x32xf32, #tpu.memory_space<hbm>> -> memref<10000x32xf32, #tpu.memory_space<hbm>>
        tpu.enqueue_indirect_dma source(%dma_start3A_311 : memref<10000x32xf32, #tpu.memory_space<hbm>>) target(%arg15 : memref<128x32xf32, #tpu.memory_space<vmem>>) offsets(%dma_start3A_308 : memref<128xi32, #tpu.memory_space<vmem>>) semaphore(%arg25 : memref<!tpu.dma_semaphore, #tpu.memory_space<semaphore_mem>>)
      } else {
      }
    }
    %gt3A = arith.constant 0 : i32
    %gt3A_145 = arith.cmpi sgt, %sub3A_136, %gt3A : i32
    %convert_element_type3A_146 = arith.extui %gt3A_145 : i1 to i32
    %cond3A_147 = arith.constant 0 : i32
    %cond3A_148 = arith.cmpi ne, %convert_element_type3A_146, %cond3A_147 : i32
    scf.if %cond3A_148 {
      %mul3A_189 = arith.constant 8 : i32
      %mul3A_190 = arith.muli %select_n3A_133, %mul3A_189 : i32
      %add3A_191 = arith.constant 0 : i32
      %add3A_192 = arith.addi %mul3A_190, %add3A_191 : i32
      %dma_wait3A_193 = arith.constant 0 : i32
      %dma_wait3A_194 = arith.constant 0 : i32
      %dma_wait3A_195 = tpu.memref_slice %arg2[%dma_wait3A_193, %dma_wait3A_194] : memref<10000x32xf32, #tpu.memory_space<hbm>> -> memref<128x32xf32, #tpu.memory_space<hbm>>
      %dma_wait3A_196 = arith.constant 0 : i32
      %dma_wait3A_197 = arith.constant 0 : i32
      %dma_wait3A_198 = tpu.memref_slice %arg2[%dma_wait3A_196, %dma_wait3A_197] : memref<10000x32xf32, #tpu.memory_space<hbm>> -> memref<128x32xf32, #tpu.memory_space<hbm>>
      tpu.wait_dma2 semaphore(%arg18 : memref<!tpu.dma_semaphore, #tpu.memory_space<semaphore_mem>>) src(%dma_wait3A_198 : memref<128x32xf32, #tpu.memory_space<hbm>>) dst(%arg8 : memref<128x32xf32, #tpu.memory_space<vmem>>)
      "tpu.region"() ({
        %run_scoped3A = tpu.sem_alloc : memref<!tpu.dma_semaphore, #tpu.memory_space<semaphore_mem>>
        %dma_start3A_199 = arith.constant 0 : i32
        %dma_start3A_200 = tpu.memref_slice %arg7[%add3A_192, %dma_start3A_199] : memref<79x128xi32, #tpu.memory_space<vmem>> -> memref<1x128xi32, #tpu.memory_space<vmem>>
        %dma_start3A_201 = tpu.memref_squeeze %dma_start3A_200 : memref<1x128xi32, #tpu.memory_space<vmem>> -> memref<128xi32, #tpu.memory_space<vmem>>
        %dma_start3A_202 = arith.constant 0 : i32
        %dma_start3A_203 = arith.constant 0 : i32
        %dma_start3A_204 = tpu.memref_slice %arg17[%dma_start3A_202, %dma_start3A_203] : memref<10240x32xf32, #tpu.memory_space<vmem_shared>> -> memref<10240x32xf32, #tpu.memory_space<vmem_shared>>
        tpu.enqueue_indirect_dma source(%arg8 : memref<128x32xf32, #tpu.memory_space<vmem>>) target(%dma_start3A_204 : memref<10240x32xf32, #tpu.memory_space<vmem_shared>>) offsets(%dma_start3A_201 : memref<128xi32, #tpu.memory_space<vmem>>) semaphore(%run_scoped3A : memref<!tpu.dma_semaphore, #tpu.memory_space<semaphore_mem>>) {add = true}
        %dma_wait3A_205 = arith.constant 0 : i32
        %dma_wait3A_206 = tpu.memref_slice %arg7[%add3A_192, %dma_wait3A_205] : memref<79x128xi32, #tpu.memory_space<vmem>> -> memref<1x128xi32, #tpu.memory_space<vmem>>
        %dma_wait3A_207 = tpu.memref_squeeze %dma_wait3A_206 : memref<1x128xi32, #tpu.memory_space<vmem>> -> memref<128xi32, #tpu.memory_space<vmem>>
        %dma_wait3A_208 = arith.constant 0 : i32
        %dma_wait3A_209 = arith.constant 0 : i32
        %dma_wait3A_210 = tpu.memref_slice %arg17[%dma_wait3A_208, %dma_wait3A_209] : memref<10240x32xf32, #tpu.memory_space<vmem_shared>> -> memref<10240x32xf32, #tpu.memory_space<vmem_shared>>
        tpu.wait_indirect_dma semaphore(%run_scoped3A : memref<!tpu.dma_semaphore, #tpu.memory_space<semaphore_mem>>) src(%arg8 : memref<128x32xf32, #tpu.memory_space<vmem>>) dst(%dma_wait3A_210 : memref<10240x32xf32, #tpu.memory_space<vmem_shared>>)
        tpu.yield
      }) : () -> ()
    } else {
    }
    %gt3A_149 = arith.constant 1 : i32
    %gt3A_150 = arith.cmpi sgt, %sub3A_136, %gt3A_149 : i32
    %convert_element_type3A_151 = arith.extui %gt3A_150 : i1 to i32
    %cond3A_152 = arith.constant 0 : i32
    %cond3A_153 = arith.cmpi ne, %convert_element_type3A_151, %cond3A_152 : i32
    scf.if %cond3A_153 {
      %mul3A_189 = arith.constant 8 : i32
      %mul3A_190 = arith.muli %select_n3A_133, %mul3A_189 : i32
      %add3A_191 = arith.constant 1 : i32
      %add3A_192 = arith.addi %mul3A_190, %add3A_191 : i32
      %dma_wait3A_193 = arith.constant 0 : i32
      %dma_wait3A_194 = arith.constant 0 : i32
      %dma_wait3A_195 = tpu.memref_slice %arg2[%dma_wait3A_193, %dma_wait3A_194] : memref<10000x32xf32, #tpu.memory_space<hbm>> -> memref<128x32xf32, #tpu.memory_space<hbm>>
      %dma_wait3A_196 = arith.constant 0 : i32
      %dma_wait3A_197 = arith.constant 0 : i32
      %dma_wait3A_198 = tpu.memref_slice %arg2[%dma_wait3A_196, %dma_wait3A_197] : memref<10000x32xf32, #tpu.memory_space<hbm>> -> memref<128x32xf32, #tpu.memory_space<hbm>>
      tpu.wait_dma2 semaphore(%arg19 : memref<!tpu.dma_semaphore, #tpu.memory_space<semaphore_mem>>) src(%dma_wait3A_198 : memref<128x32xf32, #tpu.memory_space<hbm>>) dst(%arg9 : memref<128x32xf32, #tpu.memory_space<vmem>>)
      "tpu.region"() ({
        %run_scoped3A = tpu.sem_alloc : memref<!tpu.dma_semaphore, #tpu.memory_space<semaphore_mem>>
        %dma_start3A_199 = arith.constant 0 : i32
        %dma_start3A_200 = tpu.memref_slice %arg7[%add3A_192, %dma_start3A_199] : memref<79x128xi32, #tpu.memory_space<vmem>> -> memref<1x128xi32, #tpu.memory_space<vmem>>
        %dma_start3A_201 = tpu.memref_squeeze %dma_start3A_200 : memref<1x128xi32, #tpu.memory_space<vmem>> -> memref<128xi32, #tpu.memory_space<vmem>>
        %dma_start3A_202 = arith.constant 0 : i32
        %dma_start3A_203 = arith.constant 0 : i32
        %dma_start3A_204 = tpu.memref_slice %arg17[%dma_start3A_202, %dma_start3A_203] : memref<10240x32xf32, #tpu.memory_space<vmem_shared>> -> memref<10240x32xf32, #tpu.memory_space<vmem_shared>>
        tpu.enqueue_indirect_dma source(%arg9 : memref<128x32xf32, #tpu.memory_space<vmem>>) target(%dma_start3A_204 : memref<10240x32xf32, #tpu.memory_space<vmem_shared>>) offsets(%dma_start3A_201 : memref<128xi32, #tpu.memory_space<vmem>>) semaphore(%run_scoped3A : memref<!tpu.dma_semaphore, #tpu.memory_space<semaphore_mem>>) {add = true}
        %dma_wait3A_205 = arith.constant 0 : i32
        %dma_wait3A_206 = tpu.memref_slice %arg7[%add3A_192, %dma_wait3A_205] : memref<79x128xi32, #tpu.memory_space<vmem>> -> memref<1x128xi32, #tpu.memory_space<vmem>>
        %dma_wait3A_207 = tpu.memref_squeeze %dma_wait3A_206 : memref<1x128xi32, #tpu.memory_space<vmem>> -> memref<128xi32, #tpu.memory_space<vmem>>
        %dma_wait3A_208 = arith.constant 0 : i32
        %dma_wait3A_209 = arith.constant 0 : i32
        %dma_wait3A_210 = tpu.memref_slice %arg17[%dma_wait3A_208, %dma_wait3A_209] : memref<10240x32xf32, #tpu.memory_space<vmem_shared>> -> memref<10240x32xf32, #tpu.memory_space<vmem_shared>>
        tpu.wait_indirect_dma semaphore(%run_scoped3A : memref<!tpu.dma_semaphore, #tpu.memory_space<semaphore_mem>>) src(%arg9 : memref<128x32xf32, #tpu.memory_space<vmem>>) dst(%dma_wait3A_210 : memref<10240x32xf32, #tpu.memory_space<vmem_shared>>)
        tpu.yield
      }) : () -> ()
    } else {
    }
    %gt3A_154 = arith.constant 2 : i32
    %gt3A_155 = arith.cmpi sgt, %sub3A_136, %gt3A_154 : i32
    %convert_element_type3A_156 = arith.extui %gt3A_155 : i1 to i32
    %cond3A_157 = arith.constant 0 : i32
    %cond3A_158 = arith.cmpi ne, %convert_element_type3A_156, %cond3A_157 : i32
    scf.if %cond3A_158 {
      %mul3A_189 = arith.constant 8 : i32
      %mul3A_190 = arith.muli %select_n3A_133, %mul3A_189 : i32
      %add3A_191 = arith.constant 2 : i32
      %add3A_192 = arith.addi %mul3A_190, %add3A_191 : i32
      %dma_wait3A_193 = arith.constant 0 : i32
      %dma_wait3A_194 = arith.constant 0 : i32
      %dma_wait3A_195 = tpu.memref_slice %arg2[%dma_wait3A_193, %dma_wait3A_194] : memref<10000x32xf32, #tpu.memory_space<hbm>> -> memref<128x32xf32, #tpu.memory_space<hbm>>
      %dma_wait3A_196 = arith.constant 0 : i32
      %dma_wait3A_197 = arith.constant 0 : i32
      %dma_wait3A_198 = tpu.memref_slice %arg2[%dma_wait3A_196, %dma_wait3A_197] : memref<10000x32xf32, #tpu.memory_space<hbm>> -> memref<128x32xf32, #tpu.memory_space<hbm>>
      tpu.wait_dma2 semaphore(%arg20 : memref<!tpu.dma_semaphore, #tpu.memory_space<semaphore_mem>>) src(%dma_wait3A_198 : memref<128x32xf32, #tpu.memory_space<hbm>>) dst(%arg10 : memref<128x32xf32, #tpu.memory_space<vmem>>)
      "tpu.region"() ({
        %run_scoped3A = tpu.sem_alloc : memref<!tpu.dma_semaphore, #tpu.memory_space<semaphore_mem>>
        %dma_start3A_199 = arith.constant 0 : i32
        %dma_start3A_200 = tpu.memref_slice %arg7[%add3A_192, %dma_start3A_199] : memref<79x128xi32, #tpu.memory_space<vmem>> -> memref<1x128xi32, #tpu.memory_space<vmem>>
        %dma_start3A_201 = tpu.memref_squeeze %dma_start3A_200 : memref<1x128xi32, #tpu.memory_space<vmem>> -> memref<128xi32, #tpu.memory_space<vmem>>
        %dma_start3A_202 = arith.constant 0 : i32
        %dma_start3A_203 = arith.constant 0 : i32
        %dma_start3A_204 = tpu.memref_slice %arg17[%dma_start3A_202, %dma_start3A_203] : memref<10240x32xf32, #tpu.memory_space<vmem_shared>> -> memref<10240x32xf32, #tpu.memory_space<vmem_shared>>
        tpu.enqueue_indirect_dma source(%arg10 : memref<128x32xf32, #tpu.memory_space<vmem>>) target(%dma_start3A_204 : memref<10240x32xf32, #tpu.memory_space<vmem_shared>>) offsets(%dma_start3A_201 : memref<128xi32, #tpu.memory_space<vmem>>) semaphore(%run_scoped3A : memref<!tpu.dma_semaphore, #tpu.memory_space<semaphore_mem>>) {add = true}
        %dma_wait3A_205 = arith.constant 0 : i32
        %dma_wait3A_206 = tpu.memref_slice %arg7[%add3A_192, %dma_wait3A_205] : memref<79x128xi32, #tpu.memory_space<vmem>> -> memref<1x128xi32, #tpu.memory_space<vmem>>
        %dma_wait3A_207 = tpu.memref_squeeze %dma_wait3A_206 : memref<1x128xi32, #tpu.memory_space<vmem>> -> memref<128xi32, #tpu.memory_space<vmem>>
        %dma_wait3A_208 = arith.constant 0 : i32
        %dma_wait3A_209 = arith.constant 0 : i32
        %dma_wait3A_210 = tpu.memref_slice %arg17[%dma_wait3A_208, %dma_wait3A_209] : memref<10240x32xf32, #tpu.memory_space<vmem_shared>> -> memref<10240x32xf32, #tpu.memory_space<vmem_shared>>
        tpu.wait_indirect_dma semaphore(%run_scoped3A : memref<!tpu.dma_semaphore, #tpu.memory_space<semaphore_mem>>) src(%arg10 : memref<128x32xf32, #tpu.memory_space<vmem>>) dst(%dma_wait3A_210 : memref<10240x32xf32, #tpu.memory_space<vmem_shared>>)
        tpu.yield
      }) : () -> ()
    } else {
    }
    %gt3A_159 = arith.constant 3 : i32
    %gt3A_160 = arith.cmpi sgt, %sub3A_136, %gt3A_159 : i32
    %convert_element_type3A_161 = arith.extui %gt3A_160 : i1 to i32
    %cond3A_162 = arith.constant 0 : i32
    %cond3A_163 = arith.cmpi ne, %convert_element_type3A_161, %cond3A_162 : i32
    scf.if %cond3A_163 {
      %mul3A_189 = arith.constant 8 : i32
      %mul3A_190 = arith.muli %select_n3A_133, %mul3A_189 : i32
      %add3A_191 = arith.constant 3 : i32
      %add3A_192 = arith.addi %mul3A_190, %add3A_191 : i32
      %dma_wait3A_193 = arith.constant 0 : i32
      %dma_wait3A_194 = arith.constant 0 : i32
      %dma_wait3A_195 = tpu.memref_slice %arg2[%dma_wait3A_193, %dma_wait3A_194] : memref<10000x32xf32, #tpu.memory_space<hbm>> -> memref<128x32xf32, #tpu.memory_space<hbm>>
      %dma_wait3A_196 = arith.constant 0 : i32
      %dma_wait3A_197 = arith.constant 0 : i32
      %dma_wait3A_198 = tpu.memref_slice %arg2[%dma_wait3A_196, %dma_wait3A_197] : memref<10000x32xf32, #tpu.memory_space<hbm>> -> memref<128x32xf32, #tpu.memory_space<hbm>>
      tpu.wait_dma2 semaphore(%arg21 : memref<!tpu.dma_semaphore, #tpu.memory_space<semaphore_mem>>) src(%dma_wait3A_198 : memref<128x32xf32, #tpu.memory_space<hbm>>) dst(%arg11 : memref<128x32xf32, #tpu.memory_space<vmem>>)
      "tpu.region"() ({
        %run_scoped3A = tpu.sem_alloc : memref<!tpu.dma_semaphore, #tpu.memory_space<semaphore_mem>>
        %dma_start3A_199 = arith.constant 0 : i32
        %dma_start3A_200 = tpu.memref_slice %arg7[%add3A_192, %dma_start3A_199] : memref<79x128xi32, #tpu.memory_space<vmem>> -> memref<1x128xi32, #tpu.memory_space<vmem>>
        %dma_start3A_201 = tpu.memref_squeeze %dma_start3A_200 : memref<1x128xi32, #tpu.memory_space<vmem>> -> memref<128xi32, #tpu.memory_space<vmem>>
        %dma_start3A_202 = arith.constant 0 : i32
        %dma_start3A_203 = arith.constant 0 : i32
        %dma_start3A_204 = tpu.memref_slice %arg17[%dma_start3A_202, %dma_start3A_203] : memref<10240x32xf32, #tpu.memory_space<vmem_shared>> -> memref<10240x32xf32, #tpu.memory_space<vmem_shared>>
        tpu.enqueue_indirect_dma source(%arg11 : memref<128x32xf32, #tpu.memory_space<vmem>>) target(%dma_start3A_204 : memref<10240x32xf32, #tpu.memory_space<vmem_shared>>) offsets(%dma_start3A_201 : memref<128xi32, #tpu.memory_space<vmem>>) semaphore(%run_scoped3A : memref<!tpu.dma_semaphore, #tpu.memory_space<semaphore_mem>>) {add = true}
        %dma_wait3A_205 = arith.constant 0 : i32
        %dma_wait3A_206 = tpu.memref_slice %arg7[%add3A_192, %dma_wait3A_205] : memref<79x128xi32, #tpu.memory_space<vmem>> -> memref<1x128xi32, #tpu.memory_space<vmem>>
        %dma_wait3A_207 = tpu.memref_squeeze %dma_wait3A_206 : memref<1x128xi32, #tpu.memory_space<vmem>> -> memref<128xi32, #tpu.memory_space<vmem>>
        %dma_wait3A_208 = arith.constant 0 : i32
        %dma_wait3A_209 = arith.constant 0 : i32
        %dma_wait3A_210 = tpu.memref_slice %arg17[%dma_wait3A_208, %dma_wait3A_209] : memref<10240x32xf32, #tpu.memory_space<vmem_shared>> -> memref<10240x32xf32, #tpu.memory_space<vmem_shared>>
        tpu.wait_indirect_dma semaphore(%run_scoped3A : memref<!tpu.dma_semaphore, #tpu.memory_space<semaphore_mem>>) src(%arg11 : memref<128x32xf32, #tpu.memory_space<vmem>>) dst(%dma_wait3A_210 : memref<10240x32xf32, #tpu.memory_space<vmem_shared>>)
        tpu.yield
      }) : () -> ()
    } else {
    }
    %gt3A_164 = arith.constant 4 : i32
    %gt3A_165 = arith.cmpi sgt, %sub3A_136, %gt3A_164 : i32
    %convert_element_type3A_166 = arith.extui %gt3A_165 : i1 to i32
    %cond3A_167 = arith.constant 0 : i32
    %cond3A_168 = arith.cmpi ne, %convert_element_type3A_166, %cond3A_167 : i32
    scf.if %cond3A_168 {
      %mul3A_189 = arith.constant 8 : i32
      %mul3A_190 = arith.muli %select_n3A_133, %mul3A_189 : i32
      %add3A_191 = arith.constant 4 : i32
      %add3A_192 = arith.addi %mul3A_190, %add3A_191 : i32
      %dma_wait3A_193 = arith.constant 0 : i32
      %dma_wait3A_194 = arith.constant 0 : i32
      %dma_wait3A_195 = tpu.memref_slice %arg2[%dma_wait3A_193, %dma_wait3A_194] : memref<10000x32xf32, #tpu.memory_space<hbm>> -> memref<128x32xf32, #tpu.memory_space<hbm>>
      %dma_wait3A_196 = arith.constant 0 : i32
      %dma_wait3A_197 = arith.constant 0 : i32
      %dma_wait3A_198 = tpu.memref_slice %arg2[%dma_wait3A_196, %dma_wait3A_197] : memref<10000x32xf32, #tpu.memory_space<hbm>> -> memref<128x32xf32, #tpu.memory_space<hbm>>
      tpu.wait_dma2 semaphore(%arg22 : memref<!tpu.dma_semaphore, #tpu.memory_space<semaphore_mem>>) src(%dma_wait3A_198 : memref<128x32xf32, #tpu.memory_space<hbm>>) dst(%arg12 : memref<128x32xf32, #tpu.memory_space<vmem>>)
      "tpu.region"() ({
        %run_scoped3A = tpu.sem_alloc : memref<!tpu.dma_semaphore, #tpu.memory_space<semaphore_mem>>
        %dma_start3A_199 = arith.constant 0 : i32
        %dma_start3A_200 = tpu.memref_slice %arg7[%add3A_192, %dma_start3A_199] : memref<79x128xi32, #tpu.memory_space<vmem>> -> memref<1x128xi32, #tpu.memory_space<vmem>>
        %dma_start3A_201 = tpu.memref_squeeze %dma_start3A_200 : memref<1x128xi32, #tpu.memory_space<vmem>> -> memref<128xi32, #tpu.memory_space<vmem>>
        %dma_start3A_202 = arith.constant 0 : i32
        %dma_start3A_203 = arith.constant 0 : i32
        %dma_start3A_204 = tpu.memref_slice %arg17[%dma_start3A_202, %dma_start3A_203] : memref<10240x32xf32, #tpu.memory_space<vmem_shared>> -> memref<10240x32xf32, #tpu.memory_space<vmem_shared>>
        tpu.enqueue_indirect_dma source(%arg12 : memref<128x32xf32, #tpu.memory_space<vmem>>) target(%dma_start3A_204 : memref<10240x32xf32, #tpu.memory_space<vmem_shared>>) offsets(%dma_start3A_201 : memref<128xi32, #tpu.memory_space<vmem>>) semaphore(%run_scoped3A : memref<!tpu.dma_semaphore, #tpu.memory_space<semaphore_mem>>) {add = true}
        %dma_wait3A_205 = arith.constant 0 : i32
        %dma_wait3A_206 = tpu.memref_slice %arg7[%add3A_192, %dma_wait3A_205] : memref<79x128xi32, #tpu.memory_space<vmem>> -> memref<1x128xi32, #tpu.memory_space<vmem>>
        %dma_wait3A_207 = tpu.memref_squeeze %dma_wait3A_206 : memref<1x128xi32, #tpu.memory_space<vmem>> -> memref<128xi32, #tpu.memory_space<vmem>>
        %dma_wait3A_208 = arith.constant 0 : i32
        %dma_wait3A_209 = arith.constant 0 : i32
        %dma_wait3A_210 = tpu.memref_slice %arg17[%dma_wait3A_208, %dma_wait3A_209] : memref<10240x32xf32, #tpu.memory_space<vmem_shared>> -> memref<10240x32xf32, #tpu.memory_space<vmem_shared>>
        tpu.wait_indirect_dma semaphore(%run_scoped3A : memref<!tpu.dma_semaphore, #tpu.memory_space<semaphore_mem>>) src(%arg12 : memref<128x32xf32, #tpu.memory_space<vmem>>) dst(%dma_wait3A_210 : memref<10240x32xf32, #tpu.memory_space<vmem_shared>>)
        tpu.yield
      }) : () -> ()
    } else {
    }
    %gt3A_169 = arith.constant 5 : i32
    %gt3A_170 = arith.cmpi sgt, %sub3A_136, %gt3A_169 : i32
    %convert_element_type3A_171 = arith.extui %gt3A_170 : i1 to i32
    %cond3A_172 = arith.constant 0 : i32
    %cond3A_173 = arith.cmpi ne, %convert_element_type3A_171, %cond3A_172 : i32
    scf.if %cond3A_173 {
      %mul3A_189 = arith.constant 8 : i32
      %mul3A_190 = arith.muli %select_n3A_133, %mul3A_189 : i32
      %add3A_191 = arith.constant 5 : i32
      %add3A_192 = arith.addi %mul3A_190, %add3A_191 : i32
      %dma_wait3A_193 = arith.constant 0 : i32
      %dma_wait3A_194 = arith.constant 0 : i32
      %dma_wait3A_195 = tpu.memref_slice %arg2[%dma_wait3A_193, %dma_wait3A_194] : memref<10000x32xf32, #tpu.memory_space<hbm>> -> memref<128x32xf32, #tpu.memory_space<hbm>>
      %dma_wait3A_196 = arith.constant 0 : i32
      %dma_wait3A_197 = arith.constant 0 : i32
      %dma_wait3A_198 = tpu.memref_slice %arg2[%dma_wait3A_196, %dma_wait3A_197] : memref<10000x32xf32, #tpu.memory_space<hbm>> -> memref<128x32xf32, #tpu.memory_space<hbm>>
      tpu.wait_dma2 semaphore(%arg23 : memref<!tpu.dma_semaphore, #tpu.memory_space<semaphore_mem>>) src(%dma_wait3A_198 : memref<128x32xf32, #tpu.memory_space<hbm>>) dst(%arg13 : memref<128x32xf32, #tpu.memory_space<vmem>>)
      "tpu.region"() ({
        %run_scoped3A = tpu.sem_alloc : memref<!tpu.dma_semaphore, #tpu.memory_space<semaphore_mem>>
        %dma_start3A_199 = arith.constant 0 : i32
        %dma_start3A_200 = tpu.memref_slice %arg7[%add3A_192, %dma_start3A_199] : memref<79x128xi32, #tpu.memory_space<vmem>> -> memref<1x128xi32, #tpu.memory_space<vmem>>
        %dma_start3A_201 = tpu.memref_squeeze %dma_start3A_200 : memref<1x128xi32, #tpu.memory_space<vmem>> -> memref<128xi32, #tpu.memory_space<vmem>>
        %dma_start3A_202 = arith.constant 0 : i32
        %dma_start3A_203 = arith.constant 0 : i32
        %dma_start3A_204 = tpu.memref_slice %arg17[%dma_start3A_202, %dma_start3A_203] : memref<10240x32xf32, #tpu.memory_space<vmem_shared>> -> memref<10240x32xf32, #tpu.memory_space<vmem_shared>>
        tpu.enqueue_indirect_dma source(%arg13 : memref<128x32xf32, #tpu.memory_space<vmem>>) target(%dma_start3A_204 : memref<10240x32xf32, #tpu.memory_space<vmem_shared>>) offsets(%dma_start3A_201 : memref<128xi32, #tpu.memory_space<vmem>>) semaphore(%run_scoped3A : memref<!tpu.dma_semaphore, #tpu.memory_space<semaphore_mem>>) {add = true}
        %dma_wait3A_205 = arith.constant 0 : i32
        %dma_wait3A_206 = tpu.memref_slice %arg7[%add3A_192, %dma_wait3A_205] : memref<79x128xi32, #tpu.memory_space<vmem>> -> memref<1x128xi32, #tpu.memory_space<vmem>>
        %dma_wait3A_207 = tpu.memref_squeeze %dma_wait3A_206 : memref<1x128xi32, #tpu.memory_space<vmem>> -> memref<128xi32, #tpu.memory_space<vmem>>
        %dma_wait3A_208 = arith.constant 0 : i32
        %dma_wait3A_209 = arith.constant 0 : i32
        %dma_wait3A_210 = tpu.memref_slice %arg17[%dma_wait3A_208, %dma_wait3A_209] : memref<10240x32xf32, #tpu.memory_space<vmem_shared>> -> memref<10240x32xf32, #tpu.memory_space<vmem_shared>>
        tpu.wait_indirect_dma semaphore(%run_scoped3A : memref<!tpu.dma_semaphore, #tpu.memory_space<semaphore_mem>>) src(%arg13 : memref<128x32xf32, #tpu.memory_space<vmem>>) dst(%dma_wait3A_210 : memref<10240x32xf32, #tpu.memory_space<vmem_shared>>)
        tpu.yield
      }) : () -> ()
    } else {
    }
    %gt3A_174 = arith.constant 6 : i32
    %gt3A_175 = arith.cmpi sgt, %sub3A_136, %gt3A_174 : i32
    %convert_element_type3A_176 = arith.extui %gt3A_175 : i1 to i32
    %cond3A_177 = arith.constant 0 : i32
    %cond3A_178 = arith.cmpi ne, %convert_element_type3A_176, %cond3A_177 : i32
    scf.if %cond3A_178 {
      %mul3A_189 = arith.constant 8 : i32
      %mul3A_190 = arith.muli %select_n3A_133, %mul3A_189 : i32
      %add3A_191 = arith.constant 6 : i32
      %add3A_192 = arith.addi %mul3A_190, %add3A_191 : i32
      %dma_wait3A_193 = arith.constant 0 : i32
      %dma_wait3A_194 = arith.constant 0 : i32
      %dma_wait3A_195 = tpu.memref_slice %arg2[%dma_wait3A_193, %dma_wait3A_194] : memref<10000x32xf32, #tpu.memory_space<hbm>> -> memref<128x32xf32, #tpu.memory_space<hbm>>
      %dma_wait3A_196 = arith.constant 0 : i32
      %dma_wait3A_197 = arith.constant 0 : i32
      %dma_wait3A_198 = tpu.memref_slice %arg2[%dma_wait3A_196, %dma_wait3A_197] : memref<10000x32xf32, #tpu.memory_space<hbm>> -> memref<128x32xf32, #tpu.memory_space<hbm>>
      tpu.wait_dma2 semaphore(%arg24 : memref<!tpu.dma_semaphore, #tpu.memory_space<semaphore_mem>>) src(%dma_wait3A_198 : memref<128x32xf32, #tpu.memory_space<hbm>>) dst(%arg14 : memref<128x32xf32, #tpu.memory_space<vmem>>)
      "tpu.region"() ({
        %run_scoped3A = tpu.sem_alloc : memref<!tpu.dma_semaphore, #tpu.memory_space<semaphore_mem>>
        %dma_start3A_199 = arith.constant 0 : i32
        %dma_start3A_200 = tpu.memref_slice %arg7[%add3A_192, %dma_start3A_199] : memref<79x128xi32, #tpu.memory_space<vmem>> -> memref<1x128xi32, #tpu.memory_space<vmem>>
        %dma_start3A_201 = tpu.memref_squeeze %dma_start3A_200 : memref<1x128xi32, #tpu.memory_space<vmem>> -> memref<128xi32, #tpu.memory_space<vmem>>
        %dma_start3A_202 = arith.constant 0 : i32
        %dma_start3A_203 = arith.constant 0 : i32
        %dma_start3A_204 = tpu.memref_slice %arg17[%dma_start3A_202, %dma_start3A_203] : memref<10240x32xf32, #tpu.memory_space<vmem_shared>> -> memref<10240x32xf32, #tpu.memory_space<vmem_shared>>
        tpu.enqueue_indirect_dma source(%arg14 : memref<128x32xf32, #tpu.memory_space<vmem>>) target(%dma_start3A_204 : memref<10240x32xf32, #tpu.memory_space<vmem_shared>>) offsets(%dma_start3A_201 : memref<128xi32, #tpu.memory_space<vmem>>) semaphore(%run_scoped3A : memref<!tpu.dma_semaphore, #tpu.memory_space<semaphore_mem>>) {add = true}
        %dma_wait3A_205 = arith.constant 0 : i32
        %dma_wait3A_206 = tpu.memref_slice %arg7[%add3A_192, %dma_wait3A_205] : memref<79x128xi32, #tpu.memory_space<vmem>> -> memref<1x128xi32, #tpu.memory_space<vmem>>
        %dma_wait3A_207 = tpu.memref_squeeze %dma_wait3A_206 : memref<1x128xi32, #tpu.memory_space<vmem>> -> memref<128xi32, #tpu.memory_space<vmem>>
        %dma_wait3A_208 = arith.constant 0 : i32
        %dma_wait3A_209 = arith.constant 0 : i32
        %dma_wait3A_210 = tpu.memref_slice %arg17[%dma_wait3A_208, %dma_wait3A_209] : memref<10240x32xf32, #tpu.memory_space<vmem_shared>> -> memref<10240x32xf32, #tpu.memory_space<vmem_shared>>
        tpu.wait_indirect_dma semaphore(%run_scoped3A : memref<!tpu.dma_semaphore, #tpu.memory_space<semaphore_mem>>) src(%arg14 : memref<128x32xf32, #tpu.memory_space<vmem>>) dst(%dma_wait3A_210 : memref<10240x32xf32, #tpu.memory_space<vmem_shared>>)
        tpu.yield
      }) : () -> ()
    } else {
    }
    %gt3A_179 = arith.constant 7 : i32
    %gt3A_180 = arith.cmpi sgt, %sub3A_136, %gt3A_179 : i32
    %convert_element_type3A_181 = arith.extui %gt3A_180 : i1 to i32
    %cond3A_182 = arith.constant 0 : i32
    %cond3A_183 = arith.cmpi ne, %convert_element_type3A_181, %cond3A_182 : i32
    scf.if %cond3A_183 {
      %mul3A_189 = arith.constant 8 : i32
      %mul3A_190 = arith.muli %select_n3A_133, %mul3A_189 : i32
      %add3A_191 = arith.constant 7 : i32
      %add3A_192 = arith.addi %mul3A_190, %add3A_191 : i32
      %dma_wait3A_193 = arith.constant 0 : i32
      %dma_wait3A_194 = arith.constant 0 : i32
      %dma_wait3A_195 = tpu.memref_slice %arg2[%dma_wait3A_193, %dma_wait3A_194] : memref<10000x32xf32, #tpu.memory_space<hbm>> -> memref<128x32xf32, #tpu.memory_space<hbm>>
      %dma_wait3A_196 = arith.constant 0 : i32
      %dma_wait3A_197 = arith.constant 0 : i32
      %dma_wait3A_198 = tpu.memref_slice %arg2[%dma_wait3A_196, %dma_wait3A_197] : memref<10000x32xf32, #tpu.memory_space<hbm>> -> memref<128x32xf32, #tpu.memory_space<hbm>>
      tpu.wait_dma2 semaphore(%arg25 : memref<!tpu.dma_semaphore, #tpu.memory_space<semaphore_mem>>) src(%dma_wait3A_198 : memref<128x32xf32, #tpu.memory_space<hbm>>) dst(%arg15 : memref<128x32xf32, #tpu.memory_space<vmem>>)
      "tpu.region"() ({
        %run_scoped3A = tpu.sem_alloc : memref<!tpu.dma_semaphore, #tpu.memory_space<semaphore_mem>>
        %dma_start3A_199 = arith.constant 0 : i32
        %dma_start3A_200 = tpu.memref_slice %arg7[%add3A_192, %dma_start3A_199] : memref<79x128xi32, #tpu.memory_space<vmem>> -> memref<1x128xi32, #tpu.memory_space<vmem>>
        %dma_start3A_201 = tpu.memref_squeeze %dma_start3A_200 : memref<1x128xi32, #tpu.memory_space<vmem>> -> memref<128xi32, #tpu.memory_space<vmem>>
        %dma_start3A_202 = arith.constant 0 : i32
        %dma_start3A_203 = arith.constant 0 : i32
        %dma_start3A_204 = tpu.memref_slice %arg17[%dma_start3A_202, %dma_start3A_203] : memref<10240x32xf32, #tpu.memory_space<vmem_shared>> -> memref<10240x32xf32, #tpu.memory_space<vmem_shared>>
        tpu.enqueue_indirect_dma source(%arg15 : memref<128x32xf32, #tpu.memory_space<vmem>>) target(%dma_start3A_204 : memref<10240x32xf32, #tpu.memory_space<vmem_shared>>) offsets(%dma_start3A_201 : memref<128xi32, #tpu.memory_space<vmem>>) semaphore(%run_scoped3A : memref<!tpu.dma_semaphore, #tpu.memory_space<semaphore_mem>>) {add = true}
        %dma_wait3A_205 = arith.constant 0 : i32
        %dma_wait3A_206 = tpu.memref_slice %arg7[%add3A_192, %dma_wait3A_205] : memref<79x128xi32, #tpu.memory_space<vmem>> -> memref<1x128xi32, #tpu.memory_space<vmem>>
        %dma_wait3A_207 = tpu.memref_squeeze %dma_wait3A_206 : memref<1x128xi32, #tpu.memory_space<vmem>> -> memref<128xi32, #tpu.memory_space<vmem>>
        %dma_wait3A_208 = arith.constant 0 : i32
        %dma_wait3A_209 = arith.constant 0 : i32
        %dma_wait3A_210 = tpu.memref_slice %arg17[%dma_wait3A_208, %dma_wait3A_209] : memref<10240x32xf32, #tpu.memory_space<vmem_shared>> -> memref<10240x32xf32, #tpu.memory_space<vmem_shared>>
        tpu.wait_indirect_dma semaphore(%run_scoped3A : memref<!tpu.dma_semaphore, #tpu.memory_space<semaphore_mem>>) src(%arg15 : memref<128x32xf32, #tpu.memory_space<vmem>>) dst(%dma_wait3A_210 : memref<10240x32xf32, #tpu.memory_space<vmem_shared>>)
        tpu.yield
      }) : () -> ()
    } else {
    }
    %barrier3A_184 = arith.constant 0 : index
    tpu.barrier barrier_id(%barrier3A_184)
    %mul3A_185 = arith.constant 640 : i32
    %mul3A_186 = arith.muli %arg1, %mul3A_185 : i32
    %mul3A_187 = arith.constant 640 : i32
    %mul3A_188 = arith.muli %arg1, %mul3A_187 : i32
    "tpu.region"() ({
      %run_scoped3A = tpu.sem_alloc : memref<!tpu.dma_semaphore, #tpu.memory_space<semaphore_mem>>
      %dma_start3A_189 = arith.constant 0 : i32
      %dma_start3A_190 = tpu.memref_slice %arg5[%arg0, %mul3A_188, %dma_start3A_189] : memref<2x10240x32xf32, #tpu.memory_space<hbm>> -> memref<1x640x32xf32, #tpu.memory_space<hbm>>
      %dma_start3A_191 = tpu.memref_squeeze %dma_start3A_190 : memref<1x640x32xf32, #tpu.memory_space<hbm>> -> memref<640x32xf32, #tpu.memory_space<hbm>>
      %dma_start3A_192 = arith.constant 0 : i32
      %dma_start3A_193 = tpu.memref_slice %arg17[%mul3A_186, %dma_start3A_192] : memref<10240x32xf32, #tpu.memory_space<vmem_shared>> -> memref<640x32xf32, #tpu.memory_space<vmem_shared>>
      tpu.enqueue_dma source(%dma_start3A_193 : memref<640x32xf32, #tpu.memory_space<vmem_shared>>) target(%dma_start3A_191 : memref<640x32xf32, #tpu.memory_space<hbm>>) target_semaphore(%run_scoped3A : memref<!tpu.dma_semaphore, #tpu.memory_space<semaphore_mem>>)
      %dma_wait3A_194 = arith.constant 0 : i32
      %dma_wait3A_195 = tpu.memref_slice %arg5[%arg0, %mul3A_188, %dma_wait3A_194] : memref<2x10240x32xf32, #tpu.memory_space<hbm>> -> memref<1x640x32xf32, #tpu.memory_space<hbm>>
      %dma_wait3A_196 = tpu.memref_squeeze %dma_wait3A_195 : memref<1x640x32xf32, #tpu.memory_space<hbm>> -> memref<640x32xf32, #tpu.memory_space<hbm>>
      %dma_wait3A_197 = arith.constant 0 : i32
      %dma_wait3A_198 = tpu.memref_slice %arg17[%mul3A_186, %dma_wait3A_197] : memref<10240x32xf32, #tpu.memory_space<vmem_shared>> -> memref<640x32xf32, #tpu.memory_space<vmem_shared>>
      tpu.wait_dma2 semaphore(%run_scoped3A : memref<!tpu.dma_semaphore, #tpu.memory_space<semaphore_mem>>) src(%dma_wait3A_198 : memref<640x32xf32, #tpu.memory_space<vmem_shared>>) dst(%dma_wait3A_196 : memref<640x32xf32, #tpu.memory_space<hbm>>)
      tpu.yield
    }) : () -> ()
    return
  }
}

#map = affine_map<(d0, d1) -> (0, 0)>
#map1 = affine_map<(d0, d1) -> (0, 0, 0)>
module attributes {stable_mosaic.version = 14 : i64} {
  func.func @seg_kernel(%arg0: i32, %arg1: i32, %arg2: memref<10000x32xf32, #tpu.memory_space<hbm>>, %arg3: memref<2500x128xi32, #tpu.memory_space<hbm>>, %arg4: memref<2500x128xi32, #tpu.memory_space<hbm>>, %arg5: memref<2x10240x32xf32, #tpu.memory_space<hbm>>, %arg6: memref<79x128xi32, #tpu.memory_space<vmem>>, %arg7: memref<79x128xi32, #tpu.memory_space<vmem>>, %arg8: memref<128x32xf32, #tpu.memory_space<vmem>>, %arg9: memref<128x32xf32, #tpu.memory_space<vmem>>, %arg10: memref<128x32xf32, #tpu.memory_space<vmem>>, %arg11: memref<128x32xf32, #tpu.memory_space<vmem>>, %arg12: memref<128x32xf32, #tpu.memory_space<vmem>>, %arg13: memref<128x32xf32, #tpu.memory_space<vmem>>, %arg14: memref<128x32xf32, #tpu.memory_space<vmem>>, %arg15: memref<128x32xf32, #tpu.memory_space<vmem>>, %arg16: memref<128x32xf32, #tpu.memory_space<vmem>>, %arg17: memref<10240x32xf32, #tpu.memory_space<vmem_shared>>, %arg18: memref<!tpu.dma_semaphore, #tpu.memory_space<semaphore_mem>>, %arg19: memref<!tpu.dma_semaphore, #tpu.memory_space<semaphore_mem>>, %arg20: memref<!tpu.dma_semaphore, #tpu.memory_space<semaphore_mem>>, %arg21: memref<!tpu.dma_semaphore, #tpu.memory_space<semaphore_mem>>, %arg22: memref<!tpu.dma_semaphore, #tpu.memory_space<semaphore_mem>>, %arg23: memref<!tpu.dma_semaphore, #tpu.memory_space<semaphore_mem>>, %arg24: memref<!tpu.dma_semaphore, #tpu.memory_space<semaphore_mem>>, %arg25: memref<!tpu.dma_semaphore, #tpu.memory_space<semaphore_mem>>, %arg26: memref<!tpu.dma_semaphore, #tpu.memory_space<semaphore_mem>>) attributes {dimension_semantics = [#tpu.dimension_semantics<core_parallel>, #tpu.dimension_semantics<subcore_parallel>], iteration_bounds = array<i64: 2, 16>, scalar_prefetch = 0 : i64, scratch_operands = 21 : i64, tpu.core_type = #tpu.core_type<sc_vector_subcore>, window_params = [{transform_indices = #map}, {transform_indices = #map}, {transform_indices = #map}, {transform_indices = #map1}]} {
    %mul3A = arith.constant 16 : i32
    %mul3A_0 = arith.muli %arg0, %mul3A : i32
    %add3A = arith.addi %mul3A_0, %arg1 : i32
    %mul3A_1 = arith.constant 78 : i32
    %mul3A_2 = arith.muli %add3A, %mul3A_1 : i32
    %min3A = arith.constant 4 : i32
    %min3A_3 = arith.minsi %add3A, %min3A : i32
    %add3A_4 = arith.addi %mul3A_2, %min3A_3 : i32
    %lt3A = arith.constant 4 : i32
    %lt3A_5 = arith.cmpi slt, %add3A, %lt3A : i32
    %jit3A = arith.constant 1 : i32
    %jit3A_6 = arith.constant 0 : i32
    %select_n3A = arith.select %lt3A_5, %jit3A, %jit3A_6 : i32
    %add3A_7 = arith.constant 78 : i32
    %add3A_8 = arith.addi %add3A_7, %select_n3A : i32
    %dma_start3A = arith.constant 0 : i32
    %dma_start3A_9 = arith.constant 0 : i32
    %dma_start3A_10 = tpu.memref_slice %arg6[%dma_start3A, %dma_start3A_9] : memref<79x128xi32, #tpu.memory_space<vmem>> -> memref<78x128xi32, #tpu.memory_space<vmem>>
    %dma_start3A_11 = arith.constant 0 : i32
    %dma_start3A_12 = tpu.memref_slice %arg3[%add3A_4, %dma_start3A_11] : memref<2500x128xi32, #tpu.memory_space<hbm>> -> memref<78x128xi32, #tpu.memory_space<hbm>>
    %dma_start3A_13 = arith.constant 0 : i32
    %dma_start3A_14 = arith.constant 0 : i32
    %dma_start3A_15 = tpu.memref_slice %arg6[%dma_start3A_13, %dma_start3A_14] : memref<79x128xi32, #tpu.memory_space<vmem>> -> memref<78x128xi32, #tpu.memory_space<vmem>>
    %dma_start3A_16 = arith.constant 0 : i32
    %dma_start3A_17 = tpu.memref_slice %arg3[%add3A_4, %dma_start3A_16] : memref<2500x128xi32, #tpu.memory_space<hbm>> -> memref<78x128xi32, #tpu.memory_space<hbm>>
    tpu.enqueue_dma source(%dma_start3A_17 : memref<78x128xi32, #tpu.memory_space<hbm>>) target(%dma_start3A_15 : memref<78x128xi32, #tpu.memory_space<vmem>>) target_semaphore(%arg26 : memref<!tpu.dma_semaphore, #tpu.memory_space<semaphore_mem>>)
    %dma_start3A_18 = arith.constant 0 : i32
    %dma_start3A_19 = arith.constant 0 : i32
    %dma_start3A_20 = tpu.memref_slice %arg7[%dma_start3A_18, %dma_start3A_19] : memref<79x128xi32, #tpu.memory_space<vmem>> -> memref<78x128xi32, #tpu.memory_space<vmem>>
    %dma_start3A_21 = arith.constant 0 : i32
    %dma_start3A_22 = tpu.memref_slice %arg4[%add3A_4, %dma_start3A_21] : memref<2500x128xi32, #tpu.memory_space<hbm>> -> memref<78x128xi32, #tpu.memory_space<hbm>>
    %dma_start3A_23 = arith.constant 0 : i32
    %dma_start3A_24 = arith.constant 0 : i32
    %dma_start3A_25 = tpu.memref_slice %arg7[%dma_start3A_23, %dma_start3A_24] : memref<79x128xi32, #tpu.memory_space<vmem>> -> memref<78x128xi32, #tpu.memory_space<vmem>>
    %dma_start3A_26 = arith.constant 0 : i32
    %dma_start3A_27 = tpu.memref_slice %arg4[%add3A_4, %dma_start3A_26] : memref<2500x128xi32, #tpu.memory_space<hbm>> -> memref<78x128xi32, #tpu.memory_space<hbm>>
    tpu.enqueue_dma source(%dma_start3A_27 : memref<78x128xi32, #tpu.memory_space<hbm>>) target(%dma_start3A_25 : memref<78x128xi32, #tpu.memory_space<vmem>>) target_semaphore(%arg26 : memref<!tpu.dma_semaphore, #tpu.memory_space<semaphore_mem>>)
    %lt3A_28 = arith.constant 4 : i32
    %lt3A_29 = arith.cmpi slt, %add3A, %lt3A_28 : i32
    %convert_element_type3A = arith.extui %lt3A_29 : i1 to i32
    %cond3A = arith.constant 0 : i32
    %cond3A_30 = arith.cmpi ne, %convert_element_type3A, %cond3A : i32
    scf.if %cond3A_30 {
      %add3A_189 = arith.constant 78 : i32
      %add3A_190 = arith.addi %add3A_4, %add3A_189 : i32
      "tpu.region"() ({
        %run_scoped3A = tpu.sem_alloc : memref<!tpu.dma_semaphore, #tpu.memory_space<semaphore_mem>>
        %dma_start3A_193 = arith.constant 78 : i32
        %dma_start3A_194 = arith.constant 0 : i32
        %dma_start3A_195 = tpu.memref_slice %arg6[%dma_start3A_193, %dma_start3A_194] : memref<79x128xi32, #tpu.memory_space<vmem>> -> memref<1x128xi32, #tpu.memory_space<vmem>>
        %dma_start3A_196 = arith.constant 0 : i32
        %dma_start3A_197 = tpu.memref_slice %arg3[%add3A_190, %dma_start3A_196] : memref<2500x128xi32, #tpu.memory_space<hbm>> -> memref<1x128xi32, #tpu.memory_space<hbm>>
        %dma_start3A_198 = arith.constant 78 : i32
        %dma_start3A_199 = arith.constant 0 : i32
        %dma_start3A_200 = tpu.memref_slice %arg6[%dma_start3A_198, %dma_start3A_199] : memref<79x128xi32, #tpu.memory_space<vmem>> -> memref<1x128xi32, #tpu.memory_space<vmem>>
        %dma_start3A_201 = arith.constant 0 : i32
        %dma_start3A_202 = tpu.memref_slice %arg3[%add3A_190, %dma_start3A_201] : memref<2500x128xi32, #tpu.memory_space<hbm>> -> memref<1x128xi32, #tpu.memory_space<hbm>>
        tpu.enqueue_dma source(%dma_start3A_202 : memref<1x128xi32, #tpu.memory_space<hbm>>) target(%dma_start3A_200 : memref<1x128xi32, #tpu.memory_space<vmem>>) target_semaphore(%run_scoped3A : memref<!tpu.dma_semaphore, #tpu.memory_space<semaphore_mem>>)
        %dma_wait3A_203 = arith.constant 78 : i32
        %dma_wait3A_204 = arith.constant 0 : i32
        %dma_wait3A_205 = tpu.memref_slice %arg6[%dma_wait3A_203, %dma_wait3A_204] : memref<79x128xi32, #tpu.memory_space<vmem>> -> memref<1x128xi32, #tpu.memory_space<vmem>>
        %dma_wait3A_206 = arith.constant 0 : i32
        %dma_wait3A_207 = tpu.memref_slice %arg3[%add3A_190, %dma_wait3A_206] : memref<2500x128xi32, #tpu.memory_space<hbm>> -> memref<1x128xi32, #tpu.memory_space<hbm>>
        %dma_wait3A_208 = arith.constant 78 : i32
        %dma_wait3A_209 = arith.constant 0 : i32
        %dma_wait3A_210 = tpu.memref_slice %arg6[%dma_wait3A_208, %dma_wait3A_209] : memref<79x128xi32, #tpu.memory_space<vmem>> -> memref<1x128xi32, #tpu.memory_space<vmem>>
        %dma_wait3A_211 = arith.constant 0 : i32
        %dma_wait3A_212 = tpu.memref_slice %arg3[%add3A_190, %dma_wait3A_211] : memref<2500x128xi32, #tpu.memory_space<hbm>> -> memref<1x128xi32, #tpu.memory_space<hbm>>
        tpu.wait_dma2 semaphore(%run_scoped3A : memref<!tpu.dma_semaphore, #tpu.memory_space<semaphore_mem>>) src(%dma_wait3A_212 : memref<1x128xi32, #tpu.memory_space<hbm>>) dst(%dma_wait3A_210 : memref<1x128xi32, #tpu.memory_space<vmem>>)
        tpu.yield
      }) : () -> ()
      %add3A_191 = arith.constant 78 : i32
      %add3A_192 = arith.addi %add3A_4, %add3A_191 : i32
      "tpu.region"() ({
        %run_scoped3A = tpu.sem_alloc : memref<!tpu.dma_semaphore, #tpu.memory_space<semaphore_mem>>
        %dma_start3A_193 = arith.constant 78 : i32
        %dma_start3A_194 = arith.constant 0 : i32
        %dma_start3A_195 = tpu.memref_slice %arg7[%dma_start3A_193, %dma_start3A_194] : memref<79x128xi32, #tpu.memory_space<vmem>> -> memref<1x128xi32, #tpu.memory_space<vmem>>
        %dma_start3A_196 = arith.constant 0 : i32
        %dma_start3A_197 = tpu.memref_slice %arg4[%add3A_192, %dma_start3A_196] : memref<2500x128xi32, #tpu.memory_space<hbm>> -> memref<1x128xi32, #tpu.memory_space<hbm>>
        %dma_start3A_198 = arith.constant 78 : i32
        %dma_start3A_199 = arith.constant 0 : i32
        %dma_start3A_200 = tpu.memref_slice %arg7[%dma_start3A_198, %dma_start3A_199] : memref<79x128xi32, #tpu.memory_space<vmem>> -> memref<1x128xi32, #tpu.memory_space<vmem>>
        %dma_start3A_201 = arith.constant 0 : i32
        %dma_start3A_202 = tpu.memref_slice %arg4[%add3A_192, %dma_start3A_201] : memref<2500x128xi32, #tpu.memory_space<hbm>> -> memref<1x128xi32, #tpu.memory_space<hbm>>
        tpu.enqueue_dma source(%dma_start3A_202 : memref<1x128xi32, #tpu.memory_space<hbm>>) target(%dma_start3A_200 : memref<1x128xi32, #tpu.memory_space<vmem>>) target_semaphore(%run_scoped3A : memref<!tpu.dma_semaphore, #tpu.memory_space<semaphore_mem>>)
        %dma_wait3A_203 = arith.constant 78 : i32
        %dma_wait3A_204 = arith.constant 0 : i32
        %dma_wait3A_205 = tpu.memref_slice %arg7[%dma_wait3A_203, %dma_wait3A_204] : memref<79x128xi32, #tpu.memory_space<vmem>> -> memref<1x128xi32, #tpu.memory_space<vmem>>
        %dma_wait3A_206 = arith.constant 0 : i32
        %dma_wait3A_207 = tpu.memref_slice %arg4[%add3A_192, %dma_wait3A_206] : memref<2500x128xi32, #tpu.memory_space<hbm>> -> memref<1x128xi32, #tpu.memory_space<hbm>>
        %dma_wait3A_208 = arith.constant 78 : i32
        %dma_wait3A_209 = arith.constant 0 : i32
        %dma_wait3A_210 = tpu.memref_slice %arg7[%dma_wait3A_208, %dma_wait3A_209] : memref<79x128xi32, #tpu.memory_space<vmem>> -> memref<1x128xi32, #tpu.memory_space<vmem>>
        %dma_wait3A_211 = arith.constant 0 : i32
        %dma_wait3A_212 = tpu.memref_slice %arg4[%add3A_192, %dma_wait3A_211] : memref<2500x128xi32, #tpu.memory_space<hbm>> -> memref<1x128xi32, #tpu.memory_space<hbm>>
        tpu.wait_dma2 semaphore(%run_scoped3A : memref<!tpu.dma_semaphore, #tpu.memory_space<semaphore_mem>>) src(%dma_wait3A_212 : memref<1x128xi32, #tpu.memory_space<hbm>>) dst(%dma_wait3A_210 : memref<1x128xi32, #tpu.memory_space<vmem>>)
        tpu.yield
      }) : () -> ()
    } else {
    }
    %broadcast_in_dim3A = arith.constant 0.000000e+00 : f32
    %broadcast_in_dim3A_31 = vector.broadcast %broadcast_in_dim3A : f32 to vector<16xf32>
    %scan3A = arith.constant 0 : i32
    %scan3A_32 = arith.constant 128 : i32
    %scan3A_33 = arith.addi %scan3A, %scan3A_32 : i32
    %scan3A_34 = arith.constant 1 : i32
    scf.for %scan3A_189 = %scan3A to %scan3A_33 step %scan3A_34  : i32 {
      %swap3A = arith.index_cast %scan3A_189 : i32 to index
      %swap3A_190 = arith.constant 0 : index
      %swap3A_191 = tpu.vector_load %arg16[%swap3A, %swap3A_190] {strides = array<i32>} : memref<128x32xf32, #tpu.memory_space<vmem>>, vector<1x16xf32>,
      %swap3A_192 = vector.shape_cast %swap3A_191 : vector<1x16xf32> to vector<16xf32>
      %swap3A_193 = vector.shape_cast %broadcast_in_dim3A_31 : vector<16xf32> to vector<1x16xf32>
      tpu.vector_store %arg16[%swap3A, %swap3A_190], %swap3A_193 {strides = array<i32>} : memref<128x32xf32, #tpu.memory_space<vmem>>, vector<1x16xf32>,
      %swap3A_194 = arith.index_cast %scan3A_189 : i32 to index
      %swap3A_195 = arith.constant 16 : index
      %swap3A_196 = tpu.vector_load %arg16[%swap3A_194, %swap3A_195] {strides = array<i32>} : memref<128x32xf32, #tpu.memory_space<vmem>>, vector<1x16xf32>,
      %swap3A_197 = vector.shape_cast %swap3A_196 : vector<1x16xf32> to vector<16xf32>
      %swap3A_198 = vector.shape_cast %broadcast_in_dim3A_31 : vector<16xf32> to vector<1x16xf32>
      tpu.vector_store %arg16[%swap3A_194, %swap3A_195], %swap3A_198 {strides = array<i32>} : memref<128x32xf32, #tpu.memory_space<vmem>>, vector<1x16xf32>,
    }
    %scan3A_35 = arith.constant 128 : i32
    %scan3A_36 = arith.constant 0 : i32
    %scan3A_37 = arith.constant 5 : i32
    %scan3A_38 = arith.addi %scan3A_36, %scan3A_37 : i32
    %scan3A_39 = arith.constant 1 : i32
    scf.for %scan3A_189 = %scan3A_36 to %scan3A_38 step %scan3A_39  : i32 {
      %mul3A_190 = arith.constant 640 : i32
      %mul3A_191 = arith.muli %arg1, %mul3A_190 : i32
      %mul3A_192 = arith.constant 128 : i32
      %mul3A_193 = arith.muli %scan3A_189, %mul3A_192 : i32
      %add3A_194 = arith.addi %mul3A_191, %mul3A_193 : i32
      "tpu.region"() ({
        %run_scoped3A = tpu.sem_alloc : memref<!tpu.dma_semaphore, #tpu.memory_space<semaphore_mem>>
        %dma_start3A_195 = arith.constant 0 : i32
        %dma_start3A_196 = tpu.memref_slice %arg17[%add3A_194, %dma_start3A_195] : memref<10240x32xf32, #tpu.memory_space<vmem_shared>> -> memref<128x32xf32, #tpu.memory_space<vmem_shared>>
        %dma_start3A_197 = arith.constant 0 : i32
        %dma_start3A_198 = tpu.memref_slice %arg17[%add3A_194, %dma_start3A_197] : memref<10240x32xf32, #tpu.memory_space<vmem_shared>> -> memref<128x32xf32, #tpu.memory_space<vmem_shared>>
        tpu.enqueue_dma source(%arg16 : memref<128x32xf32, #tpu.memory_space<vmem>>) target(%dma_start3A_198 : memref<128x32xf32, #tpu.memory_space<vmem_shared>>) target_semaphore(%run_scoped3A : memref<!tpu.dma_semaphore, #tpu.memory_space<semaphore_mem>>)
        %dma_wait3A_199 = arith.constant 0 : i32
        %dma_wait3A_200 = tpu.memref_slice %arg17[%add3A_194, %dma_wait3A_199] : memref<10240x32xf32, #tpu.memory_space<vmem_shared>> -> memref<128x32xf32, #tpu.memory_space<vmem_shared>>
        %dma_wait3A_201 = arith.constant 0 : i32
        %dma_wait3A_202 = tpu.memref_slice %arg17[%add3A_194, %dma_wait3A_201] : memref<10240x32xf32, #tpu.memory_space<vmem_shared>> -> memref<128x32xf32, #tpu.memory_space<vmem_shared>>
        tpu.wait_dma2 semaphore(%run_scoped3A : memref<!tpu.dma_semaphore, #tpu.memory_space<semaphore_mem>>) src(%arg16 : memref<128x32xf32, #tpu.memory_space<vmem>>) dst(%dma_wait3A_202 : memref<128x32xf32, #tpu.memory_space<vmem_shared>>)
        tpu.yield
      }) : () -> ()
    }
    %scan3A_40 = arith.constant 5 : i32
    %dma_wait3A = arith.constant 0 : i32
    %dma_wait3A_41 = arith.constant 0 : i32
    %dma_wait3A_42 = tpu.memref_slice %arg6[%dma_wait3A, %dma_wait3A_41] : memref<79x128xi32, #tpu.memory_space<vmem>> -> memref<78x128xi32, #tpu.memory_space<vmem>>
    %dma_wait3A_43 = arith.constant 0 : i32
    %dma_wait3A_44 = tpu.memref_slice %arg3[%add3A_4, %dma_wait3A_43] : memref<2500x128xi32, #tpu.memory_space<hbm>> -> memref<78x128xi32, #tpu.memory_space<hbm>>
    %dma_wait3A_45 = arith.constant 0 : i32
    %dma_wait3A_46 = arith.constant 0 : i32
    %dma_wait3A_47 = tpu.memref_slice %arg6[%dma_wait3A_45, %dma_wait3A_46] : memref<79x128xi32, #tpu.memory_space<vmem>> -> memref<78x128xi32, #tpu.memory_space<vmem>>
    %dma_wait3A_48 = arith.constant 0 : i32
    %dma_wait3A_49 = tpu.memref_slice %arg3[%add3A_4, %dma_wait3A_48] : memref<2500x128xi32, #tpu.memory_space<hbm>> -> memref<78x128xi32, #tpu.memory_space<hbm>>
    tpu.wait_dma2 semaphore(%arg26 : memref<!tpu.dma_semaphore, #tpu.memory_space<semaphore_mem>>) src(%dma_wait3A_49 : memref<78x128xi32, #tpu.memory_space<hbm>>) dst(%dma_wait3A_47 : memref<78x128xi32, #tpu.memory_space<vmem>>)
    %dma_wait3A_50 = arith.constant 0 : i32
    %dma_wait3A_51 = arith.constant 0 : i32
    %dma_wait3A_52 = tpu.memref_slice %arg7[%dma_wait3A_50, %dma_wait3A_51] : memref<79x128xi32, #tpu.memory_space<vmem>> -> memref<78x128xi32, #tpu.memory_space<vmem>>
    %dma_wait3A_53 = arith.constant 0 : i32
    %dma_wait3A_54 = tpu.memref_slice %arg4[%add3A_4, %dma_wait3A_53] : memref<2500x128xi32, #tpu.memory_space<hbm>> -> memref<78x128xi32, #tpu.memory_space<hbm>>
    %dma_wait3A_55 = arith.constant 0 : i32
    %dma_wait3A_56 = arith.constant 0 : i32
    %dma_wait3A_57 = tpu.memref_slice %arg7[%dma_wait3A_55, %dma_wait3A_56] : memref<79x128xi32, #tpu.memory_space<vmem>> -> memref<78x128xi32, #tpu.memory_space<vmem>>
    %dma_wait3A_58 = arith.constant 0 : i32
    %dma_wait3A_59 = tpu.memref_slice %arg4[%add3A_4, %dma_wait3A_58] : memref<2500x128xi32, #tpu.memory_space<hbm>> -> memref<78x128xi32, #tpu.memory_space<hbm>>
    tpu.wait_dma2 semaphore(%arg26 : memref<!tpu.dma_semaphore, #tpu.memory_space<semaphore_mem>>) src(%dma_wait3A_59 : memref<78x128xi32, #tpu.memory_space<hbm>>) dst(%dma_wait3A_57 : memref<78x128xi32, #tpu.memory_space<vmem>>)
    %dma_start3A_60 = arith.constant 0 : i32
    %dma_start3A_61 = arith.constant 0 : i32
    %dma_start3A_62 = tpu.memref_slice %arg6[%dma_start3A_60, %dma_start3A_61] : memref<79x128xi32, #tpu.memory_space<vmem>> -> memref<1x128xi32, #tpu.memory_space<vmem>>
    %dma_start3A_63 = tpu.memref_squeeze %dma_start3A_62 : memref<1x128xi32, #tpu.memory_space<vmem>> -> memref<128xi32, #tpu.memory_space<vmem>>
    %dma_start3A_64 = arith.constant 0 : i32
    %dma_start3A_65 = arith.constant 0 : i32
    %dma_start3A_66 = tpu.memref_slice %arg2[%dma_start3A_64, %dma_start3A_65] : memref<10000x32xf32, #tpu.memory_space<hbm>> -> memref<10000x32xf32, #tpu.memory_space<hbm>>
    tpu.enqueue_indirect_dma source(%dma_start3A_66 : memref<10000x32xf32, #tpu.memory_space<hbm>>) target(%arg8 : memref<128x32xf32, #tpu.memory_space<vmem>>) offsets(%dma_start3A_63 : memref<128xi32, #tpu.memory_space<vmem>>) semaphore(%arg18 : memref<!tpu.dma_semaphore, #tpu.memory_space<semaphore_mem>>)
    %dma_start3A_67 = arith.constant 1 : i32
    %dma_start3A_68 = arith.constant 0 : i32
    %dma_start3A_69 = tpu.memref_slice %arg6[%dma_start3A_67, %dma_start3A_68] : memref<79x128xi32, #tpu.memory_space<vmem>> -> memref<1x128xi32, #tpu.memory_space<vmem>>
    %dma_start3A_70 = tpu.memref_squeeze %dma_start3A_69 : memref<1x128xi32, #tpu.memory_space<vmem>> -> memref<128xi32, #tpu.memory_space<vmem>>
    %dma_start3A_71 = arith.constant 0 : i32
    %dma_start3A_72 = arith.constant 0 : i32
    %dma_start3A_73 = tpu.memref_slice %arg2[%dma_start3A_71, %dma_start3A_72] : memref<10000x32xf32, #tpu.memory_space<hbm>> -> memref<10000x32xf32, #tpu.memory_space<hbm>>
    tpu.enqueue_indirect_dma source(%dma_start3A_73 : memref<10000x32xf32, #tpu.memory_space<hbm>>) target(%arg9 : memref<128x32xf32, #tpu.memory_space<vmem>>) offsets(%dma_start3A_70 : memref<128xi32, #tpu.memory_space<vmem>>) semaphore(%arg19 : memref<!tpu.dma_semaphore, #tpu.memory_space<semaphore_mem>>)
    %dma_start3A_74 = arith.constant 2 : i32
    %dma_start3A_75 = arith.constant 0 : i32
    %dma_start3A_76 = tpu.memref_slice %arg6[%dma_start3A_74, %dma_start3A_75] : memref<79x128xi32, #tpu.memory_space<vmem>> -> memref<1x128xi32, #tpu.memory_space<vmem>>
    %dma_start3A_77 = tpu.memref_squeeze %dma_start3A_76 : memref<1x128xi32, #tpu.memory_space<vmem>> -> memref<128xi32, #tpu.memory_space<vmem>>
    %dma_start3A_78 = arith.constant 0 : i32
    %dma_start3A_79 = arith.constant 0 : i32
    %dma_start3A_80 = tpu.memref_slice %arg2[%dma_start3A_78, %dma_start3A_79] : memref<10000x32xf32, #tpu.memory_space<hbm>> -> memref<10000x32xf32, #tpu.memory_space<hbm>>
    tpu.enqueue_indirect_dma source(%dma_start3A_80 : memref<10000x32xf32, #tpu.memory_space<hbm>>) target(%arg10 : memref<128x32xf32, #tpu.memory_space<vmem>>) offsets(%dma_start3A_77 : memref<128xi32, #tpu.memory_space<vmem>>) semaphore(%arg20 : memref<!tpu.dma_semaphore, #tpu.memory_space<semaphore_mem>>)
    %dma_start3A_81 = arith.constant 3 : i32
    %dma_start3A_82 = arith.constant 0 : i32
    %dma_start3A_83 = tpu.memref_slice %arg6[%dma_start3A_81, %dma_start3A_82] : memref<79x128xi32, #tpu.memory_space<vmem>> -> memref<1x128xi32, #tpu.memory_space<vmem>>
    %dma_start3A_84 = tpu.memref_squeeze %dma_start3A_83 : memref<1x128xi32, #tpu.memory_space<vmem>> -> memref<128xi32, #tpu.memory_space<vmem>>
    %dma_start3A_85 = arith.constant 0 : i32
    %dma_start3A_86 = arith.constant 0 : i32
    %dma_start3A_87 = tpu.memref_slice %arg2[%dma_start3A_85, %dma_start3A_86] : memref<10000x32xf32, #tpu.memory_space<hbm>> -> memref<10000x32xf32, #tpu.memory_space<hbm>>
    tpu.enqueue_indirect_dma source(%dma_start3A_87 : memref<10000x32xf32, #tpu.memory_space<hbm>>) target(%arg11 : memref<128x32xf32, #tpu.memory_space<vmem>>) offsets(%dma_start3A_84 : memref<128xi32, #tpu.memory_space<vmem>>) semaphore(%arg21 : memref<!tpu.dma_semaphore, #tpu.memory_space<semaphore_mem>>)
    %dma_start3A_88 = arith.constant 4 : i32
    %dma_start3A_89 = arith.constant 0 : i32
    %dma_start3A_90 = tpu.memref_slice %arg6[%dma_start3A_88, %dma_start3A_89] : memref<79x128xi32, #tpu.memory_space<vmem>> -> memref<1x128xi32, #tpu.memory_space<vmem>>
    %dma_start3A_91 = tpu.memref_squeeze %dma_start3A_90 : memref<1x128xi32, #tpu.memory_space<vmem>> -> memref<128xi32, #tpu.memory_space<vmem>>
    %dma_start3A_92 = arith.constant 0 : i32
    %dma_start3A_93 = arith.constant 0 : i32
    %dma_start3A_94 = tpu.memref_slice %arg2[%dma_start3A_92, %dma_start3A_93] : memref<10000x32xf32, #tpu.memory_space<hbm>> -> memref<10000x32xf32, #tpu.memory_space<hbm>>
    tpu.enqueue_indirect_dma source(%dma_start3A_94 : memref<10000x32xf32, #tpu.memory_space<hbm>>) target(%arg12 : memref<128x32xf32, #tpu.memory_space<vmem>>) offsets(%dma_start3A_91 : memref<128xi32, #tpu.memory_space<vmem>>) semaphore(%arg22 : memref<!tpu.dma_semaphore, #tpu.memory_space<semaphore_mem>>)
    %dma_start3A_95 = arith.constant 5 : i32
    %dma_start3A_96 = arith.constant 0 : i32
    %dma_start3A_97 = tpu.memref_slice %arg6[%dma_start3A_95, %dma_start3A_96] : memref<79x128xi32, #tpu.memory_space<vmem>> -> memref<1x128xi32, #tpu.memory_space<vmem>>
    %dma_start3A_98 = tpu.memref_squeeze %dma_start3A_97 : memref<1x128xi32, #tpu.memory_space<vmem>> -> memref<128xi32, #tpu.memory_space<vmem>>
    %dma_start3A_99 = arith.constant 0 : i32
    %dma_start3A_100 = arith.constant 0 : i32
    %dma_start3A_101 = tpu.memref_slice %arg2[%dma_start3A_99, %dma_start3A_100] : memref<10000x32xf32, #tpu.memory_space<hbm>> -> memref<10000x32xf32, #tpu.memory_space<hbm>>
    tpu.enqueue_indirect_dma source(%dma_start3A_101 : memref<10000x32xf32, #tpu.memory_space<hbm>>) target(%arg13 : memref<128x32xf32, #tpu.memory_space<vmem>>) offsets(%dma_start3A_98 : memref<128xi32, #tpu.memory_space<vmem>>) semaphore(%arg23 : memref<!tpu.dma_semaphore, #tpu.memory_space<semaphore_mem>>)
    %dma_start3A_102 = arith.constant 6 : i32
    %dma_start3A_103 = arith.constant 0 : i32
    %dma_start3A_104 = tpu.memref_slice %arg6[%dma_start3A_102, %dma_start3A_103] : memref<79x128xi32, #tpu.memory_space<vmem>> -> memref<1x128xi32, #tpu.memory_space<vmem>>
    %dma_start3A_105 = tpu.memref_squeeze %dma_start3A_104 : memref<1x128xi32, #tpu.memory_space<vmem>> -> memref<128xi32, #tpu.memory_space<vmem>>
    %dma_start3A_106 = arith.constant 0 : i32
    %dma_start3A_107 = arith.constant 0 : i32
    %dma_start3A_108 = tpu.memref_slice %arg2[%dma_start3A_106, %dma_start3A_107] : memref<10000x32xf32, #tpu.memory_space<hbm>> -> memref<10000x32xf32, #tpu.memory_space<hbm>>
    tpu.enqueue_indirect_dma source(%dma_start3A_108 : memref<10000x32xf32, #tpu.memory_space<hbm>>) target(%arg14 : memref<128x32xf32, #tpu.memory_space<vmem>>) offsets(%dma_start3A_105 : memref<128xi32, #tpu.memory_space<vmem>>) semaphore(%arg24 : memref<!tpu.dma_semaphore, #tpu.memory_space<semaphore_mem>>)
    %dma_start3A_109 = arith.constant 7 : i32
    %dma_start3A_110 = arith.constant 0 : i32
    %dma_start3A_111 = tpu.memref_slice %arg6[%dma_start3A_109, %dma_start3A_110] : memref<79x128xi32, #tpu.memory_space<vmem>> -> memref<1x128xi32, #tpu.memory_space<vmem>>
    %dma_start3A_112 = tpu.memref_squeeze %dma_start3A_111 : memref<1x128xi32, #tpu.memory_space<vmem>> -> memref<128xi32, #tpu.memory_space<vmem>>
    %dma_start3A_113 = arith.constant 0 : i32
    %dma_start3A_114 = arith.constant 0 : i32
    %dma_start3A_115 = tpu.memref_slice %arg2[%dma_start3A_113, %dma_start3A_114] : memref<10000x32xf32, #tpu.memory_space<hbm>> -> memref<10000x32xf32, #tpu.memory_space<hbm>>
    tpu.enqueue_indirect_dma source(%dma_start3A_115 : memref<10000x32xf32, #tpu.memory_space<hbm>>) target(%arg15 : memref<128x32xf32, #tpu.memory_space<vmem>>) offsets(%dma_start3A_112 : memref<128xi32, #tpu.memory_space<vmem>>) semaphore(%arg25 : memref<!tpu.dma_semaphore, #tpu.memory_space<semaphore_mem>>)
    %barrier3A = arith.constant 0 : index
    tpu.barrier barrier_id(%barrier3A)
    %jit3A_116 = arith.constant 8 : i32
    %div3A = arith.divsi %add3A_8, %jit3A_116 : i32
    %sign3A = arith.constant 0 : i32
    %sign3A_117 = arith.cmpi sgt, %add3A_8, %sign3A : i32
    %sign3A_118 = arith.extui %sign3A_117 : i1 to i32
    %sign3A_119 = arith.constant 0 : i32
    %sign3A_120 = arith.cmpi slt, %add3A_8, %sign3A_119 : i32
    %sign3A_121 = arith.extui %sign3A_120 : i1 to i32
    %sign3A_122 = arith.subi %sign3A_118, %sign3A_121 : i32
    %sign3A_123 = arith.constant 0 : i32
    %sign3A_124 = arith.cmpi sgt, %jit3A_116, %sign3A_123 : i32
    %sign3A_125 = arith.extui %sign3A_124 : i1 to i32
    %sign3A_126 = arith.constant 0 : i32
    %sign3A_127 = arith.cmpi slt, %jit3A_116, %sign3A_126 : i32
    %sign3A_128 = arith.extui %sign3A_127 : i1 to i32
    %sign3A_129 = arith.subi %sign3A_125, %sign3A_128 : i32
    %ne3A = arith.cmpi ne, %sign3A_122, %sign3A_129 : i32
    %rem3A = arith.remsi %add3A_8, %jit3A_116 : i32
    %ne3A_130 = arith.constant 0 : i32
    %ne3A_131 = arith.cmpi ne, %rem3A, %ne3A_130 : i32
    %and3A = arith.andi %ne3A, %ne3A_131 : i1
    %sub3A = arith.constant 1 : i32
    %sub3A_132 = arith.subi %div3A, %sub3A : i32
    %select_n3A_133 = arith.select %and3A, %sub3A_132, %div3A : i32
    %mul3A_134 = arith.constant 8 : i32
    %mul3A_135 = arith.muli %select_n3A_133, %mul3A_134 : i32
    %sub3A_136 = arith.subi %add3A_8, %mul3A_135 : i32
    %while3A = arith.constant 0 : i32
    %while3A_137 = arith.subi %select_n3A_133, %while3A : i32
    %while3A_138 = arith.addi %while3A, %while3A_137 : i32
    %while3A_139 = arith.constant 1 : i32
    %while3A_140 = arith.divsi %while3A_137, %while3A_139 : i32
    %while3A_141 = arith.muli %while3A_140, %while3A_139 : i32
    %while3A_142 = arith.addi %while3A, %while3A_141 : i32
    %while3A_143 = arith.constant 1 : i32
    scf.for %while3A_189 = %while3A to %while3A_142 step %while3A_143  : i32 {
      %mul3A_190 = arith.constant 8 : i32
      %mul3A_191 = arith.muli %while3A_189, %mul3A_190 : i32
      %add3A_192 = arith.constant 0 : i32
      %add3A_193 = arith.addi %mul3A_191, %add3A_192 : i32
      %dma_wait3A_194 = arith.constant 0 : i32
      %dma_wait3A_195 = arith.constant 0 : i32
      %dma_wait3A_196 = tpu.memref_slice %arg2[%dma_wait3A_194, %dma_wait3A_195] : memref<10000x32xf32, #tpu.memory_space<hbm>> -> memref<128x32xf32, #tpu.memory_space<hbm>>
      %dma_wait3A_197 = arith.constant 0 : i32
      %dma_wait3A_198 = arith.constant 0 : i32
      %dma_wait3A_199 = tpu.memref_slice %arg2[%dma_wait3A_197, %dma_wait3A_198] : memref<10000x32xf32, #tpu.memory_space<hbm>> -> memref<128x32xf32, #tpu.memory_space<hbm>>
      tpu.wait_dma2 semaphore(%arg18 : memref<!tpu.dma_semaphore, #tpu.memory_space<semaphore_mem>>) src(%dma_wait3A_199 : memref<128x32xf32, #tpu.memory_space<hbm>>) dst(%arg8 : memref<128x32xf32, #tpu.memory_space<vmem>>)
      "tpu.region"() ({
        %run_scoped3A = tpu.sem_alloc : memref<!tpu.dma_semaphore, #tpu.memory_space<semaphore_mem>>
        %dma_start3A_304 = arith.constant 0 : i32
        %dma_start3A_305 = tpu.memref_slice %arg7[%add3A_193, %dma_start3A_304] : memref<79x128xi32, #tpu.memory_space<vmem>> -> memref<1x128xi32, #tpu.memory_space<vmem>>
        %dma_start3A_306 = tpu.memref_squeeze %dma_start3A_305 : memref<1x128xi32, #tpu.memory_space<vmem>> -> memref<128xi32, #tpu.memory_space<vmem>>
        %dma_start3A_307 = arith.constant 0 : i32
        %dma_start3A_308 = arith.constant 0 : i32
        %dma_start3A_309 = tpu.memref_slice %arg17[%dma_start3A_307, %dma_start3A_308] : memref<10240x32xf32, #tpu.memory_space<vmem_shared>> -> memref<10240x32xf32, #tpu.memory_space<vmem_shared>>
        tpu.enqueue_indirect_dma source(%arg8 : memref<128x32xf32, #tpu.memory_space<vmem>>) target(%dma_start3A_309 : memref<10240x32xf32, #tpu.memory_space<vmem_shared>>) offsets(%dma_start3A_306 : memref<128xi32, #tpu.memory_space<vmem>>) semaphore(%run_scoped3A : memref<!tpu.dma_semaphore, #tpu.memory_space<semaphore_mem>>) {add = true}
        %dma_wait3A_310 = arith.constant 0 : i32
        %dma_wait3A_311 = tpu.memref_slice %arg7[%add3A_193, %dma_wait3A_310] : memref<79x128xi32, #tpu.memory_space<vmem>> -> memref<1x128xi32, #tpu.memory_space<vmem>>
        %dma_wait3A_312 = tpu.memref_squeeze %dma_wait3A_311 : memref<1x128xi32, #tpu.memory_space<vmem>> -> memref<128xi32, #tpu.memory_space<vmem>>
        %dma_wait3A_313 = arith.constant 0 : i32
        %dma_wait3A_314 = arith.constant 0 : i32
        %dma_wait3A_315 = tpu.memref_slice %arg17[%dma_wait3A_313, %dma_wait3A_314] : memref<10240x32xf32, #tpu.memory_space<vmem_shared>> -> memref<10240x32xf32, #tpu.memory_space<vmem_shared>>
        tpu.wait_indirect_dma semaphore(%run_scoped3A : memref<!tpu.dma_semaphore, #tpu.memory_space<semaphore_mem>>) src(%arg8 : memref<128x32xf32, #tpu.memory_space<vmem>>) dst(%dma_wait3A_315 : memref<10240x32xf32, #tpu.memory_space<vmem_shared>>)
        tpu.yield
      }) : () -> ()
      %add3A_200 = arith.constant 8 : i32
      %add3A_201 = arith.addi %add3A_193, %add3A_200 : i32
      %lt3A_202 = arith.cmpi slt, %add3A_201, %add3A_8 : i32
      %convert_element_type3A_203 = arith.extui %lt3A_202 : i1 to i32
      %cond3A_204 = arith.constant 0 : i32
      %cond3A_205 = arith.cmpi ne, %convert_element_type3A_203, %cond3A_204 : i32
      scf.if %cond3A_205 {
        %add3A_304 = arith.constant 8 : i32
        %add3A_305 = arith.addi %add3A_193, %add3A_304 : i32
        %dma_start3A_306 = arith.constant 0 : i32
        %dma_start3A_307 = tpu.memref_slice %arg6[%add3A_305, %dma_start3A_306] : memref<79x128xi32, #tpu.memory_space<vmem>> -> memref<1x128xi32, #tpu.memory_space<vmem>>
        %dma_start3A_308 = tpu.memref_squeeze %dma_start3A_307 : memref<1x128xi32, #tpu.memory_space<vmem>> -> memref<128xi32, #tpu.memory_space<vmem>>
        %dma_start3A_309 = arith.constant 0 : i32
        %dma_start3A_310 = arith.constant 0 : i32
        %dma_start3A_311 = tpu.memref_slice %arg2[%dma_start3A_309, %dma_start3A_310] : memref<10000x32xf32, #tpu.memory_space<hbm>> -> memref<10000x32xf32, #tpu.memory_space<hbm>>
        tpu.enqueue_indirect_dma source(%dma_start3A_311 : memref<10000x32xf32, #tpu.memory_space<hbm>>) target(%arg8 : memref<128x32xf32, #tpu.memory_space<vmem>>) offsets(%dma_start3A_308 : memref<128xi32, #tpu.memory_space<vmem>>) semaphore(%arg18 : memref<!tpu.dma_semaphore, #tpu.memory_space<semaphore_mem>>)
      } else {
      }
      %add3A_206 = arith.constant 1 : i32
      %add3A_207 = arith.addi %mul3A_191, %add3A_206 : i32
      %dma_wait3A_208 = arith.constant 0 : i32
      %dma_wait3A_209 = arith.constant 0 : i32
      %dma_wait3A_210 = tpu.memref_slice %arg2[%dma_wait3A_208, %dma_wait3A_209] : memref<10000x32xf32, #tpu.memory_space<hbm>> -> memref<128x32xf32, #tpu.memory_space<hbm>>
      %dma_wait3A_211 = arith.constant 0 : i32
      %dma_wait3A_212 = arith.constant 0 : i32
      %dma_wait3A_213 = tpu.memref_slice %arg2[%dma_wait3A_211, %dma_wait3A_212] : memref<10000x32xf32, #tpu.memory_space<hbm>> -> memref<128x32xf32, #tpu.memory_space<hbm>>
      tpu.wait_dma2 semaphore(%arg19 : memref<!tpu.dma_semaphore, #tpu.memory_space<semaphore_mem>>) src(%dma_wait3A_213 : memref<128x32xf32, #tpu.memory_space<hbm>>) dst(%arg9 : memref<128x32xf32, #tpu.memory_space<vmem>>)
      "tpu.region"() ({
        %run_scoped3A = tpu.sem_alloc : memref<!tpu.dma_semaphore, #tpu.memory_space<semaphore_mem>>
        %dma_start3A_304 = arith.constant 0 : i32
        %dma_start3A_305 = tpu.memref_slice %arg7[%add3A_207, %dma_start3A_304] : memref<79x128xi32, #tpu.memory_space<vmem>> -> memref<1x128xi32, #tpu.memory_space<vmem>>
        %dma_start3A_306 = tpu.memref_squeeze %dma_start3A_305 : memref<1x128xi32, #tpu.memory_space<vmem>> -> memref<128xi32, #tpu.memory_space<vmem>>
        %dma_start3A_307 = arith.constant 0 : i32
        %dma_start3A_308 = arith.constant 0 : i32
        %dma_start3A_309 = tpu.memref_slice %arg17[%dma_start3A_307, %dma_start3A_308] : memref<10240x32xf32, #tpu.memory_space<vmem_shared>> -> memref<10240x32xf32, #tpu.memory_space<vmem_shared>>
        tpu.enqueue_indirect_dma source(%arg9 : memref<128x32xf32, #tpu.memory_space<vmem>>) target(%dma_start3A_309 : memref<10240x32xf32, #tpu.memory_space<vmem_shared>>) offsets(%dma_start3A_306 : memref<128xi32, #tpu.memory_space<vmem>>) semaphore(%run_scoped3A : memref<!tpu.dma_semaphore, #tpu.memory_space<semaphore_mem>>) {add = true}
        %dma_wait3A_310 = arith.constant 0 : i32
        %dma_wait3A_311 = tpu.memref_slice %arg7[%add3A_207, %dma_wait3A_310] : memref<79x128xi32, #tpu.memory_space<vmem>> -> memref<1x128xi32, #tpu.memory_space<vmem>>
        %dma_wait3A_312 = tpu.memref_squeeze %dma_wait3A_311 : memref<1x128xi32, #tpu.memory_space<vmem>> -> memref<128xi32, #tpu.memory_space<vmem>>
        %dma_wait3A_313 = arith.constant 0 : i32
        %dma_wait3A_314 = arith.constant 0 : i32
        %dma_wait3A_315 = tpu.memref_slice %arg17[%dma_wait3A_313, %dma_wait3A_314] : memref<10240x32xf32, #tpu.memory_space<vmem_shared>> -> memref<10240x32xf32, #tpu.memory_space<vmem_shared>>
        tpu.wait_indirect_dma semaphore(%run_scoped3A : memref<!tpu.dma_semaphore, #tpu.memory_space<semaphore_mem>>) src(%arg9 : memref<128x32xf32, #tpu.memory_space<vmem>>) dst(%dma_wait3A_315 : memref<10240x32xf32, #tpu.memory_space<vmem_shared>>)
        tpu.yield
      }) : () -> ()
      %add3A_214 = arith.constant 8 : i32
      %add3A_215 = arith.addi %add3A_207, %add3A_214 : i32
      %lt3A_216 = arith.cmpi slt, %add3A_215, %add3A_8 : i32
      %convert_element_type3A_217 = arith.extui %lt3A_216 : i1 to i32
      %cond3A_218 = arith.constant 0 : i32
      %cond3A_219 = arith.cmpi ne, %convert_element_type3A_217, %cond3A_218 : i32
      scf.if %cond3A_219 {
        %add3A_304 = arith.constant 8 : i32
        %add3A_305 = arith.addi %add3A_207, %add3A_304 : i32
        %dma_start3A_306 = arith.constant 0 : i32
        %dma_start3A_307 = tpu.memref_slice %arg6[%add3A_305, %dma_start3A_306] : memref<79x128xi32, #tpu.memory_space<vmem>> -> memref<1x128xi32, #tpu.memory_space<vmem>>
        %dma_start3A_308 = tpu.memref_squeeze %dma_start3A_307 : memref<1x128xi32, #tpu.memory_space<vmem>> -> memref<128xi32, #tpu.memory_space<vmem>>
        %dma_start3A_309 = arith.constant 0 : i32
        %dma_start3A_310 = arith.constant 0 : i32
        %dma_start3A_311 = tpu.memref_slice %arg2[%dma_start3A_309, %dma_start3A_310] : memref<10000x32xf32, #tpu.memory_space<hbm>> -> memref<10000x32xf32, #tpu.memory_space<hbm>>
        tpu.enqueue_indirect_dma source(%dma_start3A_311 : memref<10000x32xf32, #tpu.memory_space<hbm>>) target(%arg9 : memref<128x32xf32, #tpu.memory_space<vmem>>) offsets(%dma_start3A_308 : memref<128xi32, #tpu.memory_space<vmem>>) semaphore(%arg19 : memref<!tpu.dma_semaphore, #tpu.memory_space<semaphore_mem>>)
      } else {
      }
      %add3A_220 = arith.constant 2 : i32
      %add3A_221 = arith.addi %mul3A_191, %add3A_220 : i32
      %dma_wait3A_222 = arith.constant 0 : i32
      %dma_wait3A_223 = arith.constant 0 : i32
      %dma_wait3A_224 = tpu.memref_slice %arg2[%dma_wait3A_222, %dma_wait3A_223] : memref<10000x32xf32, #tpu.memory_space<hbm>> -> memref<128x32xf32, #tpu.memory_space<hbm>>
      %dma_wait3A_225 = arith.constant 0 : i32
      %dma_wait3A_226 = arith.constant 0 : i32
      %dma_wait3A_227 = tpu.memref_slice %arg2[%dma_wait3A_225, %dma_wait3A_226] : memref<10000x32xf32, #tpu.memory_space<hbm>> -> memref<128x32xf32, #tpu.memory_space<hbm>>
      tpu.wait_dma2 semaphore(%arg20 : memref<!tpu.dma_semaphore, #tpu.memory_space<semaphore_mem>>) src(%dma_wait3A_227 : memref<128x32xf32, #tpu.memory_space<hbm>>) dst(%arg10 : memref<128x32xf32, #tpu.memory_space<vmem>>)
      "tpu.region"() ({
        %run_scoped3A = tpu.sem_alloc : memref<!tpu.dma_semaphore, #tpu.memory_space<semaphore_mem>>
        %dma_start3A_304 = arith.constant 0 : i32
        %dma_start3A_305 = tpu.memref_slice %arg7[%add3A_221, %dma_start3A_304] : memref<79x128xi32, #tpu.memory_space<vmem>> -> memref<1x128xi32, #tpu.memory_space<vmem>>
        %dma_start3A_306 = tpu.memref_squeeze %dma_start3A_305 : memref<1x128xi32, #tpu.memory_space<vmem>> -> memref<128xi32, #tpu.memory_space<vmem>>
        %dma_start3A_307 = arith.constant 0 : i32
        %dma_start3A_308 = arith.constant 0 : i32
        %dma_start3A_309 = tpu.memref_slice %arg17[%dma_start3A_307, %dma_start3A_308] : memref<10240x32xf32, #tpu.memory_space<vmem_shared>> -> memref<10240x32xf32, #tpu.memory_space<vmem_shared>>
        tpu.enqueue_indirect_dma source(%arg10 : memref<128x32xf32, #tpu.memory_space<vmem>>) target(%dma_start3A_309 : memref<10240x32xf32, #tpu.memory_space<vmem_shared>>) offsets(%dma_start3A_306 : memref<128xi32, #tpu.memory_space<vmem>>) semaphore(%run_scoped3A : memref<!tpu.dma_semaphore, #tpu.memory_space<semaphore_mem>>) {add = true}
        %dma_wait3A_310 = arith.constant 0 : i32
        %dma_wait3A_311 = tpu.memref_slice %arg7[%add3A_221, %dma_wait3A_310] : memref<79x128xi32, #tpu.memory_space<vmem>> -> memref<1x128xi32, #tpu.memory_space<vmem>>
        %dma_wait3A_312 = tpu.memref_squeeze %dma_wait3A_311 : memref<1x128xi32, #tpu.memory_space<vmem>> -> memref<128xi32, #tpu.memory_space<vmem>>
        %dma_wait3A_313 = arith.constant 0 : i32
        %dma_wait3A_314 = arith.constant 0 : i32
        %dma_wait3A_315 = tpu.memref_slice %arg17[%dma_wait3A_313, %dma_wait3A_314] : memref<10240x32xf32, #tpu.memory_space<vmem_shared>> -> memref<10240x32xf32, #tpu.memory_space<vmem_shared>>
        tpu.wait_indirect_dma semaphore(%run_scoped3A : memref<!tpu.dma_semaphore, #tpu.memory_space<semaphore_mem>>) src(%arg10 : memref<128x32xf32, #tpu.memory_space<vmem>>) dst(%dma_wait3A_315 : memref<10240x32xf32, #tpu.memory_space<vmem_shared>>)
        tpu.yield
      }) : () -> ()
      %add3A_228 = arith.constant 8 : i32
      %add3A_229 = arith.addi %add3A_221, %add3A_228 : i32
      %lt3A_230 = arith.cmpi slt, %add3A_229, %add3A_8 : i32
      %convert_element_type3A_231 = arith.extui %lt3A_230 : i1 to i32
      %cond3A_232 = arith.constant 0 : i32
      %cond3A_233 = arith.cmpi ne, %convert_element_type3A_231, %cond3A_232 : i32
      scf.if %cond3A_233 {
        %add3A_304 = arith.constant 8 : i32
        %add3A_305 = arith.addi %add3A_221, %add3A_304 : i32
        %dma_start3A_306 = arith.constant 0 : i32
        %dma_start3A_307 = tpu.memref_slice %arg6[%add3A_305, %dma_start3A_306] : memref<79x128xi32, #tpu.memory_space<vmem>> -> memref<1x128xi32, #tpu.memory_space<vmem>>
        %dma_start3A_308 = tpu.memref_squeeze %dma_start3A_307 : memref<1x128xi32, #tpu.memory_space<vmem>> -> memref<128xi32, #tpu.memory_space<vmem>>
        %dma_start3A_309 = arith.constant 0 : i32
        %dma_start3A_310 = arith.constant 0 : i32
        %dma_start3A_311 = tpu.memref_slice %arg2[%dma_start3A_309, %dma_start3A_310] : memref<10000x32xf32, #tpu.memory_space<hbm>> -> memref<10000x32xf32, #tpu.memory_space<hbm>>
        tpu.enqueue_indirect_dma source(%dma_start3A_311 : memref<10000x32xf32, #tpu.memory_space<hbm>>) target(%arg10 : memref<128x32xf32, #tpu.memory_space<vmem>>) offsets(%dma_start3A_308 : memref<128xi32, #tpu.memory_space<vmem>>) semaphore(%arg20 : memref<!tpu.dma_semaphore, #tpu.memory_space<semaphore_mem>>)
      } else {
      }
      %add3A_234 = arith.constant 3 : i32
      %add3A_235 = arith.addi %mul3A_191, %add3A_234 : i32
      %dma_wait3A_236 = arith.constant 0 : i32
      %dma_wait3A_237 = arith.constant 0 : i32
      %dma_wait3A_238 = tpu.memref_slice %arg2[%dma_wait3A_236, %dma_wait3A_237] : memref<10000x32xf32, #tpu.memory_space<hbm>> -> memref<128x32xf32, #tpu.memory_space<hbm>>
      %dma_wait3A_239 = arith.constant 0 : i32
      %dma_wait3A_240 = arith.constant 0 : i32
      %dma_wait3A_241 = tpu.memref_slice %arg2[%dma_wait3A_239, %dma_wait3A_240] : memref<10000x32xf32, #tpu.memory_space<hbm>> -> memref<128x32xf32, #tpu.memory_space<hbm>>
      tpu.wait_dma2 semaphore(%arg21 : memref<!tpu.dma_semaphore, #tpu.memory_space<semaphore_mem>>) src(%dma_wait3A_241 : memref<128x32xf32, #tpu.memory_space<hbm>>) dst(%arg11 : memref<128x32xf32, #tpu.memory_space<vmem>>)
      "tpu.region"() ({
        %run_scoped3A = tpu.sem_alloc : memref<!tpu.dma_semaphore, #tpu.memory_space<semaphore_mem>>
        %dma_start3A_304 = arith.constant 0 : i32
        %dma_start3A_305 = tpu.memref_slice %arg7[%add3A_235, %dma_start3A_304] : memref<79x128xi32, #tpu.memory_space<vmem>> -> memref<1x128xi32, #tpu.memory_space<vmem>>
        %dma_start3A_306 = tpu.memref_squeeze %dma_start3A_305 : memref<1x128xi32, #tpu.memory_space<vmem>> -> memref<128xi32, #tpu.memory_space<vmem>>
        %dma_start3A_307 = arith.constant 0 : i32
        %dma_start3A_308 = arith.constant 0 : i32
        %dma_start3A_309 = tpu.memref_slice %arg17[%dma_start3A_307, %dma_start3A_308] : memref<10240x32xf32, #tpu.memory_space<vmem_shared>> -> memref<10240x32xf32, #tpu.memory_space<vmem_shared>>
        tpu.enqueue_indirect_dma source(%arg11 : memref<128x32xf32, #tpu.memory_space<vmem>>) target(%dma_start3A_309 : memref<10240x32xf32, #tpu.memory_space<vmem_shared>>) offsets(%dma_start3A_306 : memref<128xi32, #tpu.memory_space<vmem>>) semaphore(%run_scoped3A : memref<!tpu.dma_semaphore, #tpu.memory_space<semaphore_mem>>) {add = true}
        %dma_wait3A_310 = arith.constant 0 : i32
        %dma_wait3A_311 = tpu.memref_slice %arg7[%add3A_235, %dma_wait3A_310] : memref<79x128xi32, #tpu.memory_space<vmem>> -> memref<1x128xi32, #tpu.memory_space<vmem>>
        %dma_wait3A_312 = tpu.memref_squeeze %dma_wait3A_311 : memref<1x128xi32, #tpu.memory_space<vmem>> -> memref<128xi32, #tpu.memory_space<vmem>>
        %dma_wait3A_313 = arith.constant 0 : i32
        %dma_wait3A_314 = arith.constant 0 : i32
        %dma_wait3A_315 = tpu.memref_slice %arg17[%dma_wait3A_313, %dma_wait3A_314] : memref<10240x32xf32, #tpu.memory_space<vmem_shared>> -> memref<10240x32xf32, #tpu.memory_space<vmem_shared>>
        tpu.wait_indirect_dma semaphore(%run_scoped3A : memref<!tpu.dma_semaphore, #tpu.memory_space<semaphore_mem>>) src(%arg11 : memref<128x32xf32, #tpu.memory_space<vmem>>) dst(%dma_wait3A_315 : memref<10240x32xf32, #tpu.memory_space<vmem_shared>>)
        tpu.yield
      }) : () -> ()
      %add3A_242 = arith.constant 8 : i32
      %add3A_243 = arith.addi %add3A_235, %add3A_242 : i32
      %lt3A_244 = arith.cmpi slt, %add3A_243, %add3A_8 : i32
      %convert_element_type3A_245 = arith.extui %lt3A_244 : i1 to i32
      %cond3A_246 = arith.constant 0 : i32
      %cond3A_247 = arith.cmpi ne, %convert_element_type3A_245, %cond3A_246 : i32
      scf.if %cond3A_247 {
        %add3A_304 = arith.constant 8 : i32
        %add3A_305 = arith.addi %add3A_235, %add3A_304 : i32
        %dma_start3A_306 = arith.constant 0 : i32
        %dma_start3A_307 = tpu.memref_slice %arg6[%add3A_305, %dma_start3A_306] : memref<79x128xi32, #tpu.memory_space<vmem>> -> memref<1x128xi32, #tpu.memory_space<vmem>>
        %dma_start3A_308 = tpu.memref_squeeze %dma_start3A_307 : memref<1x128xi32, #tpu.memory_space<vmem>> -> memref<128xi32, #tpu.memory_space<vmem>>
        %dma_start3A_309 = arith.constant 0 : i32
        %dma_start3A_310 = arith.constant 0 : i32
        %dma_start3A_311 = tpu.memref_slice %arg2[%dma_start3A_309, %dma_start3A_310] : memref<10000x32xf32, #tpu.memory_space<hbm>> -> memref<10000x32xf32, #tpu.memory_space<hbm>>
        tpu.enqueue_indirect_dma source(%dma_start3A_311 : memref<10000x32xf32, #tpu.memory_space<hbm>>) target(%arg11 : memref<128x32xf32, #tpu.memory_space<vmem>>) offsets(%dma_start3A_308 : memref<128xi32, #tpu.memory_space<vmem>>) semaphore(%arg21 : memref<!tpu.dma_semaphore, #tpu.memory_space<semaphore_mem>>)
      } else {
      }
      %add3A_248 = arith.constant 4 : i32
      %add3A_249 = arith.addi %mul3A_191, %add3A_248 : i32
      %dma_wait3A_250 = arith.constant 0 : i32
      %dma_wait3A_251 = arith.constant 0 : i32
      %dma_wait3A_252 = tpu.memref_slice %arg2[%dma_wait3A_250, %dma_wait3A_251] : memref<10000x32xf32, #tpu.memory_space<hbm>> -> memref<128x32xf32, #tpu.memory_space<hbm>>
      %dma_wait3A_253 = arith.constant 0 : i32
      %dma_wait3A_254 = arith.constant 0 : i32
      %dma_wait3A_255 = tpu.memref_slice %arg2[%dma_wait3A_253, %dma_wait3A_254] : memref<10000x32xf32, #tpu.memory_space<hbm>> -> memref<128x32xf32, #tpu.memory_space<hbm>>
      tpu.wait_dma2 semaphore(%arg22 : memref<!tpu.dma_semaphore, #tpu.memory_space<semaphore_mem>>) src(%dma_wait3A_255 : memref<128x32xf32, #tpu.memory_space<hbm>>) dst(%arg12 : memref<128x32xf32, #tpu.memory_space<vmem>>)
      "tpu.region"() ({
        %run_scoped3A = tpu.sem_alloc : memref<!tpu.dma_semaphore, #tpu.memory_space<semaphore_mem>>
        %dma_start3A_304 = arith.constant 0 : i32
        %dma_start3A_305 = tpu.memref_slice %arg7[%add3A_249, %dma_start3A_304] : memref<79x128xi32, #tpu.memory_space<vmem>> -> memref<1x128xi32, #tpu.memory_space<vmem>>
        %dma_start3A_306 = tpu.memref_squeeze %dma_start3A_305 : memref<1x128xi32, #tpu.memory_space<vmem>> -> memref<128xi32, #tpu.memory_space<vmem>>
        %dma_start3A_307 = arith.constant 0 : i32
        %dma_start3A_308 = arith.constant 0 : i32
        %dma_start3A_309 = tpu.memref_slice %arg17[%dma_start3A_307, %dma_start3A_308] : memref<10240x32xf32, #tpu.memory_space<vmem_shared>> -> memref<10240x32xf32, #tpu.memory_space<vmem_shared>>
        tpu.enqueue_indirect_dma source(%arg12 : memref<128x32xf32, #tpu.memory_space<vmem>>) target(%dma_start3A_309 : memref<10240x32xf32, #tpu.memory_space<vmem_shared>>) offsets(%dma_start3A_306 : memref<128xi32, #tpu.memory_space<vmem>>) semaphore(%run_scoped3A : memref<!tpu.dma_semaphore, #tpu.memory_space<semaphore_mem>>) {add = true}
        %dma_wait3A_310 = arith.constant 0 : i32
        %dma_wait3A_311 = tpu.memref_slice %arg7[%add3A_249, %dma_wait3A_310] : memref<79x128xi32, #tpu.memory_space<vmem>> -> memref<1x128xi32, #tpu.memory_space<vmem>>
        %dma_wait3A_312 = tpu.memref_squeeze %dma_wait3A_311 : memref<1x128xi32, #tpu.memory_space<vmem>> -> memref<128xi32, #tpu.memory_space<vmem>>
        %dma_wait3A_313 = arith.constant 0 : i32
        %dma_wait3A_314 = arith.constant 0 : i32
        %dma_wait3A_315 = tpu.memref_slice %arg17[%dma_wait3A_313, %dma_wait3A_314] : memref<10240x32xf32, #tpu.memory_space<vmem_shared>> -> memref<10240x32xf32, #tpu.memory_space<vmem_shared>>
        tpu.wait_indirect_dma semaphore(%run_scoped3A : memref<!tpu.dma_semaphore, #tpu.memory_space<semaphore_mem>>) src(%arg12 : memref<128x32xf32, #tpu.memory_space<vmem>>) dst(%dma_wait3A_315 : memref<10240x32xf32, #tpu.memory_space<vmem_shared>>)
        tpu.yield
      }) : () -> ()
      %add3A_256 = arith.constant 8 : i32
      %add3A_257 = arith.addi %add3A_249, %add3A_256 : i32
      %lt3A_258 = arith.cmpi slt, %add3A_257, %add3A_8 : i32
      %convert_element_type3A_259 = arith.extui %lt3A_258 : i1 to i32
      %cond3A_260 = arith.constant 0 : i32
      %cond3A_261 = arith.cmpi ne, %convert_element_type3A_259, %cond3A_260 : i32
      scf.if %cond3A_261 {
        %add3A_304 = arith.constant 8 : i32
        %add3A_305 = arith.addi %add3A_249, %add3A_304 : i32
        %dma_start3A_306 = arith.constant 0 : i32
        %dma_start3A_307 = tpu.memref_slice %arg6[%add3A_305, %dma_start3A_306] : memref<79x128xi32, #tpu.memory_space<vmem>> -> memref<1x128xi32, #tpu.memory_space<vmem>>
        %dma_start3A_308 = tpu.memref_squeeze %dma_start3A_307 : memref<1x128xi32, #tpu.memory_space<vmem>> -> memref<128xi32, #tpu.memory_space<vmem>>
        %dma_start3A_309 = arith.constant 0 : i32
        %dma_start3A_310 = arith.constant 0 : i32
        %dma_start3A_311 = tpu.memref_slice %arg2[%dma_start3A_309, %dma_start3A_310] : memref<10000x32xf32, #tpu.memory_space<hbm>> -> memref<10000x32xf32, #tpu.memory_space<hbm>>
        tpu.enqueue_indirect_dma source(%dma_start3A_311 : memref<10000x32xf32, #tpu.memory_space<hbm>>) target(%arg12 : memref<128x32xf32, #tpu.memory_space<vmem>>) offsets(%dma_start3A_308 : memref<128xi32, #tpu.memory_space<vmem>>) semaphore(%arg22 : memref<!tpu.dma_semaphore, #tpu.memory_space<semaphore_mem>>)
      } else {
      }
      %add3A_262 = arith.constant 5 : i32
      %add3A_263 = arith.addi %mul3A_191, %add3A_262 : i32
      %dma_wait3A_264 = arith.constant 0 : i32
      %dma_wait3A_265 = arith.constant 0 : i32
      %dma_wait3A_266 = tpu.memref_slice %arg2[%dma_wait3A_264, %dma_wait3A_265] : memref<10000x32xf32, #tpu.memory_space<hbm>> -> memref<128x32xf32, #tpu.memory_space<hbm>>
      %dma_wait3A_267 = arith.constant 0 : i32
      %dma_wait3A_268 = arith.constant 0 : i32
      %dma_wait3A_269 = tpu.memref_slice %arg2[%dma_wait3A_267, %dma_wait3A_268] : memref<10000x32xf32, #tpu.memory_space<hbm>> -> memref<128x32xf32, #tpu.memory_space<hbm>>
      tpu.wait_dma2 semaphore(%arg23 : memref<!tpu.dma_semaphore, #tpu.memory_space<semaphore_mem>>) src(%dma_wait3A_269 : memref<128x32xf32, #tpu.memory_space<hbm>>) dst(%arg13 : memref<128x32xf32, #tpu.memory_space<vmem>>)
      "tpu.region"() ({
        %run_scoped3A = tpu.sem_alloc : memref<!tpu.dma_semaphore, #tpu.memory_space<semaphore_mem>>
        %dma_start3A_304 = arith.constant 0 : i32
        %dma_start3A_305 = tpu.memref_slice %arg7[%add3A_263, %dma_start3A_304] : memref<79x128xi32, #tpu.memory_space<vmem>> -> memref<1x128xi32, #tpu.memory_space<vmem>>
        %dma_start3A_306 = tpu.memref_squeeze %dma_start3A_305 : memref<1x128xi32, #tpu.memory_space<vmem>> -> memref<128xi32, #tpu.memory_space<vmem>>
        %dma_start3A_307 = arith.constant 0 : i32
        %dma_start3A_308 = arith.constant 0 : i32
        %dma_start3A_309 = tpu.memref_slice %arg17[%dma_start3A_307, %dma_start3A_308] : memref<10240x32xf32, #tpu.memory_space<vmem_shared>> -> memref<10240x32xf32, #tpu.memory_space<vmem_shared>>
        tpu.enqueue_indirect_dma source(%arg13 : memref<128x32xf32, #tpu.memory_space<vmem>>) target(%dma_start3A_309 : memref<10240x32xf32, #tpu.memory_space<vmem_shared>>) offsets(%dma_start3A_306 : memref<128xi32, #tpu.memory_space<vmem>>) semaphore(%run_scoped3A : memref<!tpu.dma_semaphore, #tpu.memory_space<semaphore_mem>>) {add = true}
        %dma_wait3A_310 = arith.constant 0 : i32
        %dma_wait3A_311 = tpu.memref_slice %arg7[%add3A_263, %dma_wait3A_310] : memref<79x128xi32, #tpu.memory_space<vmem>> -> memref<1x128xi32, #tpu.memory_space<vmem>>
        %dma_wait3A_312 = tpu.memref_squeeze %dma_wait3A_311 : memref<1x128xi32, #tpu.memory_space<vmem>> -> memref<128xi32, #tpu.memory_space<vmem>>
        %dma_wait3A_313 = arith.constant 0 : i32
        %dma_wait3A_314 = arith.constant 0 : i32
        %dma_wait3A_315 = tpu.memref_slice %arg17[%dma_wait3A_313, %dma_wait3A_314] : memref<10240x32xf32, #tpu.memory_space<vmem_shared>> -> memref<10240x32xf32, #tpu.memory_space<vmem_shared>>
        tpu.wait_indirect_dma semaphore(%run_scoped3A : memref<!tpu.dma_semaphore, #tpu.memory_space<semaphore_mem>>) src(%arg13 : memref<128x32xf32, #tpu.memory_space<vmem>>) dst(%dma_wait3A_315 : memref<10240x32xf32, #tpu.memory_space<vmem_shared>>)
        tpu.yield
      }) : () -> ()
      %add3A_270 = arith.constant 8 : i32
      %add3A_271 = arith.addi %add3A_263, %add3A_270 : i32
      %lt3A_272 = arith.cmpi slt, %add3A_271, %add3A_8 : i32
      %convert_element_type3A_273 = arith.extui %lt3A_272 : i1 to i32
      %cond3A_274 = arith.constant 0 : i32
      %cond3A_275 = arith.cmpi ne, %convert_element_type3A_273, %cond3A_274 : i32
      scf.if %cond3A_275 {
        %add3A_304 = arith.constant 8 : i32
        %add3A_305 = arith.addi %add3A_263, %add3A_304 : i32
        %dma_start3A_306 = arith.constant 0 : i32
        %dma_start3A_307 = tpu.memref_slice %arg6[%add3A_305, %dma_start3A_306] : memref<79x128xi32, #tpu.memory_space<vmem>> -> memref<1x128xi32, #tpu.memory_space<vmem>>
        %dma_start3A_308 = tpu.memref_squeeze %dma_start3A_307 : memref<1x128xi32, #tpu.memory_space<vmem>> -> memref<128xi32, #tpu.memory_space<vmem>>
        %dma_start3A_309 = arith.constant 0 : i32
        %dma_start3A_310 = arith.constant 0 : i32
        %dma_start3A_311 = tpu.memref_slice %arg2[%dma_start3A_309, %dma_start3A_310] : memref<10000x32xf32, #tpu.memory_space<hbm>> -> memref<10000x32xf32, #tpu.memory_space<hbm>>
        tpu.enqueue_indirect_dma source(%dma_start3A_311 : memref<10000x32xf32, #tpu.memory_space<hbm>>) target(%arg13 : memref<128x32xf32, #tpu.memory_space<vmem>>) offsets(%dma_start3A_308 : memref<128xi32, #tpu.memory_space<vmem>>) semaphore(%arg23 : memref<!tpu.dma_semaphore, #tpu.memory_space<semaphore_mem>>)
      } else {
      }
      %add3A_276 = arith.constant 6 : i32
      %add3A_277 = arith.addi %mul3A_191, %add3A_276 : i32
      %dma_wait3A_278 = arith.constant 0 : i32
      %dma_wait3A_279 = arith.constant 0 : i32
      %dma_wait3A_280 = tpu.memref_slice %arg2[%dma_wait3A_278, %dma_wait3A_279] : memref<10000x32xf32, #tpu.memory_space<hbm>> -> memref<128x32xf32, #tpu.memory_space<hbm>>
      %dma_wait3A_281 = arith.constant 0 : i32
      %dma_wait3A_282 = arith.constant 0 : i32
      %dma_wait3A_283 = tpu.memref_slice %arg2[%dma_wait3A_281, %dma_wait3A_282] : memref<10000x32xf32, #tpu.memory_space<hbm>> -> memref<128x32xf32, #tpu.memory_space<hbm>>
      tpu.wait_dma2 semaphore(%arg24 : memref<!tpu.dma_semaphore, #tpu.memory_space<semaphore_mem>>) src(%dma_wait3A_283 : memref<128x32xf32, #tpu.memory_space<hbm>>) dst(%arg14 : memref<128x32xf32, #tpu.memory_space<vmem>>)
      "tpu.region"() ({
        %run_scoped3A = tpu.sem_alloc : memref<!tpu.dma_semaphore, #tpu.memory_space<semaphore_mem>>
        %dma_start3A_304 = arith.constant 0 : i32
        %dma_start3A_305 = tpu.memref_slice %arg7[%add3A_277, %dma_start3A_304] : memref<79x128xi32, #tpu.memory_space<vmem>> -> memref<1x128xi32, #tpu.memory_space<vmem>>
        %dma_start3A_306 = tpu.memref_squeeze %dma_start3A_305 : memref<1x128xi32, #tpu.memory_space<vmem>> -> memref<128xi32, #tpu.memory_space<vmem>>
        %dma_start3A_307 = arith.constant 0 : i32
        %dma_start3A_308 = arith.constant 0 : i32
        %dma_start3A_309 = tpu.memref_slice %arg17[%dma_start3A_307, %dma_start3A_308] : memref<10240x32xf32, #tpu.memory_space<vmem_shared>> -> memref<10240x32xf32, #tpu.memory_space<vmem_shared>>
        tpu.enqueue_indirect_dma source(%arg14 : memref<128x32xf32, #tpu.memory_space<vmem>>) target(%dma_start3A_309 : memref<10240x32xf32, #tpu.memory_space<vmem_shared>>) offsets(%dma_start3A_306 : memref<128xi32, #tpu.memory_space<vmem>>) semaphore(%run_scoped3A : memref<!tpu.dma_semaphore, #tpu.memory_space<semaphore_mem>>) {add = true}
        %dma_wait3A_310 = arith.constant 0 : i32
        %dma_wait3A_311 = tpu.memref_slice %arg7[%add3A_277, %dma_wait3A_310] : memref<79x128xi32, #tpu.memory_space<vmem>> -> memref<1x128xi32, #tpu.memory_space<vmem>>
        %dma_wait3A_312 = tpu.memref_squeeze %dma_wait3A_311 : memref<1x128xi32, #tpu.memory_space<vmem>> -> memref<128xi32, #tpu.memory_space<vmem>>
        %dma_wait3A_313 = arith.constant 0 : i32
        %dma_wait3A_314 = arith.constant 0 : i32
        %dma_wait3A_315 = tpu.memref_slice %arg17[%dma_wait3A_313, %dma_wait3A_314] : memref<10240x32xf32, #tpu.memory_space<vmem_shared>> -> memref<10240x32xf32, #tpu.memory_space<vmem_shared>>
        tpu.wait_indirect_dma semaphore(%run_scoped3A : memref<!tpu.dma_semaphore, #tpu.memory_space<semaphore_mem>>) src(%arg14 : memref<128x32xf32, #tpu.memory_space<vmem>>) dst(%dma_wait3A_315 : memref<10240x32xf32, #tpu.memory_space<vmem_shared>>)
        tpu.yield
      }) : () -> ()
      %add3A_284 = arith.constant 8 : i32
      %add3A_285 = arith.addi %add3A_277, %add3A_284 : i32
      %lt3A_286 = arith.cmpi slt, %add3A_285, %add3A_8 : i32
      %convert_element_type3A_287 = arith.extui %lt3A_286 : i1 to i32
      %cond3A_288 = arith.constant 0 : i32
      %cond3A_289 = arith.cmpi ne, %convert_element_type3A_287, %cond3A_288 : i32
      scf.if %cond3A_289 {
        %add3A_304 = arith.constant 8 : i32
        %add3A_305 = arith.addi %add3A_277, %add3A_304 : i32
        %dma_start3A_306 = arith.constant 0 : i32
        %dma_start3A_307 = tpu.memref_slice %arg6[%add3A_305, %dma_start3A_306] : memref<79x128xi32, #tpu.memory_space<vmem>> -> memref<1x128xi32, #tpu.memory_space<vmem>>
        %dma_start3A_308 = tpu.memref_squeeze %dma_start3A_307 : memref<1x128xi32, #tpu.memory_space<vmem>> -> memref<128xi32, #tpu.memory_space<vmem>>
        %dma_start3A_309 = arith.constant 0 : i32
        %dma_start3A_310 = arith.constant 0 : i32
        %dma_start3A_311 = tpu.memref_slice %arg2[%dma_start3A_309, %dma_start3A_310] : memref<10000x32xf32, #tpu.memory_space<hbm>> -> memref<10000x32xf32, #tpu.memory_space<hbm>>
        tpu.enqueue_indirect_dma source(%dma_start3A_311 : memref<10000x32xf32, #tpu.memory_space<hbm>>) target(%arg14 : memref<128x32xf32, #tpu.memory_space<vmem>>) offsets(%dma_start3A_308 : memref<128xi32, #tpu.memory_space<vmem>>) semaphore(%arg24 : memref<!tpu.dma_semaphore, #tpu.memory_space<semaphore_mem>>)
      } else {
      }
      %add3A_290 = arith.constant 7 : i32
      %add3A_291 = arith.addi %mul3A_191, %add3A_290 : i32
      %dma_wait3A_292 = arith.constant 0 : i32
      %dma_wait3A_293 = arith.constant 0 : i32
      %dma_wait3A_294 = tpu.memref_slice %arg2[%dma_wait3A_292, %dma_wait3A_293] : memref<10000x32xf32, #tpu.memory_space<hbm>> -> memref<128x32xf32, #tpu.memory_space<hbm>>
      %dma_wait3A_295 = arith.constant 0 : i32
      %dma_wait3A_296 = arith.constant 0 : i32
      %dma_wait3A_297 = tpu.memref_slice %arg2[%dma_wait3A_295, %dma_wait3A_296] : memref<10000x32xf32, #tpu.memory_space<hbm>> -> memref<128x32xf32, #tpu.memory_space<hbm>>
      tpu.wait_dma2 semaphore(%arg25 : memref<!tpu.dma_semaphore, #tpu.memory_space<semaphore_mem>>) src(%dma_wait3A_297 : memref<128x32xf32, #tpu.memory_space<hbm>>) dst(%arg15 : memref<128x32xf32, #tpu.memory_space<vmem>>)
      "tpu.region"() ({
        %run_scoped3A = tpu.sem_alloc : memref<!tpu.dma_semaphore, #tpu.memory_space<semaphore_mem>>
        %dma_start3A_304 = arith.constant 0 : i32
        %dma_start3A_305 = tpu.memref_slice %arg7[%add3A_291, %dma_start3A_304] : memref<79x128xi32, #tpu.memory_space<vmem>> -> memref<1x128xi32, #tpu.memory_space<vmem>>
        %dma_start3A_306 = tpu.memref_squeeze %dma_start3A_305 : memref<1x128xi32, #tpu.memory_space<vmem>> -> memref<128xi32, #tpu.memory_space<vmem>>
        %dma_start3A_307 = arith.constant 0 : i32
        %dma_start3A_308 = arith.constant 0 : i32
        %dma_start3A_309 = tpu.memref_slice %arg17[%dma_start3A_307, %dma_start3A_308] : memref<10240x32xf32, #tpu.memory_space<vmem_shared>> -> memref<10240x32xf32, #tpu.memory_space<vmem_shared>>
        tpu.enqueue_indirect_dma source(%arg15 : memref<128x32xf32, #tpu.memory_space<vmem>>) target(%dma_start3A_309 : memref<10240x32xf32, #tpu.memory_space<vmem_shared>>) offsets(%dma_start3A_306 : memref<128xi32, #tpu.memory_space<vmem>>) semaphore(%run_scoped3A : memref<!tpu.dma_semaphore, #tpu.memory_space<semaphore_mem>>) {add = true}
        %dma_wait3A_310 = arith.constant 0 : i32
        %dma_wait3A_311 = tpu.memref_slice %arg7[%add3A_291, %dma_wait3A_310] : memref<79x128xi32, #tpu.memory_space<vmem>> -> memref<1x128xi32, #tpu.memory_space<vmem>>
        %dma_wait3A_312 = tpu.memref_squeeze %dma_wait3A_311 : memref<1x128xi32, #tpu.memory_space<vmem>> -> memref<128xi32, #tpu.memory_space<vmem>>
        %dma_wait3A_313 = arith.constant 0 : i32
        %dma_wait3A_314 = arith.constant 0 : i32
        %dma_wait3A_315 = tpu.memref_slice %arg17[%dma_wait3A_313, %dma_wait3A_314] : memref<10240x32xf32, #tpu.memory_space<vmem_shared>> -> memref<10240x32xf32, #tpu.memory_space<vmem_shared>>
        tpu.wait_indirect_dma semaphore(%run_scoped3A : memref<!tpu.dma_semaphore, #tpu.memory_space<semaphore_mem>>) src(%arg15 : memref<128x32xf32, #tpu.memory_space<vmem>>) dst(%dma_wait3A_315 : memref<10240x32xf32, #tpu.memory_space<vmem_shared>>)
        tpu.yield
      }) : () -> ()
      %add3A_298 = arith.constant 8 : i32
      %add3A_299 = arith.addi %add3A_291, %add3A_298 : i32
      %lt3A_300 = arith.cmpi slt, %add3A_299, %add3A_8 : i32
      %convert_element_type3A_301 = arith.extui %lt3A_300 : i1 to i32
      %cond3A_302 = arith.constant 0 : i32
      %cond3A_303 = arith.cmpi ne, %convert_element_type3A_301, %cond3A_302 : i32
      scf.if %cond3A_303 {
        %add3A_304 = arith.constant 8 : i32
        %add3A_305 = arith.addi %add3A_291, %add3A_304 : i32
        %dma_start3A_306 = arith.constant 0 : i32
        %dma_start3A_307 = tpu.memref_slice %arg6[%add3A_305, %dma_start3A_306] : memref<79x128xi32, #tpu.memory_space<vmem>> -> memref<1x128xi32, #tpu.memory_space<vmem>>
        %dma_start3A_308 = tpu.memref_squeeze %dma_start3A_307 : memref<1x128xi32, #tpu.memory_space<vmem>> -> memref<128xi32, #tpu.memory_space<vmem>>
        %dma_start3A_309 = arith.constant 0 : i32
        %dma_start3A_310 = arith.constant 0 : i32
        %dma_start3A_311 = tpu.memref_slice %arg2[%dma_start3A_309, %dma_start3A_310] : memref<10000x32xf32, #tpu.memory_space<hbm>> -> memref<10000x32xf32, #tpu.memory_space<hbm>>
        tpu.enqueue_indirect_dma source(%dma_start3A_311 : memref<10000x32xf32, #tpu.memory_space<hbm>>) target(%arg15 : memref<128x32xf32, #tpu.memory_space<vmem>>) offsets(%dma_start3A_308 : memref<128xi32, #tpu.memory_space<vmem>>) semaphore(%arg25 : memref<!tpu.dma_semaphore, #tpu.memory_space<semaphore_mem>>)
      } else {
      }
    }
    %while3A_144 = arith.constant 1 : i32
    scf.for %while3A_189 = %while3A_142 to %while3A_138 step %while3A_144  : i32 {
      %mul3A_190 = arith.constant 8 : i32
      %mul3A_191 = arith.muli %while3A_189, %mul3A_190 : i32
      %add3A_192 = arith.constant 0 : i32
      %add3A_193 = arith.addi %mul3A_191, %add3A_192 : i32
      %dma_wait3A_194 = arith.constant 0 : i32
      %dma_wait3A_195 = arith.constant 0 : i32
      %dma_wait3A_196 = tpu.memref_slice %arg2[%dma_wait3A_194, %dma_wait3A_195] : memref<10000x32xf32, #tpu.memory_space<hbm>> -> memref<128x32xf32, #tpu.memory_space<hbm>>
      %dma_wait3A_197 = arith.constant 0 : i32
      %dma_wait3A_198 = arith.constant 0 : i32
      %dma_wait3A_199 = tpu.memref_slice %arg2[%dma_wait3A_197, %dma_wait3A_198] : memref<10000x32xf32, #tpu.memory_space<hbm>> -> memref<128x32xf32, #tpu.memory_space<hbm>>
      tpu.wait_dma2 semaphore(%arg18 : memref<!tpu.dma_semaphore, #tpu.memory_space<semaphore_mem>>) src(%dma_wait3A_199 : memref<128x32xf32, #tpu.memory_space<hbm>>) dst(%arg8 : memref<128x32xf32, #tpu.memory_space<vmem>>)
      "tpu.region"() ({
        %run_scoped3A = tpu.sem_alloc : memref<!tpu.dma_semaphore, #tpu.memory_space<semaphore_mem>>
        %dma_start3A_304 = arith.constant 0 : i32
        %dma_start3A_305 = tpu.memref_slice %arg7[%add3A_193, %dma_start3A_304] : memref<79x128xi32, #tpu.memory_space<vmem>> -> memref<1x128xi32, #tpu.memory_space<vmem>>
        %dma_start3A_306 = tpu.memref_squeeze %dma_start3A_305 : memref<1x128xi32, #tpu.memory_space<vmem>> -> memref<128xi32, #tpu.memory_space<vmem>>
        %dma_start3A_307 = arith.constant 0 : i32
        %dma_start3A_308 = arith.constant 0 : i32
        %dma_start3A_309 = tpu.memref_slice %arg17[%dma_start3A_307, %dma_start3A_308] : memref<10240x32xf32, #tpu.memory_space<vmem_shared>> -> memref<10240x32xf32, #tpu.memory_space<vmem_shared>>
        tpu.enqueue_indirect_dma source(%arg8 : memref<128x32xf32, #tpu.memory_space<vmem>>) target(%dma_start3A_309 : memref<10240x32xf32, #tpu.memory_space<vmem_shared>>) offsets(%dma_start3A_306 : memref<128xi32, #tpu.memory_space<vmem>>) semaphore(%run_scoped3A : memref<!tpu.dma_semaphore, #tpu.memory_space<semaphore_mem>>) {add = true}
        %dma_wait3A_310 = arith.constant 0 : i32
        %dma_wait3A_311 = tpu.memref_slice %arg7[%add3A_193, %dma_wait3A_310] : memref<79x128xi32, #tpu.memory_space<vmem>> -> memref<1x128xi32, #tpu.memory_space<vmem>>
        %dma_wait3A_312 = tpu.memref_squeeze %dma_wait3A_311 : memref<1x128xi32, #tpu.memory_space<vmem>> -> memref<128xi32, #tpu.memory_space<vmem>>
        %dma_wait3A_313 = arith.constant 0 : i32
        %dma_wait3A_314 = arith.constant 0 : i32
        %dma_wait3A_315 = tpu.memref_slice %arg17[%dma_wait3A_313, %dma_wait3A_314] : memref<10240x32xf32, #tpu.memory_space<vmem_shared>> -> memref<10240x32xf32, #tpu.memory_space<vmem_shared>>
        tpu.wait_indirect_dma semaphore(%run_scoped3A : memref<!tpu.dma_semaphore, #tpu.memory_space<semaphore_mem>>) src(%arg8 : memref<128x32xf32, #tpu.memory_space<vmem>>) dst(%dma_wait3A_315 : memref<10240x32xf32, #tpu.memory_space<vmem_shared>>)
        tpu.yield
      }) : () -> ()
      %add3A_200 = arith.constant 8 : i32
      %add3A_201 = arith.addi %add3A_193, %add3A_200 : i32
      %lt3A_202 = arith.cmpi slt, %add3A_201, %add3A_8 : i32
      %convert_element_type3A_203 = arith.extui %lt3A_202 : i1 to i32
      %cond3A_204 = arith.constant 0 : i32
      %cond3A_205 = arith.cmpi ne, %convert_element_type3A_203, %cond3A_204 : i32
      scf.if %cond3A_205 {
        %add3A_304 = arith.constant 8 : i32
        %add3A_305 = arith.addi %add3A_193, %add3A_304 : i32
        %dma_start3A_306 = arith.constant 0 : i32
        %dma_start3A_307 = tpu.memref_slice %arg6[%add3A_305, %dma_start3A_306] : memref<79x128xi32, #tpu.memory_space<vmem>> -> memref<1x128xi32, #tpu.memory_space<vmem>>
        %dma_start3A_308 = tpu.memref_squeeze %dma_start3A_307 : memref<1x128xi32, #tpu.memory_space<vmem>> -> memref<128xi32, #tpu.memory_space<vmem>>
        %dma_start3A_309 = arith.constant 0 : i32
        %dma_start3A_310 = arith.constant 0 : i32
        %dma_start3A_311 = tpu.memref_slice %arg2[%dma_start3A_309, %dma_start3A_310] : memref<10000x32xf32, #tpu.memory_space<hbm>> -> memref<10000x32xf32, #tpu.memory_space<hbm>>
        tpu.enqueue_indirect_dma source(%dma_start3A_311 : memref<10000x32xf32, #tpu.memory_space<hbm>>) target(%arg8 : memref<128x32xf32, #tpu.memory_space<vmem>>) offsets(%dma_start3A_308 : memref<128xi32, #tpu.memory_space<vmem>>) semaphore(%arg18 : memref<!tpu.dma_semaphore, #tpu.memory_space<semaphore_mem>>)
      } else {
      }
      %add3A_206 = arith.constant 1 : i32
      %add3A_207 = arith.addi %mul3A_191, %add3A_206 : i32
      %dma_wait3A_208 = arith.constant 0 : i32
      %dma_wait3A_209 = arith.constant 0 : i32
      %dma_wait3A_210 = tpu.memref_slice %arg2[%dma_wait3A_208, %dma_wait3A_209] : memref<10000x32xf32, #tpu.memory_space<hbm>> -> memref<128x32xf32, #tpu.memory_space<hbm>>
      %dma_wait3A_211 = arith.constant 0 : i32
      %dma_wait3A_212 = arith.constant 0 : i32
      %dma_wait3A_213 = tpu.memref_slice %arg2[%dma_wait3A_211, %dma_wait3A_212] : memref<10000x32xf32, #tpu.memory_space<hbm>> -> memref<128x32xf32, #tpu.memory_space<hbm>>
      tpu.wait_dma2 semaphore(%arg19 : memref<!tpu.dma_semaphore, #tpu.memory_space<semaphore_mem>>) src(%dma_wait3A_213 : memref<128x32xf32, #tpu.memory_space<hbm>>) dst(%arg9 : memref<128x32xf32, #tpu.memory_space<vmem>>)
      "tpu.region"() ({
        %run_scoped3A = tpu.sem_alloc : memref<!tpu.dma_semaphore, #tpu.memory_space<semaphore_mem>>
        %dma_start3A_304 = arith.constant 0 : i32
        %dma_start3A_305 = tpu.memref_slice %arg7[%add3A_207, %dma_start3A_304] : memref<79x128xi32, #tpu.memory_space<vmem>> -> memref<1x128xi32, #tpu.memory_space<vmem>>
        %dma_start3A_306 = tpu.memref_squeeze %dma_start3A_305 : memref<1x128xi32, #tpu.memory_space<vmem>> -> memref<128xi32, #tpu.memory_space<vmem>>
        %dma_start3A_307 = arith.constant 0 : i32
        %dma_start3A_308 = arith.constant 0 : i32
        %dma_start3A_309 = tpu.memref_slice %arg17[%dma_start3A_307, %dma_start3A_308] : memref<10240x32xf32, #tpu.memory_space<vmem_shared>> -> memref<10240x32xf32, #tpu.memory_space<vmem_shared>>
        tpu.enqueue_indirect_dma source(%arg9 : memref<128x32xf32, #tpu.memory_space<vmem>>) target(%dma_start3A_309 : memref<10240x32xf32, #tpu.memory_space<vmem_shared>>) offsets(%dma_start3A_306 : memref<128xi32, #tpu.memory_space<vmem>>) semaphore(%run_scoped3A : memref<!tpu.dma_semaphore, #tpu.memory_space<semaphore_mem>>) {add = true}
        %dma_wait3A_310 = arith.constant 0 : i32
        %dma_wait3A_311 = tpu.memref_slice %arg7[%add3A_207, %dma_wait3A_310] : memref<79x128xi32, #tpu.memory_space<vmem>> -> memref<1x128xi32, #tpu.memory_space<vmem>>
        %dma_wait3A_312 = tpu.memref_squeeze %dma_wait3A_311 : memref<1x128xi32, #tpu.memory_space<vmem>> -> memref<128xi32, #tpu.memory_space<vmem>>
        %dma_wait3A_313 = arith.constant 0 : i32
        %dma_wait3A_314 = arith.constant 0 : i32
        %dma_wait3A_315 = tpu.memref_slice %arg17[%dma_wait3A_313, %dma_wait3A_314] : memref<10240x32xf32, #tpu.memory_space<vmem_shared>> -> memref<10240x32xf32, #tpu.memory_space<vmem_shared>>
        tpu.wait_indirect_dma semaphore(%run_scoped3A : memref<!tpu.dma_semaphore, #tpu.memory_space<semaphore_mem>>) src(%arg9 : memref<128x32xf32, #tpu.memory_space<vmem>>) dst(%dma_wait3A_315 : memref<10240x32xf32, #tpu.memory_space<vmem_shared>>)
        tpu.yield
      }) : () -> ()
      %add3A_214 = arith.constant 8 : i32
      %add3A_215 = arith.addi %add3A_207, %add3A_214 : i32
      %lt3A_216 = arith.cmpi slt, %add3A_215, %add3A_8 : i32
      %convert_element_type3A_217 = arith.extui %lt3A_216 : i1 to i32
      %cond3A_218 = arith.constant 0 : i32
      %cond3A_219 = arith.cmpi ne, %convert_element_type3A_217, %cond3A_218 : i32
      scf.if %cond3A_219 {
        %add3A_304 = arith.constant 8 : i32
        %add3A_305 = arith.addi %add3A_207, %add3A_304 : i32
        %dma_start3A_306 = arith.constant 0 : i32
        %dma_start3A_307 = tpu.memref_slice %arg6[%add3A_305, %dma_start3A_306] : memref<79x128xi32, #tpu.memory_space<vmem>> -> memref<1x128xi32, #tpu.memory_space<vmem>>
        %dma_start3A_308 = tpu.memref_squeeze %dma_start3A_307 : memref<1x128xi32, #tpu.memory_space<vmem>> -> memref<128xi32, #tpu.memory_space<vmem>>
        %dma_start3A_309 = arith.constant 0 : i32
        %dma_start3A_310 = arith.constant 0 : i32
        %dma_start3A_311 = tpu.memref_slice %arg2[%dma_start3A_309, %dma_start3A_310] : memref<10000x32xf32, #tpu.memory_space<hbm>> -> memref<10000x32xf32, #tpu.memory_space<hbm>>
        tpu.enqueue_indirect_dma source(%dma_start3A_311 : memref<10000x32xf32, #tpu.memory_space<hbm>>) target(%arg9 : memref<128x32xf32, #tpu.memory_space<vmem>>) offsets(%dma_start3A_308 : memref<128xi32, #tpu.memory_space<vmem>>) semaphore(%arg19 : memref<!tpu.dma_semaphore, #tpu.memory_space<semaphore_mem>>)
      } else {
      }
      %add3A_220 = arith.constant 2 : i32
      %add3A_221 = arith.addi %mul3A_191, %add3A_220 : i32
      %dma_wait3A_222 = arith.constant 0 : i32
      %dma_wait3A_223 = arith.constant 0 : i32
      %dma_wait3A_224 = tpu.memref_slice %arg2[%dma_wait3A_222, %dma_wait3A_223] : memref<10000x32xf32, #tpu.memory_space<hbm>> -> memref<128x32xf32, #tpu.memory_space<hbm>>
      %dma_wait3A_225 = arith.constant 0 : i32
      %dma_wait3A_226 = arith.constant 0 : i32
      %dma_wait3A_227 = tpu.memref_slice %arg2[%dma_wait3A_225, %dma_wait3A_226] : memref<10000x32xf32, #tpu.memory_space<hbm>> -> memref<128x32xf32, #tpu.memory_space<hbm>>
      tpu.wait_dma2 semaphore(%arg20 : memref<!tpu.dma_semaphore, #tpu.memory_space<semaphore_mem>>) src(%dma_wait3A_227 : memref<128x32xf32, #tpu.memory_space<hbm>>) dst(%arg10 : memref<128x32xf32, #tpu.memory_space<vmem>>)
      "tpu.region"() ({
        %run_scoped3A = tpu.sem_alloc : memref<!tpu.dma_semaphore, #tpu.memory_space<semaphore_mem>>
        %dma_start3A_304 = arith.constant 0 : i32
        %dma_start3A_305 = tpu.memref_slice %arg7[%add3A_221, %dma_start3A_304] : memref<79x128xi32, #tpu.memory_space<vmem>> -> memref<1x128xi32, #tpu.memory_space<vmem>>
        %dma_start3A_306 = tpu.memref_squeeze %dma_start3A_305 : memref<1x128xi32, #tpu.memory_space<vmem>> -> memref<128xi32, #tpu.memory_space<vmem>>
        %dma_start3A_307 = arith.constant 0 : i32
        %dma_start3A_308 = arith.constant 0 : i32
        %dma_start3A_309 = tpu.memref_slice %arg17[%dma_start3A_307, %dma_start3A_308] : memref<10240x32xf32, #tpu.memory_space<vmem_shared>> -> memref<10240x32xf32, #tpu.memory_space<vmem_shared>>
        tpu.enqueue_indirect_dma source(%arg10 : memref<128x32xf32, #tpu.memory_space<vmem>>) target(%dma_start3A_309 : memref<10240x32xf32, #tpu.memory_space<vmem_shared>>) offsets(%dma_start3A_306 : memref<128xi32, #tpu.memory_space<vmem>>) semaphore(%run_scoped3A : memref<!tpu.dma_semaphore, #tpu.memory_space<semaphore_mem>>) {add = true}
        %dma_wait3A_310 = arith.constant 0 : i32
        %dma_wait3A_311 = tpu.memref_slice %arg7[%add3A_221, %dma_wait3A_310] : memref<79x128xi32, #tpu.memory_space<vmem>> -> memref<1x128xi32, #tpu.memory_space<vmem>>
        %dma_wait3A_312 = tpu.memref_squeeze %dma_wait3A_311 : memref<1x128xi32, #tpu.memory_space<vmem>> -> memref<128xi32, #tpu.memory_space<vmem>>
        %dma_wait3A_313 = arith.constant 0 : i32
        %dma_wait3A_314 = arith.constant 0 : i32
        %dma_wait3A_315 = tpu.memref_slice %arg17[%dma_wait3A_313, %dma_wait3A_314] : memref<10240x32xf32, #tpu.memory_space<vmem_shared>> -> memref<10240x32xf32, #tpu.memory_space<vmem_shared>>
        tpu.wait_indirect_dma semaphore(%run_scoped3A : memref<!tpu.dma_semaphore, #tpu.memory_space<semaphore_mem>>) src(%arg10 : memref<128x32xf32, #tpu.memory_space<vmem>>) dst(%dma_wait3A_315 : memref<10240x32xf32, #tpu.memory_space<vmem_shared>>)
        tpu.yield
      }) : () -> ()
      %add3A_228 = arith.constant 8 : i32
      %add3A_229 = arith.addi %add3A_221, %add3A_228 : i32
      %lt3A_230 = arith.cmpi slt, %add3A_229, %add3A_8 : i32
      %convert_element_type3A_231 = arith.extui %lt3A_230 : i1 to i32
      %cond3A_232 = arith.constant 0 : i32
      %cond3A_233 = arith.cmpi ne, %convert_element_type3A_231, %cond3A_232 : i32
      scf.if %cond3A_233 {
        %add3A_304 = arith.constant 8 : i32
        %add3A_305 = arith.addi %add3A_221, %add3A_304 : i32
        %dma_start3A_306 = arith.constant 0 : i32
        %dma_start3A_307 = tpu.memref_slice %arg6[%add3A_305, %dma_start3A_306] : memref<79x128xi32, #tpu.memory_space<vmem>> -> memref<1x128xi32, #tpu.memory_space<vmem>>
        %dma_start3A_308 = tpu.memref_squeeze %dma_start3A_307 : memref<1x128xi32, #tpu.memory_space<vmem>> -> memref<128xi32, #tpu.memory_space<vmem>>
        %dma_start3A_309 = arith.constant 0 : i32
        %dma_start3A_310 = arith.constant 0 : i32
        %dma_start3A_311 = tpu.memref_slice %arg2[%dma_start3A_309, %dma_start3A_310] : memref<10000x32xf32, #tpu.memory_space<hbm>> -> memref<10000x32xf32, #tpu.memory_space<hbm>>
        tpu.enqueue_indirect_dma source(%dma_start3A_311 : memref<10000x32xf32, #tpu.memory_space<hbm>>) target(%arg10 : memref<128x32xf32, #tpu.memory_space<vmem>>) offsets(%dma_start3A_308 : memref<128xi32, #tpu.memory_space<vmem>>) semaphore(%arg20 : memref<!tpu.dma_semaphore, #tpu.memory_space<semaphore_mem>>)
      } else {
      }
      %add3A_234 = arith.constant 3 : i32
      %add3A_235 = arith.addi %mul3A_191, %add3A_234 : i32
      %dma_wait3A_236 = arith.constant 0 : i32
      %dma_wait3A_237 = arith.constant 0 : i32
      %dma_wait3A_238 = tpu.memref_slice %arg2[%dma_wait3A_236, %dma_wait3A_237] : memref<10000x32xf32, #tpu.memory_space<hbm>> -> memref<128x32xf32, #tpu.memory_space<hbm>>
      %dma_wait3A_239 = arith.constant 0 : i32
      %dma_wait3A_240 = arith.constant 0 : i32
      %dma_wait3A_241 = tpu.memref_slice %arg2[%dma_wait3A_239, %dma_wait3A_240] : memref<10000x32xf32, #tpu.memory_space<hbm>> -> memref<128x32xf32, #tpu.memory_space<hbm>>
      tpu.wait_dma2 semaphore(%arg21 : memref<!tpu.dma_semaphore, #tpu.memory_space<semaphore_mem>>) src(%dma_wait3A_241 : memref<128x32xf32, #tpu.memory_space<hbm>>) dst(%arg11 : memref<128x32xf32, #tpu.memory_space<vmem>>)
      "tpu.region"() ({
        %run_scoped3A = tpu.sem_alloc : memref<!tpu.dma_semaphore, #tpu.memory_space<semaphore_mem>>
        %dma_start3A_304 = arith.constant 0 : i32
        %dma_start3A_305 = tpu.memref_slice %arg7[%add3A_235, %dma_start3A_304] : memref<79x128xi32, #tpu.memory_space<vmem>> -> memref<1x128xi32, #tpu.memory_space<vmem>>
        %dma_start3A_306 = tpu.memref_squeeze %dma_start3A_305 : memref<1x128xi32, #tpu.memory_space<vmem>> -> memref<128xi32, #tpu.memory_space<vmem>>
        %dma_start3A_307 = arith.constant 0 : i32
        %dma_start3A_308 = arith.constant 0 : i32
        %dma_start3A_309 = tpu.memref_slice %arg17[%dma_start3A_307, %dma_start3A_308] : memref<10240x32xf32, #tpu.memory_space<vmem_shared>> -> memref<10240x32xf32, #tpu.memory_space<vmem_shared>>
        tpu.enqueue_indirect_dma source(%arg11 : memref<128x32xf32, #tpu.memory_space<vmem>>) target(%dma_start3A_309 : memref<10240x32xf32, #tpu.memory_space<vmem_shared>>) offsets(%dma_start3A_306 : memref<128xi32, #tpu.memory_space<vmem>>) semaphore(%run_scoped3A : memref<!tpu.dma_semaphore, #tpu.memory_space<semaphore_mem>>) {add = true}
        %dma_wait3A_310 = arith.constant 0 : i32
        %dma_wait3A_311 = tpu.memref_slice %arg7[%add3A_235, %dma_wait3A_310] : memref<79x128xi32, #tpu.memory_space<vmem>> -> memref<1x128xi32, #tpu.memory_space<vmem>>
        %dma_wait3A_312 = tpu.memref_squeeze %dma_wait3A_311 : memref<1x128xi32, #tpu.memory_space<vmem>> -> memref<128xi32, #tpu.memory_space<vmem>>
        %dma_wait3A_313 = arith.constant 0 : i32
        %dma_wait3A_314 = arith.constant 0 : i32
        %dma_wait3A_315 = tpu.memref_slice %arg17[%dma_wait3A_313, %dma_wait3A_314] : memref<10240x32xf32, #tpu.memory_space<vmem_shared>> -> memref<10240x32xf32, #tpu.memory_space<vmem_shared>>
        tpu.wait_indirect_dma semaphore(%run_scoped3A : memref<!tpu.dma_semaphore, #tpu.memory_space<semaphore_mem>>) src(%arg11 : memref<128x32xf32, #tpu.memory_space<vmem>>) dst(%dma_wait3A_315 : memref<10240x32xf32, #tpu.memory_space<vmem_shared>>)
        tpu.yield
      }) : () -> ()
      %add3A_242 = arith.constant 8 : i32
      %add3A_243 = arith.addi %add3A_235, %add3A_242 : i32
      %lt3A_244 = arith.cmpi slt, %add3A_243, %add3A_8 : i32
      %convert_element_type3A_245 = arith.extui %lt3A_244 : i1 to i32
      %cond3A_246 = arith.constant 0 : i32
      %cond3A_247 = arith.cmpi ne, %convert_element_type3A_245, %cond3A_246 : i32
      scf.if %cond3A_247 {
        %add3A_304 = arith.constant 8 : i32
        %add3A_305 = arith.addi %add3A_235, %add3A_304 : i32
        %dma_start3A_306 = arith.constant 0 : i32
        %dma_start3A_307 = tpu.memref_slice %arg6[%add3A_305, %dma_start3A_306] : memref<79x128xi32, #tpu.memory_space<vmem>> -> memref<1x128xi32, #tpu.memory_space<vmem>>
        %dma_start3A_308 = tpu.memref_squeeze %dma_start3A_307 : memref<1x128xi32, #tpu.memory_space<vmem>> -> memref<128xi32, #tpu.memory_space<vmem>>
        %dma_start3A_309 = arith.constant 0 : i32
        %dma_start3A_310 = arith.constant 0 : i32
        %dma_start3A_311 = tpu.memref_slice %arg2[%dma_start3A_309, %dma_start3A_310] : memref<10000x32xf32, #tpu.memory_space<hbm>> -> memref<10000x32xf32, #tpu.memory_space<hbm>>
        tpu.enqueue_indirect_dma source(%dma_start3A_311 : memref<10000x32xf32, #tpu.memory_space<hbm>>) target(%arg11 : memref<128x32xf32, #tpu.memory_space<vmem>>) offsets(%dma_start3A_308 : memref<128xi32, #tpu.memory_space<vmem>>) semaphore(%arg21 : memref<!tpu.dma_semaphore, #tpu.memory_space<semaphore_mem>>)
      } else {
      }
      %add3A_248 = arith.constant 4 : i32
      %add3A_249 = arith.addi %mul3A_191, %add3A_248 : i32
      %dma_wait3A_250 = arith.constant 0 : i32
      %dma_wait3A_251 = arith.constant 0 : i32
      %dma_wait3A_252 = tpu.memref_slice %arg2[%dma_wait3A_250, %dma_wait3A_251] : memref<10000x32xf32, #tpu.memory_space<hbm>> -> memref<128x32xf32, #tpu.memory_space<hbm>>
      %dma_wait3A_253 = arith.constant 0 : i32
      %dma_wait3A_254 = arith.constant 0 : i32
      %dma_wait3A_255 = tpu.memref_slice %arg2[%dma_wait3A_253, %dma_wait3A_254] : memref<10000x32xf32, #tpu.memory_space<hbm>> -> memref<128x32xf32, #tpu.memory_space<hbm>>
      tpu.wait_dma2 semaphore(%arg22 : memref<!tpu.dma_semaphore, #tpu.memory_space<semaphore_mem>>) src(%dma_wait3A_255 : memref<128x32xf32, #tpu.memory_space<hbm>>) dst(%arg12 : memref<128x32xf32, #tpu.memory_space<vmem>>)
      "tpu.region"() ({
        %run_scoped3A = tpu.sem_alloc : memref<!tpu.dma_semaphore, #tpu.memory_space<semaphore_mem>>
        %dma_start3A_304 = arith.constant 0 : i32
        %dma_start3A_305 = tpu.memref_slice %arg7[%add3A_249, %dma_start3A_304] : memref<79x128xi32, #tpu.memory_space<vmem>> -> memref<1x128xi32, #tpu.memory_space<vmem>>
        %dma_start3A_306 = tpu.memref_squeeze %dma_start3A_305 : memref<1x128xi32, #tpu.memory_space<vmem>> -> memref<128xi32, #tpu.memory_space<vmem>>
        %dma_start3A_307 = arith.constant 0 : i32
        %dma_start3A_308 = arith.constant 0 : i32
        %dma_start3A_309 = tpu.memref_slice %arg17[%dma_start3A_307, %dma_start3A_308] : memref<10240x32xf32, #tpu.memory_space<vmem_shared>> -> memref<10240x32xf32, #tpu.memory_space<vmem_shared>>
        tpu.enqueue_indirect_dma source(%arg12 : memref<128x32xf32, #tpu.memory_space<vmem>>) target(%dma_start3A_309 : memref<10240x32xf32, #tpu.memory_space<vmem_shared>>) offsets(%dma_start3A_306 : memref<128xi32, #tpu.memory_space<vmem>>) semaphore(%run_scoped3A : memref<!tpu.dma_semaphore, #tpu.memory_space<semaphore_mem>>) {add = true}
        %dma_wait3A_310 = arith.constant 0 : i32
        %dma_wait3A_311 = tpu.memref_slice %arg7[%add3A_249, %dma_wait3A_310] : memref<79x128xi32, #tpu.memory_space<vmem>> -> memref<1x128xi32, #tpu.memory_space<vmem>>
        %dma_wait3A_312 = tpu.memref_squeeze %dma_wait3A_311 : memref<1x128xi32, #tpu.memory_space<vmem>> -> memref<128xi32, #tpu.memory_space<vmem>>
        %dma_wait3A_313 = arith.constant 0 : i32
        %dma_wait3A_314 = arith.constant 0 : i32
        %dma_wait3A_315 = tpu.memref_slice %arg17[%dma_wait3A_313, %dma_wait3A_314] : memref<10240x32xf32, #tpu.memory_space<vmem_shared>> -> memref<10240x32xf32, #tpu.memory_space<vmem_shared>>
        tpu.wait_indirect_dma semaphore(%run_scoped3A : memref<!tpu.dma_semaphore, #tpu.memory_space<semaphore_mem>>) src(%arg12 : memref<128x32xf32, #tpu.memory_space<vmem>>) dst(%dma_wait3A_315 : memref<10240x32xf32, #tpu.memory_space<vmem_shared>>)
        tpu.yield
      }) : () -> ()
      %add3A_256 = arith.constant 8 : i32
      %add3A_257 = arith.addi %add3A_249, %add3A_256 : i32
      %lt3A_258 = arith.cmpi slt, %add3A_257, %add3A_8 : i32
      %convert_element_type3A_259 = arith.extui %lt3A_258 : i1 to i32
      %cond3A_260 = arith.constant 0 : i32
      %cond3A_261 = arith.cmpi ne, %convert_element_type3A_259, %cond3A_260 : i32
      scf.if %cond3A_261 {
        %add3A_304 = arith.constant 8 : i32
        %add3A_305 = arith.addi %add3A_249, %add3A_304 : i32
        %dma_start3A_306 = arith.constant 0 : i32
        %dma_start3A_307 = tpu.memref_slice %arg6[%add3A_305, %dma_start3A_306] : memref<79x128xi32, #tpu.memory_space<vmem>> -> memref<1x128xi32, #tpu.memory_space<vmem>>
        %dma_start3A_308 = tpu.memref_squeeze %dma_start3A_307 : memref<1x128xi32, #tpu.memory_space<vmem>> -> memref<128xi32, #tpu.memory_space<vmem>>
        %dma_start3A_309 = arith.constant 0 : i32
        %dma_start3A_310 = arith.constant 0 : i32
        %dma_start3A_311 = tpu.memref_slice %arg2[%dma_start3A_309, %dma_start3A_310] : memref<10000x32xf32, #tpu.memory_space<hbm>> -> memref<10000x32xf32, #tpu.memory_space<hbm>>
        tpu.enqueue_indirect_dma source(%dma_start3A_311 : memref<10000x32xf32, #tpu.memory_space<hbm>>) target(%arg12 : memref<128x32xf32, #tpu.memory_space<vmem>>) offsets(%dma_start3A_308 : memref<128xi32, #tpu.memory_space<vmem>>) semaphore(%arg22 : memref<!tpu.dma_semaphore, #tpu.memory_space<semaphore_mem>>)
      } else {
      }
      %add3A_262 = arith.constant 5 : i32
      %add3A_263 = arith.addi %mul3A_191, %add3A_262 : i32
      %dma_wait3A_264 = arith.constant 0 : i32
      %dma_wait3A_265 = arith.constant 0 : i32
      %dma_wait3A_266 = tpu.memref_slice %arg2[%dma_wait3A_264, %dma_wait3A_265] : memref<10000x32xf32, #tpu.memory_space<hbm>> -> memref<128x32xf32, #tpu.memory_space<hbm>>
      %dma_wait3A_267 = arith.constant 0 : i32
      %dma_wait3A_268 = arith.constant 0 : i32
      %dma_wait3A_269 = tpu.memref_slice %arg2[%dma_wait3A_267, %dma_wait3A_268] : memref<10000x32xf32, #tpu.memory_space<hbm>> -> memref<128x32xf32, #tpu.memory_space<hbm>>
      tpu.wait_dma2 semaphore(%arg23 : memref<!tpu.dma_semaphore, #tpu.memory_space<semaphore_mem>>) src(%dma_wait3A_269 : memref<128x32xf32, #tpu.memory_space<hbm>>) dst(%arg13 : memref<128x32xf32, #tpu.memory_space<vmem>>)
      "tpu.region"() ({
        %run_scoped3A = tpu.sem_alloc : memref<!tpu.dma_semaphore, #tpu.memory_space<semaphore_mem>>
        %dma_start3A_304 = arith.constant 0 : i32
        %dma_start3A_305 = tpu.memref_slice %arg7[%add3A_263, %dma_start3A_304] : memref<79x128xi32, #tpu.memory_space<vmem>> -> memref<1x128xi32, #tpu.memory_space<vmem>>
        %dma_start3A_306 = tpu.memref_squeeze %dma_start3A_305 : memref<1x128xi32, #tpu.memory_space<vmem>> -> memref<128xi32, #tpu.memory_space<vmem>>
        %dma_start3A_307 = arith.constant 0 : i32
        %dma_start3A_308 = arith.constant 0 : i32
        %dma_start3A_309 = tpu.memref_slice %arg17[%dma_start3A_307, %dma_start3A_308] : memref<10240x32xf32, #tpu.memory_space<vmem_shared>> -> memref<10240x32xf32, #tpu.memory_space<vmem_shared>>
        tpu.enqueue_indirect_dma source(%arg13 : memref<128x32xf32, #tpu.memory_space<vmem>>) target(%dma_start3A_309 : memref<10240x32xf32, #tpu.memory_space<vmem_shared>>) offsets(%dma_start3A_306 : memref<128xi32, #tpu.memory_space<vmem>>) semaphore(%run_scoped3A : memref<!tpu.dma_semaphore, #tpu.memory_space<semaphore_mem>>) {add = true}
        %dma_wait3A_310 = arith.constant 0 : i32
        %dma_wait3A_311 = tpu.memref_slice %arg7[%add3A_263, %dma_wait3A_310] : memref<79x128xi32, #tpu.memory_space<vmem>> -> memref<1x128xi32, #tpu.memory_space<vmem>>
        %dma_wait3A_312 = tpu.memref_squeeze %dma_wait3A_311 : memref<1x128xi32, #tpu.memory_space<vmem>> -> memref<128xi32, #tpu.memory_space<vmem>>
        %dma_wait3A_313 = arith.constant 0 : i32
        %dma_wait3A_314 = arith.constant 0 : i32
        %dma_wait3A_315 = tpu.memref_slice %arg17[%dma_wait3A_313, %dma_wait3A_314] : memref<10240x32xf32, #tpu.memory_space<vmem_shared>> -> memref<10240x32xf32, #tpu.memory_space<vmem_shared>>
        tpu.wait_indirect_dma semaphore(%run_scoped3A : memref<!tpu.dma_semaphore, #tpu.memory_space<semaphore_mem>>) src(%arg13 : memref<128x32xf32, #tpu.memory_space<vmem>>) dst(%dma_wait3A_315 : memref<10240x32xf32, #tpu.memory_space<vmem_shared>>)
        tpu.yield
      }) : () -> ()
      %add3A_270 = arith.constant 8 : i32
      %add3A_271 = arith.addi %add3A_263, %add3A_270 : i32
      %lt3A_272 = arith.cmpi slt, %add3A_271, %add3A_8 : i32
      %convert_element_type3A_273 = arith.extui %lt3A_272 : i1 to i32
      %cond3A_274 = arith.constant 0 : i32
      %cond3A_275 = arith.cmpi ne, %convert_element_type3A_273, %cond3A_274 : i32
      scf.if %cond3A_275 {
        %add3A_304 = arith.constant 8 : i32
        %add3A_305 = arith.addi %add3A_263, %add3A_304 : i32
        %dma_start3A_306 = arith.constant 0 : i32
        %dma_start3A_307 = tpu.memref_slice %arg6[%add3A_305, %dma_start3A_306] : memref<79x128xi32, #tpu.memory_space<vmem>> -> memref<1x128xi32, #tpu.memory_space<vmem>>
        %dma_start3A_308 = tpu.memref_squeeze %dma_start3A_307 : memref<1x128xi32, #tpu.memory_space<vmem>> -> memref<128xi32, #tpu.memory_space<vmem>>
        %dma_start3A_309 = arith.constant 0 : i32
        %dma_start3A_310 = arith.constant 0 : i32
        %dma_start3A_311 = tpu.memref_slice %arg2[%dma_start3A_309, %dma_start3A_310] : memref<10000x32xf32, #tpu.memory_space<hbm>> -> memref<10000x32xf32, #tpu.memory_space<hbm>>
        tpu.enqueue_indirect_dma source(%dma_start3A_311 : memref<10000x32xf32, #tpu.memory_space<hbm>>) target(%arg13 : memref<128x32xf32, #tpu.memory_space<vmem>>) offsets(%dma_start3A_308 : memref<128xi32, #tpu.memory_space<vmem>>) semaphore(%arg23 : memref<!tpu.dma_semaphore, #tpu.memory_space<semaphore_mem>>)
      } else {
      }
      %add3A_276 = arith.constant 6 : i32
      %add3A_277 = arith.addi %mul3A_191, %add3A_276 : i32
      %dma_wait3A_278 = arith.constant 0 : i32
      %dma_wait3A_279 = arith.constant 0 : i32
      %dma_wait3A_280 = tpu.memref_slice %arg2[%dma_wait3A_278, %dma_wait3A_279] : memref<10000x32xf32, #tpu.memory_space<hbm>> -> memref<128x32xf32, #tpu.memory_space<hbm>>
      %dma_wait3A_281 = arith.constant 0 : i32
      %dma_wait3A_282 = arith.constant 0 : i32
      %dma_wait3A_283 = tpu.memref_slice %arg2[%dma_wait3A_281, %dma_wait3A_282] : memref<10000x32xf32, #tpu.memory_space<hbm>> -> memref<128x32xf32, #tpu.memory_space<hbm>>
      tpu.wait_dma2 semaphore(%arg24 : memref<!tpu.dma_semaphore, #tpu.memory_space<semaphore_mem>>) src(%dma_wait3A_283 : memref<128x32xf32, #tpu.memory_space<hbm>>) dst(%arg14 : memref<128x32xf32, #tpu.memory_space<vmem>>)
      "tpu.region"() ({
        %run_scoped3A = tpu.sem_alloc : memref<!tpu.dma_semaphore, #tpu.memory_space<semaphore_mem>>
        %dma_start3A_304 = arith.constant 0 : i32
        %dma_start3A_305 = tpu.memref_slice %arg7[%add3A_277, %dma_start3A_304] : memref<79x128xi32, #tpu.memory_space<vmem>> -> memref<1x128xi32, #tpu.memory_space<vmem>>
        %dma_start3A_306 = tpu.memref_squeeze %dma_start3A_305 : memref<1x128xi32, #tpu.memory_space<vmem>> -> memref<128xi32, #tpu.memory_space<vmem>>
        %dma_start3A_307 = arith.constant 0 : i32
        %dma_start3A_308 = arith.constant 0 : i32
        %dma_start3A_309 = tpu.memref_slice %arg17[%dma_start3A_307, %dma_start3A_308] : memref<10240x32xf32, #tpu.memory_space<vmem_shared>> -> memref<10240x32xf32, #tpu.memory_space<vmem_shared>>
        tpu.enqueue_indirect_dma source(%arg14 : memref<128x32xf32, #tpu.memory_space<vmem>>) target(%dma_start3A_309 : memref<10240x32xf32, #tpu.memory_space<vmem_shared>>) offsets(%dma_start3A_306 : memref<128xi32, #tpu.memory_space<vmem>>) semaphore(%run_scoped3A : memref<!tpu.dma_semaphore, #tpu.memory_space<semaphore_mem>>) {add = true}
        %dma_wait3A_310 = arith.constant 0 : i32
        %dma_wait3A_311 = tpu.memref_slice %arg7[%add3A_277, %dma_wait3A_310] : memref<79x128xi32, #tpu.memory_space<vmem>> -> memref<1x128xi32, #tpu.memory_space<vmem>>
        %dma_wait3A_312 = tpu.memref_squeeze %dma_wait3A_311 : memref<1x128xi32, #tpu.memory_space<vmem>> -> memref<128xi32, #tpu.memory_space<vmem>>
        %dma_wait3A_313 = arith.constant 0 : i32
        %dma_wait3A_314 = arith.constant 0 : i32
        %dma_wait3A_315 = tpu.memref_slice %arg17[%dma_wait3A_313, %dma_wait3A_314] : memref<10240x32xf32, #tpu.memory_space<vmem_shared>> -> memref<10240x32xf32, #tpu.memory_space<vmem_shared>>
        tpu.wait_indirect_dma semaphore(%run_scoped3A : memref<!tpu.dma_semaphore, #tpu.memory_space<semaphore_mem>>) src(%arg14 : memref<128x32xf32, #tpu.memory_space<vmem>>) dst(%dma_wait3A_315 : memref<10240x32xf32, #tpu.memory_space<vmem_shared>>)
        tpu.yield
      }) : () -> ()
      %add3A_284 = arith.constant 8 : i32
      %add3A_285 = arith.addi %add3A_277, %add3A_284 : i32
      %lt3A_286 = arith.cmpi slt, %add3A_285, %add3A_8 : i32
      %convert_element_type3A_287 = arith.extui %lt3A_286 : i1 to i32
      %cond3A_288 = arith.constant 0 : i32
      %cond3A_289 = arith.cmpi ne, %convert_element_type3A_287, %cond3A_288 : i32
      scf.if %cond3A_289 {
        %add3A_304 = arith.constant 8 : i32
        %add3A_305 = arith.addi %add3A_277, %add3A_304 : i32
        %dma_start3A_306 = arith.constant 0 : i32
        %dma_start3A_307 = tpu.memref_slice %arg6[%add3A_305, %dma_start3A_306] : memref<79x128xi32, #tpu.memory_space<vmem>> -> memref<1x128xi32, #tpu.memory_space<vmem>>
        %dma_start3A_308 = tpu.memref_squeeze %dma_start3A_307 : memref<1x128xi32, #tpu.memory_space<vmem>> -> memref<128xi32, #tpu.memory_space<vmem>>
        %dma_start3A_309 = arith.constant 0 : i32
        %dma_start3A_310 = arith.constant 0 : i32
        %dma_start3A_311 = tpu.memref_slice %arg2[%dma_start3A_309, %dma_start3A_310] : memref<10000x32xf32, #tpu.memory_space<hbm>> -> memref<10000x32xf32, #tpu.memory_space<hbm>>
        tpu.enqueue_indirect_dma source(%dma_start3A_311 : memref<10000x32xf32, #tpu.memory_space<hbm>>) target(%arg14 : memref<128x32xf32, #tpu.memory_space<vmem>>) offsets(%dma_start3A_308 : memref<128xi32, #tpu.memory_space<vmem>>) semaphore(%arg24 : memref<!tpu.dma_semaphore, #tpu.memory_space<semaphore_mem>>)
      } else {
      }
      %add3A_290 = arith.constant 7 : i32
      %add3A_291 = arith.addi %mul3A_191, %add3A_290 : i32
      %dma_wait3A_292 = arith.constant 0 : i32
      %dma_wait3A_293 = arith.constant 0 : i32
      %dma_wait3A_294 = tpu.memref_slice %arg2[%dma_wait3A_292, %dma_wait3A_293] : memref<10000x32xf32, #tpu.memory_space<hbm>> -> memref<128x32xf32, #tpu.memory_space<hbm>>
      %dma_wait3A_295 = arith.constant 0 : i32
      %dma_wait3A_296 = arith.constant 0 : i32
      %dma_wait3A_297 = tpu.memref_slice %arg2[%dma_wait3A_295, %dma_wait3A_296] : memref<10000x32xf32, #tpu.memory_space<hbm>> -> memref<128x32xf32, #tpu.memory_space<hbm>>
      tpu.wait_dma2 semaphore(%arg25 : memref<!tpu.dma_semaphore, #tpu.memory_space<semaphore_mem>>) src(%dma_wait3A_297 : memref<128x32xf32, #tpu.memory_space<hbm>>) dst(%arg15 : memref<128x32xf32, #tpu.memory_space<vmem>>)
      "tpu.region"() ({
        %run_scoped3A = tpu.sem_alloc : memref<!tpu.dma_semaphore, #tpu.memory_space<semaphore_mem>>
        %dma_start3A_304 = arith.constant 0 : i32
        %dma_start3A_305 = tpu.memref_slice %arg7[%add3A_291, %dma_start3A_304] : memref<79x128xi32, #tpu.memory_space<vmem>> -> memref<1x128xi32, #tpu.memory_space<vmem>>
        %dma_start3A_306 = tpu.memref_squeeze %dma_start3A_305 : memref<1x128xi32, #tpu.memory_space<vmem>> -> memref<128xi32, #tpu.memory_space<vmem>>
        %dma_start3A_307 = arith.constant 0 : i32
        %dma_start3A_308 = arith.constant 0 : i32
        %dma_start3A_309 = tpu.memref_slice %arg17[%dma_start3A_307, %dma_start3A_308] : memref<10240x32xf32, #tpu.memory_space<vmem_shared>> -> memref<10240x32xf32, #tpu.memory_space<vmem_shared>>
        tpu.enqueue_indirect_dma source(%arg15 : memref<128x32xf32, #tpu.memory_space<vmem>>) target(%dma_start3A_309 : memref<10240x32xf32, #tpu.memory_space<vmem_shared>>) offsets(%dma_start3A_306 : memref<128xi32, #tpu.memory_space<vmem>>) semaphore(%run_scoped3A : memref<!tpu.dma_semaphore, #tpu.memory_space<semaphore_mem>>) {add = true}
        %dma_wait3A_310 = arith.constant 0 : i32
        %dma_wait3A_311 = tpu.memref_slice %arg7[%add3A_291, %dma_wait3A_310] : memref<79x128xi32, #tpu.memory_space<vmem>> -> memref<1x128xi32, #tpu.memory_space<vmem>>
        %dma_wait3A_312 = tpu.memref_squeeze %dma_wait3A_311 : memref<1x128xi32, #tpu.memory_space<vmem>> -> memref<128xi32, #tpu.memory_space<vmem>>
        %dma_wait3A_313 = arith.constant 0 : i32
        %dma_wait3A_314 = arith.constant 0 : i32
        %dma_wait3A_315 = tpu.memref_slice %arg17[%dma_wait3A_313, %dma_wait3A_314] : memref<10240x32xf32, #tpu.memory_space<vmem_shared>> -> memref<10240x32xf32, #tpu.memory_space<vmem_shared>>
        tpu.wait_indirect_dma semaphore(%run_scoped3A : memref<!tpu.dma_semaphore, #tpu.memory_space<semaphore_mem>>) src(%arg15 : memref<128x32xf32, #tpu.memory_space<vmem>>) dst(%dma_wait3A_315 : memref<10240x32xf32, #tpu.memory_space<vmem_shared>>)
        tpu.yield
      }) : () -> ()
      %add3A_298 = arith.constant 8 : i32
      %add3A_299 = arith.addi %add3A_291, %add3A_298 : i32
      %lt3A_300 = arith.cmpi slt, %add3A_299, %add3A_8 : i32
      %convert_element_type3A_301 = arith.extui %lt3A_300 : i1 to i32
      %cond3A_302 = arith.constant 0 : i32
      %cond3A_303 = arith.cmpi ne, %convert_element_type3A_301, %cond3A_302 : i32
      scf.if %cond3A_303 {
        %add3A_304 = arith.constant 8 : i32
        %add3A_305 = arith.addi %add3A_291, %add3A_304 : i32
        %dma_start3A_306 = arith.constant 0 : i32
        %dma_start3A_307 = tpu.memref_slice %arg6[%add3A_305, %dma_start3A_306] : memref<79x128xi32, #tpu.memory_space<vmem>> -> memref<1x128xi32, #tpu.memory_space<vmem>>
        %dma_start3A_308 = tpu.memref_squeeze %dma_start3A_307 : memref<1x128xi32, #tpu.memory_space<vmem>> -> memref<128xi32, #tpu.memory_space<vmem>>
        %dma_start3A_309 = arith.constant 0 : i32
        %dma_start3A_310 = arith.constant 0 : i32
        %dma_start3A_311 = tpu.memref_slice %arg2[%dma_start3A_309, %dma_start3A_310] : memref<10000x32xf32, #tpu.memory_space<hbm>> -> memref<10000x32xf32, #tpu.memory_space<hbm>>
        tpu.enqueue_indirect_dma source(%dma_start3A_311 : memref<10000x32xf32, #tpu.memory_space<hbm>>) target(%arg15 : memref<128x32xf32, #tpu.memory_space<vmem>>) offsets(%dma_start3A_308 : memref<128xi32, #tpu.memory_space<vmem>>) semaphore(%arg25 : memref<!tpu.dma_semaphore, #tpu.memory_space<semaphore_mem>>)
      } else {
      }
    }
    %gt3A = arith.constant 0 : i32
    %gt3A_145 = arith.cmpi sgt, %sub3A_136, %gt3A : i32
    %convert_element_type3A_146 = arith.extui %gt3A_145 : i1 to i32
    %cond3A_147 = arith.constant 0 : i32
    %cond3A_148 = arith.cmpi ne, %convert_element_type3A_146, %cond3A_147 : i32
    scf.if %cond3A_148 {
      %mul3A_189 = arith.constant 8 : i32
      %mul3A_190 = arith.muli %select_n3A_133, %mul3A_189 : i32
      %add3A_191 = arith.constant 0 : i32
      %add3A_192 = arith.addi %mul3A_190, %add3A_191 : i32
      %dma_wait3A_193 = arith.constant 0 : i32
      %dma_wait3A_194 = arith.constant 0 : i32
      %dma_wait3A_195 = tpu.memref_slice %arg2[%dma_wait3A_193, %dma_wait3A_194] : memref<10000x32xf32, #tpu.memory_space<hbm>> -> memref<128x32xf32, #tpu.memory_space<hbm>>
      %dma_wait3A_196 = arith.constant 0 : i32
      %dma_wait3A_197 = arith.constant 0 : i32
      %dma_wait3A_198 = tpu.memref_slice %arg2[%dma_wait3A_196, %dma_wait3A_197] : memref<10000x32xf32, #tpu.memory_space<hbm>> -> memref<128x32xf32, #tpu.memory_space<hbm>>
      tpu.wait_dma2 semaphore(%arg18 : memref<!tpu.dma_semaphore, #tpu.memory_space<semaphore_mem>>) src(%dma_wait3A_198 : memref<128x32xf32, #tpu.memory_space<hbm>>) dst(%arg8 : memref<128x32xf32, #tpu.memory_space<vmem>>)
      "tpu.region"() ({
        %run_scoped3A = tpu.sem_alloc : memref<!tpu.dma_semaphore, #tpu.memory_space<semaphore_mem>>
        %dma_start3A_199 = arith.constant 0 : i32
        %dma_start3A_200 = tpu.memref_slice %arg7[%add3A_192, %dma_start3A_199] : memref<79x128xi32, #tpu.memory_space<vmem>> -> memref<1x128xi32, #tpu.memory_space<vmem>>
        %dma_start3A_201 = tpu.memref_squeeze %dma_start3A_200 : memref<1x128xi32, #tpu.memory_space<vmem>> -> memref<128xi32, #tpu.memory_space<vmem>>
        %dma_start3A_202 = arith.constant 0 : i32
        %dma_start3A_203 = arith.constant 0 : i32
        %dma_start3A_204 = tpu.memref_slice %arg17[%dma_start3A_202, %dma_start3A_203] : memref<10240x32xf32, #tpu.memory_space<vmem_shared>> -> memref<10240x32xf32, #tpu.memory_space<vmem_shared>>
        tpu.enqueue_indirect_dma source(%arg8 : memref<128x32xf32, #tpu.memory_space<vmem>>) target(%dma_start3A_204 : memref<10240x32xf32, #tpu.memory_space<vmem_shared>>) offsets(%dma_start3A_201 : memref<128xi32, #tpu.memory_space<vmem>>) semaphore(%run_scoped3A : memref<!tpu.dma_semaphore, #tpu.memory_space<semaphore_mem>>) {add = true}
        %dma_wait3A_205 = arith.constant 0 : i32
        %dma_wait3A_206 = tpu.memref_slice %arg7[%add3A_192, %dma_wait3A_205] : memref<79x128xi32, #tpu.memory_space<vmem>> -> memref<1x128xi32, #tpu.memory_space<vmem>>
        %dma_wait3A_207 = tpu.memref_squeeze %dma_wait3A_206 : memref<1x128xi32, #tpu.memory_space<vmem>> -> memref<128xi32, #tpu.memory_space<vmem>>
        %dma_wait3A_208 = arith.constant 0 : i32
        %dma_wait3A_209 = arith.constant 0 : i32
        %dma_wait3A_210 = tpu.memref_slice %arg17[%dma_wait3A_208, %dma_wait3A_209] : memref<10240x32xf32, #tpu.memory_space<vmem_shared>> -> memref<10240x32xf32, #tpu.memory_space<vmem_shared>>
        tpu.wait_indirect_dma semaphore(%run_scoped3A : memref<!tpu.dma_semaphore, #tpu.memory_space<semaphore_mem>>) src(%arg8 : memref<128x32xf32, #tpu.memory_space<vmem>>) dst(%dma_wait3A_210 : memref<10240x32xf32, #tpu.memory_space<vmem_shared>>)
        tpu.yield
      }) : () -> ()
    } else {
    }
    %gt3A_149 = arith.constant 1 : i32
    %gt3A_150 = arith.cmpi sgt, %sub3A_136, %gt3A_149 : i32
    %convert_element_type3A_151 = arith.extui %gt3A_150 : i1 to i32
    %cond3A_152 = arith.constant 0 : i32
    %cond3A_153 = arith.cmpi ne, %convert_element_type3A_151, %cond3A_152 : i32
    scf.if %cond3A_153 {
      %mul3A_189 = arith.constant 8 : i32
      %mul3A_190 = arith.muli %select_n3A_133, %mul3A_189 : i32
      %add3A_191 = arith.constant 1 : i32
      %add3A_192 = arith.addi %mul3A_190, %add3A_191 : i32
      %dma_wait3A_193 = arith.constant 0 : i32
      %dma_wait3A_194 = arith.constant 0 : i32
      %dma_wait3A_195 = tpu.memref_slice %arg2[%dma_wait3A_193, %dma_wait3A_194] : memref<10000x32xf32, #tpu.memory_space<hbm>> -> memref<128x32xf32, #tpu.memory_space<hbm>>
      %dma_wait3A_196 = arith.constant 0 : i32
      %dma_wait3A_197 = arith.constant 0 : i32
      %dma_wait3A_198 = tpu.memref_slice %arg2[%dma_wait3A_196, %dma_wait3A_197] : memref<10000x32xf32, #tpu.memory_space<hbm>> -> memref<128x32xf32, #tpu.memory_space<hbm>>
      tpu.wait_dma2 semaphore(%arg19 : memref<!tpu.dma_semaphore, #tpu.memory_space<semaphore_mem>>) src(%dma_wait3A_198 : memref<128x32xf32, #tpu.memory_space<hbm>>) dst(%arg9 : memref<128x32xf32, #tpu.memory_space<vmem>>)
      "tpu.region"() ({
        %run_scoped3A = tpu.sem_alloc : memref<!tpu.dma_semaphore, #tpu.memory_space<semaphore_mem>>
        %dma_start3A_199 = arith.constant 0 : i32
        %dma_start3A_200 = tpu.memref_slice %arg7[%add3A_192, %dma_start3A_199] : memref<79x128xi32, #tpu.memory_space<vmem>> -> memref<1x128xi32, #tpu.memory_space<vmem>>
        %dma_start3A_201 = tpu.memref_squeeze %dma_start3A_200 : memref<1x128xi32, #tpu.memory_space<vmem>> -> memref<128xi32, #tpu.memory_space<vmem>>
        %dma_start3A_202 = arith.constant 0 : i32
        %dma_start3A_203 = arith.constant 0 : i32
        %dma_start3A_204 = tpu.memref_slice %arg17[%dma_start3A_202, %dma_start3A_203] : memref<10240x32xf32, #tpu.memory_space<vmem_shared>> -> memref<10240x32xf32, #tpu.memory_space<vmem_shared>>
        tpu.enqueue_indirect_dma source(%arg9 : memref<128x32xf32, #tpu.memory_space<vmem>>) target(%dma_start3A_204 : memref<10240x32xf32, #tpu.memory_space<vmem_shared>>) offsets(%dma_start3A_201 : memref<128xi32, #tpu.memory_space<vmem>>) semaphore(%run_scoped3A : memref<!tpu.dma_semaphore, #tpu.memory_space<semaphore_mem>>) {add = true}
        %dma_wait3A_205 = arith.constant 0 : i32
        %dma_wait3A_206 = tpu.memref_slice %arg7[%add3A_192, %dma_wait3A_205] : memref<79x128xi32, #tpu.memory_space<vmem>> -> memref<1x128xi32, #tpu.memory_space<vmem>>
        %dma_wait3A_207 = tpu.memref_squeeze %dma_wait3A_206 : memref<1x128xi32, #tpu.memory_space<vmem>> -> memref<128xi32, #tpu.memory_space<vmem>>
        %dma_wait3A_208 = arith.constant 0 : i32
        %dma_wait3A_209 = arith.constant 0 : i32
        %dma_wait3A_210 = tpu.memref_slice %arg17[%dma_wait3A_208, %dma_wait3A_209] : memref<10240x32xf32, #tpu.memory_space<vmem_shared>> -> memref<10240x32xf32, #tpu.memory_space<vmem_shared>>
        tpu.wait_indirect_dma semaphore(%run_scoped3A : memref<!tpu.dma_semaphore, #tpu.memory_space<semaphore_mem>>) src(%arg9 : memref<128x32xf32, #tpu.memory_space<vmem>>) dst(%dma_wait3A_210 : memref<10240x32xf32, #tpu.memory_space<vmem_shared>>)
        tpu.yield
      }) : () -> ()
    } else {
    }
    %gt3A_154 = arith.constant 2 : i32
    %gt3A_155 = arith.cmpi sgt, %sub3A_136, %gt3A_154 : i32
    %convert_element_type3A_156 = arith.extui %gt3A_155 : i1 to i32
    %cond3A_157 = arith.constant 0 : i32
    %cond3A_158 = arith.cmpi ne, %convert_element_type3A_156, %cond3A_157 : i32
    scf.if %cond3A_158 {
      %mul3A_189 = arith.constant 8 : i32
      %mul3A_190 = arith.muli %select_n3A_133, %mul3A_189 : i32
      %add3A_191 = arith.constant 2 : i32
      %add3A_192 = arith.addi %mul3A_190, %add3A_191 : i32
      %dma_wait3A_193 = arith.constant 0 : i32
      %dma_wait3A_194 = arith.constant 0 : i32
      %dma_wait3A_195 = tpu.memref_slice %arg2[%dma_wait3A_193, %dma_wait3A_194] : memref<10000x32xf32, #tpu.memory_space<hbm>> -> memref<128x32xf32, #tpu.memory_space<hbm>>
      %dma_wait3A_196 = arith.constant 0 : i32
      %dma_wait3A_197 = arith.constant 0 : i32
      %dma_wait3A_198 = tpu.memref_slice %arg2[%dma_wait3A_196, %dma_wait3A_197] : memref<10000x32xf32, #tpu.memory_space<hbm>> -> memref<128x32xf32, #tpu.memory_space<hbm>>
      tpu.wait_dma2 semaphore(%arg20 : memref<!tpu.dma_semaphore, #tpu.memory_space<semaphore_mem>>) src(%dma_wait3A_198 : memref<128x32xf32, #tpu.memory_space<hbm>>) dst(%arg10 : memref<128x32xf32, #tpu.memory_space<vmem>>)
      "tpu.region"() ({
        %run_scoped3A = tpu.sem_alloc : memref<!tpu.dma_semaphore, #tpu.memory_space<semaphore_mem>>
        %dma_start3A_199 = arith.constant 0 : i32
        %dma_start3A_200 = tpu.memref_slice %arg7[%add3A_192, %dma_start3A_199] : memref<79x128xi32, #tpu.memory_space<vmem>> -> memref<1x128xi32, #tpu.memory_space<vmem>>
        %dma_start3A_201 = tpu.memref_squeeze %dma_start3A_200 : memref<1x128xi32, #tpu.memory_space<vmem>> -> memref<128xi32, #tpu.memory_space<vmem>>
        %dma_start3A_202 = arith.constant 0 : i32
        %dma_start3A_203 = arith.constant 0 : i32
        %dma_start3A_204 = tpu.memref_slice %arg17[%dma_start3A_202, %dma_start3A_203] : memref<10240x32xf32, #tpu.memory_space<vmem_shared>> -> memref<10240x32xf32, #tpu.memory_space<vmem_shared>>
        tpu.enqueue_indirect_dma source(%arg10 : memref<128x32xf32, #tpu.memory_space<vmem>>) target(%dma_start3A_204 : memref<10240x32xf32, #tpu.memory_space<vmem_shared>>) offsets(%dma_start3A_201 : memref<128xi32, #tpu.memory_space<vmem>>) semaphore(%run_scoped3A : memref<!tpu.dma_semaphore, #tpu.memory_space<semaphore_mem>>) {add = true}
        %dma_wait3A_205 = arith.constant 0 : i32
        %dma_wait3A_206 = tpu.memref_slice %arg7[%add3A_192, %dma_wait3A_205] : memref<79x128xi32, #tpu.memory_space<vmem>> -> memref<1x128xi32, #tpu.memory_space<vmem>>
        %dma_wait3A_207 = tpu.memref_squeeze %dma_wait3A_206 : memref<1x128xi32, #tpu.memory_space<vmem>> -> memref<128xi32, #tpu.memory_space<vmem>>
        %dma_wait3A_208 = arith.constant 0 : i32
        %dma_wait3A_209 = arith.constant 0 : i32
        %dma_wait3A_210 = tpu.memref_slice %arg17[%dma_wait3A_208, %dma_wait3A_209] : memref<10240x32xf32, #tpu.memory_space<vmem_shared>> -> memref<10240x32xf32, #tpu.memory_space<vmem_shared>>
        tpu.wait_indirect_dma semaphore(%run_scoped3A : memref<!tpu.dma_semaphore, #tpu.memory_space<semaphore_mem>>) src(%arg10 : memref<128x32xf32, #tpu.memory_space<vmem>>) dst(%dma_wait3A_210 : memref<10240x32xf32, #tpu.memory_space<vmem_shared>>)
        tpu.yield
      }) : () -> ()
    } else {
    }
    %gt3A_159 = arith.constant 3 : i32
    %gt3A_160 = arith.cmpi sgt, %sub3A_136, %gt3A_159 : i32
    %convert_element_type3A_161 = arith.extui %gt3A_160 : i1 to i32
    %cond3A_162 = arith.constant 0 : i32
    %cond3A_163 = arith.cmpi ne, %convert_element_type3A_161, %cond3A_162 : i32
    scf.if %cond3A_163 {
      %mul3A_189 = arith.constant 8 : i32
      %mul3A_190 = arith.muli %select_n3A_133, %mul3A_189 : i32
      %add3A_191 = arith.constant 3 : i32
      %add3A_192 = arith.addi %mul3A_190, %add3A_191 : i32
      %dma_wait3A_193 = arith.constant 0 : i32
      %dma_wait3A_194 = arith.constant 0 : i32
      %dma_wait3A_195 = tpu.memref_slice %arg2[%dma_wait3A_193, %dma_wait3A_194] : memref<10000x32xf32, #tpu.memory_space<hbm>> -> memref<128x32xf32, #tpu.memory_space<hbm>>
      %dma_wait3A_196 = arith.constant 0 : i32
      %dma_wait3A_197 = arith.constant 0 : i32
      %dma_wait3A_198 = tpu.memref_slice %arg2[%dma_wait3A_196, %dma_wait3A_197] : memref<10000x32xf32, #tpu.memory_space<hbm>> -> memref<128x32xf32, #tpu.memory_space<hbm>>
      tpu.wait_dma2 semaphore(%arg21 : memref<!tpu.dma_semaphore, #tpu.memory_space<semaphore_mem>>) src(%dma_wait3A_198 : memref<128x32xf32, #tpu.memory_space<hbm>>) dst(%arg11 : memref<128x32xf32, #tpu.memory_space<vmem>>)
      "tpu.region"() ({
        %run_scoped3A = tpu.sem_alloc : memref<!tpu.dma_semaphore, #tpu.memory_space<semaphore_mem>>
        %dma_start3A_199 = arith.constant 0 : i32
        %dma_start3A_200 = tpu.memref_slice %arg7[%add3A_192, %dma_start3A_199] : memref<79x128xi32, #tpu.memory_space<vmem>> -> memref<1x128xi32, #tpu.memory_space<vmem>>
        %dma_start3A_201 = tpu.memref_squeeze %dma_start3A_200 : memref<1x128xi32, #tpu.memory_space<vmem>> -> memref<128xi32, #tpu.memory_space<vmem>>
        %dma_start3A_202 = arith.constant 0 : i32
        %dma_start3A_203 = arith.constant 0 : i32
        %dma_start3A_204 = tpu.memref_slice %arg17[%dma_start3A_202, %dma_start3A_203] : memref<10240x32xf32, #tpu.memory_space<vmem_shared>> -> memref<10240x32xf32, #tpu.memory_space<vmem_shared>>
        tpu.enqueue_indirect_dma source(%arg11 : memref<128x32xf32, #tpu.memory_space<vmem>>) target(%dma_start3A_204 : memref<10240x32xf32, #tpu.memory_space<vmem_shared>>) offsets(%dma_start3A_201 : memref<128xi32, #tpu.memory_space<vmem>>) semaphore(%run_scoped3A : memref<!tpu.dma_semaphore, #tpu.memory_space<semaphore_mem>>) {add = true}
        %dma_wait3A_205 = arith.constant 0 : i32
        %dma_wait3A_206 = tpu.memref_slice %arg7[%add3A_192, %dma_wait3A_205] : memref<79x128xi32, #tpu.memory_space<vmem>> -> memref<1x128xi32, #tpu.memory_space<vmem>>
        %dma_wait3A_207 = tpu.memref_squeeze %dma_wait3A_206 : memref<1x128xi32, #tpu.memory_space<vmem>> -> memref<128xi32, #tpu.memory_space<vmem>>
        %dma_wait3A_208 = arith.constant 0 : i32
        %dma_wait3A_209 = arith.constant 0 : i32
        %dma_wait3A_210 = tpu.memref_slice %arg17[%dma_wait3A_208, %dma_wait3A_209] : memref<10240x32xf32, #tpu.memory_space<vmem_shared>> -> memref<10240x32xf32, #tpu.memory_space<vmem_shared>>
        tpu.wait_indirect_dma semaphore(%run_scoped3A : memref<!tpu.dma_semaphore, #tpu.memory_space<semaphore_mem>>) src(%arg11 : memref<128x32xf32, #tpu.memory_space<vmem>>) dst(%dma_wait3A_210 : memref<10240x32xf32, #tpu.memory_space<vmem_shared>>)
        tpu.yield
      }) : () -> ()
    } else {
    }
    %gt3A_164 = arith.constant 4 : i32
    %gt3A_165 = arith.cmpi sgt, %sub3A_136, %gt3A_164 : i32
    %convert_element_type3A_166 = arith.extui %gt3A_165 : i1 to i32
    %cond3A_167 = arith.constant 0 : i32
    %cond3A_168 = arith.cmpi ne, %convert_element_type3A_166, %cond3A_167 : i32
    scf.if %cond3A_168 {
      %mul3A_189 = arith.constant 8 : i32
      %mul3A_190 = arith.muli %select_n3A_133, %mul3A_189 : i32
      %add3A_191 = arith.constant 4 : i32
      %add3A_192 = arith.addi %mul3A_190, %add3A_191 : i32
      %dma_wait3A_193 = arith.constant 0 : i32
      %dma_wait3A_194 = arith.constant 0 : i32
      %dma_wait3A_195 = tpu.memref_slice %arg2[%dma_wait3A_193, %dma_wait3A_194] : memref<10000x32xf32, #tpu.memory_space<hbm>> -> memref<128x32xf32, #tpu.memory_space<hbm>>
      %dma_wait3A_196 = arith.constant 0 : i32
      %dma_wait3A_197 = arith.constant 0 : i32
      %dma_wait3A_198 = tpu.memref_slice %arg2[%dma_wait3A_196, %dma_wait3A_197] : memref<10000x32xf32, #tpu.memory_space<hbm>> -> memref<128x32xf32, #tpu.memory_space<hbm>>
      tpu.wait_dma2 semaphore(%arg22 : memref<!tpu.dma_semaphore, #tpu.memory_space<semaphore_mem>>) src(%dma_wait3A_198 : memref<128x32xf32, #tpu.memory_space<hbm>>) dst(%arg12 : memref<128x32xf32, #tpu.memory_space<vmem>>)
      "tpu.region"() ({
        %run_scoped3A = tpu.sem_alloc : memref<!tpu.dma_semaphore, #tpu.memory_space<semaphore_mem>>
        %dma_start3A_199 = arith.constant 0 : i32
        %dma_start3A_200 = tpu.memref_slice %arg7[%add3A_192, %dma_start3A_199] : memref<79x128xi32, #tpu.memory_space<vmem>> -> memref<1x128xi32, #tpu.memory_space<vmem>>
        %dma_start3A_201 = tpu.memref_squeeze %dma_start3A_200 : memref<1x128xi32, #tpu.memory_space<vmem>> -> memref<128xi32, #tpu.memory_space<vmem>>
        %dma_start3A_202 = arith.constant 0 : i32
        %dma_start3A_203 = arith.constant 0 : i32
        %dma_start3A_204 = tpu.memref_slice %arg17[%dma_start3A_202, %dma_start3A_203] : memref<10240x32xf32, #tpu.memory_space<vmem_shared>> -> memref<10240x32xf32, #tpu.memory_space<vmem_shared>>
        tpu.enqueue_indirect_dma source(%arg12 : memref<128x32xf32, #tpu.memory_space<vmem>>) target(%dma_start3A_204 : memref<10240x32xf32, #tpu.memory_space<vmem_shared>>) offsets(%dma_start3A_201 : memref<128xi32, #tpu.memory_space<vmem>>) semaphore(%run_scoped3A : memref<!tpu.dma_semaphore, #tpu.memory_space<semaphore_mem>>) {add = true}
        %dma_wait3A_205 = arith.constant 0 : i32
        %dma_wait3A_206 = tpu.memref_slice %arg7[%add3A_192, %dma_wait3A_205] : memref<79x128xi32, #tpu.memory_space<vmem>> -> memref<1x128xi32, #tpu.memory_space<vmem>>
        %dma_wait3A_207 = tpu.memref_squeeze %dma_wait3A_206 : memref<1x128xi32, #tpu.memory_space<vmem>> -> memref<128xi32, #tpu.memory_space<vmem>>
        %dma_wait3A_208 = arith.constant 0 : i32
        %dma_wait3A_209 = arith.constant 0 : i32
        %dma_wait3A_210 = tpu.memref_slice %arg17[%dma_wait3A_208, %dma_wait3A_209] : memref<10240x32xf32, #tpu.memory_space<vmem_shared>> -> memref<10240x32xf32, #tpu.memory_space<vmem_shared>>
        tpu.wait_indirect_dma semaphore(%run_scoped3A : memref<!tpu.dma_semaphore, #tpu.memory_space<semaphore_mem>>) src(%arg12 : memref<128x32xf32, #tpu.memory_space<vmem>>) dst(%dma_wait3A_210 : memref<10240x32xf32, #tpu.memory_space<vmem_shared>>)
        tpu.yield
      }) : () -> ()
    } else {
    }
    %gt3A_169 = arith.constant 5 : i32
    %gt3A_170 = arith.cmpi sgt, %sub3A_136, %gt3A_169 : i32
    %convert_element_type3A_171 = arith.extui %gt3A_170 : i1 to i32
    %cond3A_172 = arith.constant 0 : i32
    %cond3A_173 = arith.cmpi ne, %convert_element_type3A_171, %cond3A_172 : i32
    scf.if %cond3A_173 {
      %mul3A_189 = arith.constant 8 : i32
      %mul3A_190 = arith.muli %select_n3A_133, %mul3A_189 : i32
      %add3A_191 = arith.constant 5 : i32
      %add3A_192 = arith.addi %mul3A_190, %add3A_191 : i32
      %dma_wait3A_193 = arith.constant 0 : i32
      %dma_wait3A_194 = arith.constant 0 : i32
      %dma_wait3A_195 = tpu.memref_slice %arg2[%dma_wait3A_193, %dma_wait3A_194] : memref<10000x32xf32, #tpu.memory_space<hbm>> -> memref<128x32xf32, #tpu.memory_space<hbm>>
      %dma_wait3A_196 = arith.constant 0 : i32
      %dma_wait3A_197 = arith.constant 0 : i32
      %dma_wait3A_198 = tpu.memref_slice %arg2[%dma_wait3A_196, %dma_wait3A_197] : memref<10000x32xf32, #tpu.memory_space<hbm>> -> memref<128x32xf32, #tpu.memory_space<hbm>>
      tpu.wait_dma2 semaphore(%arg23 : memref<!tpu.dma_semaphore, #tpu.memory_space<semaphore_mem>>) src(%dma_wait3A_198 : memref<128x32xf32, #tpu.memory_space<hbm>>) dst(%arg13 : memref<128x32xf32, #tpu.memory_space<vmem>>)
      "tpu.region"() ({
        %run_scoped3A = tpu.sem_alloc : memref<!tpu.dma_semaphore, #tpu.memory_space<semaphore_mem>>
        %dma_start3A_199 = arith.constant 0 : i32
        %dma_start3A_200 = tpu.memref_slice %arg7[%add3A_192, %dma_start3A_199] : memref<79x128xi32, #tpu.memory_space<vmem>> -> memref<1x128xi32, #tpu.memory_space<vmem>>
        %dma_start3A_201 = tpu.memref_squeeze %dma_start3A_200 : memref<1x128xi32, #tpu.memory_space<vmem>> -> memref<128xi32, #tpu.memory_space<vmem>>
        %dma_start3A_202 = arith.constant 0 : i32
        %dma_start3A_203 = arith.constant 0 : i32
        %dma_start3A_204 = tpu.memref_slice %arg17[%dma_start3A_202, %dma_start3A_203] : memref<10240x32xf32, #tpu.memory_space<vmem_shared>> -> memref<10240x32xf32, #tpu.memory_space<vmem_shared>>
        tpu.enqueue_indirect_dma source(%arg13 : memref<128x32xf32, #tpu.memory_space<vmem>>) target(%dma_start3A_204 : memref<10240x32xf32, #tpu.memory_space<vmem_shared>>) offsets(%dma_start3A_201 : memref<128xi32, #tpu.memory_space<vmem>>) semaphore(%run_scoped3A : memref<!tpu.dma_semaphore, #tpu.memory_space<semaphore_mem>>) {add = true}
        %dma_wait3A_205 = arith.constant 0 : i32
        %dma_wait3A_206 = tpu.memref_slice %arg7[%add3A_192, %dma_wait3A_205] : memref<79x128xi32, #tpu.memory_space<vmem>> -> memref<1x128xi32, #tpu.memory_space<vmem>>
        %dma_wait3A_207 = tpu.memref_squeeze %dma_wait3A_206 : memref<1x128xi32, #tpu.memory_space<vmem>> -> memref<128xi32, #tpu.memory_space<vmem>>
        %dma_wait3A_208 = arith.constant 0 : i32
        %dma_wait3A_209 = arith.constant 0 : i32
        %dma_wait3A_210 = tpu.memref_slice %arg17[%dma_wait3A_208, %dma_wait3A_209] : memref<10240x32xf32, #tpu.memory_space<vmem_shared>> -> memref<10240x32xf32, #tpu.memory_space<vmem_shared>>
        tpu.wait_indirect_dma semaphore(%run_scoped3A : memref<!tpu.dma_semaphore, #tpu.memory_space<semaphore_mem>>) src(%arg13 : memref<128x32xf32, #tpu.memory_space<vmem>>) dst(%dma_wait3A_210 : memref<10240x32xf32, #tpu.memory_space<vmem_shared>>)
        tpu.yield
      }) : () -> ()
    } else {
    }
    %gt3A_174 = arith.constant 6 : i32
    %gt3A_175 = arith.cmpi sgt, %sub3A_136, %gt3A_174 : i32
    %convert_element_type3A_176 = arith.extui %gt3A_175 : i1 to i32
    %cond3A_177 = arith.constant 0 : i32
    %cond3A_178 = arith.cmpi ne, %convert_element_type3A_176, %cond3A_177 : i32
    scf.if %cond3A_178 {
      %mul3A_189 = arith.constant 8 : i32
      %mul3A_190 = arith.muli %select_n3A_133, %mul3A_189 : i32
      %add3A_191 = arith.constant 6 : i32
      %add3A_192 = arith.addi %mul3A_190, %add3A_191 : i32
      %dma_wait3A_193 = arith.constant 0 : i32
      %dma_wait3A_194 = arith.constant 0 : i32
      %dma_wait3A_195 = tpu.memref_slice %arg2[%dma_wait3A_193, %dma_wait3A_194] : memref<10000x32xf32, #tpu.memory_space<hbm>> -> memref<128x32xf32, #tpu.memory_space<hbm>>
      %dma_wait3A_196 = arith.constant 0 : i32
      %dma_wait3A_197 = arith.constant 0 : i32
      %dma_wait3A_198 = tpu.memref_slice %arg2[%dma_wait3A_196, %dma_wait3A_197] : memref<10000x32xf32, #tpu.memory_space<hbm>> -> memref<128x32xf32, #tpu.memory_space<hbm>>
      tpu.wait_dma2 semaphore(%arg24 : memref<!tpu.dma_semaphore, #tpu.memory_space<semaphore_mem>>) src(%dma_wait3A_198 : memref<128x32xf32, #tpu.memory_space<hbm>>) dst(%arg14 : memref<128x32xf32, #tpu.memory_space<vmem>>)
      "tpu.region"() ({
        %run_scoped3A = tpu.sem_alloc : memref<!tpu.dma_semaphore, #tpu.memory_space<semaphore_mem>>
        %dma_start3A_199 = arith.constant 0 : i32
        %dma_start3A_200 = tpu.memref_slice %arg7[%add3A_192, %dma_start3A_199] : memref<79x128xi32, #tpu.memory_space<vmem>> -> memref<1x128xi32, #tpu.memory_space<vmem>>
        %dma_start3A_201 = tpu.memref_squeeze %dma_start3A_200 : memref<1x128xi32, #tpu.memory_space<vmem>> -> memref<128xi32, #tpu.memory_space<vmem>>
        %dma_start3A_202 = arith.constant 0 : i32
        %dma_start3A_203 = arith.constant 0 : i32
        %dma_start3A_204 = tpu.memref_slice %arg17[%dma_start3A_202, %dma_start3A_203] : memref<10240x32xf32, #tpu.memory_space<vmem_shared>> -> memref<10240x32xf32, #tpu.memory_space<vmem_shared>>
        tpu.enqueue_indirect_dma source(%arg14 : memref<128x32xf32, #tpu.memory_space<vmem>>) target(%dma_start3A_204 : memref<10240x32xf32, #tpu.memory_space<vmem_shared>>) offsets(%dma_start3A_201 : memref<128xi32, #tpu.memory_space<vmem>>) semaphore(%run_scoped3A : memref<!tpu.dma_semaphore, #tpu.memory_space<semaphore_mem>>) {add = true}
        %dma_wait3A_205 = arith.constant 0 : i32
        %dma_wait3A_206 = tpu.memref_slice %arg7[%add3A_192, %dma_wait3A_205] : memref<79x128xi32, #tpu.memory_space<vmem>> -> memref<1x128xi32, #tpu.memory_space<vmem>>
        %dma_wait3A_207 = tpu.memref_squeeze %dma_wait3A_206 : memref<1x128xi32, #tpu.memory_space<vmem>> -> memref<128xi32, #tpu.memory_space<vmem>>
        %dma_wait3A_208 = arith.constant 0 : i32
        %dma_wait3A_209 = arith.constant 0 : i32
        %dma_wait3A_210 = tpu.memref_slice %arg17[%dma_wait3A_208, %dma_wait3A_209] : memref<10240x32xf32, #tpu.memory_space<vmem_shared>> -> memref<10240x32xf32, #tpu.memory_space<vmem_shared>>
        tpu.wait_indirect_dma semaphore(%run_scoped3A : memref<!tpu.dma_semaphore, #tpu.memory_space<semaphore_mem>>) src(%arg14 : memref<128x32xf32, #tpu.memory_space<vmem>>) dst(%dma_wait3A_210 : memref<10240x32xf32, #tpu.memory_space<vmem_shared>>)
        tpu.yield
      }) : () -> ()
    } else {
    }
    %gt3A_179 = arith.constant 7 : i32
    %gt3A_180 = arith.cmpi sgt, %sub3A_136, %gt3A_179 : i32
    %convert_element_type3A_181 = arith.extui %gt3A_180 : i1 to i32
    %cond3A_182 = arith.constant 0 : i32
    %cond3A_183 = arith.cmpi ne, %convert_element_type3A_181, %cond3A_182 : i32
    scf.if %cond3A_183 {
      %mul3A_189 = arith.constant 8 : i32
      %mul3A_190 = arith.muli %select_n3A_133, %mul3A_189 : i32
      %add3A_191 = arith.constant 7 : i32
      %add3A_192 = arith.addi %mul3A_190, %add3A_191 : i32
      %dma_wait3A_193 = arith.constant 0 : i32
      %dma_wait3A_194 = arith.constant 0 : i32
      %dma_wait3A_195 = tpu.memref_slice %arg2[%dma_wait3A_193, %dma_wait3A_194] : memref<10000x32xf32, #tpu.memory_space<hbm>> -> memref<128x32xf32, #tpu.memory_space<hbm>>
      %dma_wait3A_196 = arith.constant 0 : i32
      %dma_wait3A_197 = arith.constant 0 : i32
      %dma_wait3A_198 = tpu.memref_slice %arg2[%dma_wait3A_196, %dma_wait3A_197] : memref<10000x32xf32, #tpu.memory_space<hbm>> -> memref<128x32xf32, #tpu.memory_space<hbm>>
      tpu.wait_dma2 semaphore(%arg25 : memref<!tpu.dma_semaphore, #tpu.memory_space<semaphore_mem>>) src(%dma_wait3A_198 : memref<128x32xf32, #tpu.memory_space<hbm>>) dst(%arg15 : memref<128x32xf32, #tpu.memory_space<vmem>>)
      "tpu.region"() ({
        %run_scoped3A = tpu.sem_alloc : memref<!tpu.dma_semaphore, #tpu.memory_space<semaphore_mem>>
        %dma_start3A_199 = arith.constant 0 : i32
        %dma_start3A_200 = tpu.memref_slice %arg7[%add3A_192, %dma_start3A_199] : memref<79x128xi32, #tpu.memory_space<vmem>> -> memref<1x128xi32, #tpu.memory_space<vmem>>
        %dma_start3A_201 = tpu.memref_squeeze %dma_start3A_200 : memref<1x128xi32, #tpu.memory_space<vmem>> -> memref<128xi32, #tpu.memory_space<vmem>>
        %dma_start3A_202 = arith.constant 0 : i32
        %dma_start3A_203 = arith.constant 0 : i32
        %dma_start3A_204 = tpu.memref_slice %arg17[%dma_start3A_202, %dma_start3A_203] : memref<10240x32xf32, #tpu.memory_space<vmem_shared>> -> memref<10240x32xf32, #tpu.memory_space<vmem_shared>>
        tpu.enqueue_indirect_dma source(%arg15 : memref<128x32xf32, #tpu.memory_space<vmem>>) target(%dma_start3A_204 : memref<10240x32xf32, #tpu.memory_space<vmem_shared>>) offsets(%dma_start3A_201 : memref<128xi32, #tpu.memory_space<vmem>>) semaphore(%run_scoped3A : memref<!tpu.dma_semaphore, #tpu.memory_space<semaphore_mem>>) {add = true}
        %dma_wait3A_205 = arith.constant 0 : i32
        %dma_wait3A_206 = tpu.memref_slice %arg7[%add3A_192, %dma_wait3A_205] : memref<79x128xi32, #tpu.memory_space<vmem>> -> memref<1x128xi32, #tpu.memory_space<vmem>>
        %dma_wait3A_207 = tpu.memref_squeeze %dma_wait3A_206 : memref<1x128xi32, #tpu.memory_space<vmem>> -> memref<128xi32, #tpu.memory_space<vmem>>
        %dma_wait3A_208 = arith.constant 0 : i32
        %dma_wait3A_209 = arith.constant 0 : i32
        %dma_wait3A_210 = tpu.memref_slice %arg17[%dma_wait3A_208, %dma_wait3A_209] : memref<10240x32xf32, #tpu.memory_space<vmem_shared>> -> memref<10240x32xf32, #tpu.memory_space<vmem_shared>>
        tpu.wait_indirect_dma semaphore(%run_scoped3A : memref<!tpu.dma_semaphore, #tpu.memory_space<semaphore_mem>>) src(%arg15 : memref<128x32xf32, #tpu.memory_space<vmem>>) dst(%dma_wait3A_210 : memref<10240x32xf32, #tpu.memory_space<vmem_shared>>)
        tpu.yield
      }) : () -> ()
    } else {
    }
    %barrier3A_184 = arith.constant 0 : index
    tpu.barrier barrier_id(%barrier3A_184)
    %mul3A_185 = arith.constant 640 : i32
    %mul3A_186 = arith.muli %arg1, %mul3A_185 : i32
    %mul3A_187 = arith.constant 640 : i32
    %mul3A_188 = arith.muli %arg1, %mul3A_187 : i32
    "tpu.region"() ({
      %run_scoped3A = tpu.sem_alloc : memref<!tpu.dma_semaphore, #tpu.memory_space<semaphore_mem>>
      %dma_start3A_189 = arith.constant 0 : i32
      %dma_start3A_190 = tpu.memref_slice %arg5[%arg0, %mul3A_188, %dma_start3A_189] : memref<2x10240x32xf32, #tpu.memory_space<hbm>> -> memref<1x640x32xf32, #tpu.memory_space<hbm>>
      %dma_start3A_191 = tpu.memref_squeeze %dma_start3A_190 : memref<1x640x32xf32, #tpu.memory_space<hbm>> -> memref<640x32xf32, #tpu.memory_space<hbm>>
      %dma_start3A_192 = arith.constant 0 : i32
      %dma_start3A_193 = tpu.memref_slice %arg17[%mul3A_186, %dma_start3A_192] : memref<10240x32xf32, #tpu.memory_space<vmem_shared>> -> memref<640x32xf32, #tpu.memory_space<vmem_shared>>
      tpu.enqueue_dma source(%dma_start3A_193 : memref<640x32xf32, #tpu.memory_space<vmem_shared>>) target(%dma_start3A_191 : memref<640x32xf32, #tpu.memory_space<hbm>>) target_semaphore(%run_scoped3A : memref<!tpu.dma_semaphore, #tpu.memory_space<semaphore_mem>>)
      %dma_wait3A_194 = arith.constant 0 : i32
      %dma_wait3A_195 = tpu.memref_slice %arg5[%arg0, %mul3A_188, %dma_wait3A_194] : memref<2x10240x32xf32, #tpu.memory_space<hbm>> -> memref<1x640x32xf32, #tpu.memory_space<hbm>>
      %dma_wait3A_196 = tpu.memref_squeeze %dma_wait3A_195 : memref<1x640x32xf32, #tpu.memory_space<hbm>> -> memref<640x32xf32, #tpu.memory_space<hbm>>
      %dma_wait3A_197 = arith.constant 0 : i32
      %dma_wait3A_198 = tpu.memref_slice %arg17[%mul3A_186, %dma_wait3A_197] : memref<10240x32xf32, #tpu.memory_space<vmem_shared>> -> memref<640x32xf32, #tpu.memory_space<vmem_shared>>
      tpu.wait_dma2 semaphore(%run_scoped3A : memref<!tpu.dma_semaphore, #tpu.memory_space<semaphore_mem>>) src(%dma_wait3A_198 : memref<640x32xf32, #tpu.memory_space<vmem_shared>>) dst(%dma_wait3A_196 : memref<640x32xf32, #tpu.memory_space<hbm>>)
      tpu.yield
    }) : () -> ()
    return
  }
}

module attributes {stable_mosaic.version = 14 : i64} {
  func.func @body(%arg0: memref<10000x128xf32, #tpu.memory_space<vmem>>, %arg1: memref<128x32xf32, #tpu.memory_space<vmem>>, %arg2: memref<10000x32xf32, #tpu.memory_space<vmem>>) attributes {dimension_semantics = [], scalar_prefetch = 0 : i64, scratch_operands = 0 : i64, tpu.core_type = #tpu.core_type<tc>} {
    %get3A = arith.constant 0 : index
    %get3A_0 = arith.constant 0 : index
    %get3A_1 = vector.load %arg0[%get3A, %get3A_0] : memref<10000x128xf32, #tpu.memory_space<vmem>>, vector<10000x128xf32>
    %get3A_2 = arith.constant 0 : index
    %get3A_3 = arith.constant 0 : index
    %get3A_4 = vector.load %arg1[%get3A_2, %get3A_3] : memref<128x32xf32, #tpu.memory_space<vmem>>, vector<128x32xf32>
    %dot_general3A = arith.constant dense<0.000000e+00> : vector<10000x32xf32>
    %dot_general3A_5 = tpu.matmul %get3A_1, %get3A_4, %dot_general3A {dimension_numbers = #tpu.dot_dimension_numbers<[1], [0], [0], [1], [0, 0, 1, 1], [], []>, precision = #tpu.contract_precision<fp32>, transpose_lhs_hint = false} : vector<10000x128xf32>, vector<128x32xf32>, vector<10000x32xf32> -> vector<10000x32xf32>
    %swap3A = arith.constant 0 : index
    %swap3A_6 = arith.constant 0 : index
    %swap3A_7 = vector.load %arg2[%swap3A, %swap3A_6] : memref<10000x32xf32, #tpu.memory_space<vmem>>, vector<10000x32xf32>
    tpu.vector_store %arg2[%swap3A, %swap3A_6], %dot_general3A_5 {strides = array<i32>} : memref<10000x32xf32, #tpu.memory_space<vmem>>, vector<10000x32xf32>,
    return
  }
}

module attributes {stable_mosaic.version = 14 : i64} {
  func.func @body(%arg0: memref<10000x32xf32, #tpu.memory_space<vmem>>, %arg1: memref<2x10240x32xf32, #tpu.memory_space<vmem>>, %arg2: memref<1x32xf32, #tpu.memory_space<vmem>>, %arg3: memref<32x32xf32, #tpu.memory_space<vmem>>, %arg4: memref<1x32xf32, #tpu.memory_space<vmem>>, %arg5: memref<1x32xf32, #tpu.memory_space<vmem>>, %arg6: memref<1x32xf32, #tpu.memory_space<vmem>>, %arg7: memref<32x32xf32, #tpu.memory_space<vmem>>, %arg8: memref<10000x32xf32, #tpu.memory_space<vmem>>) attributes {dimension_semantics = [], scalar_prefetch = 0 : i64, scratch_operands = 0 : i64, tpu.core_type = #tpu.core_type<tc>} {
    %get3A = arith.constant 0 : index
    %get3A_0 = arith.constant 0 : index
    %get3A_1 = vector.load %arg0[%get3A, %get3A_0] : memref<10000x32xf32, #tpu.memory_space<vmem>>, vector<10000x32xf32>
    %get3A_2 = arith.constant 0 : index
    %get3A_3 = arith.constant 0 : index
    %get3A_4 = arith.constant 0 : index
    %get3A_5 = vector.load %arg1[%get3A_2, %get3A_3, %get3A_4] : memref<2x10240x32xf32, #tpu.memory_space<vmem>>, vector<1x10000x32xf32>
    %get3A_6 = vector.shape_cast %get3A_5 : vector<1x10000x32xf32> to vector<10000x32xf32>
    %add3A = arith.addf %get3A_1, %get3A_6 : vector<10000x32xf32>
    %get3A_7 = arith.constant 1 : index
    %get3A_8 = arith.constant 0 : index
    %get3A_9 = arith.constant 0 : index
    %get3A_10 = vector.load %arg1[%get3A_7, %get3A_8, %get3A_9] : memref<2x10240x32xf32, #tpu.memory_space<vmem>>, vector<1x10000x32xf32>
    %get3A_11 = vector.shape_cast %get3A_10 : vector<1x10000x32xf32> to vector<10000x32xf32>
    %add3A_12 = arith.addf %add3A, %get3A_11 : vector<10000x32xf32>
    %get3A_13 = arith.constant 0 : index
    %get3A_14 = arith.constant 0 : index
    %get3A_15 = vector.load %arg2[%get3A_13, %get3A_14] : memref<1x32xf32, #tpu.memory_space<vmem>>, vector<1x32xf32>
    %add3A_16 = vector.broadcast %get3A_15 : vector<1x32xf32> to vector<10000x32xf32>
    %add3A_17 = arith.addf %add3A_12, %add3A_16 : vector<10000x32xf32>
    %max3A = arith.constant 0.000000e+00 : f32
    %max3A_18 = vector.broadcast %max3A : f32 to vector<10000x32xf32>
    %max3A_19 = arith.maximumf %add3A_17, %max3A_18 : vector<10000x32xf32>
    %get3A_20 = arith.constant 0 : index
    %get3A_21 = arith.constant 0 : index
    %get3A_22 = vector.load %arg3[%get3A_20, %get3A_21] : memref<32x32xf32, #tpu.memory_space<vmem>>, vector<32x32xf32>
    %dot_general3A = arith.constant dense<0.000000e+00> : vector<10000x32xf32>
    %dot_general3A_23 = tpu.matmul %max3A_19, %get3A_22, %dot_general3A {dimension_numbers = #tpu.dot_dimension_numbers<[1], [0], [0], [1], [0, 0, 1, 1], [], []>, precision = #tpu.contract_precision<fp32>, transpose_lhs_hint = false} : vector<10000x32xf32>, vector<32x32xf32>, vector<10000x32xf32> -> vector<10000x32xf32>
    %get3A_24 = arith.constant 0 : index
    %get3A_25 = arith.constant 0 : index
    %get3A_26 = vector.load %arg4[%get3A_24, %get3A_25] : memref<1x32xf32, #tpu.memory_space<vmem>>, vector<1x32xf32>
    %add3A_27 = vector.broadcast %get3A_26 : vector<1x32xf32> to vector<10000x32xf32>
    %add3A_28 = arith.addf %dot_general3A_23, %add3A_27 : vector<10000x32xf32>
    %max3A_29 = arith.constant 0.000000e+00 : f32
    %max3A_30 = vector.broadcast %max3A_29 : f32 to vector<10000x32xf32>
    %max3A_31 = arith.maximumf %add3A_28, %max3A_30 : vector<10000x32xf32>
    %reduce_sum3A = arith.constant dense<0.000000e+00> : vector<32xf32>
    %reduce_sum3A_32 = vector.multi_reduction <add>, %max3A_31, %reduce_sum3A [0] : vector<10000x32xf32> to vector<32xf32>
    %broadcast_in_dim3A = vector.shape_cast %reduce_sum3A_32 : vector<32xf32> to vector<1x32xf32>
    %div3A = arith.constant 1.000000e+04 : f32
    %div3A_33 = vector.broadcast %div3A : f32 to vector<1x32xf32>
    %div3A_34 = arith.divf %broadcast_in_dim3A, %div3A_33 : vector<1x32xf32>
    %sub3A = vector.broadcast %div3A_34 : vector<1x32xf32> to vector<10000x32xf32>
    %sub3A_35 = arith.subf %max3A_31, %sub3A : vector<10000x32xf32>
    %integer_pow3A = arith.mulf %sub3A_35, %sub3A_35 : vector<10000x32xf32>
    %reduce_sum3A_36 = arith.constant dense<0.000000e+00> : vector<32xf32>
    %reduce_sum3A_37 = vector.multi_reduction <add>, %integer_pow3A, %reduce_sum3A_36 [0] : vector<10000x32xf32> to vector<32xf32>
    %broadcast_in_dim3A_38 = vector.shape_cast %reduce_sum3A_37 : vector<32xf32> to vector<1x32xf32>
    %div3A_39 = arith.constant 1.000000e+04 : f32
    %div3A_40 = vector.broadcast %div3A_39 : f32 to vector<1x32xf32>
    %div3A_41 = arith.divf %broadcast_in_dim3A_38, %div3A_40 : vector<1x32xf32>
    %sub3A_42 = vector.broadcast %div3A_34 : vector<1x32xf32> to vector<10000x32xf32>
    %sub3A_43 = arith.subf %max3A_31, %sub3A_42 : vector<10000x32xf32>
    %add3A_44 = arith.constant 9.99999974E-6 : f32
    %add3A_45 = vector.broadcast %add3A_44 : f32 to vector<1x32xf32>
    %add3A_46 = arith.addf %div3A_41, %add3A_45 : vector<1x32xf32>
    %rsqrt3A = math.rsqrt %add3A_46 : vector<1x32xf32>
    %mul3A = vector.broadcast %rsqrt3A : vector<1x32xf32> to vector<10000x32xf32>
    %mul3A_47 = arith.mulf %sub3A_43, %mul3A : vector<10000x32xf32>
    %get3A_48 = arith.constant 0 : index
    %get3A_49 = arith.constant 0 : index
    %get3A_50 = vector.load %arg5[%get3A_48, %get3A_49] : memref<1x32xf32, #tpu.memory_space<vmem>>, vector<1x32xf32>
    %mul3A_51 = vector.broadcast %get3A_50 : vector<1x32xf32> to vector<10000x32xf32>
    %mul3A_52 = arith.mulf %mul3A_47, %mul3A_51 : vector<10000x32xf32>
    %get3A_53 = arith.constant 0 : index
    %get3A_54 = arith.constant 0 : index
    %get3A_55 = vector.load %arg6[%get3A_53, %get3A_54] : memref<1x32xf32, #tpu.memory_space<vmem>>, vector<1x32xf32>
    %add3A_56 = vector.broadcast %get3A_55 : vector<1x32xf32> to vector<10000x32xf32>
    %add3A_57 = arith.addf %mul3A_52, %add3A_56 : vector<10000x32xf32>
    %get3A_58 = arith.constant 0 : index
    %get3A_59 = arith.constant 0 : index
    %get3A_60 = vector.load %arg7[%get3A_58, %get3A_59] : memref<32x32xf32, #tpu.memory_space<vmem>>, vector<32x32xf32>
    %dot_general3A_61 = arith.constant dense<0.000000e+00> : vector<10000x32xf32>
    %dot_general3A_62 = tpu.matmul %add3A_57, %get3A_60, %dot_general3A_61 {dimension_numbers = #tpu.dot_dimension_numbers<[1], [0], [0], [1], [0, 0, 1, 1], [], []>, precision = #tpu.contract_precision<fp32>, transpose_lhs_hint = false} : vector<10000x32xf32>, vector<32x32xf32>, vector<10000x32xf32> -> vector<10000x32xf32>
    %swap3A = arith.constant 0 : index
    %swap3A_63 = arith.constant 0 : index
    %swap3A_64 = vector.load %arg8[%swap3A, %swap3A_63] : memref<10000x32xf32, #tpu.memory_space<vmem>>, vector<10000x32xf32>
    tpu.vector_store %arg8[%swap3A, %swap3A_63], %dot_general3A_62 {strides = array<i32>} : memref<10000x32xf32, #tpu.memory_space<vmem>>, vector<10000x32xf32>,
    return
  }
}

module attributes {stable_mosaic.version = 14 : i64} {
  func.func @body(%arg0: memref<10000x32xf32, #tpu.memory_space<vmem>>, %arg1: memref<2x10240x32xf32, #tpu.memory_space<vmem>>, %arg2: memref<1x32xf32, #tpu.memory_space<vmem>>, %arg3: memref<32x40xf32, #tpu.memory_space<vmem>>, %arg4: memref<1x40xf32, #tpu.memory_space<vmem>>, %arg5: memref<10000x40xf32, #tpu.memory_space<vmem>>) attributes {dimension_semantics = [], scalar_prefetch = 0 : i64, scratch_operands = 0 : i64, tpu.core_type = #tpu.core_type<tc>} {
    %get3A = arith.constant 0 : index
    %get3A_0 = arith.constant 0 : index
    %get3A_1 = vector.load %arg0[%get3A, %get3A_0] : memref<10000x32xf32, #tpu.memory_space<vmem>>, vector<10000x32xf32>
    %get3A_2 = arith.constant 0 : index
    %get3A_3 = arith.constant 0 : index
    %get3A_4 = arith.constant 0 : index
    %get3A_5 = vector.load %arg1[%get3A_2, %get3A_3, %get3A_4] : memref<2x10240x32xf32, #tpu.memory_space<vmem>>, vector<1x10000x32xf32>
    %get3A_6 = vector.shape_cast %get3A_5 : vector<1x10000x32xf32> to vector<10000x32xf32>
    %add3A = arith.addf %get3A_1, %get3A_6 : vector<10000x32xf32>
    %get3A_7 = arith.constant 1 : index
    %get3A_8 = arith.constant 0 : index
    %get3A_9 = arith.constant 0 : index
    %get3A_10 = vector.load %arg1[%get3A_7, %get3A_8, %get3A_9] : memref<2x10240x32xf32, #tpu.memory_space<vmem>>, vector<1x10000x32xf32>
    %get3A_11 = vector.shape_cast %get3A_10 : vector<1x10000x32xf32> to vector<10000x32xf32>
    %add3A_12 = arith.addf %add3A, %get3A_11 : vector<10000x32xf32>
    %get3A_13 = arith.constant 0 : index
    %get3A_14 = arith.constant 0 : index
    %get3A_15 = vector.load %arg2[%get3A_13, %get3A_14] : memref<1x32xf32, #tpu.memory_space<vmem>>, vector<1x32xf32>
    %add3A_16 = vector.broadcast %get3A_15 : vector<1x32xf32> to vector<10000x32xf32>
    %add3A_17 = arith.addf %add3A_12, %add3A_16 : vector<10000x32xf32>
    %max3A = arith.constant 0.000000e+00 : f32
    %max3A_18 = vector.broadcast %max3A : f32 to vector<10000x32xf32>
    %max3A_19 = arith.maximumf %add3A_17, %max3A_18 : vector<10000x32xf32>
    %get3A_20 = arith.constant 0 : index
    %get3A_21 = arith.constant 0 : index
    %get3A_22 = vector.load %arg3[%get3A_20, %get3A_21] : memref<32x40xf32, #tpu.memory_space<vmem>>, vector<32x40xf32>
    %dot_general3A = arith.constant dense<0.000000e+00> : vector<10000x40xf32>
    %dot_general3A_23 = tpu.matmul %max3A_19, %get3A_22, %dot_general3A {dimension_numbers = #tpu.dot_dimension_numbers<[1], [0], [0], [1], [0, 0, 1, 1], [], []>, precision = #tpu.contract_precision<fp32>, transpose_lhs_hint = false} : vector<10000x32xf32>, vector<32x40xf32>, vector<10000x40xf32> -> vector<10000x40xf32>
    %get3A_24 = arith.constant 0 : index
    %get3A_25 = arith.constant 0 : index
    %get3A_26 = vector.load %arg4[%get3A_24, %get3A_25] : memref<1x40xf32, #tpu.memory_space<vmem>>, vector<1x40xf32>
    %add3A_27 = vector.broadcast %get3A_26 : vector<1x40xf32> to vector<10000x40xf32>
    %add3A_28 = arith.addf %dot_general3A_23, %add3A_27 : vector<10000x40xf32>
    %swap3A = arith.constant 0 : index
    %swap3A_29 = arith.constant 0 : index
    %swap3A_30 = vector.load %arg5[%swap3A, %swap3A_29] : memref<10000x40xf32, #tpu.memory_space<vmem>>, vector<10000x40xf32>
    tpu.vector_store %arg5[%swap3A, %swap3A_29], %add3A_28 {strides = array<i32>} : memref<10000x40xf32, #tpu.memory_space<vmem>>, vector<10000x40xf32>,
    return
  }
}

</mosaic_0001>

<sc_bundles>
// kernel: kernel.10.cloned.1.call-start
scs
__scs_entry_jumppad:
0x0: {  	(pc) =	sbr.rel $0x88, $3  }
0x1: {  	(tag) =	ssettag $0x0;
	lr =	simm.s32 $0x1  }
0x2: {  	[smem:$0x3F95] =	sst lr;
	_ =	strace $0xD0000000  }
0x3: {  	_ = 	snop  }
0x4: {  	_ = 	snop  }
0x5: {  	_ = 	snop  }
0x6: {  	_ = 	snop  }
0x7: {  	_ = 	snop  }
__scs_overlays_trampoline_lowered:
0x8: {  	[smem:$0x3FA4] =	sst s0  }
0x9: {  	[smem:$0x3FA5] =	sst s1  }
0xa: {  	[smem:$0x3FA6] =	sst s2  }
0xb: {  	[smem:$0x3FA7] =	sst s3  }
0xc: {  	[smem:$0x3FA8] =	sst s4  }
0xd: {  	[smem:$0x3FA9] =	sst s5  }
0xe: {  	[smem:$0x3FAA] =	sst s6  }
0xf: {  	[smem:$0x3FAB] =	sst s7  }
0x10: {  	[smem:$0x3FAC] =	sst s8  }
0x11: {  	[smem:$0x3FAD] =	sst s9;
	s0 =	simm.s32 @!p0 $0x0  }
0x12: {  	s1 =	sld [smem:$0x3F93];
	s0 =	simm.s32 @p0 $0x1  }
0x13: {  	[smem:$0x3FAE] =	sst s0;
	s0 =	simm.s32 @!p1 $0x0  }
0x14: {  	s2 =	sld [smem:$0x3F92];
	s0 =	simm.s32 @p1 $0x1  }
0x15: {  	[smem:$0x3FAF] =	sst s0;
	s0 =	simm.s32 @!p2 $0x0  }
0x16: {  	s3 =	sld [smem:$0x3FDB];
	s0 =	simm.s32 @p2 $0x1  }
0x17: {  	s4 =	simm.s32 $0x1BF5;
	[smem:$0x3FB1] =	sst s0  }
0x18: {  	s0 =	sld [smem:$0x3F94];
	_ =	swait.ge [sflag:s4], $0x0  }
0x19: {  	s7 =	sld [smem:$0x3F95]  }
0x1a: {  	s8 =	sadd.s32 $0xFFFFE003, lr  }
0x1b: {  	s9 =	sadd.s32 $0xFFFFFEF7, lr;
	s5 =	simm.s32 $0xFFFFFFFF;
	p2 =	slt.u32 s8, $0xFFFFF086  }
0x1c: {  	p1 =	slt.u32 s9, $0xF7A;
	s5 =	simm.s32 @!p2 $0x0  }
0x1d: {  	s5 =	simm.s32 @p1 $0x1;
	p0 =	seq.s32 s7, s2  }
0x1e: {  	s7 =	smul.u32 @!p0 $0xF7A, s2;
	p2 =	seq.s32 @!p0 s5, $0x0  }
0x1f: {  	s9 =	smul.u32 $0xF7A, s1;
	s8 =	simm.s32 @!p0 $0x1BF5;
	p2 =	por !p2, p0  }
0x20: {  	[sflag:s8] =	ssyncset.s32 @!p0 $0xFFFFF086;
	s6 =	sadd.s32 @!p0 s3, s7;
	s7 =	simm.s32 @!p0 $0x108  }
0x21: {  	s3 =	sadd.s32 s3, s9;
	s6 =	sadd.s32 @!p0 $0x88, s6;
	s7 =	simm.s32 @p2 $0x1082  }
0x22: {  	[simem:s7], [sflag:s8] =	dma.local @!p0 [hbm:s6], $0xF7A  }
0x23: {  	s9 =	sor.u32 $0xD0000000, s2;
	s6 =	simm.s32 $0x108;
	_ =	swait.ge @!p0 [sflag:s8], $0x0  }
0x24: {  	s3 =	sadd.s32 $0x88, s3;
	s6 =	simm.s32 @!p1 $0x1082;
	[sflag:s4] =	ssyncset.s32 $0xFFFFF086  }
0x25: {  	[simem:s6], [sflag:s4] =	dma.local [hbm:s3], $0xF7A  }
0x26: {  	[smem:$0x3F95] =	sst s1;
	(tag) =	ssettag s2;
	_ =	strace s9  }
0x27: {  	s1 =	sld [smem:$0x3FA5]  }
0x28: {  	s2 =	sld [smem:$0x3FA6]  }
0x29: {  	s4 =	sld [smem:$0x3FA8]  }
0x2a: {  	p0 =	seq.s32 s5, $0x0;
	s5 =	sld [smem:$0x3FA9]  }
0x2b: {  	s6 =	sld [smem:$0x3FAA]  }
0x2c: {  	s7 =	sld [smem:$0x3FAB]  }
0x2d: {  	s3 =	simm.s32 $0x108;
	s8 =	sld [smem:$0x3FAC]  }
0x2e: {  	s3 =	simm.s32 @!p0 $0x1082;
	s9 =	sld [smem:$0x3FAD]  }
0x2f: {  	lr =	sadd.s32 s0, s3;
	s0 =	sld [smem:$0x3FA4]  }
0x30: {  	s3 =	sld [smem:$0x3FA7]  }
0x31: {  	[smem:$0x3FB0] =	sst s10  }
0x32: {  	s10 =	sld [smem:$0x3FAE];
	_ =	sdelay $0x3  }
0x33: {  	p0 =	seq.s32 s10, $0x1;
	s10 =	sld [smem:$0x3FB0];
	_ =	sdelay $0x3  }
0x34: {  	[smem:$0x3FB0] =	sst s10  }
0x35: {  	s10 =	sld [smem:$0x3FAF];
	_ =	sdelay $0x3  }
0x36: {  	p1 =	seq.s32 s10, $0x1;
	s10 =	sld [smem:$0x3FB0];
	_ =	sdelay $0x3  }
0x37: {  	[smem:$0x3FB0] =	sst s10  }
0x38: {  	s10 =	sld [smem:$0x3FB1]  }
0x39: {  	_ = 	snop;
	(pc) =	sbr.ind lr, $3  }
0x3a: {  	_ = 	snop  }
0x3b: {  	_ = 	snop  }
0x3c: {  	p2 =	seq.s32 s10, $0x1;
	s10 =	sld [smem:$0x3FB0]  }
0x3d: {  	_ =	shalt  }
0x3e: {  	_ =	shalt  }
0x3f: {  	_ =	shalt  }
0x40: {  	_ =	shalt  }
0x41: {  	_ =	shalt  }
0x42: {  	_ =	shalt  }
0x43: {  	_ =	shalt  }
0x44: {  	_ =	shalt  }
0x45: {  	_ =	shalt  }
0x46: {  	_ =	shalt  }
0x47: {  	_ =	shalt  }
0x48: {  	_ =	shalt  }
0x49: {  	_ =	shalt  }
0x4a: {  	_ =	shalt  }
0x4b: {  	_ =	shalt  }
0x4c: {  	_ =	shalt  }
0x4d: {  	_ =	shalt  }
0x4e: {  	_ =	shalt  }
0x4f: {  	_ =	shalt  }
0x50: {  	_ =	shalt  }
0x51: {  	_ =	shalt  }
0x52: {  	_ =	shalt  }
0x53: {  	_ =	shalt  }
0x54: {  	_ =	shalt  }
0x55: {  	_ =	shalt  }
0x56: {  	_ =	shalt  }
0x57: {  	_ =	shalt  }
0x58: {  	_ =	shalt  }
0x59: {  	_ =	shalt  }
0x5a: {  	_ =	shalt  }
0x5b: {  	_ =	shalt  }
0x5c: {  	_ =	shalt  }
0x5d: {  	_ =	shalt  }
0x5e: {  	_ =	shalt  }
0x5f: {  	_ =	shalt  }
0x60: {  	_ =	shalt  }
0x61: {  	_ =	shalt  }
0x62: {  	_ =	shalt  }
0x63: {  	_ =	shalt  }
0x64: {  	_ =	shalt  }
0x65: {  	_ =	shalt  }
0x66: {  	_ =	shalt  }
0x67: {  	_ =	shalt  }
0x68: {  	_ =	shalt  }
0x69: {  	_ =	shalt  }
0x6a: {  	_ =	shalt  }
0x6b: {  	_ =	shalt  }
0x6c: {  	_ =	shalt  }
0x6d: {  	_ =	shalt  }
0x6e: {  	_ =	shalt  }
0x6f: {  	_ =	shalt  }
0x70: {  	_ =	shalt  }
0x71: {  	_ =	shalt  }
0x72: {  	_ =	shalt  }
0x73: {  	_ =	shalt  }
0x74: {  	_ =	shalt  }
0x75: {  	_ =	shalt  }
0x76: {  	_ =	shalt  }
0x77: {  	_ =	shalt  }
0x78: {  	_ =	shalt  }
0x79: {  	_ =	shalt  }
0x7a: {  	_ =	shalt  }
0x7b: {  	_ =	shalt  }
0x7c: {  	_ =	shalt  }
0x7d: {  	_ =	shalt  }
0x7e: {  	_ =	shalt  }
0x7f: {  	_ =	shalt  }
0x80: {  	_ =	shalt  }
0x81: {  	_ =	shalt  }
0x82: {  	_ =	shalt  }
0x83: {  	_ =	shalt  }
0x84: {  	_ =	shalt  }
0x85: {  	_ =	shalt  }
0x86: {  	_ =	shalt  }
0x87: {  	_ =	shalt  }
.Lfunc_end0:
.L_simem_size_0:
called_computation.1_lowered:
.L_overlay_start_0:
0x88: {  	s2 =	sld [smem:$0x3FD9]  }
0x89: {  	s3 =	sld [smem:$0x3FFE];
	_ =	sdelay $0x1  }
0x8a: {  	s1 =	srdreg.scid  }
0x8b: {  	s0 =	sand.u32 $0x1, s1  }
0x8c: {  	s17 =	sshll.u32 s0, $0xA;
	s2 =	sadd.s32 s3, s2  }
0x8d: {  	s2 =	sadd.s32 s2, s17  }
0x8e: {  	[smem:$0x3FBC] =	sst s2  }
0x8f: {  	_ = 	snop  }
0x90: {  	s2 =	sld [smem:$0x3FD0];
	(tm) =	ssettm $0x1  }
0x91: {  	s18 =	sld [smem:$0x3FFB];
	_ =	sdelay $0x3  }
0x92: {  	_ =	strace s18  }
0x93: {  	s3 =	sld [smem:$0x3FFC];
	_ =	sdelay $0x3  }
0x94: {  	_ =	strace s3  }
0x95: {  	s3 =	sld [smem:$0x3FFD];
	_ =	sdelay $0x3  }
0x96: {  	_ =	strace s3  }
0x97: {  	_ =	strace $0x8FFFFFFF  }
0x98: {  	s19 =	sld [smem:$0x3FDB];
	_ =	sdelay $0x1  }
0x99: {  	s4 =	simm.s32 $_scs_section_size  }
0x9a: {  	s5 =	simm.s32 $_size__tile_overlayer_lowered;
	s6 =	simm.s32 $_tile_overlayer_lowered  }
0x9b: {  	s22 =	simm.s32 $0x1BFF;
	s21 =	sshll.u32 s6, $0x1;
	s3 =	sadd.s32 s4, s19  }
0x9c: {  	s7 =	simm.s32 $0x0;
	s20 =	sshll.u32 s5, $0x1;
	s5 =	sadd.s32 s21, s3  }
0x9d: {  	[timem:s7], [sflag:s22] =	dma.local [hbm:s5], s20  }
0x9e: {  	_ =	swait.ge [sflag:s22], s20  }
0x9f: {  	s4 =	ssub.s32 $0x0, s20;
	[sflag:s22] =	ssyncset.done $0x0  }
0xa0: {  	[sflag:s22] =	ssyncadd.s32 s4;
	_ =	sdelay $0x1  }
0xa1: {  	s23 =	simm.s32 $0x1B8B  }
0xa2: {  	_ =	swait.ge [sflag:s23], $0x1  }
0xa3: {  	[sflag:s23] =	ssyncset.done $0x0  }
0xa4: {  	s25 =	simm.s32 $0x1B8E;
	s24 =	sld [smem:$0x3FFE];
	[sflag:s23] =	ssyncadd.s32 $0xFFFFFFFF  }
0xa5: {  	s26 =	simm.s32 $execute0_lowered;
	[smem:$0x3FD2] =	sst s25  }
0xa6: {  	s5 =	sshll.u32 s26, $0x1;
	_ =	strace $0x80000049;
	[dreg:$0x1] =	wrdreg $0xFFFFFFFF  }
0xa7: {  	s28 =	simm.s32 $_size_execute0_lowered;
	s3 =	sadd.s32 s3, s5;
	[dreg:$0x0] =	wrdreg $0x0  }
0xa8: {  	s5 =	sshll.u32 s28, $0x1;
	[dreg:$0x2] =	wrdreg s3  }
0xa9: {  	[dreg:$0x3] =	wrdreg s5  }
0xaa: {  	[dreg:$0x4] =	wrdreg $0xC0  }
0xab: {  	_ =	task [dreg:s7], $0x5FFFF  }
0xac: {  	[dreg:$0x1] =	wrdreg $0xFFFFFFFF  }
0xad: {  	[dreg:$0x0] =	wrdreg $0x60  }
0xae: {  	[dreg:$0x2] =	wrdreg s2  }
0xaf: {  	[dreg:$0x3] =	wrdreg s24  }
0xb0: {  	[dreg:$0x4] =	wrdreg $0xDF000  }
0xb1: {  	[dreg:$0x5] =	wrdreg $0x9  }
0xb2: {  	_ =	task.clear_ibuf [dreg:s7], $0x6FFFF;
	_ =	strace $0x90000049  }
0xb3: {  	s29 =	simm.s32 $0x9;
	_ =	strace $0x8000004B  }
0xb4: {  	_ =	swait.ge [sflag:s29], $0x1  }
0xb5: {  	[sflag:s29] =	ssyncadd.s32 $0xFFFFFFFF  }
0xb6: {  	_ =	strace $0x9000004B  }
0xb7: {  	_ =	sfence  }
0xb8: {  	s30 =	sld [smem:$0x0];
	_ =	sdelay $0x2  }
0xb9: {  	s31 =	sshll.u32 s1, $0xD;
	s1 =	sshrl.u32 s1, $0x2  }
0xba: {  	s3 =	sand.u32 $0x4000, s31;
	s1 =	sadd.s32 s1, s30  }
0xbb: {  	s0 =	sor.u32 s3, s0;
	s1 =	sshll.u32 s1, $0x11  }
0xbc: {  	s0 =	sor.u32 s1, s0  }
0xbd: {  	s0 =	sadd.s32 $0x8F2B, s0  }
0xbe: {  	[sflag:s0] =	ssyncadd.remote.s32 $0x1  }
0xbf: {  	_ =	sfence.sel $0xFFFF  }
0xc0: {  	[dreg:$0x0] =	wrdreg $0xFFFFFFFF;
	(pc) =	sbr.abs _section_cstart, $3  }
0xc1: {  	[dreg:$0x1] =	wrdreg $0xFFFFFFFF  }
0xc2: {  	_ =	task.clear_ibuf [dreg:s7], $0x2FFFF;
	_ =	strace $0x9FFFFFFF  }
0xc3: {  	(tm) =	ssettm $0x7FFFFFFF  }
tec
execute0_lowered:
.L_overlay_start_1:
0x0: {  	(tag) =	ssettag $0x1  }
0x1: {  	s1 =	rddreg [dreg:$0x0]  }
0x2: {  	s0 =	rddreg [dreg:$0x1]  }
0x3: {  	s2 =	rddreg [dreg:$0x2]  }
0x4: {  	s3 =	srdreg.scid;
	s5 =	simm.s32 $0x0;
	s11 =	stileid.u32  }
0x5: {  	s18 =	simm.s32 $0xCF00;
	s19 =	simm.s32 $0xA;
	s20 =	simm.s32 $0x9  }
0x6: {  	s21 =	simm.s32 $0x80;
	s22 =	simm.s32 $0x4F00;
	s29 =	simm.s32 $0x7F00  }
0x7: {  	s31 =	simm.s32 $0x8F00;
	s28 =	simm.s32 $0xAF00;
	s30 =	simm.s32 $0xBF00  }
0x8: {  	s3 =	sand.u32 $0x1, s3;
	[smem:$0x7FF] =	sst s5;
	s6 =	smul.u32 $0x5000, s11  }
0x9: {  	s7 =	sadd.s32 $0xB200, s0;
	s8 =	sadd.s32 $0x1400, s0;
	s26 =	smul.u32 $0x14000, s11  }
0xa: {  	s4 =	smul.u32 $0x50000, s3;
	s23 =	sshll.u32 s3, $0x4;
	s3 =	ssub.s32 $0x2, s3  }
0xb: {  	_ =	strace $0x8000004A;
	s9 =	sor.u32 s11, s23;
	s24 =	sshrl.u32 s3, $0x1  }
0xc: {  	s15 =	sshrl.u32 s26, $0x2;
	s17 =	sadd.s32 s6, s2;
	s11 =	simm.s32 $0x0  }
0xd: {  	s4 =	sadd.s32 s6, s4;
	s5 =	smul.u32 $0x4E, s9;
	s10 =	smin.u32 s9, $0x4  }
0xe: {  	s3 =	ssub.s32 s3, s24;
	p0 =	sgt.u32 s9, $0x3;
	s4 =	sshrl.u32 s4, $0x3  }
0xf: {  	s3 =	smax.u32 s3, $0x1;
	s0 =	sadd.s32 s4, s0;
	s25 =	sadd.s32 s10, s5  }
0x10: {  	[dreg:$0xa] =	wrdreg s3;
	s4 =	sshll.u32 s25, $0x4;
	s0 =	sadd.s32 $0x15000, s0  }
0x11: {  	p1 =	slt.u32 s9, $0x4;
	s12 =	sadd.s32 s7, s4;
	[dreg:$0x9] =	wrdreg s0  }
0x12: {  	s13 =	sadd.s32 $0x4E0, s4;
	s4 =	sadd.s32 s8, s4;
	[dreg:$0x4] =	wrdreg s12  }
0x13: {  	s6 =	simm.s32 $0x5;
	s0 =	sshrl.u32 s17, $0x3;
	[dreg:$0x5] =	wrdreg s4  }
0x14: {  	s9 =	simm.s32 $0x8;
	s14 =	sadd.s32 s7, s13;
	[dreg:$0xf] =	wrdreg s0  }
0x15: {  	s5 =	simm.s32 $0x4E;
	s16 =	sadd.s32 s8, s13;
	[dreg:$0x6] =	wrdreg s14  }
0x16: {  	s3 =	simm.s32 $0x3;
	s4 =	sadd.s32 s15, s2;
	[dreg:$0x7] =	wrdreg s16  }
0x17: {  	s5 =	simm.s32 @!p0 $0x4F;
	s23 =	sadd.s32 $0x1000, s4;
	[dreg:$0x8] =	wrdreg s4  }
0x18: {  	s17 =	simm.s32 $0x9F00;
	s24 =	sadd.s32 $0x2000, s4;
	[dreg:$0xb] =	wrdreg s23  }
0x19: {  	s0 =	simm.s32 $0x1;
	s25 =	sadd.s32 $0x3000, s4;
	[dreg:$0xc] =	wrdreg s24  }
0x1a: {  	s7 =	simm.s32 $0x6;
	s26 =	sadd.s32 $0x4000, s4;
	[dreg:$0xd] =	wrdreg s25  }
0x1b: {  	s8 =	simm.s32 $0x7;
	s4 =	simm.s32 $0x4;
	[dreg:$0xe] =	wrdreg s26  }
0x1c: {  	v0 =	vimm.f32 $0.0e+00;
	s23 =	simm.s32 $0x5F00;
	s26 =	simm.s32 $0x6F00;
	s24 =	simm.s32 $0x2  }
.LBB2_1:
0x1d: {  	s10 =	simm.s32 $0x0;
	s12 =	rddreg [dreg:$0x4]  }
0x1e: {  	[tilespmem:s10], [sflag:$0x9] =	stream.linear.gather [hbm4b:s12+s10], $0x2700, $0x38;
	[tilespmem:$0x12F00] =	vst v63  }
0x1f: {  	s25 =	rddreg [dreg:$0x5];
	s13 =	simm.s32 $0x2780  }
0x20: {  	[tilespmem:s13], [sflag:$0x9] =	stream.linear.gather [hbm4b:s25+s10], $0x2700, $0x38;
	[tilespmem:$0x12F00] =	vst v63  }
0x21: {  	s12 =	simm.s32 @p1 $0x0;
	s13 =	simm.s32 @p1 $0x2700;
	s10 =	rddreg [dreg:$0x6]  }
0x22: {  	[tilespmem:s13], [sflag:$0xA] =	stream.linear.gather @p1 [hbm4b:s10+s12], $0x80, $0x38;
	[tilespmem:$0x12F00] =	vst v63  }
0x23: {  	s13 =	simm.s32 @p1 $0xA  }
0x24: {  	_ =	swait.ge @p1 [sflag:s13], $0x80  }
0x25: {  	[sflag:s13] =	ssyncset.done @p1 $0x0  }
0x26: {  	s14 =	simm.s32 @p1 $0x4E80;
	s10 =	rddreg [dreg:$0x7];
	[sflag:s13] =	ssyncadd.s32 @p1 $0xFFFFFF80  }
0x27: {  	[tilespmem:s14], [sflag:$0xA] =	stream.linear.gather @p1 [hbm4b:s10+s12], $0x80, $0x38;
	[tilespmem:$0x12F00] =	vst v63  }
0x28: {  	_ =	swait.ge @p1 [sflag:s13], $0x80  }
0x29: {  	[sflag:s13] =	ssyncset.done @p1 $0x0  }
0x2a: {  	s12 =	simm.s32 $0x80;
	[sflag:s13] =	ssyncadd.s32 @p1 $0xFFFFFF80;
	s13 =	simm.s32 $0x0  }
.LBB2_2:
0x2b: {  	p2 =	seq.s32 s12, $0x3F80;
	[tilespmem:s13+$0xCF00] =	vst v0;
	s14 =	smov.u32 s12;
	s12 =	sadd.s32 $0x80, s12  }
.Ltmp0:
0x2c: {  	[tilespmem:s13+$0xCF10] =	vst v0;
	(pc) =	sbr.rel @!p2 .LBB2_2-.Ltmp0, $2  }
0x2d: {  	_ =	sdelay $0x2  }
0x2e: {  	s13 =	sshra.s32 s14, $0x2  }
0x2f: {  	[tilespmem:s13+$0xCF00] =	vst v0  }
0x30: {  	[tilespmem:s13+$0xCF10] =	vst v0;
	s10 =	rddreg [dreg:$0x8]  }
0x31: {  	[spmem:s10] =	stream.linear.scatter [tilespmem:s18], [sflag:$0xA], $0x1000, $0x38;
	[tilespmem:$0x12F00] =	vst v63  }
0x32: {  	_ =	swait.ge [sflag:s19], $0x1000  }
0x33: {  	[sflag:s19] =	ssyncset.done $0x0  }
0x34: {  	s12 =	rddreg [dreg:$0xb];
	[sflag:s19] =	ssyncadd.s32 $0xFFFFF000  }
0x35: {  	[spmem:s12] =	stream.linear.scatter [tilespmem:s18], [sflag:$0xA], $0x1000, $0x38;
	[tilespmem:$0x12F00] =	vst v63  }
0x36: {  	_ =	swait.ge [sflag:s19], $0x1000  }
0x37: {  	[sflag:s19] =	ssyncset.done $0x0  }
0x38: {  	s13 =	rddreg [dreg:$0xc];
	[sflag:s19] =	ssyncadd.s32 $0xFFFFF000  }
0x39: {  	[spmem:s13] =	stream.linear.scatter [tilespmem:s18], [sflag:$0xA], $0x1000, $0x38;
	[tilespmem:$0x12F00] =	vst v63  }
0x3a: {  	_ =	swait.ge [sflag:s19], $0x1000  }
0x3b: {  	[sflag:s19] =	ssyncset.done $0x0  }
0x3c: {  	s14 =	rddreg [dreg:$0xd];
	[sflag:s19] =	ssyncadd.s32 $0xFFFFF000  }
0x3d: {  	[spmem:s14] =	stream.linear.scatter [tilespmem:s18], [sflag:$0xA], $0x1000, $0x38;
	[tilespmem:$0x12F00] =	vst v63  }
0x3e: {  	_ =	swait.ge [sflag:s19], $0x1000  }
0x3f: {  	[sflag:s19] =	ssyncset.done $0x0  }
0x40: {  	s15 =	rddreg [dreg:$0xe];
	[sflag:s19] =	ssyncadd.s32 $0xFFFFF000  }
0x41: {  	[spmem:s15] =	stream.linear.scatter [tilespmem:s18], [sflag:$0xA], $0x1000, $0x38;
	[tilespmem:$0x12F00] =	vst v63  }
0x42: {  	_ =	swait.ge [sflag:s19], $0x1000  }
0x43: {  	[sflag:s19] =	ssyncset.done $0x0  }
0x44: {  	[sflag:s19] =	ssyncadd.s32 $0xFFFFF000  }
0x45: {  	_ =	swait.ge [sflag:s20], $0x2700  }
0x46: {  	[sflag:s20] =	ssyncset.done $0x0  }
0x47: {  	[sflag:s20] =	ssyncadd.s32 $0xFFFFD900  }
0x48: {  	_ =	swait.ge [sflag:s20], $0x2700  }
0x49: {  	[sflag:s20] =	ssyncset.done $0x0  }
0x4a: {  	s12 =	simm.s32 $0x0;
	[sflag:s20] =	ssyncadd.s32 $0xFFFFD900  }
0x4b: {  	[tilespmem:s22], [sflag:$0x1] =	stream.indirect.gather [hbm4b:s1+s21], $0x20, s12, s21, $0xb8;
	[tilespmem:$0x12F00] =	vst v63  }
0x4c: {  	_ = 	snop  }
0x4d: {  	[tilespmem:s23], [sflag:$0x2] =	stream.indirect.gather [hbm4b:s1+s21], $0x20, s21, s21, $0xb8;
	[tilespmem:$0x12F00] =	vst v63  }
0x4e: {  	s16 =	simm.s32 $0x100  }
0x4f: {  	[tilespmem:s26], [sflag:$0x3] =	stream.indirect.gather [hbm4b:s1+s21], $0x20, s16, s21, $0xb8;
	[tilespmem:$0x12F00] =	vst v63  }
0x50: {  	s25 =	simm.s32 $0x180  }
0x51: {  	[tilespmem:s29], [sflag:$0x4] =	stream.indirect.gather [hbm4b:s1+s21], $0x20, s25, s21, $0xb8;
	[tilespmem:$0x12F00] =	vst v63  }
0x52: {  	s12 =	simm.s32 $0x200  }
0x53: {  	[tilespmem:s31], [sflag:$0x5] =	stream.indirect.gather [hbm4b:s1+s21], $0x20, s12, s21, $0xb8;
	[tilespmem:$0x12F00] =	vst v63  }
0x54: {  	s13 =	simm.s32 $0x280  }
0x55: {  	[tilespmem:s17], [sflag:$0x6] =	stream.indirect.gather [hbm4b:s1+s21], $0x20, s13, s21, $0xb8;
	[tilespmem:$0x12F00] =	vst v63  }
0x56: {  	s14 =	simm.s32 $0x300  }
0x57: {  	[tilespmem:s28], [sflag:$0x7] =	stream.indirect.gather [hbm4b:s1+s21], $0x20, s14, s21, $0xb8;
	[tilespmem:$0x12F00] =	vst v63  }
0x58: {  	s15 =	simm.s32 $0x380  }
0x59: {  	[tilespmem:s30], [sflag:$0x8] =	stream.indirect.gather [hbm4b:s1+s21], $0x20, s15, s21, $0xb8;
	[tilespmem:$0x12F00] =	vst v63  }
0x5a: {  	[bflag:$0x0] =	sbarrier.arrive $0xFFFF  }
0x5b: {  	_ =	swait.ge [sflag:s0], $0x1000  }
0x5c: {  	[sflag:s0] =	ssyncset.done $0x0  }
0x5d: {  	s16 =	simm.s32 $0x2780;
	[sflag:s0] =	ssyncadd.s32 $0xFFFFF000  }
0x5e: {  	[spmem:s2] =	stream.indirect.scatter.add.f32 [tilespmem:s22], [sflag:$0xA], $0x20, s16, s21, $0xb8;
	[tilespmem:$0x12F00] =	vst v63  }
0x5f: {  	_ =	swait.ge [sflag:s19], $0x1000  }
0x60: {  	[sflag:s19] =	ssyncset.done $0x0  }
0x61: {  	s25 =	simm.s32 $0x400;
	[sflag:s19] =	ssyncadd.s32 $0xFFFFF000  }
0x62: {  	[tilespmem:s22], [sflag:$0x1] =	stream.indirect.gather [hbm4b:s1+s21], $0x20, s25, s21, $0xb8;
	[tilespmem:$0x12F00] =	vst v63  }
0x63: {  	_ =	swait.ge [sflag:s24], $0x1000  }
0x64: {  	[sflag:s24] =	ssyncset.done $0x0  }
0x65: {  	s10 =	simm.s32 $0x2800;
	[sflag:s24] =	ssyncadd.s32 $0xFFFFF000  }
0x66: {  	[spmem:s2] =	stream.indirect.scatter.add.f32 [tilespmem:s23], [sflag:$0xA], $0x20, s10, s21, $0xb8;
	[tilespmem:$0x12F00] =	vst v63  }
0x67: {  	_ =	swait.ge [sflag:s19], $0x1000  }
0x68: {  	[sflag:s19] =	ssyncset.done $0x0  }
0x69: {  	s13 =	simm.s32 $0x480;
	[sflag:s19] =	ssyncadd.s32 $0xFFFFF000  }
0x6a: {  	[tilespmem:s23], [sflag:$0x2] =	stream.indirect.gather [hbm4b:s1+s21], $0x20, s13, s21, $0xb8;
	[tilespmem:$0x12F00] =	vst v63  }
0x6b: {  	_ =	swait.ge [sflag:s3], $0x1000  }
0x6c: {  	[sflag:s3] =	ssyncset.done $0x0  }
0x6d: {  	s14 =	simm.s32 $0x2880;
	[sflag:s3] =	ssyncadd.s32 $0xFFFFF000  }
0x6e: {  	[spmem:s2] =	stream.indirect.scatter.add.f32 [tilespmem:s26], [sflag:$0xA], $0x20, s14, s21, $0xb8;
	[tilespmem:$0x12F00] =	vst v63  }
0x6f: {  	_ =	swait.ge [sflag:s19], $0x1000  }
0x70: {  	[sflag:s19] =	ssyncset.done $0x0  }
0x71: {  	s15 =	simm.s32 $0x500;
	[sflag:s19] =	ssyncadd.s32 $0xFFFFF000  }
0x72: {  	[tilespmem:s26], [sflag:$0x3] =	stream.indirect.gather [hbm4b:s1+s21], $0x20, s15, s21, $0xb8;
	[tilespmem:$0x12F00] =	vst v63  }
0x73: {  	_ =	swait.ge [sflag:s4], $0x1000  }
0x74: {  	[sflag:s4] =	ssyncset.done $0x0  }
0x75: {  	s16 =	simm.s32 $0x2900;
	[sflag:s4] =	ssyncadd.s32 $0xFFFFF000  }
0x76: {  	[spmem:s2] =	stream.indirect.scatter.add.f32 [tilespmem:s29], [sflag:$0xA], $0x20, s16, s21, $0xb8;
	[tilespmem:$0x12F00] =	vst v63  }
0x77: {  	_ =	swait.ge [sflag:s19], $0x1000  }
0x78: {  	[sflag:s19] =	ssyncset.done $0x0  }
0x79: {  	s25 =	simm.s32 $0x580;
	[sflag:s19] =	ssyncadd.s32 $0xFFFFF000  }
0x7a: {  	[tilespmem:s29], [sflag:$0x4] =	stream.indirect.gather [hbm4b:s1+s21], $0x20, s25, s21, $0xb8;
	[tilespmem:$0x12F00] =	vst v63  }
0x7b: {  	_ =	swait.ge [sflag:s6], $0x1000  }
0x7c: {  	[sflag:s6] =	ssyncset.done $0x0  }
0x7d: {  	s10 =	simm.s32 $0x2980;
	[sflag:s6] =	ssyncadd.s32 $0xFFFFF000  }
0x7e: {  	[spmem:s2] =	stream.indirect.scatter.add.f32 [tilespmem:s31], [sflag:$0xA], $0x20, s10, s21, $0xb8;
	[tilespmem:$0x12F00] =	vst v63  }
0x7f: {  	_ =	swait.ge [sflag:s19], $0x1000  }
0x80: {  	[sflag:s19] =	ssyncset.done $0x0  }
0x81: {  	s13 =	simm.s32 $0x600;
	[sflag:s19] =	ssyncadd.s32 $0xFFFFF000  }
0x82: {  	[tilespmem:s31], [sflag:$0x5] =	stream.indirect.gather [hbm4b:s1+s21], $0x20, s13, s21, $0xb8;
	[tilespmem:$0x12F00] =	vst v63  }
0x83: {  	_ =	swait.ge [sflag:s7], $0x1000  }
0x84: {  	[sflag:s7] =	ssyncset.done $0x0  }
0x85: {  	s14 =	simm.s32 $0x2A00;
	[sflag:s7] =	ssyncadd.s32 $0xFFFFF000  }
0x86: {  	[spmem:s2] =	stream.indirect.scatter.add.f32 [tilespmem:s17], [sflag:$0xA], $0x20, s14, s21, $0xb8;
	[tilespmem:$0x12F00] =	vst v63  }
0x87: {  	_ =	swait.ge [sflag:s19], $0x1000  }
0x88: {  	[sflag:s19] =	ssyncset.done $0x0  }
0x89: {  	s15 =	simm.s32 $0x680;
	[sflag:s19] =	ssyncadd.s32 $0xFFFFF000  }
0x8a: {  	[tilespmem:s17], [sflag:$0x6] =	stream.indirect.gather [hbm4b:s1+s21], $0x20, s15, s21, $0xb8;
	[tilespmem:$0x12F00] =	vst v63  }
0x8b: {  	_ =	swait.ge [sflag:s8], $0x1000  }
0x8c: {  	[sflag:s8] =	ssyncset.done $0x0  }
0x8d: {  	s16 =	simm.s32 $0x2A80;
	[sflag:s8] =	ssyncadd.s32 $0xFFFFF000  }
0x8e: {  	[spmem:s2] =	stream.indirect.scatter.add.f32 [tilespmem:s28], [sflag:$0xA], $0x20, s16, s21, $0xb8;
	[tilespmem:$0x12F00] =	vst v63  }
0x8f: {  	p2 =	sle.u32 s5, $0xE;
	_ =	swait.ge [sflag:s19], $0x1000  }
0x90: {  	s12 =	simm.s32 @!p2 $0xAF00;
	[sflag:s19] =	ssyncset.done $0x0  }
0x91: {  	s13 =	simm.s32 @!p2 $0x700;
	s14 =	simm.s32 @!p2 $0x80;
	[sflag:s19] =	ssyncadd.s32 $0xFFFFF000  }
0x92: {  	[tilespmem:s12], [sflag:$0x7] =	stream.indirect.gather @!p2 [hbm4b:s1+s14], $0x20, s13, s14, $0xb8;
	[tilespmem:$0x12F00] =	vst v63  }
0x93: {  	_ =	swait.ge [sflag:s9], $0x1000  }
0x94: {  	[sflag:s9] =	ssyncset.done $0x0  }
0x95: {  	p3 =	sle.u32 s5, $0xF;
	s25 =	simm.s32 $0x2B00;
	[sflag:s9] =	ssyncadd.s32 $0xFFFFF000  }
0x96: {  	[spmem:s2] =	stream.indirect.scatter.add.f32 [tilespmem:s30], [sflag:$0xA], $0x20, s25, s21, $0xb8;
	[tilespmem:$0x12F00] =	vst v63  }
0x97: {  	s15 =	simm.s32 @!p3 $0x780;
	_ =	swait.ge [sflag:s19], $0x1000  }
0x98: {  	s16 =	simm.s32 @!p3 $0x80;
	s12 =	simm.s32 $0x1000;
	[sflag:s19] =	ssyncset.done $0x0  }
0x99: {  	s13 =	simm.s32 $0x17;
	s14 =	simm.s32 @!p3 $0xBF00;
	[sflag:s19] =	ssyncadd.s32 $0xFFFFF000  }
.LBB2_4:
0x9a: {  	[tilespmem:s14], [sflag:$0x8] =	stream.indirect.gather @!p3 [hbm4b:s1+s16], $0x20, s15, s16, $0xb8;
	[tilespmem:$0x12F00] =	vst v63  }
0x9b: {  	s14 =	smov.u32 s12;
	s12 =	sadd.s32 $0x1000, s12;
	_ =	swait.ge [sflag:s0], $0x1000  }
0x9c: {  	s15 =	sshra.s32 s14, $0x2;
	p2 =	sne.s32 s12, $0x9000;
	[sflag:s0] =	ssyncset.done $0x0  }
0x9d: {  	s16 =	sadd.s32 $0x2780, s15;
	[sflag:s0] =	ssyncadd.s32 $0xFFFFF000  }
0x9e: {  	[spmem:s2] =	stream.indirect.scatter.add.f32 [tilespmem:s22], [sflag:$0xA], $0x20, s16, s21, $0xb8;
	[tilespmem:$0x12F00] =	vst v63  }
0x9f: {  	_ =	swait.ge [sflag:s19], $0x1000  }
0xa0: {  	[sflag:s19] =	ssyncset.done $0x0  }
0xa1: {  	s16 =	sadd.s32 $0x400, s15;
	[sflag:s19] =	ssyncadd.s32 $0xFFFFF000  }
0xa2: {  	[tilespmem:s22], [sflag:$0x1] =	stream.indirect.gather [hbm4b:s1+s21], $0x20, s16, s21, $0xb8;
	[tilespmem:$0x12F00] =	vst v63  }
0xa3: {  	_ =	swait.ge [sflag:s24], $0x1000  }
0xa4: {  	[sflag:s24] =	ssyncset.done $0x0  }
0xa5: {  	s16 =	sadd.s32 $0x2800, s15;
	[sflag:s24] =	ssyncadd.s32 $0xFFFFF000  }
0xa6: {  	[spmem:s2] =	stream.indirect.scatter.add.f32 [tilespmem:s23], [sflag:$0xA], $0x20, s16, s21, $0xb8;
	[tilespmem:$0x12F00] =	vst v63  }
0xa7: {  	_ =	swait.ge [sflag:s19], $0x1000  }
0xa8: {  	[sflag:s19] =	ssyncset.done $0x0  }
0xa9: {  	s16 =	sadd.s32 $0x480, s15;
	[sflag:s19] =	ssyncadd.s32 $0xFFFFF000  }
0xaa: {  	[tilespmem:s23], [sflag:$0x2] =	stream.indirect.gather [hbm4b:s1+s21], $0x20, s16, s21, $0xb8;
	[tilespmem:$0x12F00] =	vst v63  }
0xab: {  	_ =	swait.ge [sflag:s3], $0x1000  }
0xac: {  	[sflag:s3] =	ssyncset.done $0x0  }
0xad: {  	s16 =	sadd.s32 $0x2880, s15;
	[sflag:s3] =	ssyncadd.s32 $0xFFFFF000  }
0xae: {  	[spmem:s2] =	stream.indirect.scatter.add.f32 [tilespmem:s26], [sflag:$0xA], $0x20, s16, s21, $0xb8;
	[tilespmem:$0x12F00] =	vst v63  }
0xaf: {  	_ =	swait.ge [sflag:s19], $0x1000  }
0xb0: {  	[sflag:s19] =	ssyncset.done $0x0  }
0xb1: {  	s16 =	sadd.s32 $0x500, s15;
	[sflag:s19] =	ssyncadd.s32 $0xFFFFF000  }
0xb2: {  	[tilespmem:s26], [sflag:$0x3] =	stream.indirect.gather [hbm4b:s1+s21], $0x20, s16, s21, $0xb8;
	[tilespmem:$0x12F00] =	vst v63  }
0xb3: {  	_ =	swait.ge [sflag:s4], $0x1000  }
0xb4: {  	[sflag:s4] =	ssyncset.done $0x0  }
0xb5: {  	s16 =	sadd.s32 $0x2900, s15;
	[sflag:s4] =	ssyncadd.s32 $0xFFFFF000  }
0xb6: {  	[spmem:s2] =	stream.indirect.scatter.add.f32 [tilespmem:s29], [sflag:$0xA], $0x20, s16, s21, $0xb8;
	[tilespmem:$0x12F00] =	vst v63  }
0xb7: {  	_ =	swait.ge [sflag:s19], $0x1000  }
0xb8: {  	[sflag:s19] =	ssyncset.done $0x0  }
0xb9: {  	s16 =	sadd.s32 $0x580, s15;
	[sflag:s19] =	ssyncadd.s32 $0xFFFFF000  }
0xba: {  	[tilespmem:s29], [sflag:$0x4] =	stream.indirect.gather [hbm4b:s1+s21], $0x20, s16, s21, $0xb8;
	[tilespmem:$0x12F00] =	vst v63  }
0xbb: {  	_ =	swait.ge [sflag:s6], $0x1000  }
0xbc: {  	[sflag:s6] =	ssyncset.done $0x0  }
0xbd: {  	s16 =	sadd.s32 $0x2980, s15;
	[sflag:s6] =	ssyncadd.s32 $0xFFFFF000  }
0xbe: {  	[spmem:s2] =	stream.indirect.scatter.add.f32 [tilespmem:s31], [sflag:$0xA], $0x20, s16, s21, $0xb8;
	[tilespmem:$0x12F00] =	vst v63  }
0xbf: {  	_ =	swait.ge [sflag:s19], $0x1000  }
0xc0: {  	[sflag:s19] =	ssyncset.done $0x0  }
0xc1: {  	s16 =	sadd.s32 $0x600, s15;
	[sflag:s19] =	ssyncadd.s32 $0xFFFFF000  }
0xc2: {  	[tilespmem:s31], [sflag:$0x5] =	stream.indirect.gather [hbm4b:s1+s21], $0x20, s16, s21, $0xb8;
	[tilespmem:$0x12F00] =	vst v63  }
0xc3: {  	_ =	swait.ge [sflag:s7], $0x1000  }
0xc4: {  	[sflag:s7] =	ssyncset.done $0x0  }
0xc5: {  	s16 =	sadd.s32 $0x2A00, s15;
	[sflag:s7] =	ssyncadd.s32 $0xFFFFF000  }
0xc6: {  	[spmem:s2] =	stream.indirect.scatter.add.f32 [tilespmem:s17], [sflag:$0xA], $0x20, s16, s21, $0xb8;
	[tilespmem:$0x12F00] =	vst v63  }
0xc7: {  	_ =	swait.ge [sflag:s19], $0x1000  }
0xc8: {  	[sflag:s19] =	ssyncset.done $0x0  }
0xc9: {  	s16 =	sadd.s32 $0x680, s15;
	[sflag:s19] =	ssyncadd.s32 $0xFFFFF000  }
0xca: {  	[tilespmem:s17], [sflag:$0x6] =	stream.indirect.gather [hbm4b:s1+s21], $0x20, s16, s21, $0xb8;
	[tilespmem:$0x12F00] =	vst v63  }
0xcb: {  	_ =	swait.ge [sflag:s8], $0x1000  }
0xcc: {  	[sflag:s8] =	ssyncset.done $0x0  }
0xcd: {  	s25 =	sadd.s32 $0xFFFFFFFF, s13;
	s16 =	sadd.s32 $0x2A80, s15;
	[sflag:s8] =	ssyncadd.s32 $0xFFFFF000  }
0xce: {  	[spmem:s2] =	stream.indirect.scatter.add.f32 [tilespmem:s28], [sflag:$0xA], $0x20, s16, s21, $0xb8;
	[tilespmem:$0x12F00] =	vst v63  }
0xcf: {  	p3 =	sge.u32 s25, s5;
	_ =	swait.ge [sflag:s19], $0x1000  }
0xd0: {  	s25 =	simm.s32 @!p3 $0xAF00;
	s16 =	sshra.s32 @!p3 s14, $0x2;
	[sflag:s19] =	ssyncset.done $0x0  }
0xd1: {  	s10 =	simm.s32 @!p3 $0x80;
	s16 =	sadd.s32 @!p3 $0x700, s16;
	[sflag:s19] =	ssyncadd.s32 $0xFFFFF000  }
0xd2: {  	[tilespmem:s25], [sflag:$0x7] =	stream.indirect.gather @!p3 [hbm4b:s1+s10], $0x20, s16, s10, $0xb8;
	[tilespmem:$0x12F00] =	vst v63  }
0xd3: {  	_ =	swait.ge [sflag:s9], $0x1000  }
0xd4: {  	[sflag:s9] =	ssyncset.done $0x0  }
.Ltmp1:
0xd5: {  	s10 =	sadd.s32 $0x2B00, s15;
	[sflag:s9] =	ssyncadd.s32 $0xFFFFF000;
	(pc) =	sbr.rel @p2 .LBB2_4-.Ltmp1, $4  }
0xd6: {  	[spmem:s2] =	stream.indirect.scatter.add.f32 [tilespmem:s30], [sflag:$0xA], $0x20, s10, s21, $0xb8;
	[tilespmem:$0x12F00] =	vst v63  }
0xd7: {  	p3 =	sge.u32 s13, s5;
	s13 =	sadd.s32 $0x8, s13;
	_ =	swait.ge [sflag:s19], $0x1000  }
0xd8: {  	s10 =	sshra.s32 @!p3 s14, $0x2;
	s14 =	simm.s32 @!p3 $0xBF00;
	[sflag:s19] =	ssyncset.done $0x0  }
0xd9: {  	s16 =	simm.s32 @!p3 $0x80;
	s15 =	sadd.s32 @!p3 $0x780, s10;
	[sflag:s19] =	ssyncadd.s32 $0xFFFFF000  }
0xda: {  	[tilespmem:s14], [sflag:$0x8] =	stream.indirect.gather @!p3 [hbm4b:s1+s16], $0x20, s15, s16, $0xb8;
	[tilespmem:$0x12F00] =	vst v63  }
0xdb: {  	_ =	swait.ge [sflag:s0], $0x1000  }
0xdc: {  	[sflag:s0] =	ssyncset.done $0x0  }
0xdd: {  	s10 =	simm.s32 $0x4B80;
	[sflag:s0] =	ssyncadd.s32 $0xFFFFF000  }
0xde: {  	[spmem:s2] =	stream.indirect.scatter.add.f32 [tilespmem:s22], [sflag:$0xA], $0x20, s10, s21, $0xb8;
	[tilespmem:$0x12F00] =	vst v63  }
0xdf: {  	_ =	swait.ge [sflag:s19], $0x1000  }
0xe0: {  	[sflag:s19] =	ssyncset.done $0x0  }
0xe1: {  	[sflag:s19] =	ssyncadd.s32 $0xFFFFF000  }
0xe2: {  	_ =	swait.ge [sflag:s24], $0x1000  }
0xe3: {  	[sflag:s24] =	ssyncset.done $0x0  }
0xe4: {  	s15 =	simm.s32 $0x4C00;
	[sflag:s24] =	ssyncadd.s32 $0xFFFFF000  }
0xe5: {  	[spmem:s2] =	stream.indirect.scatter.add.f32 [tilespmem:s23], [sflag:$0xA], $0x20, s15, s21, $0xb8;
	[tilespmem:$0x12F00] =	vst v63  }
0xe6: {  	_ =	swait.ge [sflag:s19], $0x1000  }
0xe7: {  	[sflag:s19] =	ssyncset.done $0x0  }
0xe8: {  	[sflag:s19] =	ssyncadd.s32 $0xFFFFF000  }
0xe9: {  	_ =	swait.ge [sflag:s3], $0x1000  }
0xea: {  	[sflag:s3] =	ssyncset.done $0x0  }
0xeb: {  	s16 =	simm.s32 $0x4C80;
	[sflag:s3] =	ssyncadd.s32 $0xFFFFF000  }
0xec: {  	[spmem:s2] =	stream.indirect.scatter.add.f32 [tilespmem:s26], [sflag:$0xA], $0x20, s16, s21, $0xb8;
	[tilespmem:$0x12F00] =	vst v63  }
0xed: {  	_ =	swait.ge [sflag:s19], $0x1000  }
0xee: {  	[sflag:s19] =	ssyncset.done $0x0  }
0xef: {  	[sflag:s19] =	ssyncadd.s32 $0xFFFFF000  }
0xf0: {  	_ =	swait.ge [sflag:s4], $0x1000  }
0xf1: {  	[sflag:s4] =	ssyncset.done $0x0  }
0xf2: {  	s25 =	simm.s32 $0x4D00;
	[sflag:s4] =	ssyncadd.s32 $0xFFFFF000  }
0xf3: {  	[spmem:s2] =	stream.indirect.scatter.add.f32 [tilespmem:s29], [sflag:$0xA], $0x20, s25, s21, $0xb8;
	[tilespmem:$0x12F00] =	vst v63  }
0xf4: {  	_ =	swait.ge [sflag:s19], $0x1000  }
0xf5: {  	[sflag:s19] =	ssyncset.done $0x0  }
0xf6: {  	[sflag:s19] =	ssyncadd.s32 $0xFFFFF000  }
0xf7: {  	_ =	swait.ge [sflag:s6], $0x1000  }
0xf8: {  	[sflag:s6] =	ssyncset.done $0x0  }
0xf9: {  	s12 =	simm.s32 $0x4D80;
	[sflag:s6] =	ssyncadd.s32 $0xFFFFF000  }
0xfa: {  	[spmem:s2] =	stream.indirect.scatter.add.f32 [tilespmem:s31], [sflag:$0xA], $0x20, s12, s21, $0xb8;
	[tilespmem:$0x12F00] =	vst v63  }
0xfb: {  	_ =	swait.ge [sflag:s19], $0x1000  }
0xfc: {  	[sflag:s19] =	ssyncset.done $0x0  }
0xfd: {  	[sflag:s19] =	ssyncadd.s32 $0xFFFFF000  }
0xfe: {  	_ =	swait.ge [sflag:s7], $0x1000  }
0xff: {  	[sflag:s7] =	ssyncset.done $0x0  }
0x100: {  	s13 =	simm.s32 $0x4E00;
	[sflag:s7] =	ssyncadd.s32 $0xFFFFF000  }
0x101: {  	[spmem:s2] =	stream.indirect.scatter.add.f32 [tilespmem:s17], [sflag:$0xA], $0x20, s13, s21, $0xb8;
	[tilespmem:$0x12F00] =	vst v63  }
0x102: {  	_ =	swait.ge [sflag:s19], $0x1000  }
0x103: {  	[sflag:s19] =	ssyncset.done $0x0  }
0x104: {  	s10 =	simm.s32 @!p0 $0x7;
	[sflag:s19] =	ssyncadd.s32 $0xFFFFF000  }
0x105: {  	_ =	swait.ge @!p0 [sflag:s10], $0x1000  }
0x106: {  	s12 =	simm.s32 @!p0 $0x4E80;
	[sflag:s10] =	ssyncset.done @!p0 $0x0  }
0x107: {  	s13 =	simm.s32 @!p0 $0xAF00;
	[sflag:s10] =	ssyncadd.s32 @!p0 $0xFFFFF000;
	s10 =	simm.s32 @!p0 $0x80  }
0x108: {  	[spmem:s2] =	stream.indirect.scatter.add.f32 @!p0 [tilespmem:s13], [sflag:$0xA], $0x20, s12, s10, $0xb8;
	[tilespmem:$0x12F00] =	vst v63  }
0x109: {  	s10 =	simm.s32 @!p0 $0xA  }
0x10a: {  	_ =	swait.ge @!p0 [sflag:s10], $0x1000  }
0x10b: {  	[sflag:s10] =	ssyncset.done @!p0 $0x0  }
0x10c: {  	[sflag:s10] =	ssyncadd.s32 @!p0 $0xFFFFF000  }
0x10d: {  	s14 =	stileid.u32;
	[bflag:$0x0] =	sbarrier.arrive $0xFFFF  }
0x10e: {  	s10 =	sshll.u32 s14, $0x6;
	s15 =	rddreg [dreg:$0x9]  }
0x10f: {  	s10 =	sor.u32 $0x1C0A, s10;
	s16 =	rddreg [dreg:$0xf]  }
0x110: {  	[hbm:s15], [sflag:s10] =	dma.local [spmem:s16], $0xA00  }
0x111: {  	_ =	swait.ge [sflag:s19], $0xA00  }
0x112: {  	s11 =	sadd.s32 $0x1, s11;
	s25 =	rddreg [dreg:$0xa]  }
0x113: {  	p2 =	sne.s32 s11, s25  }
.Ltmp2:
0x114: {  	_ = 	snop;
	(pc) =	sbr.rel @p2 .LBB2_1-.Ltmp2, $3  }
0x115: {  	_ =	sdelay $0x1  }
0x116: {  	[sflag:s19] =	ssyncset.done $0x0  }
0x117: {  	[sflag:s19] =	ssyncadd.s32 $0xFFFFF600  }
0x118: {  	_ =	sfence.sel $0x180000  }
0x119: {  	[bflag:$0x0] =	sbarrier.arrive $0xFFFF  }
0x11a: {  	_ =	strace $0x9000004A  }
0x11b: {  	s0 =	stileid.u32;
	[bflag:$0x2] =	sbarrier.arrive $0xFFFF  }
0x11c: {  	p0 =	sne.s32 s0, $0x0;
	s0 =	rddreg [dreg:$0x3]  }
0x11d: {  	s0 =	sadd.s32 @!p0 $0x100000, s0  }
0x11e: {  	[sflag:s0] =	ssyncadd.tile.s32 @!p0 $0x1;
	_ =	shalt  }
.Lfunc_end2:
_tile_overlayer_lowered:
.L_overlay_start_2:
0x11f: {  	(tag) =	ssettag $0x2  }
0x120: {  	s0 =	rddreg [dreg:$0x0];
	s2 =	stileid.u32  }
0x121: {  	s1 =	rddreg [dreg:$0x1];
	p0 =	sne.s32 s2, $0x0  }
0x122: {  	s3 =	rddreg [dreg:$0x2];
	[bflag:$0x3] =	sbarrier.arrive $0xFFFF;
	s2 =	simm.s32 @!p0 $0x1C0A  }
0x123: {  	[timem:s3], [sflag:s2] =	dma.local @!p0 [hbm:s0], s1  }
0x124: {  	s0 =	simm.s32 @!p0 $0xA  }
0x125: {  	_ =	swait.ge @!p0 [sflag:s0], s1  }
0x126: {  	s1 =	ssub.s32 @!p0 $0x0, s1;
	[sflag:s0] =	ssyncset.done @!p0 $0x0  }
0x127: {  	[sflag:s0] =	ssyncadd.s32 @!p0 s1  }
0x128: {  	[bflag:$0x3] =	sbarrier.arrive $0xFFFF  }
0x129: {  	_ =	shalt  }

// kernel: kernel.7.cloned.1.call-start
scs
__scs_entry_jumppad:
0x0: {  	(pc) =	sbr.rel $0x88, $3  }
0x1: {  	(tag) =	ssettag $0x0;
	lr =	simm.s32 $0x1  }
0x2: {  	[smem:$0x3F95] =	sst lr;
	_ =	strace $0xD0000000  }
0x3: {  	_ = 	snop  }
0x4: {  	_ = 	snop  }
0x5: {  	_ = 	snop  }
0x6: {  	_ = 	snop  }
0x7: {  	_ = 	snop  }
__scs_overlays_trampoline_lowered:
0x8: {  	[smem:$0x3FA4] =	sst s0  }
0x9: {  	[smem:$0x3FA5] =	sst s1  }
0xa: {  	[smem:$0x3FA6] =	sst s2  }
0xb: {  	[smem:$0x3FA7] =	sst s3  }
0xc: {  	[smem:$0x3FA8] =	sst s4  }
0xd: {  	[smem:$0x3FA9] =	sst s5  }
0xe: {  	[smem:$0x3FAA] =	sst s6  }
0xf: {  	[smem:$0x3FAB] =	sst s7  }
0x10: {  	[smem:$0x3FAC] =	sst s8  }
0x11: {  	[smem:$0x3FAD] =	sst s9;
	s0 =	simm.s32 @!p0 $0x0  }
0x12: {  	s1 =	sld [smem:$0x3F93];
	s0 =	simm.s32 @p0 $0x1  }
0x13: {  	[smem:$0x3FAE] =	sst s0;
	s0 =	simm.s32 @!p1 $0x0  }
0x14: {  	s2 =	sld [smem:$0x3F92];
	s0 =	simm.s32 @p1 $0x1  }
0x15: {  	[smem:$0x3FAF] =	sst s0;
	s0 =	simm.s32 @!p2 $0x0  }
0x16: {  	s3 =	sld [smem:$0x3FDB];
	s0 =	simm.s32 @p2 $0x1  }
0x17: {  	s4 =	simm.s32 $0x1BF5;
	[smem:$0x3FB1] =	sst s0  }
0x18: {  	s0 =	sld [smem:$0x3F94];
	_ =	swait.ge [sflag:s4], $0x0  }
0x19: {  	s7 =	sld [smem:$0x3F95]  }
0x1a: {  	s8 =	sadd.s32 $0xFFFFE003, lr  }
0x1b: {  	s9 =	sadd.s32 $0xFFFFFEF7, lr;
	s5 =	simm.s32 $0xFFFFFFFF;
	p2 =	slt.u32 s8, $0xFFFFF086  }
0x1c: {  	p1 =	slt.u32 s9, $0xF7A;
	s5 =	simm.s32 @!p2 $0x0  }
0x1d: {  	s5 =	simm.s32 @p1 $0x1;
	p0 =	seq.s32 s7, s2  }
0x1e: {  	s7 =	smul.u32 @!p0 $0xF7A, s2;
	p2 =	seq.s32 @!p0 s5, $0x0  }
0x1f: {  	s9 =	smul.u32 $0xF7A, s1;
	s8 =	simm.s32 @!p0 $0x1BF5;
	p2 =	por !p2, p0  }
0x20: {  	[sflag:s8] =	ssyncset.s32 @!p0 $0xFFFFF086;
	s6 =	sadd.s32 @!p0 s3, s7;
	s7 =	simm.s32 @!p0 $0x108  }
0x21: {  	s3 =	sadd.s32 s3, s9;
	s6 =	sadd.s32 @!p0 $0x88, s6;
	s7 =	simm.s32 @p2 $0x1082  }
0x22: {  	[simem:s7], [sflag:s8] =	dma.local @!p0 [hbm:s6], $0xF7A  }
0x23: {  	s9 =	sor.u32 $0xD0000000, s2;
	s6 =	simm.s32 $0x108;
	_ =	swait.ge @!p0 [sflag:s8], $0x0  }
0x24: {  	s3 =	sadd.s32 $0x88, s3;
	s6 =	simm.s32 @!p1 $0x1082;
	[sflag:s4] =	ssyncset.s32 $0xFFFFF086  }
0x25: {  	[simem:s6], [sflag:s4] =	dma.local [hbm:s3], $0xF7A  }
0x26: {  	[smem:$0x3F95] =	sst s1;
	(tag) =	ssettag s2;
	_ =	strace s9  }
0x27: {  	s1 =	sld [smem:$0x3FA5]  }
0x28: {  	s2 =	sld [smem:$0x3FA6]  }
0x29: {  	s4 =	sld [smem:$0x3FA8]  }
0x2a: {  	p0 =	seq.s32 s5, $0x0;
	s5 =	sld [smem:$0x3FA9]  }
0x2b: {  	s6 =	sld [smem:$0x3FAA]  }
0x2c: {  	s7 =	sld [smem:$0x3FAB]  }
0x2d: {  	s3 =	simm.s32 $0x108;
	s8 =	sld [smem:$0x3FAC]  }
0x2e: {  	s3 =	simm.s32 @!p0 $0x1082;
	s9 =	sld [smem:$0x3FAD]  }
0x2f: {  	lr =	sadd.s32 s0, s3;
	s0 =	sld [smem:$0x3FA4]  }
0x30: {  	s3 =	sld [smem:$0x3FA7]  }
0x31: {  	[smem:$0x3FB0] =	sst s10  }
0x32: {  	s10 =	sld [smem:$0x3FAE];
	_ =	sdelay $0x3  }
0x33: {  	p0 =	seq.s32 s10, $0x1;
	s10 =	sld [smem:$0x3FB0];
	_ =	sdelay $0x3  }
0x34: {  	[smem:$0x3FB0] =	sst s10  }
0x35: {  	s10 =	sld [smem:$0x3FAF];
	_ =	sdelay $0x3  }
0x36: {  	p1 =	seq.s32 s10, $0x1;
	s10 =	sld [smem:$0x3FB0];
	_ =	sdelay $0x3  }
0x37: {  	[smem:$0x3FB0] =	sst s10  }
0x38: {  	s10 =	sld [smem:$0x3FB1]  }
0x39: {  	_ = 	snop;
	(pc) =	sbr.ind lr, $3  }
0x3a: {  	_ = 	snop  }
0x3b: {  	_ = 	snop  }
0x3c: {  	p2 =	seq.s32 s10, $0x1;
	s10 =	sld [smem:$0x3FB0]  }
0x3d: {  	_ =	shalt  }
0x3e: {  	_ =	shalt  }
0x3f: {  	_ =	shalt  }
0x40: {  	_ =	shalt  }
0x41: {  	_ =	shalt  }
0x42: {  	_ =	shalt  }
0x43: {  	_ =	shalt  }
0x44: {  	_ =	shalt  }
0x45: {  	_ =	shalt  }
0x46: {  	_ =	shalt  }
0x47: {  	_ =	shalt  }
0x48: {  	_ =	shalt  }
0x49: {  	_ =	shalt  }
0x4a: {  	_ =	shalt  }
0x4b: {  	_ =	shalt  }
0x4c: {  	_ =	shalt  }
0x4d: {  	_ =	shalt  }
0x4e: {  	_ =	shalt  }
0x4f: {  	_ =	shalt  }
0x50: {  	_ =	shalt  }
0x51: {  	_ =	shalt  }
0x52: {  	_ =	shalt  }
0x53: {  	_ =	shalt  }
0x54: {  	_ =	shalt  }
0x55: {  	_ =	shalt  }
0x56: {  	_ =	shalt  }
0x57: {  	_ =	shalt  }
0x58: {  	_ =	shalt  }
0x59: {  	_ =	shalt  }
0x5a: {  	_ =	shalt  }
0x5b: {  	_ =	shalt  }
0x5c: {  	_ =	shalt  }
0x5d: {  	_ =	shalt  }
0x5e: {  	_ =	shalt  }
0x5f: {  	_ =	shalt  }
0x60: {  	_ =	shalt  }
0x61: {  	_ =	shalt  }
0x62: {  	_ =	shalt  }
0x63: {  	_ =	shalt  }
0x64: {  	_ =	shalt  }
0x65: {  	_ =	shalt  }
0x66: {  	_ =	shalt  }
0x67: {  	_ =	shalt  }
0x68: {  	_ =	shalt  }
0x69: {  	_ =	shalt  }
0x6a: {  	_ =	shalt  }
0x6b: {  	_ =	shalt  }
0x6c: {  	_ =	shalt  }
0x6d: {  	_ =	shalt  }
0x6e: {  	_ =	shalt  }
0x6f: {  	_ =	shalt  }
0x70: {  	_ =	shalt  }
0x71: {  	_ =	shalt  }
0x72: {  	_ =	shalt  }
0x73: {  	_ =	shalt  }
0x74: {  	_ =	shalt  }
0x75: {  	_ =	shalt  }
0x76: {  	_ =	shalt  }
0x77: {  	_ =	shalt  }
0x78: {  	_ =	shalt  }
0x79: {  	_ =	shalt  }
0x7a: {  	_ =	shalt  }
0x7b: {  	_ =	shalt  }
0x7c: {  	_ =	shalt  }
0x7d: {  	_ =	shalt  }
0x7e: {  	_ =	shalt  }
0x7f: {  	_ =	shalt  }
0x80: {  	_ =	shalt  }
0x81: {  	_ =	shalt  }
0x82: {  	_ =	shalt  }
0x83: {  	_ =	shalt  }
0x84: {  	_ =	shalt  }
0x85: {  	_ =	shalt  }
0x86: {  	_ =	shalt  }
0x87: {  	_ =	shalt  }
.Lfunc_end0:
.L_simem_size_0:
called_computation_lowered:
.L_overlay_start_0:
0x88: {  	s2 =	sld [smem:$0x3FD9]  }
0x89: {  	s3 =	sld [smem:$0x3FFE];
	_ =	sdelay $0x1  }
0x8a: {  	s1 =	srdreg.scid  }
0x8b: {  	s0 =	sand.u32 $0x1, s1  }
0x8c: {  	s17 =	sshll.u32 s0, $0xA;
	s2 =	sadd.s32 s3, s2  }
0x8d: {  	s2 =	sadd.s32 s2, s17  }
0x8e: {  	[smem:$0x3FBC] =	sst s2  }
0x8f: {  	_ = 	snop  }
0x90: {  	s2 =	sld [smem:$0x3FD0];
	(tm) =	ssettm $0x1  }
0x91: {  	s18 =	sld [smem:$0x3FFB];
	_ =	sdelay $0x3  }
0x92: {  	_ =	strace s18  }
0x93: {  	s3 =	sld [smem:$0x3FFC];
	_ =	sdelay $0x3  }
0x94: {  	_ =	strace s3  }
0x95: {  	s3 =	sld [smem:$0x3FFD];
	_ =	sdelay $0x3  }
0x96: {  	_ =	strace s3  }
0x97: {  	_ =	strace $0x8FFFFFFF  }
0x98: {  	s19 =	sld [smem:$0x3FDB];
	_ =	sdelay $0x1  }
0x99: {  	s4 =	simm.s32 $_scs_section_size  }
0x9a: {  	s5 =	simm.s32 $_size__tile_overlayer_lowered;
	s6 =	simm.s32 $_tile_overlayer_lowered  }
0x9b: {  	s22 =	simm.s32 $0x1BFF;
	s21 =	sshll.u32 s6, $0x1;
	s3 =	sadd.s32 s4, s19  }
0x9c: {  	s7 =	simm.s32 $0x0;
	s20 =	sshll.u32 s5, $0x1;
	s5 =	sadd.s32 s21, s3  }
0x9d: {  	[timem:s7], [sflag:s22] =	dma.local [hbm:s5], s20  }
0x9e: {  	_ =	swait.ge [sflag:s22], s20  }
0x9f: {  	s4 =	ssub.s32 $0x0, s20;
	[sflag:s22] =	ssyncset.done $0x0  }
0xa0: {  	[sflag:s22] =	ssyncadd.s32 s4;
	_ =	sdelay $0x1  }
0xa1: {  	s23 =	simm.s32 $0x1B8B  }
0xa2: {  	_ =	swait.ge [sflag:s23], $0x1  }
0xa3: {  	[sflag:s23] =	ssyncset.done $0x0  }
0xa4: {  	s25 =	simm.s32 $0x1B8E;
	s24 =	sld [smem:$0x3FFE];
	[sflag:s23] =	ssyncadd.s32 $0xFFFFFFFF  }
0xa5: {  	s26 =	simm.s32 $execute0_lowered;
	[smem:$0x3FD2] =	sst s25  }
0xa6: {  	s5 =	sshll.u32 s26, $0x1;
	_ =	strace $0x80000046;
	[dreg:$0x1] =	wrdreg $0xFFFFFFFF  }
0xa7: {  	s28 =	simm.s32 $_size_execute0_lowered;
	s3 =	sadd.s32 s3, s5;
	[dreg:$0x0] =	wrdreg $0x0  }
0xa8: {  	s5 =	sshll.u32 s28, $0x1;
	[dreg:$0x2] =	wrdreg s3  }
0xa9: {  	[dreg:$0x3] =	wrdreg s5  }
0xaa: {  	[dreg:$0x4] =	wrdreg $0xC0  }
0xab: {  	_ =	task [dreg:s7], $0x5FFFF  }
0xac: {  	[dreg:$0x1] =	wrdreg $0xFFFFFFFF  }
0xad: {  	[dreg:$0x0] =	wrdreg $0x60  }
0xae: {  	[dreg:$0x2] =	wrdreg s2  }
0xaf: {  	[dreg:$0x3] =	wrdreg s24  }
0xb0: {  	[dreg:$0x4] =	wrdreg $0xDF000  }
0xb1: {  	[dreg:$0x5] =	wrdreg $0x9  }
0xb2: {  	_ =	task.clear_ibuf [dreg:s7], $0x6FFFF;
	_ =	strace $0x90000046  }
0xb3: {  	s29 =	simm.s32 $0x9;
	_ =	strace $0x80000048  }
0xb4: {  	_ =	swait.ge [sflag:s29], $0x1  }
0xb5: {  	[sflag:s29] =	ssyncadd.s32 $0xFFFFFFFF  }
0xb6: {  	_ =	strace $0x90000048  }
0xb7: {  	_ =	sfence  }
0xb8: {  	s30 =	sld [smem:$0x0];
	_ =	sdelay $0x2  }
0xb9: {  	s31 =	sshll.u32 s1, $0xD;
	s1 =	sshrl.u32 s1, $0x2  }
0xba: {  	s3 =	sand.u32 $0x4000, s31;
	s1 =	sadd.s32 s1, s30  }
0xbb: {  	s0 =	sor.u32 s3, s0;
	s1 =	sshll.u32 s1, $0x11  }
0xbc: {  	s0 =	sor.u32 s1, s0  }
0xbd: {  	s0 =	sadd.s32 $0x8F2B, s0  }
0xbe: {  	[sflag:s0] =	ssyncadd.remote.s32 $0x1  }
0xbf: {  	_ =	sfence.sel $0xFFFF  }
0xc0: {  	[dreg:$0x0] =	wrdreg $0xFFFFFFFF;
	(pc) =	sbr.abs _section_cstart, $3  }
0xc1: {  	[dreg:$0x1] =	wrdreg $0xFFFFFFFF  }
0xc2: {  	_ =	task.clear_ibuf [dreg:s7], $0x2FFFF;
	_ =	strace $0x9FFFFFFF  }
0xc3: {  	(tm) =	ssettm $0x7FFFFFFF  }
tec
execute0_lowered:
.L_overlay_start_1:
0x0: {  	(tag) =	ssettag $0x1  }
0x1: {  	s1 =	rddreg [dreg:$0x0]  }
0x2: {  	s0 =	rddreg [dreg:$0x1]  }
0x3: {  	s2 =	rddreg [dreg:$0x2]  }
0x4: {  	s3 =	srdreg.scid;
	s5 =	simm.s32 $0x0;
	s11 =	stileid.u32  }
0x5: {  	s18 =	simm.s32 $0xCF00;
	s19 =	simm.s32 $0xA;
	s20 =	simm.s32 $0x9  }
0x6: {  	s21 =	simm.s32 $0x80;
	s22 =	simm.s32 $0x4F00;
	s29 =	simm.s32 $0x7F00  }
0x7: {  	s31 =	simm.s32 $0x8F00;
	s28 =	simm.s32 $0xAF00;
	s30 =	simm.s32 $0xBF00  }
0x8: {  	s3 =	sand.u32 $0x1, s3;
	[smem:$0x7FF] =	sst s5;
	s6 =	smul.u32 $0x5000, s11  }
0x9: {  	s7 =	sadd.s32 $0xB200, s0;
	s8 =	sadd.s32 $0x1400, s0;
	s26 =	smul.u32 $0x14000, s11  }
0xa: {  	s4 =	smul.u32 $0x50000, s3;
	s23 =	sshll.u32 s3, $0x4;
	s3 =	ssub.s32 $0x2, s3  }
0xb: {  	_ =	strace $0x80000047;
	s9 =	sor.u32 s11, s23;
	s24 =	sshrl.u32 s3, $0x1  }
0xc: {  	s15 =	sshrl.u32 s26, $0x2;
	s17 =	sadd.s32 s6, s2;
	s11 =	simm.s32 $0x0  }
0xd: {  	s4 =	sadd.s32 s6, s4;
	s5 =	smul.u32 $0x4E, s9;
	s10 =	smin.u32 s9, $0x4  }
0xe: {  	s3 =	ssub.s32 s3, s24;
	p0 =	sgt.u32 s9, $0x3;
	s4 =	sshrl.u32 s4, $0x3  }
0xf: {  	s3 =	smax.u32 s3, $0x1;
	s0 =	sadd.s32 s4, s0;
	s25 =	sadd.s32 s10, s5  }
0x10: {  	[dreg:$0xa] =	wrdreg s3;
	s4 =	sshll.u32 s25, $0x4;
	s0 =	sadd.s32 $0x15000, s0  }
0x11: {  	p1 =	slt.u32 s9, $0x4;
	s12 =	sadd.s32 s7, s4;
	[dreg:$0x9] =	wrdreg s0  }
0x12: {  	s13 =	sadd.s32 $0x4E0, s4;
	s4 =	sadd.s32 s8, s4;
	[dreg:$0x4] =	wrdreg s12  }
0x13: {  	s6 =	simm.s32 $0x5;
	s0 =	sshrl.u32 s17, $0x3;
	[dreg:$0x5] =	wrdreg s4  }
0x14: {  	s9 =	simm.s32 $0x8;
	s14 =	sadd.s32 s7, s13;
	[dreg:$0xf] =	wrdreg s0  }
0x15: {  	s5 =	simm.s32 $0x4E;
	s16 =	sadd.s32 s8, s13;
	[dreg:$0x6] =	wrdreg s14  }
0x16: {  	s3 =	simm.s32 $0x3;
	s4 =	sadd.s32 s15, s2;
	[dreg:$0x7] =	wrdreg s16  }
0x17: {  	s5 =	simm.s32 @!p0 $0x4F;
	s23 =	sadd.s32 $0x1000, s4;
	[dreg:$0x8] =	wrdreg s4  }
0x18: {  	s17 =	simm.s32 $0x9F00;
	s24 =	sadd.s32 $0x2000, s4;
	[dreg:$0xb] =	wrdreg s23  }
0x19: {  	s0 =	simm.s32 $0x1;
	s25 =	sadd.s32 $0x3000, s4;
	[dreg:$0xc] =	wrdreg s24  }
0x1a: {  	s7 =	simm.s32 $0x6;
	s26 =	sadd.s32 $0x4000, s4;
	[dreg:$0xd] =	wrdreg s25  }
0x1b: {  	s8 =	simm.s32 $0x7;
	s4 =	simm.s32 $0x4;
	[dreg:$0xe] =	wrdreg s26  }
0x1c: {  	v0 =	vimm.f32 $0.0e+00;
	s23 =	simm.s32 $0x5F00;
	s26 =	simm.s32 $0x6F00;
	s24 =	simm.s32 $0x2  }
.LBB2_1:
0x1d: {  	s10 =	simm.s32 $0x0;
	s12 =	rddreg [dreg:$0x4]  }
0x1e: {  	[tilespmem:s10], [sflag:$0x9] =	stream.linear.gather [hbm4b:s12+s10], $0x2700, $0x38;
	[tilespmem:$0x12F00] =	vst v63  }
0x1f: {  	s25 =	rddreg [dreg:$0x5];
	s13 =	simm.s32 $0x2780  }
0x20: {  	[tilespmem:s13], [sflag:$0x9] =	stream.linear.gather [hbm4b:s25+s10], $0x2700, $0x38;
	[tilespmem:$0x12F00] =	vst v63  }
0x21: {  	s12 =	simm.s32 @p1 $0x0;
	s13 =	simm.s32 @p1 $0x2700;
	s10 =	rddreg [dreg:$0x6]  }
0x22: {  	[tilespmem:s13], [sflag:$0xA] =	stream.linear.gather @p1 [hbm4b:s10+s12], $0x80, $0x38;
	[tilespmem:$0x12F00] =	vst v63  }
0x23: {  	s13 =	simm.s32 @p1 $0xA  }
0x24: {  	_ =	swait.ge @p1 [sflag:s13], $0x80  }
0x25: {  	[sflag:s13] =	ssyncset.done @p1 $0x0  }
0x26: {  	s14 =	simm.s32 @p1 $0x4E80;
	s10 =	rddreg [dreg:$0x7];
	[sflag:s13] =	ssyncadd.s32 @p1 $0xFFFFFF80  }
0x27: {  	[tilespmem:s14], [sflag:$0xA] =	stream.linear.gather @p1 [hbm4b:s10+s12], $0x80, $0x38;
	[tilespmem:$0x12F00] =	vst v63  }
0x28: {  	_ =	swait.ge @p1 [sflag:s13], $0x80  }
0x29: {  	[sflag:s13] =	ssyncset.done @p1 $0x0  }
0x2a: {  	s12 =	simm.s32 $0x80;
	[sflag:s13] =	ssyncadd.s32 @p1 $0xFFFFFF80;
	s13 =	simm.s32 $0x0  }
.LBB2_2:
0x2b: {  	p2 =	seq.s32 s12, $0x3F80;
	[tilespmem:s13+$0xCF00] =	vst v0;
	s14 =	smov.u32 s12;
	s12 =	sadd.s32 $0x80, s12  }
.Ltmp0:
0x2c: {  	[tilespmem:s13+$0xCF10] =	vst v0;
	(pc) =	sbr.rel @!p2 .LBB2_2-.Ltmp0, $2  }
0x2d: {  	_ =	sdelay $0x2  }
0x2e: {  	s13 =	sshra.s32 s14, $0x2  }
0x2f: {  	[tilespmem:s13+$0xCF00] =	vst v0  }
0x30: {  	[tilespmem:s13+$0xCF10] =	vst v0;
	s10 =	rddreg [dreg:$0x8]  }
0x31: {  	[spmem:s10] =	stream.linear.scatter [tilespmem:s18], [sflag:$0xA], $0x1000, $0x38;
	[tilespmem:$0x12F00] =	vst v63  }
0x32: {  	_ =	swait.ge [sflag:s19], $0x1000  }
0x33: {  	[sflag:s19] =	ssyncset.done $0x0  }
0x34: {  	s12 =	rddreg [dreg:$0xb];
	[sflag:s19] =	ssyncadd.s32 $0xFFFFF000  }
0x35: {  	[spmem:s12] =	stream.linear.scatter [tilespmem:s18], [sflag:$0xA], $0x1000, $0x38;
	[tilespmem:$0x12F00] =	vst v63  }
0x36: {  	_ =	swait.ge [sflag:s19], $0x1000  }
0x37: {  	[sflag:s19] =	ssyncset.done $0x0  }
0x38: {  	s13 =	rddreg [dreg:$0xc];
	[sflag:s19] =	ssyncadd.s32 $0xFFFFF000  }
0x39: {  	[spmem:s13] =	stream.linear.scatter [tilespmem:s18], [sflag:$0xA], $0x1000, $0x38;
	[tilespmem:$0x12F00] =	vst v63  }
0x3a: {  	_ =	swait.ge [sflag:s19], $0x1000  }
0x3b: {  	[sflag:s19] =	ssyncset.done $0x0  }
0x3c: {  	s14 =	rddreg [dreg:$0xd];
	[sflag:s19] =	ssyncadd.s32 $0xFFFFF000  }
0x3d: {  	[spmem:s14] =	stream.linear.scatter [tilespmem:s18], [sflag:$0xA], $0x1000, $0x38;
	[tilespmem:$0x12F00] =	vst v63  }
0x3e: {  	_ =	swait.ge [sflag:s19], $0x1000  }
0x3f: {  	[sflag:s19] =	ssyncset.done $0x0  }
0x40: {  	s15 =	rddreg [dreg:$0xe];
	[sflag:s19] =	ssyncadd.s32 $0xFFFFF000  }
0x41: {  	[spmem:s15] =	stream.linear.scatter [tilespmem:s18], [sflag:$0xA], $0x1000, $0x38;
	[tilespmem:$0x12F00] =	vst v63  }
0x42: {  	_ =	swait.ge [sflag:s19], $0x1000  }
0x43: {  	[sflag:s19] =	ssyncset.done $0x0  }
0x44: {  	[sflag:s19] =	ssyncadd.s32 $0xFFFFF000  }
0x45: {  	_ =	swait.ge [sflag:s20], $0x2700  }
0x46: {  	[sflag:s20] =	ssyncset.done $0x0  }
0x47: {  	[sflag:s20] =	ssyncadd.s32 $0xFFFFD900  }
0x48: {  	_ =	swait.ge [sflag:s20], $0x2700  }
0x49: {  	[sflag:s20] =	ssyncset.done $0x0  }
0x4a: {  	s12 =	simm.s32 $0x0;
	[sflag:s20] =	ssyncadd.s32 $0xFFFFD900  }
0x4b: {  	[tilespmem:s22], [sflag:$0x1] =	stream.indirect.gather [hbm4b:s1+s21], $0x20, s12, s21, $0xb8;
	[tilespmem:$0x12F00] =	vst v63  }
0x4c: {  	_ = 	snop  }
0x4d: {  	[tilespmem:s23], [sflag:$0x2] =	stream.indirect.gather [hbm4b:s1+s21], $0x20, s21, s21, $0xb8;
	[tilespmem:$0x12F00] =	vst v63  }
0x4e: {  	s16 =	simm.s32 $0x100  }
0x4f: {  	[tilespmem:s26], [sflag:$0x3] =	stream.indirect.gather [hbm4b:s1+s21], $0x20, s16, s21, $0xb8;
	[tilespmem:$0x12F00] =	vst v63  }
0x50: {  	s25 =	simm.s32 $0x180  }
0x51: {  	[tilespmem:s29], [sflag:$0x4] =	stream.indirect.gather [hbm4b:s1+s21], $0x20, s25, s21, $0xb8;
	[tilespmem:$0x12F00] =	vst v63  }
0x52: {  	s12 =	simm.s32 $0x200  }
0x53: {  	[tilespmem:s31], [sflag:$0x5] =	stream.indirect.gather [hbm4b:s1+s21], $0x20, s12, s21, $0xb8;
	[tilespmem:$0x12F00] =	vst v63  }
0x54: {  	s13 =	simm.s32 $0x280  }
0x55: {  	[tilespmem:s17], [sflag:$0x6] =	stream.indirect.gather [hbm4b:s1+s21], $0x20, s13, s21, $0xb8;
	[tilespmem:$0x12F00] =	vst v63  }
0x56: {  	s14 =	simm.s32 $0x300  }
0x57: {  	[tilespmem:s28], [sflag:$0x7] =	stream.indirect.gather [hbm4b:s1+s21], $0x20, s14, s21, $0xb8;
	[tilespmem:$0x12F00] =	vst v63  }
0x58: {  	s15 =	simm.s32 $0x380  }
0x59: {  	[tilespmem:s30], [sflag:$0x8] =	stream.indirect.gather [hbm4b:s1+s21], $0x20, s15, s21, $0xb8;
	[tilespmem:$0x12F00] =	vst v63  }
0x5a: {  	[bflag:$0x0] =	sbarrier.arrive $0xFFFF  }
0x5b: {  	_ =	swait.ge [sflag:s0], $0x1000  }
0x5c: {  	[sflag:s0] =	ssyncset.done $0x0  }
0x5d: {  	s16 =	simm.s32 $0x2780;
	[sflag:s0] =	ssyncadd.s32 $0xFFFFF000  }
0x5e: {  	[spmem:s2] =	stream.indirect.scatter.add.f32 [tilespmem:s22], [sflag:$0xA], $0x20, s16, s21, $0xb8;
	[tilespmem:$0x12F00] =	vst v63  }
0x5f: {  	_ =	swait.ge [sflag:s19], $0x1000  }
0x60: {  	[sflag:s19] =	ssyncset.done $0x0  }
0x61: {  	s25 =	simm.s32 $0x400;
	[sflag:s19] =	ssyncadd.s32 $0xFFFFF000  }
0x62: {  	[tilespmem:s22], [sflag:$0x1] =	stream.indirect.gather [hbm4b:s1+s21], $0x20, s25, s21, $0xb8;
	[tilespmem:$0x12F00] =	vst v63  }
0x63: {  	_ =	swait.ge [sflag:s24], $0x1000  }
0x64: {  	[sflag:s24] =	ssyncset.done $0x0  }
0x65: {  	s10 =	simm.s32 $0x2800;
	[sflag:s24] =	ssyncadd.s32 $0xFFFFF000  }
0x66: {  	[spmem:s2] =	stream.indirect.scatter.add.f32 [tilespmem:s23], [sflag:$0xA], $0x20, s10, s21, $0xb8;
	[tilespmem:$0x12F00] =	vst v63  }
0x67: {  	_ =	swait.ge [sflag:s19], $0x1000  }
0x68: {  	[sflag:s19] =	ssyncset.done $0x0  }
0x69: {  	s13 =	simm.s32 $0x480;
	[sflag:s19] =	ssyncadd.s32 $0xFFFFF000  }
0x6a: {  	[tilespmem:s23], [sflag:$0x2] =	stream.indirect.gather [hbm4b:s1+s21], $0x20, s13, s21, $0xb8;
	[tilespmem:$0x12F00] =	vst v63  }
0x6b: {  	_ =	swait.ge [sflag:s3], $0x1000  }
0x6c: {  	[sflag:s3] =	ssyncset.done $0x0  }
0x6d: {  	s14 =	simm.s32 $0x2880;
	[sflag:s3] =	ssyncadd.s32 $0xFFFFF000  }
0x6e: {  	[spmem:s2] =	stream.indirect.scatter.add.f32 [tilespmem:s26], [sflag:$0xA], $0x20, s14, s21, $0xb8;
	[tilespmem:$0x12F00] =	vst v63  }
0x6f: {  	_ =	swait.ge [sflag:s19], $0x1000  }
0x70: {  	[sflag:s19] =	ssyncset.done $0x0  }
0x71: {  	s15 =	simm.s32 $0x500;
	[sflag:s19] =	ssyncadd.s32 $0xFFFFF000  }
0x72: {  	[tilespmem:s26], [sflag:$0x3] =	stream.indirect.gather [hbm4b:s1+s21], $0x20, s15, s21, $0xb8;
	[tilespmem:$0x12F00] =	vst v63  }
0x73: {  	_ =	swait.ge [sflag:s4], $0x1000  }
0x74: {  	[sflag:s4] =	ssyncset.done $0x0  }
0x75: {  	s16 =	simm.s32 $0x2900;
	[sflag:s4] =	ssyncadd.s32 $0xFFFFF000  }
0x76: {  	[spmem:s2] =	stream.indirect.scatter.add.f32 [tilespmem:s29], [sflag:$0xA], $0x20, s16, s21, $0xb8;
	[tilespmem:$0x12F00] =	vst v63  }
0x77: {  	_ =	swait.ge [sflag:s19], $0x1000  }
0x78: {  	[sflag:s19] =	ssyncset.done $0x0  }
0x79: {  	s25 =	simm.s32 $0x580;
	[sflag:s19] =	ssyncadd.s32 $0xFFFFF000  }
0x7a: {  	[tilespmem:s29], [sflag:$0x4] =	stream.indirect.gather [hbm4b:s1+s21], $0x20, s25, s21, $0xb8;
	[tilespmem:$0x12F00] =	vst v63  }
0x7b: {  	_ =	swait.ge [sflag:s6], $0x1000  }
0x7c: {  	[sflag:s6] =	ssyncset.done $0x0  }
0x7d: {  	s10 =	simm.s32 $0x2980;
	[sflag:s6] =	ssyncadd.s32 $0xFFFFF000  }
0x7e: {  	[spmem:s2] =	stream.indirect.scatter.add.f32 [tilespmem:s31], [sflag:$0xA], $0x20, s10, s21, $0xb8;
	[tilespmem:$0x12F00] =	vst v63  }
0x7f: {  	_ =	swait.ge [sflag:s19], $0x1000  }
0x80: {  	[sflag:s19] =	ssyncset.done $0x0  }
0x81: {  	s13 =	simm.s32 $0x600;
	[sflag:s19] =	ssyncadd.s32 $0xFFFFF000  }
0x82: {  	[tilespmem:s31], [sflag:$0x5] =	stream.indirect.gather [hbm4b:s1+s21], $0x20, s13, s21, $0xb8;
	[tilespmem:$0x12F00] =	vst v63  }
0x83: {  	_ =	swait.ge [sflag:s7], $0x1000  }
0x84: {  	[sflag:s7] =	ssyncset.done $0x0  }
0x85: {  	s14 =	simm.s32 $0x2A00;
	[sflag:s7] =	ssyncadd.s32 $0xFFFFF000  }
0x86: {  	[spmem:s2] =	stream.indirect.scatter.add.f32 [tilespmem:s17], [sflag:$0xA], $0x20, s14, s21, $0xb8;
	[tilespmem:$0x12F00] =	vst v63  }
0x87: {  	_ =	swait.ge [sflag:s19], $0x1000  }
0x88: {  	[sflag:s19] =	ssyncset.done $0x0  }
0x89: {  	s15 =	simm.s32 $0x680;
	[sflag:s19] =	ssyncadd.s32 $0xFFFFF000  }
0x8a: {  	[tilespmem:s17], [sflag:$0x6] =	stream.indirect.gather [hbm4b:s1+s21], $0x20, s15, s21, $0xb8;
	[tilespmem:$0x12F00] =	vst v63  }
0x8b: {  	_ =	swait.ge [sflag:s8], $0x1000  }
0x8c: {  	[sflag:s8] =	ssyncset.done $0x0  }
0x8d: {  	s16 =	simm.s32 $0x2A80;
	[sflag:s8] =	ssyncadd.s32 $0xFFFFF000  }
0x8e: {  	[spmem:s2] =	stream.indirect.scatter.add.f32 [tilespmem:s28], [sflag:$0xA], $0x20, s16, s21, $0xb8;
	[tilespmem:$0x12F00] =	vst v63  }
0x8f: {  	p2 =	sle.u32 s5, $0xE;
	_ =	swait.ge [sflag:s19], $0x1000  }
0x90: {  	s12 =	simm.s32 @!p2 $0xAF00;
	[sflag:s19] =	ssyncset.done $0x0  }
0x91: {  	s13 =	simm.s32 @!p2 $0x700;
	s14 =	simm.s32 @!p2 $0x80;
	[sflag:s19] =	ssyncadd.s32 $0xFFFFF000  }
0x92: {  	[tilespmem:s12], [sflag:$0x7] =	stream.indirect.gather @!p2 [hbm4b:s1+s14], $0x20, s13, s14, $0xb8;
	[tilespmem:$0x12F00] =	vst v63  }
0x93: {  	_ =	swait.ge [sflag:s9], $0x1000  }
0x94: {  	[sflag:s9] =	ssyncset.done $0x0  }
0x95: {  	p3 =	sle.u32 s5, $0xF;
	s25 =	simm.s32 $0x2B00;
	[sflag:s9] =	ssyncadd.s32 $0xFFFFF000  }
0x96: {  	[spmem:s2] =	stream.indirect.scatter.add.f32 [tilespmem:s30], [sflag:$0xA], $0x20, s25, s21, $0xb8;
	[tilespmem:$0x12F00] =	vst v63  }
0x97: {  	s15 =	simm.s32 @!p3 $0x780;
	_ =	swait.ge [sflag:s19], $0x1000  }
0x98: {  	s16 =	simm.s32 @!p3 $0x80;
	s12 =	simm.s32 $0x1000;
	[sflag:s19] =	ssyncset.done $0x0  }
0x99: {  	s13 =	simm.s32 $0x17;
	s14 =	simm.s32 @!p3 $0xBF00;
	[sflag:s19] =	ssyncadd.s32 $0xFFFFF000  }
.LBB2_4:
0x9a: {  	[tilespmem:s14], [sflag:$0x8] =	stream.indirect.gather @!p3 [hbm4b:s1+s16], $0x20, s15, s16, $0xb8;
	[tilespmem:$0x12F00] =	vst v63  }
0x9b: {  	s14 =	smov.u32 s12;
	s12 =	sadd.s32 $0x1000, s12;
	_ =	swait.ge [sflag:s0], $0x1000  }
0x9c: {  	s15 =	sshra.s32 s14, $0x2;
	p2 =	sne.s32 s12, $0x9000;
	[sflag:s0] =	ssyncset.done $0x0  }
0x9d: {  	s16 =	sadd.s32 $0x2780, s15;
	[sflag:s0] =	ssyncadd.s32 $0xFFFFF000  }
0x9e: {  	[spmem:s2] =	stream.indirect.scatter.add.f32 [tilespmem:s22], [sflag:$0xA], $0x20, s16, s21, $0xb8;
	[tilespmem:$0x12F00] =	vst v63  }
0x9f: {  	_ =	swait.ge [sflag:s19], $0x1000  }
0xa0: {  	[sflag:s19] =	ssyncset.done $0x0  }
0xa1: {  	s16 =	sadd.s32 $0x400, s15;
	[sflag:s19] =	ssyncadd.s32 $0xFFFFF000  }
0xa2: {  	[tilespmem:s22], [sflag:$0x1] =	stream.indirect.gather [hbm4b:s1+s21], $0x20, s16, s21, $0xb8;
	[tilespmem:$0x12F00] =	vst v63  }
0xa3: {  	_ =	swait.ge [sflag:s24], $0x1000  }
0xa4: {  	[sflag:s24] =	ssyncset.done $0x0  }
0xa5: {  	s16 =	sadd.s32 $0x2800, s15;
	[sflag:s24] =	ssyncadd.s32 $0xFFFFF000  }
0xa6: {  	[spmem:s2] =	stream.indirect.scatter.add.f32 [tilespmem:s23], [sflag:$0xA], $0x20, s16, s21, $0xb8;
	[tilespmem:$0x12F00] =	vst v63  }
0xa7: {  	_ =	swait.ge [sflag:s19], $0x1000  }
0xa8: {  	[sflag:s19] =	ssyncset.done $0x0  }
0xa9: {  	s16 =	sadd.s32 $0x480, s15;
	[sflag:s19] =	ssyncadd.s32 $0xFFFFF000  }
0xaa: {  	[tilespmem:s23], [sflag:$0x2] =	stream.indirect.gather [hbm4b:s1+s21], $0x20, s16, s21, $0xb8;
	[tilespmem:$0x12F00] =	vst v63  }
0xab: {  	_ =	swait.ge [sflag:s3], $0x1000  }
0xac: {  	[sflag:s3] =	ssyncset.done $0x0  }
0xad: {  	s16 =	sadd.s32 $0x2880, s15;
	[sflag:s3] =	ssyncadd.s32 $0xFFFFF000  }
0xae: {  	[spmem:s2] =	stream.indirect.scatter.add.f32 [tilespmem:s26], [sflag:$0xA], $0x20, s16, s21, $0xb8;
	[tilespmem:$0x12F00] =	vst v63  }
0xaf: {  	_ =	swait.ge [sflag:s19], $0x1000  }
0xb0: {  	[sflag:s19] =	ssyncset.done $0x0  }
0xb1: {  	s16 =	sadd.s32 $0x500, s15;
	[sflag:s19] =	ssyncadd.s32 $0xFFFFF000  }
0xb2: {  	[tilespmem:s26], [sflag:$0x3] =	stream.indirect.gather [hbm4b:s1+s21], $0x20, s16, s21, $0xb8;
	[tilespmem:$0x12F00] =	vst v63  }
0xb3: {  	_ =	swait.ge [sflag:s4], $0x1000  }
0xb4: {  	[sflag:s4] =	ssyncset.done $0x0  }
0xb5: {  	s16 =	sadd.s32 $0x2900, s15;
	[sflag:s4] =	ssyncadd.s32 $0xFFFFF000  }
0xb6: {  	[spmem:s2] =	stream.indirect.scatter.add.f32 [tilespmem:s29], [sflag:$0xA], $0x20, s16, s21, $0xb8;
	[tilespmem:$0x12F00] =	vst v63  }
0xb7: {  	_ =	swait.ge [sflag:s19], $0x1000  }
0xb8: {  	[sflag:s19] =	ssyncset.done $0x0  }
0xb9: {  	s16 =	sadd.s32 $0x580, s15;
	[sflag:s19] =	ssyncadd.s32 $0xFFFFF000  }
0xba: {  	[tilespmem:s29], [sflag:$0x4] =	stream.indirect.gather [hbm4b:s1+s21], $0x20, s16, s21, $0xb8;
	[tilespmem:$0x12F00] =	vst v63  }
0xbb: {  	_ =	swait.ge [sflag:s6], $0x1000  }
0xbc: {  	[sflag:s6] =	ssyncset.done $0x0  }
0xbd: {  	s16 =	sadd.s32 $0x2980, s15;
	[sflag:s6] =	ssyncadd.s32 $0xFFFFF000  }
0xbe: {  	[spmem:s2] =	stream.indirect.scatter.add.f32 [tilespmem:s31], [sflag:$0xA], $0x20, s16, s21, $0xb8;
	[tilespmem:$0x12F00] =	vst v63  }
0xbf: {  	_ =	swait.ge [sflag:s19], $0x1000  }
0xc0: {  	[sflag:s19] =	ssyncset.done $0x0  }
0xc1: {  	s16 =	sadd.s32 $0x600, s15;
	[sflag:s19] =	ssyncadd.s32 $0xFFFFF000  }
0xc2: {  	[tilespmem:s31], [sflag:$0x5] =	stream.indirect.gather [hbm4b:s1+s21], $0x20, s16, s21, $0xb8;
	[tilespmem:$0x12F00] =	vst v63  }
0xc3: {  	_ =	swait.ge [sflag:s7], $0x1000  }
0xc4: {  	[sflag:s7] =	ssyncset.done $0x0  }
0xc5: {  	s16 =	sadd.s32 $0x2A00, s15;
	[sflag:s7] =	ssyncadd.s32 $0xFFFFF000  }
0xc6: {  	[spmem:s2] =	stream.indirect.scatter.add.f32 [tilespmem:s17], [sflag:$0xA], $0x20, s16, s21, $0xb8;
	[tilespmem:$0x12F00] =	vst v63  }
0xc7: {  	_ =	swait.ge [sflag:s19], $0x1000  }
0xc8: {  	[sflag:s19] =	ssyncset.done $0x0  }
0xc9: {  	s16 =	sadd.s32 $0x680, s15;
	[sflag:s19] =	ssyncadd.s32 $0xFFFFF000  }
0xca: {  	[tilespmem:s17], [sflag:$0x6] =	stream.indirect.gather [hbm4b:s1+s21], $0x20, s16, s21, $0xb8;
	[tilespmem:$0x12F00] =	vst v63  }
0xcb: {  	_ =	swait.ge [sflag:s8], $0x1000  }
0xcc: {  	[sflag:s8] =	ssyncset.done $0x0  }
0xcd: {  	s25 =	sadd.s32 $0xFFFFFFFF, s13;
	s16 =	sadd.s32 $0x2A80, s15;
	[sflag:s8] =	ssyncadd.s32 $0xFFFFF000  }
0xce: {  	[spmem:s2] =	stream.indirect.scatter.add.f32 [tilespmem:s28], [sflag:$0xA], $0x20, s16, s21, $0xb8;
	[tilespmem:$0x12F00] =	vst v63  }
0xcf: {  	p3 =	sge.u32 s25, s5;
	_ =	swait.ge [sflag:s19], $0x1000  }
0xd0: {  	s25 =	simm.s32 @!p3 $0xAF00;
	s16 =	sshra.s32 @!p3 s14, $0x2;
	[sflag:s19] =	ssyncset.done $0x0  }
0xd1: {  	s10 =	simm.s32 @!p3 $0x80;
	s16 =	sadd.s32 @!p3 $0x700, s16;
	[sflag:s19] =	ssyncadd.s32 $0xFFFFF000  }
0xd2: {  	[tilespmem:s25], [sflag:$0x7] =	stream.indirect.gather @!p3 [hbm4b:s1+s10], $0x20, s16, s10, $0xb8;
	[tilespmem:$0x12F00] =	vst v63  }
0xd3: {  	_ =	swait.ge [sflag:s9], $0x1000  }
0xd4: {  	[sflag:s9] =	ssyncset.done $0x0  }
.Ltmp1:
0xd5: {  	s10 =	sadd.s32 $0x2B00, s15;
	[sflag:s9] =	ssyncadd.s32 $0xFFFFF000;
	(pc) =	sbr.rel @p2 .LBB2_4-.Ltmp1, $4  }
0xd6: {  	[spmem:s2] =	stream.indirect.scatter.add.f32 [tilespmem:s30], [sflag:$0xA], $0x20, s10, s21, $0xb8;
	[tilespmem:$0x12F00] =	vst v63  }
0xd7: {  	p3 =	sge.u32 s13, s5;
	s13 =	sadd.s32 $0x8, s13;
	_ =	swait.ge [sflag:s19], $0x1000  }
0xd8: {  	s10 =	sshra.s32 @!p3 s14, $0x2;
	s14 =	simm.s32 @!p3 $0xBF00;
	[sflag:s19] =	ssyncset.done $0x0  }
0xd9: {  	s16 =	simm.s32 @!p3 $0x80;
	s15 =	sadd.s32 @!p3 $0x780, s10;
	[sflag:s19] =	ssyncadd.s32 $0xFFFFF000  }
0xda: {  	[tilespmem:s14], [sflag:$0x8] =	stream.indirect.gather @!p3 [hbm4b:s1+s16], $0x20, s15, s16, $0xb8;
	[tilespmem:$0x12F00] =	vst v63  }
0xdb: {  	_ =	swait.ge [sflag:s0], $0x1000  }
0xdc: {  	[sflag:s0] =	ssyncset.done $0x0  }
0xdd: {  	s10 =	simm.s32 $0x4B80;
	[sflag:s0] =	ssyncadd.s32 $0xFFFFF000  }
0xde: {  	[spmem:s2] =	stream.indirect.scatter.add.f32 [tilespmem:s22], [sflag:$0xA], $0x20, s10, s21, $0xb8;
	[tilespmem:$0x12F00] =	vst v63  }
0xdf: {  	_ =	swait.ge [sflag:s19], $0x1000  }
0xe0: {  	[sflag:s19] =	ssyncset.done $0x0  }
0xe1: {  	[sflag:s19] =	ssyncadd.s32 $0xFFFFF000  }
0xe2: {  	_ =	swait.ge [sflag:s24], $0x1000  }
0xe3: {  	[sflag:s24] =	ssyncset.done $0x0  }
0xe4: {  	s15 =	simm.s32 $0x4C00;
	[sflag:s24] =	ssyncadd.s32 $0xFFFFF000  }
0xe5: {  	[spmem:s2] =	stream.indirect.scatter.add.f32 [tilespmem:s23], [sflag:$0xA], $0x20, s15, s21, $0xb8;
	[tilespmem:$0x12F00] =	vst v63  }
0xe6: {  	_ =	swait.ge [sflag:s19], $0x1000  }
0xe7: {  	[sflag:s19] =	ssyncset.done $0x0  }
0xe8: {  	[sflag:s19] =	ssyncadd.s32 $0xFFFFF000  }
0xe9: {  	_ =	swait.ge [sflag:s3], $0x1000  }
0xea: {  	[sflag:s3] =	ssyncset.done $0x0  }
0xeb: {  	s16 =	simm.s32 $0x4C80;
	[sflag:s3] =	ssyncadd.s32 $0xFFFFF000  }
0xec: {  	[spmem:s2] =	stream.indirect.scatter.add.f32 [tilespmem:s26], [sflag:$0xA], $0x20, s16, s21, $0xb8;
	[tilespmem:$0x12F00] =	vst v63  }
0xed: {  	_ =	swait.ge [sflag:s19], $0x1000  }
0xee: {  	[sflag:s19] =	ssyncset.done $0x0  }
0xef: {  	[sflag:s19] =	ssyncadd.s32 $0xFFFFF000  }
0xf0: {  	_ =	swait.ge [sflag:s4], $0x1000  }
0xf1: {  	[sflag:s4] =	ssyncset.done $0x0  }
0xf2: {  	s25 =	simm.s32 $0x4D00;
	[sflag:s4] =	ssyncadd.s32 $0xFFFFF000  }
0xf3: {  	[spmem:s2] =	stream.indirect.scatter.add.f32 [tilespmem:s29], [sflag:$0xA], $0x20, s25, s21, $0xb8;
	[tilespmem:$0x12F00] =	vst v63  }
0xf4: {  	_ =	swait.ge [sflag:s19], $0x1000  }
0xf5: {  	[sflag:s19] =	ssyncset.done $0x0  }
0xf6: {  	[sflag:s19] =	ssyncadd.s32 $0xFFFFF000  }
0xf7: {  	_ =	swait.ge [sflag:s6], $0x1000  }
0xf8: {  	[sflag:s6] =	ssyncset.done $0x0  }
0xf9: {  	s12 =	simm.s32 $0x4D80;
	[sflag:s6] =	ssyncadd.s32 $0xFFFFF000  }
0xfa: {  	[spmem:s2] =	stream.indirect.scatter.add.f32 [tilespmem:s31], [sflag:$0xA], $0x20, s12, s21, $0xb8;
	[tilespmem:$0x12F00] =	vst v63  }
0xfb: {  	_ =	swait.ge [sflag:s19], $0x1000  }
0xfc: {  	[sflag:s19] =	ssyncset.done $0x0  }
0xfd: {  	[sflag:s19] =	ssyncadd.s32 $0xFFFFF000  }
0xfe: {  	_ =	swait.ge [sflag:s7], $0x1000  }
0xff: {  	[sflag:s7] =	ssyncset.done $0x0  }
0x100: {  	s13 =	simm.s32 $0x4E00;
	[sflag:s7] =	ssyncadd.s32 $0xFFFFF000  }
0x101: {  	[spmem:s2] =	stream.indirect.scatter.add.f32 [tilespmem:s17], [sflag:$0xA], $0x20, s13, s21, $0xb8;
	[tilespmem:$0x12F00] =	vst v63  }
0x102: {  	_ =	swait.ge [sflag:s19], $0x1000  }
0x103: {  	[sflag:s19] =	ssyncset.done $0x0  }
0x104: {  	s10 =	simm.s32 @!p0 $0x7;
	[sflag:s19] =	ssyncadd.s32 $0xFFFFF000  }
0x105: {  	_ =	swait.ge @!p0 [sflag:s10], $0x1000  }
0x106: {  	s12 =	simm.s32 @!p0 $0x4E80;
	[sflag:s10] =	ssyncset.done @!p0 $0x0  }
0x107: {  	s13 =	simm.s32 @!p0 $0xAF00;
	[sflag:s10] =	ssyncadd.s32 @!p0 $0xFFFFF000;
	s10 =	simm.s32 @!p0 $0x80  }
0x108: {  	[spmem:s2] =	stream.indirect.scatter.add.f32 @!p0 [tilespmem:s13], [sflag:$0xA], $0x20, s12, s10, $0xb8;
	[tilespmem:$0x12F00] =	vst v63  }
0x109: {  	s10 =	simm.s32 @!p0 $0xA  }
0x10a: {  	_ =	swait.ge @!p0 [sflag:s10], $0x1000  }
0x10b: {  	[sflag:s10] =	ssyncset.done @!p0 $0x0  }
0x10c: {  	[sflag:s10] =	ssyncadd.s32 @!p0 $0xFFFFF000  }
0x10d: {  	s14 =	stileid.u32;
	[bflag:$0x0] =	sbarrier.arrive $0xFFFF  }
0x10e: {  	s10 =	sshll.u32 s14, $0x6;
	s15 =	rddreg [dreg:$0x9]  }
0x10f: {  	s10 =	sor.u32 $0x1C0A, s10;
	s16 =	rddreg [dreg:$0xf]  }
0x110: {  	[hbm:s15], [sflag:s10] =	dma.local [spmem:s16], $0xA00  }
0x111: {  	_ =	swait.ge [sflag:s19], $0xA00  }
0x112: {  	s11 =	sadd.s32 $0x1, s11;
	s25 =	rddreg [dreg:$0xa]  }
0x113: {  	p2 =	sne.s32 s11, s25  }
.Ltmp2:
0x114: {  	_ = 	snop;
	(pc) =	sbr.rel @p2 .LBB2_1-.Ltmp2, $3  }
0x115: {  	_ =	sdelay $0x1  }
0x116: {  	[sflag:s19] =	ssyncset.done $0x0  }
0x117: {  	[sflag:s19] =	ssyncadd.s32 $0xFFFFF600  }
0x118: {  	_ =	sfence.sel $0x180000  }
0x119: {  	[bflag:$0x0] =	sbarrier.arrive $0xFFFF  }
0x11a: {  	_ =	strace $0x90000047  }
0x11b: {  	s0 =	stileid.u32;
	[bflag:$0x2] =	sbarrier.arrive $0xFFFF  }
0x11c: {  	p0 =	sne.s32 s0, $0x0;
	s0 =	rddreg [dreg:$0x3]  }
0x11d: {  	s0 =	sadd.s32 @!p0 $0x100000, s0  }
0x11e: {  	[sflag:s0] =	ssyncadd.tile.s32 @!p0 $0x1;
	_ =	shalt  }
.Lfunc_end2:
_tile_overlayer_lowered:
.L_overlay_start_2:
0x11f: {  	(tag) =	ssettag $0x2  }
0x120: {  	s0 =	rddreg [dreg:$0x0];
	s2 =	stileid.u32  }
0x121: {  	s1 =	rddreg [dreg:$0x1];
	p0 =	sne.s32 s2, $0x0  }
0x122: {  	s3 =	rddreg [dreg:$0x2];
	[bflag:$0x3] =	sbarrier.arrive $0xFFFF;
	s2 =	simm.s32 @!p0 $0x1C0A  }
0x123: {  	[timem:s3], [sflag:s2] =	dma.local @!p0 [hbm:s0], s1  }
0x124: {  	s0 =	simm.s32 @!p0 $0xA  }
0x125: {  	_ =	swait.ge @!p0 [sflag:s0], s1  }
0x126: {  	s1 =	ssub.s32 @!p0 $0x0, s1;
	[sflag:s0] =	ssyncset.done @!p0 $0x0  }
0x127: {  	[sflag:s0] =	ssyncadd.s32 @!p0 s1  }
0x128: {  	[bflag:$0x3] =	sbarrier.arrive $0xFFFF  }
0x129: {  	_ =	shalt  }

</sc_bundles>
